<compile_context>
chip_gen: v7x
topology: tpu7x:2x2x1
jax: 0.10.2.dev20260603
libtpu: 0.0.44.dev20260713+nightly
codegen_flags: <defaults>
</compile_context>

<pallas_src>
import functools

import jax
import jax.numpy as jnp
from jax import lax
from jax.experimental import pallas as pl
from jax.experimental.pallas import tpu as pltpu
from jax.experimental.pallas import tpu_sc as plsc

N_ENTITIES = 50000
N_USERS = 30000
N_ITEMS = 20000
N_EDGES = 800000
NNZ = 600000
DIM = 64
MIN_NORM = 1e-15
EPS = 1e-5

NC = 2
NS = 16
NW = NC * NS
CHUNK = 128
KMAX = 7


def _pad_to(n, m):
    return ((n + m - 1) // m) * m


E_PAD = _pad_to(N_EDGES, NW * CHUNK * KMAX)
Z_PAD = _pad_to(NNZ, NW * CHUNK * KMAX)
ENT_PAD = _pad_to(N_ENTITIES + 1, NS)
ITM_PAD = _pad_to(N_ITEMS + 1, NS)
USR_PAD = _pad_to(N_USERS + 1, NS)

_SC_PARAMS = dict(
    compiler_params=pltpu.CompilerParams(use_tc_tiling_on_sc=False),
)


def _mesh():
    return plsc.VectorSubcoreMesh(core_axis_name="c", subcore_axis_name="s")



def _sc_gather(table, idx2, K=7):
    n = idx2.shape[0] * CHUNK
    d = table.shape[1]
    per_w = n // NW
    ngrp = per_w // (CHUNK * K)

    @functools.partial(
        pl.kernel, mesh=_mesh(),
        out_type=jax.ShapeDtypeStruct((n, d), jnp.float32),
        scratch_types=[
            pltpu.VMEM((K, CHUNK), jnp.int32),
            pltpu.VMEM((K * CHUNK, d), jnp.float32),
            pltpu.SemaphoreType.DMA,
        ],
        **_SC_PARAMS,
    )
    def k(table_h, idx_h, out_h, idx_v, rows_v, sem):
        wid = lax.axis_index("s") * NC + lax.axis_index("c")
        base = wid * per_w

        def step(g, carry):
            off = base + g * (CHUNK * K)
            pltpu.sync_copy(idx_h.at[pl.ds(off // CHUNK, K)], idx_v)
            cps = [pltpu.async_copy(table_h.at[idx_v.at[b]],
                                    rows_v.at[pl.ds(b * CHUNK, CHUNK)], sem)
                   for b in range(K)]
            for cp in cps:
                cp.wait()
            pltpu.sync_copy(rows_v, out_h.at[pl.ds(off, CHUNK * K)])
            return carry

        lax.fori_loop(0, ngrp, step, 0)

    return k(table, idx2)


def _sc_scatter_add(src, idx2, nseg_pad, zeros_h, K=7):
    n, d = src.shape
    per_w = n // NW
    ngrp = per_w // (CHUNK * K)
    rz = nseg_pad // NS

    @functools.partial(
        pl.kernel, mesh=_mesh(),
        out_type=jax.ShapeDtypeStruct((NC, nseg_pad, d), jnp.float32),
        scratch_types=[
            pltpu.VMEM((K, CHUNK), jnp.int32),
            pltpu.VMEM((K * CHUNK, d), jnp.float32),
            pltpu.VMEM_SHARED((nseg_pad, d), jnp.float32),
            pltpu.SemaphoreType.DMA,
        ],
        **_SC_PARAMS,
    )
    def k(src_h, idx_h, z_h, out_h, idx_v, rows_v, acc, sem):
        cid = lax.axis_index("c")
        sid = lax.axis_index("s")
        wid = sid * NC + cid
        base = wid * per_w
        pltpu.sync_copy(z_h.at[pl.ds(sid * rz, rz)], acc.at[pl.ds(sid * rz, rz)])
        plsc.subcore_barrier()

        def step(g, carry):
            off = base + g * (CHUNK * K)
            pltpu.sync_copy(idx_h.at[pl.ds(off // CHUNK, K)], idx_v)
            pltpu.sync_copy(src_h.at[pl.ds(off, CHUNK * K)], rows_v)
            cps = [pltpu.async_copy(rows_v.at[pl.ds(b * CHUNK, CHUNK)],
                                    acc.at[idx_v.at[b]], sem, add=True)
                   for b in range(K)]
            for cp in cps:
                cp.wait()
            return carry

        lax.fori_loop(0, ngrp, step, 0)
        plsc.subcore_barrier()
        pltpu.sync_copy(acc.at[pl.ds(sid * rz, rz)],
                        out_h.at[cid, pl.ds(sid * rz, rz)])

    return k(src, idx2, zeros_h)


def _sc_gather_scatter_add(table, gidx2, sidx2, nseg_pad, zeros_h, K=3):
    n = gidx2.shape[0] * CHUNK
    d = table.shape[1]
    per_w = n // NW
    ngrp = per_w // (CHUNK * K)
    rz = nseg_pad // NS

    @functools.partial(
        pl.kernel, mesh=_mesh(),
        out_type=jax.ShapeDtypeStruct((NC, nseg_pad, d), jnp.float32),
        scratch_types=[
            pltpu.VMEM((K, CHUNK), jnp.int32),
            pltpu.VMEM((K, CHUNK), jnp.int32),
            pltpu.VMEM((K * CHUNK, d), jnp.float32),
            pltpu.VMEM_SHARED((nseg_pad, d), jnp.float32),
            pltpu.SemaphoreType.DMA,
        ],
        **_SC_PARAMS,
    )
    def k(table_h, gidx_h, sidx_h, z_h, out_h, gidx_v, sidx_v, rows_v, acc, sem):
        cid = lax.axis_index("c")
        sid = lax.axis_index("s")
        wid = sid * NC + cid
        base = wid * per_w
        pltpu.sync_copy(z_h.at[pl.ds(sid * rz, rz)], acc.at[pl.ds(sid * rz, rz)])
        plsc.subcore_barrier()

        def step(g, carry):
            off = base + g * (CHUNK * K)
            pltpu.sync_copy(gidx_h.at[pl.ds(off // CHUNK, K)], gidx_v)
            pltpu.sync_copy(sidx_h.at[pl.ds(off // CHUNK, K)], sidx_v)
            cps = [pltpu.async_copy(table_h.at[gidx_v.at[b]],
                                    rows_v.at[pl.ds(b * CHUNK, CHUNK)], sem)
                   for b in range(K)]
            for cp in cps:
                cp.wait()
            aps = [pltpu.async_copy(rows_v.at[pl.ds(b * CHUNK, CHUNK)],
                                    acc.at[sidx_v.at[b]], sem, add=True)
                   for b in range(K)]
            for ap in aps:
                ap.wait()
            return carry

        lax.fori_loop(0, ngrp, step, 0)
        plsc.subcore_barrier()
        pltpu.sync_copy(acc.at[pl.ds(sid * rz, rz)],
                        out_h.at[cid, pl.ds(sid * rz, rz)])

    return k(table, gidx2, sidx2, zeros_h)


def _sc_count(idx2, n, nseg_pad, zeros_h, ones_h, K=7):
    per_w = n // NW
    ngrp = per_w // (CHUNK * K)
    rz = nseg_pad // NS

    @functools.partial(
        pl.kernel, mesh=_mesh(),
        out_type=jax.ShapeDtypeStruct((NC, nseg_pad, 16), jnp.float32),
        scratch_types=[
            pltpu.VMEM((K, CHUNK), jnp.int32),
            pltpu.VMEM((CHUNK, 16), jnp.float32),
            pltpu.VMEM_SHARED((nseg_pad, 16), jnp.float32),
        ],
        **_SC_PARAMS,
    )
    def k(idx_h, z_h, ones_hh, out_h, idx_v, ones_v, acc):
        cid = lax.axis_index("c")
        sid = lax.axis_index("s")
        wid = sid * NC + cid
        base = wid * per_w
        pltpu.sync_copy(ones_hh, ones_v)
        pltpu.sync_copy(z_h.at[pl.ds(sid * rz, rz)], acc.at[pl.ds(sid * rz, rz)])
        plsc.subcore_barrier()

        def step(g, carry):
            off = base + g * (CHUNK * K)
            pltpu.sync_copy(idx_h.at[pl.ds(off // CHUNK, K)], idx_v)
            for b in range(K):
                pltpu.sync_copy(ones_v, acc.at[idx_v.at[b]], add=True)
            return carry

        lax.fori_loop(0, ngrp, step, 0)
        plsc.subcore_barrier()
        pltpu.sync_copy(acc.at[pl.ds(sid * rz, rz)],
                        out_h.at[cid, pl.ds(sid * rz, rz)])

    return k(idx2, zeros_h, ones_h)



def _norm(x):
    return jnp.clip(jnp.sqrt(jnp.sum(x * x, axis=-1, keepdims=True)), MIN_NORM, None)


def _artanh(x):
    x = jnp.clip(x, -1.0 + 1e-7, 1.0 - 1e-7)
    return 0.5 * jnp.log((1.0 + x) / (1.0 - x))


def _project(x):
    norm = _norm(x)
    maxnorm = 1.0 - EPS
    return jnp.where(norm > maxnorm, x / norm * maxnorm, x)


def _expmap0(u):
    norm = _norm(u)
    return _project(jnp.tanh(norm) * u / norm)


def _mobius_add(x, y):
    x2 = jnp.sum(x * x, axis=-1, keepdims=True)
    y2 = jnp.sum(y * y, axis=-1, keepdims=True)
    xy = jnp.sum(x * y, axis=-1, keepdims=True)
    num = (1.0 + 2.0 * xy + y2) * x + (1.0 - x2) * y
    den = 1.0 + 2.0 * xy + x2 * y2
    return num / jnp.clip(den, MIN_NORM, None)


def _lambda_x(x):
    x2 = jnp.sum(x * x, axis=-1, keepdims=True)
    return 2.0 / jnp.clip(1.0 - x2, MIN_NORM, None)


def _expmap(u, p):
    nu = _norm(u)
    second = jnp.tanh(_lambda_x(p) * nu / 2.0) * u / nu
    return _project(_mobius_add(p, second))


def _logmap(y, x):
    sub = _mobius_add(-x, y)
    ns = _norm(sub)
    return 2.0 / _lambda_x(x) * _artanh(ns) * sub / ns


def _edge_math(head_rows, tail_rows, rel_rows):
    blk = 1024
    grid = E_PAD // blk

    def body(h_ref, t_ref, r_ref, lo_ref, hi_ref):
        h = h_ref[...]
        t = t_ref[...]
        r = r_ref[...]
        hh = _expmap0(h)
        ht = _expmap(t, hh)
        hr = _expmap(r, hh)
        res = _project(_mobius_add(ht, hr))
        res = _logmap(res, hh)
        lo_ref[...] = res[:, :32]
        hi_ref[...] = res[:, 32:]

    spec_in = pl.BlockSpec((blk, DIM), lambda i: (i, 0))
    spec_out = pl.BlockSpec((blk, 32), lambda i: (i, 0))
    return pl.pallas_call(
        body, grid=(grid,),
        in_specs=[spec_in, spec_in, spec_in],
        out_specs=[spec_out, spec_out],
        out_shape=[jax.ShapeDtypeStruct((E_PAD, 32), jnp.float32)] * 2,
    )(head_rows, tail_rows, rel_rows)


def _gate_fusion(item_cf, item_kg, g1, g2):
    blk = 1000
    grid = N_ITEMS // blk

    def body(cf_ref, kg_ref, g1_ref, g2_ref, out_ref):
        cf = cf_ref[...]
        kg = kg_ref[...]
        y = lax.dot_general(cf, g1_ref[...], (((1,), (1,)), ((), ())),
                            preferred_element_type=jnp.float32)
        y += lax.dot_general(kg, g2_ref[...], (((1,), (1,)), ((), ())),
                             preferred_element_type=jnp.float32)
        gi = jax.nn.sigmoid(y)
        out_ref[...] = gi * cf + (1.0 - gi) * kg

    spec = pl.BlockSpec((blk, DIM), lambda i: (i, 0))
    wspec = pl.BlockSpec((DIM, DIM), lambda i: (0, 0))
    return pl.pallas_call(
        body, grid=(grid,),
        in_specs=[spec, spec, wspec, wspec],
        out_specs=spec,
        out_shape=jax.ShapeDtypeStruct((N_ITEMS, DIM), jnp.float32),
    )(item_cf, item_kg, g1, g2)


def _scale_rows(rows, vals):
    blk = 2048
    grid = Z_PAD // blk

    def body(r_ref, v_ref, o_ref):
        o_ref[...] = r_ref[...] * v_ref[...]

    return pl.pallas_call(
        body, grid=(grid,),
        in_specs=[pl.BlockSpec((blk, DIM), lambda i: (i, 0)),
                  pl.BlockSpec((blk, 1), lambda i: (i, 0))],
        out_specs=pl.BlockSpec((blk, DIM), lambda i: (i, 0)),
        out_shape=jax.ShapeDtypeStruct((Z_PAD, DIM), jnp.float32),
    )(rows, vals)


def _finalize_entity(lo_p, hi_p, cnt_p):
    blk = 1000
    grid = N_ENTITIES // blk

    def body(lo_ref, hi_ref, c_ref, o_ref):
        lo = lo_ref[0] + lo_ref[1]
        hi = hi_ref[0] + hi_ref[1]
        c = c_ref[0, :, 0:1] + c_ref[1, :, 0:1]
        s = jnp.concatenate([lo, hi], axis=1)
        o_ref[...] = s / jnp.clip(c, 1.0, None)

    return pl.pallas_call(
        body, grid=(grid,),
        in_specs=[pl.BlockSpec((NC, blk, 32), lambda i: (0, i, 0)),
                  pl.BlockSpec((NC, blk, 32), lambda i: (0, i, 0)),
                  pl.BlockSpec((NC, blk, 16), lambda i: (0, i, 0))],
        out_specs=pl.BlockSpec((blk, DIM), lambda i: (i, 0)),
        out_shape=jax.ShapeDtypeStruct((N_ENTITIES, DIM), jnp.float32),
    )(lo_p, hi_p, cnt_p)


def _sum_partials(p, nrows):
    blk = 1000
    grid = nrows // blk

    def body(p_ref, o_ref):
        o_ref[...] = p_ref[0] + p_ref[1]

    return pl.pallas_call(
        body, grid=(grid,),
        in_specs=[pl.BlockSpec((NC, blk, DIM), lambda i: (0, i, 0))],
        out_specs=pl.BlockSpec((blk, DIM), lambda i: (i, 0)),
        out_shape=jax.ShapeDtypeStruct((nrows, DIM), jnp.float32),
    )(p)



def _pad2(idx, n_pad, fill):
    p = n_pad - idx.shape[0]
    return jnp.concatenate(
        [idx, jnp.full((p,), fill, jnp.int32)]).reshape(n_pad // CHUNK, CHUNK)


def kernel(entity_emb, user_emb, item_emb_cf, edge_index, edge_type,
           mat_row, mat_col, mat_val, relation_weight, gate1_w, gate2_w):
    i32 = jnp.int32
    head = edge_index[0].astype(i32)
    tail = edge_index[1].astype(i32)
    rel = (edge_type - 1).astype(i32)
    mrow = mat_row.astype(i32)
    mcol = mat_col.astype(i32)

    head_g = _pad2(head, E_PAD, 0)
    tail_g = _pad2(tail, E_PAD, 0)
    rel_g = _pad2(rel, E_PAD, 0)
    head_s = _pad2(head, E_PAD, N_ENTITIES)
    mrow_g = _pad2(mrow, Z_PAD, 0)
    mcol_g = _pad2(mcol, Z_PAD, 0)
    mrow_s = _pad2(mrow, Z_PAD, N_USERS)
    mcol_s = _pad2(mcol, Z_PAD, N_ITEMS)
    zp = Z_PAD - NNZ
    val_p = jnp.concatenate([mat_val, jnp.zeros((zp,), jnp.float32)])[:, None]

    z_ent32 = jnp.zeros((ENT_PAD, 32), jnp.float32)
    z_ent16 = jnp.zeros((ENT_PAD, 16), jnp.float32)
    z_itm = jnp.zeros((ITM_PAD, DIM), jnp.float32)
    z_usr = jnp.zeros((USR_PAD, DIM), jnp.float32)
    ones16 = jnp.ones((CHUNK, 16), jnp.float32)

    head_rows = _sc_gather(entity_emb, head_g)
    tail_rows = _sc_gather(entity_emb, tail_g)
    rel_rows = _sc_gather(relation_weight, rel_g)
    res_lo, res_hi = _edge_math(head_rows, tail_rows, rel_rows)
    lo_p = _sc_scatter_add(res_lo, head_s, ENT_PAD, z_ent32)
    hi_p = _sc_scatter_add(res_hi, head_s, ENT_PAD, z_ent32)
    cnt_p = _sc_count(head_s, E_PAD, ENT_PAD, z_ent16, ones16)
    entity_agg = _finalize_entity(lo_p[:, :N_ENTITIES], hi_p[:, :N_ENTITIES],
                                  cnt_p[:, :N_ENTITIES])

    itm_p = _sc_gather_scatter_add(user_emb, mrow_g, mcol_s, ITM_PAD, z_itm)
    item_agg_cf = _sum_partials(itm_p[:, :N_ITEMS], N_ITEMS)

    fusion = _gate_fusion(item_emb_cf, entity_emb[:N_ITEMS], gate1_w, gate2_w)
    fus_rows = _sc_gather(fusion, mcol_g)
    scaled = _scale_rows(fus_rows, val_p)
    usr_p = _sc_scatter_add(scaled, mrow_s, USR_PAD, z_usr, K=1)
    user_agg = _sum_partials(usr_p[:, :N_USERS], N_USERS)

    return (entity_agg, user_agg, item_agg_cf)

# --- scband reference (transcript-rebuilt; emitter-appended) ---
"""Pipeline reference for scband-recommender-9414568312930 (READ-ONLY COPY).

The authoritative reference and input builder live on the scoring server;
editing this copy changes nothing except your own understanding.
"""

import jax, jax.numpy as jnp
import numpy as np

N_ENTITIES = 50000
N_USERS = 30000
N_ITEMS = 20000
N_EDGES = 800000
NNZ = 600000
N_RELATIONS = 16
DIM = 64
MIN_NORM = 1e-15
EPS = 1e-5

def _artanh(x):
    x = jnp.clip(x, -1.0 + 1e-7, 1.0 - 1e-7)
    return 0.5 * jnp.log((1.0 + x) / (1.0 - x))

def project(x):
    norm = jnp.clip(jnp.linalg.norm(x, axis=-1, keepdims=True), MIN_NORM, None)
    maxnorm = 1.0 - EPS
    return jnp.where(norm > maxnorm, x / norm * maxnorm, x)

def expmap0(u):
    norm = jnp.clip(jnp.linalg.norm(u, axis=-1, keepdims=True), MIN_NORM, None)
    return project(jnp.tanh(norm) * u / norm)

def mobius_add(x, y):
    x2 = jnp.sum(x * x, axis=-1, keepdims=True)
    y2 = jnp.sum(y * y, axis=-1, keepdims=True)
    xy = jnp.sum(x * y, axis=-1, keepdims=True)
    num = (1.0 + 2.0 * xy + y2) * x + (1.0 - x2) * y
    den = 1.0 + 2.0 * xy + x2 * y2
    return num / jnp.clip(den, MIN_NORM, None)

def lambda_x(x):
    x2 = jnp.sum(x * x, axis=-1, keepdims=True)
    return 2.0 / jnp.clip(1.0 - x2, MIN_NORM, None)

def expmap(u, p):
    nu = jnp.clip(jnp.linalg.norm(u, axis=-1, keepdims=True), MIN_NORM, None)
    second = jnp.tanh(lambda_x(p) * nu / 2.0) * u / nu
    return project(mobius_add(p, second))

def logmap(y, x):
    sub = mobius_add(-x, y)
    ns = jnp.clip(jnp.linalg.norm(sub, axis=-1, keepdims=True), MIN_NORM, None)
    return 2.0 / lambda_x(x) * _artanh(ns) * sub / ns

def scatter_mean(src, index, dim_size):
    s = jax.ops.segment_sum(src, index, num_segments=dim_size)
    cnt = jax.ops.segment_sum(jnp.ones((src.shape[0],), src.dtype), index, num_segments=dim_size)
    return s / jnp.clip(cnt[:, None], 1.0, None)

def setup_inputs(seed: int = 0) -> dict:
    key = jax.random.key(seed)
    ks = jax.random.split(key, 12)
    entity_emb = jax.random.normal(ks[0], (N_ENTITIES, DIM), dtype=jnp.float32) * 0.1
    user_emb = jax.random.normal(ks[1], (N_USERS, DIM), dtype=jnp.float32) * 0.1
    item_emb_cf = jax.random.normal(ks[2], (N_ITEMS, DIM), dtype=jnp.float32) * 0.1
    edge_index = jax.random.randint(ks[3], (2, N_EDGES), 0, N_ENTITIES, dtype=jnp.int64 if jax.config.jax_enable_x64 else jnp.int32)
    edge_type = jax.random.randint(ks[4], (N_EDGES,), 1, N_RELATIONS)
    mat_row = jax.random.randint(ks[5], (NNZ,), 0, N_USERS)
    mat_col = jax.random.randint(ks[6], (NNZ,), 0, N_ITEMS)
    mat_val = jax.random.uniform(ks[7], (NNZ,), dtype=jnp.float32)
    relation_weight = jax.random.normal(ks[8], (N_RELATIONS - 1, DIM), dtype=jnp.float32) * 0.1
    gate1_w = jax.random.normal(ks[9], (DIM, DIM), dtype=jnp.float32) * (1.0 / np.sqrt(DIM))
    gate2_w = jax.random.normal(ks[10], (DIM, DIM), dtype=jnp.float32) * (1.0 / np.sqrt(DIM))
    return {"entity_emb": entity_emb, "user_emb": user_emb, "item_emb_cf": item_emb_cf,
            "edge_index": edge_index, "edge_type": edge_type,
            "mat_row": mat_row, "mat_col": mat_col, "mat_val": mat_val,
            "relation_weight": relation_weight, "gate1_w": gate1_w, "gate2_w": gate2_w}

def reference(entity_emb, user_emb, item_emb_cf, edge_index, edge_type,
              mat_row, mat_col, mat_val, relation_weight, gate1_w, gate2_w):
    # KG_forward
    head = edge_index[0]
    tail = edge_index[1]
    relation_type = edge_type - 1
    head_emb = entity_emb[head]
    tail_emb = entity_emb[tail]
    relation_emb = relation_weight[relation_type]
    hyper_head = expmap0(head_emb)
    hyper_tail = expmap(tail_emb, hyper_head)
    hyper_rel = expmap(relation_emb, hyper_head)
    res = project(mobius_add(hyper_tail, hyper_rel))
    res = logmap(res, hyper_head)
    entity_agg = scatter_mean(res, head, N_ENTITIES)
    # user/item aggregate (sparse mm as segment_sum)
    # item_user_mat (ones) @ user_emb
    item_agg_cf = jax.ops.segment_sum(user_emb[mat_row], mat_col, num_segments=N_ITEMS)
    item_emb_kg = entity_emb[:N_ITEMS]
    gi = jax.nn.sigmoid(item_emb_cf @ gate1_w.T + item_emb_kg @ gate2_w.T)
    item_emb_fusion = gi * item_emb_cf + (1.0 - gi) * item_emb_kg
    # user_item_mat (vals) @ item_emb_fusion
    user_agg = jax.ops.segment_sum(mat_val[:, None] * item_emb_fusion[mat_col], mat_row, num_segments=N_USERS)
    return (entity_agg, user_agg, item_agg_cf)

if __name__ == "__main__":
    import jax
    _d = setup_inputs()
    print(jax.jit(kernel)(*tuple(_d.values())))

</pallas_src>

<mosaic_0001>
#map = affine_map<(d0, d1) -> (0, 0)>
module attributes {stable_mosaic.version = 14 : i64} {
  func.func @k(%arg0: i32, %arg1: i32, %arg2: memref<50000x64xf32, #tpu.memory_space<hbm>>, %arg3: memref<6272x128xi32, #tpu.memory_space<hbm>>, %arg4: memref<802816x64xf32, #tpu.memory_space<hbm>>, %arg5: memref<7x128xi32, #tpu.memory_space<vmem>>, %arg6: memref<896x64xf32, #tpu.memory_space<vmem>>, %arg7: memref<!tpu.dma_semaphore, #tpu.memory_space<semaphore_mem>>) attributes {dimension_semantics = [#tpu.dimension_semantics<core_parallel>, #tpu.dimension_semantics<subcore_parallel>], iteration_bounds = array<i64: 2, 16>, scalar_prefetch = 0 : i64, scratch_operands = 3 : i64, tpu.core_type = #tpu.core_type<sc_vector_subcore>, window_params = [{transform_indices = #map}, {transform_indices = #map}, {transform_indices = #map}]} {
    %mul3A = arith.constant 2 : i32
    %mul3A_0 = arith.muli %arg1, %mul3A : i32
    %add3A = arith.addi %mul3A_0, %arg0 : i32
    %mul3A_1 = arith.constant 25088 : i32
    %mul3A_2 = arith.muli %add3A, %mul3A_1 : i32
    %scan3A = arith.constant 0 : i32
    %scan3A_3 = arith.constant 0 : i32
    %scan3A_4 = arith.constant 28 : i32
    %scan3A_5 = arith.addi %scan3A_3, %scan3A_4 : i32
    %scan3A_6 = arith.constant 1 : i32
    scf.for %scan3A_8 = %scan3A_3 to %scan3A_5 step %scan3A_6  : i32 {
      %mul3A_9 = arith.constant 896 : i32
      %mul3A_10 = arith.muli %scan3A_8, %mul3A_9 : i32
      %add3A_11 = arith.addi %mul3A_2, %mul3A_10 : i32
      %jit3A = arith.constant 128 : i32
      %div3A = arith.divsi %add3A_11, %jit3A : i32
      %sign3A = arith.constant 0 : i32
      %sign3A_12 = arith.cmpi sgt, %add3A_11, %sign3A : i32
      %sign3A_13 = arith.extui %sign3A_12 : i1 to i32
      %sign3A_14 = arith.constant 0 : i32
      %sign3A_15 = arith.cmpi slt, %add3A_11, %sign3A_14 : i32
      %sign3A_16 = arith.extui %sign3A_15 : i1 to i32
      %sign3A_17 = arith.subi %sign3A_13, %sign3A_16 : i32
      %sign3A_18 = arith.constant 0 : i32
      %sign3A_19 = arith.cmpi sgt, %jit3A, %sign3A_18 : i32
      %sign3A_20 = arith.extui %sign3A_19 : i1 to i32
      %sign3A_21 = arith.constant 0 : i32
      %sign3A_22 = arith.cmpi slt, %jit3A, %sign3A_21 : i32
      %sign3A_23 = arith.extui %sign3A_22 : i1 to i32
      %sign3A_24 = arith.subi %sign3A_20, %sign3A_23 : i32
      %ne3A = arith.cmpi ne, %sign3A_17, %sign3A_24 : i32
      %rem3A = arith.remsi %add3A_11, %jit3A : i32
      %ne3A_25 = arith.constant 0 : i32
      %ne3A_26 = arith.cmpi ne, %rem3A, %ne3A_25 : i32
      %and3A = arith.andi %ne3A, %ne3A_26 : i1
      %sub3A = arith.constant 1 : i32
      %sub3A_27 = arith.subi %div3A, %sub3A : i32
      %select_n3A = arith.select %and3A, %sub3A_27, %div3A : i32
      "tpu.region"() ({
        %run_scoped3A = tpu.sem_alloc : memref<!tpu.dma_semaphore, #tpu.memory_space<semaphore_mem>>
        %dma_start3A_166 = arith.constant 0 : i32
        %dma_start3A_167 = tpu.memref_slice %arg3[%select_n3A, %dma_start3A_166] : memref<6272x128xi32, #tpu.memory_space<hbm>> -> memref<7x128xi32, #tpu.memory_space<hbm>>
        %dma_start3A_168 = arith.constant 0 : i32
        %dma_start3A_169 = tpu.memref_slice %arg3[%select_n3A, %dma_start3A_168] : memref<6272x128xi32, #tpu.memory_space<hbm>> -> memref<7x128xi32, #tpu.memory_space<hbm>>
        tpu.enqueue_dma source(%dma_start3A_169 : memref<7x128xi32, #tpu.memory_space<hbm>>) target(%arg5 : memref<7x128xi32, #tpu.memory_space<vmem>>) target_semaphore(%run_scoped3A : memref<!tpu.dma_semaphore, #tpu.memory_space<semaphore_mem>>)
        %dma_wait3A_170 = arith.constant 0 : i32
        %dma_wait3A_171 = tpu.memref_slice %arg3[%select_n3A, %dma_wait3A_170] : memref<6272x128xi32, #tpu.memory_space<hbm>> -> memref<7x128xi32, #tpu.memory_space<hbm>>
        %dma_wait3A_172 = arith.constant 0 : i32
        %dma_wait3A_173 = tpu.memref_slice %arg3[%select_n3A, %dma_wait3A_172] : memref<6272x128xi32, #tpu.memory_space<hbm>> -> memref<7x128xi32, #tpu.memory_space<hbm>>
        tpu.wait_dma2 semaphore(%run_scoped3A : memref<!tpu.dma_semaphore, #tpu.memory_space<semaphore_mem>>) src(%dma_wait3A_173 : memref<7x128xi32, #tpu.memory_space<hbm>>) dst(%arg5 : memref<7x128xi32, #tpu.memory_space<vmem>>)
        tpu.yield
      }) : () -> ()
      %dma_start3A = arith.constant 0 : i32
      %dma_start3A_28 = arith.constant 0 : i32
      %dma_start3A_29 = arith.constant 0 : i32
      %dma_start3A_30 = tpu.memref_slice %arg6[%dma_start3A_28, %dma_start3A_29] : memref<896x64xf32, #tpu.memory_space<vmem>> -> memref<128x64xf32, #tpu.memory_space<vmem>>
      %dma_start3A_31 = arith.constant 0 : i32
      %dma_start3A_32 = tpu.memref_slice %arg5[%dma_start3A, %dma_start3A_31] : memref<7x128xi32, #tpu.memory_space<vmem>> -> memref<1x128xi32, #tpu.memory_space<vmem>>
      %dma_start3A_33 = tpu.memref_squeeze %dma_start3A_32 : memref<1x128xi32, #tpu.memory_space<vmem>> -> memref<128xi32, #tpu.memory_space<vmem>>
      %dma_start3A_34 = arith.constant 0 : i32
      %dma_start3A_35 = arith.constant 0 : i32
      %dma_start3A_36 = tpu.memref_slice %arg2[%dma_start3A_34, %dma_start3A_35] : memref<50000x64xf32, #tpu.memory_space<hbm>> -> memref<50000x64xf32, #tpu.memory_space<hbm>>
      tpu.enqueue_indirect_dma source(%dma_start3A_36 : memref<50000x64xf32, #tpu.memory_space<hbm>>) target(%dma_start3A_30 : memref<128x64xf32, #tpu.memory_space<vmem>>) offsets(%dma_start3A_33 : memref<128xi32, #tpu.memory_space<vmem>>) semaphore(%arg7 : memref<!tpu.dma_semaphore, #tpu.memory_space<semaphore_mem>>)
      %dma_start3A_37 = arith.constant 1 : i32
      %dma_start3A_38 = arith.constant 128 : i32
      %dma_start3A_39 = arith.constant 0 : i32
      %dma_start3A_40 = tpu.memref_slice %arg6[%dma_start3A_38, %dma_start3A_39] : memref<896x64xf32, #tpu.memory_space<vmem>> -> memref<128x64xf32, #tpu.memory_space<vmem>>
      %dma_start3A_41 = arith.constant 0 : i32
      %dma_start3A_42 = tpu.memref_slice %arg5[%dma_start3A_37, %dma_start3A_41] : memref<7x128xi32, #tpu.memory_space<vmem>> -> memref<1x128xi32, #tpu.memory_space<vmem>>
      %dma_start3A_43 = tpu.memref_squeeze %dma_start3A_42 : memref<1x128xi32, #tpu.memory_space<vmem>> -> memref<128xi32, #tpu.memory_space<vmem>>
      %dma_start3A_44 = arith.constant 0 : i32
      %dma_start3A_45 = arith.constant 0 : i32
      %dma_start3A_46 = tpu.memref_slice %arg2[%dma_start3A_44, %dma_start3A_45] : memref<50000x64xf32, #tpu.memory_space<hbm>> -> memref<50000x64xf32, #tpu.memory_space<hbm>>
      tpu.enqueue_indirect_dma source(%dma_start3A_46 : memref<50000x64xf32, #tpu.memory_space<hbm>>) target(%dma_start3A_40 : memref<128x64xf32, #tpu.memory_space<vmem>>) offsets(%dma_start3A_43 : memref<128xi32, #tpu.memory_space<vmem>>) semaphore(%arg7 : memref<!tpu.dma_semaphore, #tpu.memory_space<semaphore_mem>>)
      %dma_start3A_47 = arith.constant 2 : i32
      %dma_start3A_48 = arith.constant 256 : i32
      %dma_start3A_49 = arith.constant 0 : i32
      %dma_start3A_50 = tpu.memref_slice %arg6[%dma_start3A_48, %dma_start3A_49] : memref<896x64xf32, #tpu.memory_space<vmem>> -> memref<128x64xf32, #tpu.memory_space<vmem>>
      %dma_start3A_51 = arith.constant 0 : i32
      %dma_start3A_52 = tpu.memref_slice %arg5[%dma_start3A_47, %dma_start3A_51] : memref<7x128xi32, #tpu.memory_space<vmem>> -> memref<1x128xi32, #tpu.memory_space<vmem>>
      %dma_start3A_53 = tpu.memref_squeeze %dma_start3A_52 : memref<1x128xi32, #tpu.memory_space<vmem>> -> memref<128xi32, #tpu.memory_space<vmem>>
      %dma_start3A_54 = arith.constant 0 : i32
      %dma_start3A_55 = arith.constant 0 : i32
      %dma_start3A_56 = tpu.memref_slice %arg2[%dma_start3A_54, %dma_start3A_55] : memref<50000x64xf32, #tpu.memory_space<hbm>> -> memref<50000x64xf32, #tpu.memory_space<hbm>>
      tpu.enqueue_indirect_dma source(%dma_start3A_56 : memref<50000x64xf32, #tpu.memory_space<hbm>>) target(%dma_start3A_50 : memref<128x64xf32, #tpu.memory_space<vmem>>) offsets(%dma_start3A_53 : memref<128xi32, #tpu.memory_space<vmem>>) semaphore(%arg7 : memref<!tpu.dma_semaphore, #tpu.memory_space<semaphore_mem>>)
      %dma_start3A_57 = arith.constant 3 : i32
      %dma_start3A_58 = arith.constant 384 : i32
      %dma_start3A_59 = arith.constant 0 : i32
      %dma_start3A_60 = tpu.memref_slice %arg6[%dma_start3A_58, %dma_start3A_59] : memref<896x64xf32, #tpu.memory_space<vmem>> -> memref<128x64xf32, #tpu.memory_space<vmem>>
      %dma_start3A_61 = arith.constant 0 : i32
      %dma_start3A_62 = tpu.memref_slice %arg5[%dma_start3A_57, %dma_start3A_61] : memref<7x128xi32, #tpu.memory_space<vmem>> -> memref<1x128xi32, #tpu.memory_space<vmem>>
      %dma_start3A_63 = tpu.memref_squeeze %dma_start3A_62 : memref<1x128xi32, #tpu.memory_space<vmem>> -> memref<128xi32, #tpu.memory_space<vmem>>
      %dma_start3A_64 = arith.constant 0 : i32
      %dma_start3A_65 = arith.constant 0 : i32
      %dma_start3A_66 = tpu.memref_slice %arg2[%dma_start3A_64, %dma_start3A_65] : memref<50000x64xf32, #tpu.memory_space<hbm>> -> memref<50000x64xf32, #tpu.memory_space<hbm>>
      tpu.enqueue_indirect_dma source(%dma_start3A_66 : memref<50000x64xf32, #tpu.memory_space<hbm>>) target(%dma_start3A_60 : memref<128x64xf32, #tpu.memory_space<vmem>>) offsets(%dma_start3A_63 : memref<128xi32, #tpu.memory_space<vmem>>) semaphore(%arg7 : memref<!tpu.dma_semaphore, #tpu.memory_space<semaphore_mem>>)
      %dma_start3A_67 = arith.constant 4 : i32
      %dma_start3A_68 = arith.constant 512 : i32
      %dma_start3A_69 = arith.constant 0 : i32
      %dma_start3A_70 = tpu.memref_slice %arg6[%dma_start3A_68, %dma_start3A_69] : memref<896x64xf32, #tpu.memory_space<vmem>> -> memref<128x64xf32, #tpu.memory_space<vmem>>
      %dma_start3A_71 = arith.constant 0 : i32
      %dma_start3A_72 = tpu.memref_slice %arg5[%dma_start3A_67, %dma_start3A_71] : memref<7x128xi32, #tpu.memory_space<vmem>> -> memref<1x128xi32, #tpu.memory_space<vmem>>
      %dma_start3A_73 = tpu.memref_squeeze %dma_start3A_72 : memref<1x128xi32, #tpu.memory_space<vmem>> -> memref<128xi32, #tpu.memory_space<vmem>>
      %dma_start3A_74 = arith.constant 0 : i32
      %dma_start3A_75 = arith.constant 0 : i32
      %dma_start3A_76 = tpu.memref_slice %arg2[%dma_start3A_74, %dma_start3A_75] : memref<50000x64xf32, #tpu.memory_space<hbm>> -> memref<50000x64xf32, #tpu.memory_space<hbm>>
      tpu.enqueue_indirect_dma source(%dma_start3A_76 : memref<50000x64xf32, #tpu.memory_space<hbm>>) target(%dma_start3A_70 : memref<128x64xf32, #tpu.memory_space<vmem>>) offsets(%dma_start3A_73 : memref<128xi32, #tpu.memory_space<vmem>>) semaphore(%arg7 : memref<!tpu.dma_semaphore, #tpu.memory_space<semaphore_mem>>)
      %dma_start3A_77 = arith.constant 5 : i32
      %dma_start3A_78 = arith.constant 640 : i32
      %dma_start3A_79 = arith.constant 0 : i32
      %dma_start3A_80 = tpu.memref_slice %arg6[%dma_start3A_78, %dma_start3A_79] : memref<896x64xf32, #tpu.memory_space<vmem>> -> memref<128x64xf32, #tpu.memory_space<vmem>>
      %dma_start3A_81 = arith.constant 0 : i32
      %dma_start3A_82 = tpu.memref_slice %arg5[%dma_start3A_77, %dma_start3A_81] : memref<7x128xi32, #tpu.memory_space<vmem>> -> memref<1x128xi32, #tpu.memory_space<vmem>>
      %dma_start3A_83 = tpu.memref_squeeze %dma_start3A_82 : memref<1x128xi32, #tpu.memory_space<vmem>> -> memref<128xi32, #tpu.memory_space<vmem>>
      %dma_start3A_84 = arith.constant 0 : i32
      %dma_start3A_85 = arith.constant 0 : i32
      %dma_start3A_86 = tpu.memref_slice %arg2[%dma_start3A_84, %dma_start3A_85] : memref<50000x64xf32, #tpu.memory_space<hbm>> -> memref<50000x64xf32, #tpu.memory_space<hbm>>
      tpu.enqueue_indirect_dma source(%dma_start3A_86 : memref<50000x64xf32, #tpu.memory_space<hbm>>) target(%dma_start3A_80 : memref<128x64xf32, #tpu.memory_space<vmem>>) offsets(%dma_start3A_83 : memref<128xi32, #tpu.memory_space<vmem>>) semaphore(%arg7 : memref<!tpu.dma_semaphore, #tpu.memory_space<semaphore_mem>>)
      %dma_start3A_87 = arith.constant 6 : i32
      %dma_start3A_88 = arith.constant 768 : i32
      %dma_start3A_89 = arith.constant 0 : i32
      %dma_start3A_90 = tpu.memref_slice %arg6[%dma_start3A_88, %dma_start3A_89] : memref<896x64xf32, #tpu.memory_space<vmem>> -> memref<128x64xf32, #tpu.memory_space<vmem>>
      %dma_start3A_91 = arith.constant 0 : i32
      %dma_start3A_92 = tpu.memref_slice %arg5[%dma_start3A_87, %dma_start3A_91] : memref<7x128xi32, #tpu.memory_space<vmem>> -> memref<1x128xi32, #tpu.memory_space<vmem>>
      %dma_start3A_93 = tpu.memref_squeeze %dma_start3A_92 : memref<1x128xi32, #tpu.memory_space<vmem>> -> memref<128xi32, #tpu.memory_space<vmem>>
      %dma_start3A_94 = arith.constant 0 : i32
      %dma_start3A_95 = arith.constant 0 : i32
      %dma_start3A_96 = tpu.memref_slice %arg2[%dma_start3A_94, %dma_start3A_95] : memref<50000x64xf32, #tpu.memory_space<hbm>> -> memref<50000x64xf32, #tpu.memory_space<hbm>>
      tpu.enqueue_indirect_dma source(%dma_start3A_96 : memref<50000x64xf32, #tpu.memory_space<hbm>>) target(%dma_start3A_90 : memref<128x64xf32, #tpu.memory_space<vmem>>) offsets(%dma_start3A_93 : memref<128xi32, #tpu.memory_space<vmem>>) semaphore(%arg7 : memref<!tpu.dma_semaphore, #tpu.memory_space<semaphore_mem>>)
      %dma_wait3A = arith.constant 0 : i32
      %dma_wait3A_97 = arith.constant 0 : i32
      %dma_wait3A_98 = arith.constant 0 : i32
      %dma_wait3A_99 = tpu.memref_slice %arg6[%dma_wait3A_97, %dma_wait3A_98] : memref<896x64xf32, #tpu.memory_space<vmem>> -> memref<128x64xf32, #tpu.memory_space<vmem>>
      %dma_wait3A_100 = arith.constant 0 : i32
      %dma_wait3A_101 = tpu.memref_slice %arg5[%dma_wait3A, %dma_wait3A_100] : memref<7x128xi32, #tpu.memory_space<vmem>> -> memref<1x128xi32, #tpu.memory_space<vmem>>
      %dma_wait3A_102 = tpu.memref_squeeze %dma_wait3A_101 : memref<1x128xi32, #tpu.memory_space<vmem>> -> memref<128xi32, #tpu.memory_space<vmem>>
      %dma_wait3A_103 = arith.constant 0 : i32
      %dma_wait3A_104 = arith.constant 0 : i32
      %dma_wait3A_105 = tpu.memref_slice %arg2[%dma_wait3A_103, %dma_wait3A_104] : memref<50000x64xf32, #tpu.memory_space<hbm>> -> memref<50000x64xf32, #tpu.memory_space<hbm>>
      tpu.wait_indirect_dma semaphore(%arg7 : memref<!tpu.dma_semaphore, #tpu.memory_space<semaphore_mem>>) src(%dma_wait3A_105 : memref<50000x64xf32, #tpu.memory_space<hbm>>) dst(%dma_wait3A_99 : memref<128x64xf32, #tpu.memory_space<vmem>>)
      %dma_wait3A_106 = arith.constant 1 : i32
      %dma_wait3A_107 = arith.constant 128 : i32
      %dma_wait3A_108 = arith.constant 0 : i32
      %dma_wait3A_109 = tpu.memref_slice %arg6[%dma_wait3A_107, %dma_wait3A_108] : memref<896x64xf32, #tpu.memory_space<vmem>> -> memref<128x64xf32, #tpu.memory_space<vmem>>
      %dma_wait3A_110 = arith.constant 0 : i32
      %dma_wait3A_111 = tpu.memref_slice %arg5[%dma_wait3A_106, %dma_wait3A_110] : memref<7x128xi32, #tpu.memory_space<vmem>> -> memref<1x128xi32, #tpu.memory_space<vmem>>
      %dma_wait3A_112 = tpu.memref_squeeze %dma_wait3A_111 : memref<1x128xi32, #tpu.memory_space<vmem>> -> memref<128xi32, #tpu.memory_space<vmem>>
      %dma_wait3A_113 = arith.constant 0 : i32
      %dma_wait3A_114 = arith.constant 0 : i32
      %dma_wait3A_115 = tpu.memref_slice %arg2[%dma_wait3A_113, %dma_wait3A_114] : memref<50000x64xf32, #tpu.memory_space<hbm>> -> memref<50000x64xf32, #tpu.memory_space<hbm>>
      tpu.wait_indirect_dma semaphore(%arg7 : memref<!tpu.dma_semaphore, #tpu.memory_space<semaphore_mem>>) src(%dma_wait3A_115 : memref<50000x64xf32, #tpu.memory_space<hbm>>) dst(%dma_wait3A_109 : memref<128x64xf32, #tpu.memory_space<vmem>>)
      %dma_wait3A_116 = arith.constant 2 : i32
      %dma_wait3A_117 = arith.constant 256 : i32
      %dma_wait3A_118 = arith.constant 0 : i32
      %dma_wait3A_119 = tpu.memref_slice %arg6[%dma_wait3A_117, %dma_wait3A_118] : memref<896x64xf32, #tpu.memory_space<vmem>> -> memref<128x64xf32, #tpu.memory_space<vmem>>
      %dma_wait3A_120 = arith.constant 0 : i32
      %dma_wait3A_121 = tpu.memref_slice %arg5[%dma_wait3A_116, %dma_wait3A_120] : memref<7x128xi32, #tpu.memory_space<vmem>> -> memref<1x128xi32, #tpu.memory_space<vmem>>
      %dma_wait3A_122 = tpu.memref_squeeze %dma_wait3A_121 : memref<1x128xi32, #tpu.memory_space<vmem>> -> memref<128xi32, #tpu.memory_space<vmem>>
      %dma_wait3A_123 = arith.constant 0 : i32
      %dma_wait3A_124 = arith.constant 0 : i32
      %dma_wait3A_125 = tpu.memref_slice %arg2[%dma_wait3A_123, %dma_wait3A_124] : memref<50000x64xf32, #tpu.memory_space<hbm>> -> memref<50000x64xf32, #tpu.memory_space<hbm>>
      tpu.wait_indirect_dma semaphore(%arg7 : memref<!tpu.dma_semaphore, #tpu.memory_space<semaphore_mem>>) src(%dma_wait3A_125 : memref<50000x64xf32, #tpu.memory_space<hbm>>) dst(%dma_wait3A_119 : memref<128x64xf32, #tpu.memory_space<vmem>>)
      %dma_wait3A_126 = arith.constant 3 : i32
      %dma_wait3A_127 = arith.constant 384 : i32
      %dma_wait3A_128 = arith.constant 0 : i32
      %dma_wait3A_129 = tpu.memref_slice %arg6[%dma_wait3A_127, %dma_wait3A_128] : memref<896x64xf32, #tpu.memory_space<vmem>> -> memref<128x64xf32, #tpu.memory_space<vmem>>
      %dma_wait3A_130 = arith.constant 0 : i32
      %dma_wait3A_131 = tpu.memref_slice %arg5[%dma_wait3A_126, %dma_wait3A_130] : memref<7x128xi32, #tpu.memory_space<vmem>> -> memref<1x128xi32, #tpu.memory_space<vmem>>
      %dma_wait3A_132 = tpu.memref_squeeze %dma_wait3A_131 : memref<1x128xi32, #tpu.memory_space<vmem>> -> memref<128xi32, #tpu.memory_space<vmem>>
      %dma_wait3A_133 = arith.constant 0 : i32
      %dma_wait3A_134 = arith.constant 0 : i32
      %dma_wait3A_135 = tpu.memref_slice %arg2[%dma_wait3A_133, %dma_wait3A_134] : memref<50000x64xf32, #tpu.memory_space<hbm>> -> memref<50000x64xf32, #tpu.memory_space<hbm>>
      tpu.wait_indirect_dma semaphore(%arg7 : memref<!tpu.dma_semaphore, #tpu.memory_space<semaphore_mem>>) src(%dma_wait3A_135 : memref<50000x64xf32, #tpu.memory_space<hbm>>) dst(%dma_wait3A_129 : memref<128x64xf32, #tpu.memory_space<vmem>>)
      %dma_wait3A_136 = arith.constant 4 : i32
      %dma_wait3A_137 = arith.constant 512 : i32
      %dma_wait3A_138 = arith.constant 0 : i32
      %dma_wait3A_139 = tpu.memref_slice %arg6[%dma_wait3A_137, %dma_wait3A_138] : memref<896x64xf32, #tpu.memory_space<vmem>> -> memref<128x64xf32, #tpu.memory_space<vmem>>
      %dma_wait3A_140 = arith.constant 0 : i32
      %dma_wait3A_141 = tpu.memref_slice %arg5[%dma_wait3A_136, %dma_wait3A_140] : memref<7x128xi32, #tpu.memory_space<vmem>> -> memref<1x128xi32, #tpu.memory_space<vmem>>
      %dma_wait3A_142 = tpu.memref_squeeze %dma_wait3A_141 : memref<1x128xi32, #tpu.memory_space<vmem>> -> memref<128xi32, #tpu.memory_space<vmem>>
      %dma_wait3A_143 = arith.constant 0 : i32
      %dma_wait3A_144 = arith.constant 0 : i32
      %dma_wait3A_145 = tpu.memref_slice %arg2[%dma_wait3A_143, %dma_wait3A_144] : memref<50000x64xf32, #tpu.memory_space<hbm>> -> memref<50000x64xf32, #tpu.memory_space<hbm>>
      tpu.wait_indirect_dma semaphore(%arg7 : memref<!tpu.dma_semaphore, #tpu.memory_space<semaphore_mem>>) src(%dma_wait3A_145 : memref<50000x64xf32, #tpu.memory_space<hbm>>) dst(%dma_wait3A_139 : memref<128x64xf32, #tpu.memory_space<vmem>>)
      %dma_wait3A_146 = arith.constant 5 : i32
      %dma_wait3A_147 = arith.constant 640 : i32
      %dma_wait3A_148 = arith.constant 0 : i32
      %dma_wait3A_149 = tpu.memref_slice %arg6[%dma_wait3A_147, %dma_wait3A_148] : memref<896x64xf32, #tpu.memory_space<vmem>> -> memref<128x64xf32, #tpu.memory_space<vmem>>
      %dma_wait3A_150 = arith.constant 0 : i32
      %dma_wait3A_151 = tpu.memref_slice %arg5[%dma_wait3A_146, %dma_wait3A_150] : memref<7x128xi32, #tpu.memory_space<vmem>> -> memref<1x128xi32, #tpu.memory_space<vmem>>
      %dma_wait3A_152 = tpu.memref_squeeze %dma_wait3A_151 : memref<1x128xi32, #tpu.memory_space<vmem>> -> memref<128xi32, #tpu.memory_space<vmem>>
      %dma_wait3A_153 = arith.constant 0 : i32
      %dma_wait3A_154 = arith.constant 0 : i32
      %dma_wait3A_155 = tpu.memref_slice %arg2[%dma_wait3A_153, %dma_wait3A_154] : memref<50000x64xf32, #tpu.memory_space<hbm>> -> memref<50000x64xf32, #tpu.memory_space<hbm>>
      tpu.wait_indirect_dma semaphore(%arg7 : memref<!tpu.dma_semaphore, #tpu.memory_space<semaphore_mem>>) src(%dma_wait3A_155 : memref<50000x64xf32, #tpu.memory_space<hbm>>) dst(%dma_wait3A_149 : memref<128x64xf32, #tpu.memory_space<vmem>>)
      %dma_wait3A_156 = arith.constant 6 : i32
      %dma_wait3A_157 = arith.constant 768 : i32
      %dma_wait3A_158 = arith.constant 0 : i32
      %dma_wait3A_159 = tpu.memref_slice %arg6[%dma_wait3A_157, %dma_wait3A_158] : memref<896x64xf32, #tpu.memory_space<vmem>> -> memref<128x64xf32, #tpu.memory_space<vmem>>
      %dma_wait3A_160 = arith.constant 0 : i32
      %dma_wait3A_161 = tpu.memref_slice %arg5[%dma_wait3A_156, %dma_wait3A_160] : memref<7x128xi32, #tpu.memory_space<vmem>> -> memref<1x128xi32, #tpu.memory_space<vmem>>
      %dma_wait3A_162 = tpu.memref_squeeze %dma_wait3A_161 : memref<1x128xi32, #tpu.memory_space<vmem>> -> memref<128xi32, #tpu.memory_space<vmem>>
      %dma_wait3A_163 = arith.constant 0 : i32
      %dma_wait3A_164 = arith.constant 0 : i32
      %dma_wait3A_165 = tpu.memref_slice %arg2[%dma_wait3A_163, %dma_wait3A_164] : memref<50000x64xf32, #tpu.memory_space<hbm>> -> memref<50000x64xf32, #tpu.memory_space<hbm>>
      tpu.wait_indirect_dma semaphore(%arg7 : memref<!tpu.dma_semaphore, #tpu.memory_space<semaphore_mem>>) src(%dma_wait3A_165 : memref<50000x64xf32, #tpu.memory_space<hbm>>) dst(%dma_wait3A_159 : memref<128x64xf32, #tpu.memory_space<vmem>>)
      "tpu.region"() ({
        %run_scoped3A = tpu.sem_alloc : memref<!tpu.dma_semaphore, #tpu.memory_space<semaphore_mem>>
        %dma_start3A_166 = arith.constant 0 : i32
        %dma_start3A_167 = tpu.memref_slice %arg4[%add3A_11, %dma_start3A_166] : memref<802816x64xf32, #tpu.memory_space<hbm>> -> memref<896x64xf32, #tpu.memory_space<hbm>>
        %dma_start3A_168 = arith.constant 0 : i32
        %dma_start3A_169 = tpu.memref_slice %arg4[%add3A_11, %dma_start3A_168] : memref<802816x64xf32, #tpu.memory_space<hbm>> -> memref<896x64xf32, #tpu.memory_space<hbm>>
        tpu.enqueue_dma source(%arg6 : memref<896x64xf32, #tpu.memory_space<vmem>>) target(%dma_start3A_169 : memref<896x64xf32, #tpu.memory_space<hbm>>) target_semaphore(%run_scoped3A : memref<!tpu.dma_semaphore, #tpu.memory_space<semaphore_mem>>)
        %dma_wait3A_170 = arith.constant 0 : i32
        %dma_wait3A_171 = tpu.memref_slice %arg4[%add3A_11, %dma_wait3A_170] : memref<802816x64xf32, #tpu.memory_space<hbm>> -> memref<896x64xf32, #tpu.memory_space<hbm>>
        %dma_wait3A_172 = arith.constant 0 : i32
        %dma_wait3A_173 = tpu.memref_slice %arg4[%add3A_11, %dma_wait3A_172] : memref<802816x64xf32, #tpu.memory_space<hbm>> -> memref<896x64xf32, #tpu.memory_space<hbm>>
        tpu.wait_dma2 semaphore(%run_scoped3A : memref<!tpu.dma_semaphore, #tpu.memory_space<semaphore_mem>>) src(%arg6 : memref<896x64xf32, #tpu.memory_space<vmem>>) dst(%dma_wait3A_173 : memref<896x64xf32, #tpu.memory_space<hbm>>)
        tpu.yield
      }) : () -> ()
    }
    %scan3A_7 = arith.constant 28 : i32
    return
  }
}

#map = affine_map<(d0, d1) -> (0, 0)>
module attributes {stable_mosaic.version = 14 : i64} {
  func.func @k(%arg0: i32, %arg1: i32, %arg2: memref<15x64xf32, #tpu.memory_space<hbm>>, %arg3: memref<6272x128xi32, #tpu.memory_space<hbm>>, %arg4: memref<802816x64xf32, #tpu.memory_space<hbm>>, %arg5: memref<7x128xi32, #tpu.memory_space<vmem>>, %arg6: memref<896x64xf32, #tpu.memory_space<vmem>>, %arg7: memref<!tpu.dma_semaphore, #tpu.memory_space<semaphore_mem>>) attributes {dimension_semantics = [#tpu.dimension_semantics<core_parallel>, #tpu.dimension_semantics<subcore_parallel>], iteration_bounds = array<i64: 2, 16>, scalar_prefetch = 0 : i64, scratch_operands = 3 : i64, tpu.core_type = #tpu.core_type<sc_vector_subcore>, window_params = [{transform_indices = #map}, {transform_indices = #map}, {transform_indices = #map}]} {
    %mul3A = arith.constant 2 : i32
    %mul3A_0 = arith.muli %arg1, %mul3A : i32
    %add3A = arith.addi %mul3A_0, %arg0 : i32
    %mul3A_1 = arith.constant 25088 : i32
    %mul3A_2 = arith.muli %add3A, %mul3A_1 : i32
    %scan3A = arith.constant 0 : i32
    %scan3A_3 = arith.constant 0 : i32
    %scan3A_4 = arith.constant 28 : i32
    %scan3A_5 = arith.addi %scan3A_3, %scan3A_4 : i32
    %scan3A_6 = arith.constant 1 : i32
    scf.for %scan3A_8 = %scan3A_3 to %scan3A_5 step %scan3A_6  : i32 {
      %mul3A_9 = arith.constant 896 : i32
      %mul3A_10 = arith.muli %scan3A_8, %mul3A_9 : i32
      %add3A_11 = arith.addi %mul3A_2, %mul3A_10 : i32
      %jit3A = arith.constant 128 : i32
      %div3A = arith.divsi %add3A_11, %jit3A : i32
      %sign3A = arith.constant 0 : i32
      %sign3A_12 = arith.cmpi sgt, %add3A_11, %sign3A : i32
      %sign3A_13 = arith.extui %sign3A_12 : i1 to i32
      %sign3A_14 = arith.constant 0 : i32
      %sign3A_15 = arith.cmpi slt, %add3A_11, %sign3A_14 : i32
      %sign3A_16 = arith.extui %sign3A_15 : i1 to i32
      %sign3A_17 = arith.subi %sign3A_13, %sign3A_16 : i32
      %sign3A_18 = arith.constant 0 : i32
      %sign3A_19 = arith.cmpi sgt, %jit3A, %sign3A_18 : i32
      %sign3A_20 = arith.extui %sign3A_19 : i1 to i32
      %sign3A_21 = arith.constant 0 : i32
      %sign3A_22 = arith.cmpi slt, %jit3A, %sign3A_21 : i32
      %sign3A_23 = arith.extui %sign3A_22 : i1 to i32
      %sign3A_24 = arith.subi %sign3A_20, %sign3A_23 : i32
      %ne3A = arith.cmpi ne, %sign3A_17, %sign3A_24 : i32
      %rem3A = arith.remsi %add3A_11, %jit3A : i32
      %ne3A_25 = arith.constant 0 : i32
      %ne3A_26 = arith.cmpi ne, %rem3A, %ne3A_25 : i32
      %and3A = arith.andi %ne3A, %ne3A_26 : i1
      %sub3A = arith.constant 1 : i32
      %sub3A_27 = arith.subi %div3A, %sub3A : i32
      %select_n3A = arith.select %and3A, %sub3A_27, %div3A : i32
      "tpu.region"() ({
        %run_scoped3A = tpu.sem_alloc : memref<!tpu.dma_semaphore, #tpu.memory_space<semaphore_mem>>
        %dma_start3A_166 = arith.constant 0 : i32
        %dma_start3A_167 = tpu.memref_slice %arg3[%select_n3A, %dma_start3A_166] : memref<6272x128xi32, #tpu.memory_space<hbm>> -> memref<7x128xi32, #tpu.memory_space<hbm>>
        %dma_start3A_168 = arith.constant 0 : i32
        %dma_start3A_169 = tpu.memref_slice %arg3[%select_n3A, %dma_start3A_168] : memref<6272x128xi32, #tpu.memory_space<hbm>> -> memref<7x128xi32, #tpu.memory_space<hbm>>
        tpu.enqueue_dma source(%dma_start3A_169 : memref<7x128xi32, #tpu.memory_space<hbm>>) target(%arg5 : memref<7x128xi32, #tpu.memory_space<vmem>>) target_semaphore(%run_scoped3A : memref<!tpu.dma_semaphore, #tpu.memory_space<semaphore_mem>>)
        %dma_wait3A_170 = arith.constant 0 : i32
        %dma_wait3A_171 = tpu.memref_slice %arg3[%select_n3A, %dma_wait3A_170] : memref<6272x128xi32, #tpu.memory_space<hbm>> -> memref<7x128xi32, #tpu.memory_space<hbm>>
        %dma_wait3A_172 = arith.constant 0 : i32
        %dma_wait3A_173 = tpu.memref_slice %arg3[%select_n3A, %dma_wait3A_172] : memref<6272x128xi32, #tpu.memory_space<hbm>> -> memref<7x128xi32, #tpu.memory_space<hbm>>
        tpu.wait_dma2 semaphore(%run_scoped3A : memref<!tpu.dma_semaphore, #tpu.memory_space<semaphore_mem>>) src(%dma_wait3A_173 : memref<7x128xi32, #tpu.memory_space<hbm>>) dst(%arg5 : memref<7x128xi32, #tpu.memory_space<vmem>>)
        tpu.yield
      }) : () -> ()
      %dma_start3A = arith.constant 0 : i32
      %dma_start3A_28 = arith.constant 0 : i32
      %dma_start3A_29 = arith.constant 0 : i32
      %dma_start3A_30 = tpu.memref_slice %arg6[%dma_start3A_28, %dma_start3A_29] : memref<896x64xf32, #tpu.memory_space<vmem>> -> memref<128x64xf32, #tpu.memory_space<vmem>>
      %dma_start3A_31 = arith.constant 0 : i32
      %dma_start3A_32 = tpu.memref_slice %arg5[%dma_start3A, %dma_start3A_31] : memref<7x128xi32, #tpu.memory_space<vmem>> -> memref<1x128xi32, #tpu.memory_space<vmem>>
      %dma_start3A_33 = tpu.memref_squeeze %dma_start3A_32 : memref<1x128xi32, #tpu.memory_space<vmem>> -> memref<128xi32, #tpu.memory_space<vmem>>
      %dma_start3A_34 = arith.constant 0 : i32
      %dma_start3A_35 = arith.constant 0 : i32
      %dma_start3A_36 = tpu.memref_slice %arg2[%dma_start3A_34, %dma_start3A_35] : memref<15x64xf32, #tpu.memory_space<hbm>> -> memref<15x64xf32, #tpu.memory_space<hbm>>
      tpu.enqueue_indirect_dma source(%dma_start3A_36 : memref<15x64xf32, #tpu.memory_space<hbm>>) target(%dma_start3A_30 : memref<128x64xf32, #tpu.memory_space<vmem>>) offsets(%dma_start3A_33 : memref<128xi32, #tpu.memory_space<vmem>>) semaphore(%arg7 : memref<!tpu.dma_semaphore, #tpu.memory_space<semaphore_mem>>)
      %dma_start3A_37 = arith.constant 1 : i32
      %dma_start3A_38 = arith.constant 128 : i32
      %dma_start3A_39 = arith.constant 0 : i32
      %dma_start3A_40 = tpu.memref_slice %arg6[%dma_start3A_38, %dma_start3A_39] : memref<896x64xf32, #tpu.memory_space<vmem>> -> memref<128x64xf32, #tpu.memory_space<vmem>>
      %dma_start3A_41 = arith.constant 0 : i32
      %dma_start3A_42 = tpu.memref_slice %arg5[%dma_start3A_37, %dma_start3A_41] : memref<7x128xi32, #tpu.memory_space<vmem>> -> memref<1x128xi32, #tpu.memory_space<vmem>>
      %dma_start3A_43 = tpu.memref_squeeze %dma_start3A_42 : memref<1x128xi32, #tpu.memory_space<vmem>> -> memref<128xi32, #tpu.memory_space<vmem>>
      %dma_start3A_44 = arith.constant 0 : i32
      %dma_start3A_45 = arith.constant 0 : i32
      %dma_start3A_46 = tpu.memref_slice %arg2[%dma_start3A_44, %dma_start3A_45] : memref<15x64xf32, #tpu.memory_space<hbm>> -> memref<15x64xf32, #tpu.memory_space<hbm>>
      tpu.enqueue_indirect_dma source(%dma_start3A_46 : memref<15x64xf32, #tpu.memory_space<hbm>>) target(%dma_start3A_40 : memref<128x64xf32, #tpu.memory_space<vmem>>) offsets(%dma_start3A_43 : memref<128xi32, #tpu.memory_space<vmem>>) semaphore(%arg7 : memref<!tpu.dma_semaphore, #tpu.memory_space<semaphore_mem>>)
      %dma_start3A_47 = arith.constant 2 : i32
      %dma_start3A_48 = arith.constant 256 : i32
      %dma_start3A_49 = arith.constant 0 : i32
      %dma_start3A_50 = tpu.memref_slice %arg6[%dma_start3A_48, %dma_start3A_49] : memref<896x64xf32, #tpu.memory_space<vmem>> -> memref<128x64xf32, #tpu.memory_space<vmem>>
      %dma_start3A_51 = arith.constant 0 : i32
      %dma_start3A_52 = tpu.memref_slice %arg5[%dma_start3A_47, %dma_start3A_51] : memref<7x128xi32, #tpu.memory_space<vmem>> -> memref<1x128xi32, #tpu.memory_space<vmem>>
      %dma_start3A_53 = tpu.memref_squeeze %dma_start3A_52 : memref<1x128xi32, #tpu.memory_space<vmem>> -> memref<128xi32, #tpu.memory_space<vmem>>
      %dma_start3A_54 = arith.constant 0 : i32
      %dma_start3A_55 = arith.constant 0 : i32
      %dma_start3A_56 = tpu.memref_slice %arg2[%dma_start3A_54, %dma_start3A_55] : memref<15x64xf32, #tpu.memory_space<hbm>> -> memref<15x64xf32, #tpu.memory_space<hbm>>
      tpu.enqueue_indirect_dma source(%dma_start3A_56 : memref<15x64xf32, #tpu.memory_space<hbm>>) target(%dma_start3A_50 : memref<128x64xf32, #tpu.memory_space<vmem>>) offsets(%dma_start3A_53 : memref<128xi32, #tpu.memory_space<vmem>>) semaphore(%arg7 : memref<!tpu.dma_semaphore, #tpu.memory_space<semaphore_mem>>)
      %dma_start3A_57 = arith.constant 3 : i32
      %dma_start3A_58 = arith.constant 384 : i32
      %dma_start3A_59 = arith.constant 0 : i32
      %dma_start3A_60 = tpu.memref_slice %arg6[%dma_start3A_58, %dma_start3A_59] : memref<896x64xf32, #tpu.memory_space<vmem>> -> memref<128x64xf32, #tpu.memory_space<vmem>>
      %dma_start3A_61 = arith.constant 0 : i32
      %dma_start3A_62 = tpu.memref_slice %arg5[%dma_start3A_57, %dma_start3A_61] : memref<7x128xi32, #tpu.memory_space<vmem>> -> memref<1x128xi32, #tpu.memory_space<vmem>>
      %dma_start3A_63 = tpu.memref_squeeze %dma_start3A_62 : memref<1x128xi32, #tpu.memory_space<vmem>> -> memref<128xi32, #tpu.memory_space<vmem>>
      %dma_start3A_64 = arith.constant 0 : i32
      %dma_start3A_65 = arith.constant 0 : i32
      %dma_start3A_66 = tpu.memref_slice %arg2[%dma_start3A_64, %dma_start3A_65] : memref<15x64xf32, #tpu.memory_space<hbm>> -> memref<15x64xf32, #tpu.memory_space<hbm>>
      tpu.enqueue_indirect_dma source(%dma_start3A_66 : memref<15x64xf32, #tpu.memory_space<hbm>>) target(%dma_start3A_60 : memref<128x64xf32, #tpu.memory_space<vmem>>) offsets(%dma_start3A_63 : memref<128xi32, #tpu.memory_space<vmem>>) semaphore(%arg7 : memref<!tpu.dma_semaphore, #tpu.memory_space<semaphore_mem>>)
      %dma_start3A_67 = arith.constant 4 : i32
      %dma_start3A_68 = arith.constant 512 : i32
      %dma_start3A_69 = arith.constant 0 : i32
      %dma_start3A_70 = tpu.memref_slice %arg6[%dma_start3A_68, %dma_start3A_69] : memref<896x64xf32, #tpu.memory_space<vmem>> -> memref<128x64xf32, #tpu.memory_space<vmem>>
      %dma_start3A_71 = arith.constant 0 : i32
      %dma_start3A_72 = tpu.memref_slice %arg5[%dma_start3A_67, %dma_start3A_71] : memref<7x128xi32, #tpu.memory_space<vmem>> -> memref<1x128xi32, #tpu.memory_space<vmem>>
      %dma_start3A_73 = tpu.memref_squeeze %dma_start3A_72 : memref<1x128xi32, #tpu.memory_space<vmem>> -> memref<128xi32, #tpu.memory_space<vmem>>
      %dma_start3A_74 = arith.constant 0 : i32
      %dma_start3A_75 = arith.constant 0 : i32
      %dma_start3A_76 = tpu.memref_slice %arg2[%dma_start3A_74, %dma_start3A_75] : memref<15x64xf32, #tpu.memory_space<hbm>> -> memref<15x64xf32, #tpu.memory_space<hbm>>
      tpu.enqueue_indirect_dma source(%dma_start3A_76 : memref<15x64xf32, #tpu.memory_space<hbm>>) target(%dma_start3A_70 : memref<128x64xf32, #tpu.memory_space<vmem>>) offsets(%dma_start3A_73 : memref<128xi32, #tpu.memory_space<vmem>>) semaphore(%arg7 : memref<!tpu.dma_semaphore, #tpu.memory_space<semaphore_mem>>)
      %dma_start3A_77 = arith.constant 5 : i32
      %dma_start3A_78 = arith.constant 640 : i32
      %dma_start3A_79 = arith.constant 0 : i32
      %dma_start3A_80 = tpu.memref_slice %arg6[%dma_start3A_78, %dma_start3A_79] : memref<896x64xf32, #tpu.memory_space<vmem>> -> memref<128x64xf32, #tpu.memory_space<vmem>>
      %dma_start3A_81 = arith.constant 0 : i32
      %dma_start3A_82 = tpu.memref_slice %arg5[%dma_start3A_77, %dma_start3A_81] : memref<7x128xi32, #tpu.memory_space<vmem>> -> memref<1x128xi32, #tpu.memory_space<vmem>>
      %dma_start3A_83 = tpu.memref_squeeze %dma_start3A_82 : memref<1x128xi32, #tpu.memory_space<vmem>> -> memref<128xi32, #tpu.memory_space<vmem>>
      %dma_start3A_84 = arith.constant 0 : i32
      %dma_start3A_85 = arith.constant 0 : i32
      %dma_start3A_86 = tpu.memref_slice %arg2[%dma_start3A_84, %dma_start3A_85] : memref<15x64xf32, #tpu.memory_space<hbm>> -> memref<15x64xf32, #tpu.memory_space<hbm>>
      tpu.enqueue_indirect_dma source(%dma_start3A_86 : memref<15x64xf32, #tpu.memory_space<hbm>>) target(%dma_start3A_80 : memref<128x64xf32, #tpu.memory_space<vmem>>) offsets(%dma_start3A_83 : memref<128xi32, #tpu.memory_space<vmem>>) semaphore(%arg7 : memref<!tpu.dma_semaphore, #tpu.memory_space<semaphore_mem>>)
      %dma_start3A_87 = arith.constant 6 : i32
      %dma_start3A_88 = arith.constant 768 : i32
      %dma_start3A_89 = arith.constant 0 : i32
      %dma_start3A_90 = tpu.memref_slice %arg6[%dma_start3A_88, %dma_start3A_89] : memref<896x64xf32, #tpu.memory_space<vmem>> -> memref<128x64xf32, #tpu.memory_space<vmem>>
      %dma_start3A_91 = arith.constant 0 : i32
      %dma_start3A_92 = tpu.memref_slice %arg5[%dma_start3A_87, %dma_start3A_91] : memref<7x128xi32, #tpu.memory_space<vmem>> -> memref<1x128xi32, #tpu.memory_space<vmem>>
      %dma_start3A_93 = tpu.memref_squeeze %dma_start3A_92 : memref<1x128xi32, #tpu.memory_space<vmem>> -> memref<128xi32, #tpu.memory_space<vmem>>
      %dma_start3A_94 = arith.constant 0 : i32
      %dma_start3A_95 = arith.constant 0 : i32
      %dma_start3A_96 = tpu.memref_slice %arg2[%dma_start3A_94, %dma_start3A_95] : memref<15x64xf32, #tpu.memory_space<hbm>> -> memref<15x64xf32, #tpu.memory_space<hbm>>
      tpu.enqueue_indirect_dma source(%dma_start3A_96 : memref<15x64xf32, #tpu.memory_space<hbm>>) target(%dma_start3A_90 : memref<128x64xf32, #tpu.memory_space<vmem>>) offsets(%dma_start3A_93 : memref<128xi32, #tpu.memory_space<vmem>>) semaphore(%arg7 : memref<!tpu.dma_semaphore, #tpu.memory_space<semaphore_mem>>)
      %dma_wait3A = arith.constant 0 : i32
      %dma_wait3A_97 = arith.constant 0 : i32
      %dma_wait3A_98 = arith.constant 0 : i32
      %dma_wait3A_99 = tpu.memref_slice %arg6[%dma_wait3A_97, %dma_wait3A_98] : memref<896x64xf32, #tpu.memory_space<vmem>> -> memref<128x64xf32, #tpu.memory_space<vmem>>
      %dma_wait3A_100 = arith.constant 0 : i32
      %dma_wait3A_101 = tpu.memref_slice %arg5[%dma_wait3A, %dma_wait3A_100] : memref<7x128xi32, #tpu.memory_space<vmem>> -> memref<1x128xi32, #tpu.memory_space<vmem>>
      %dma_wait3A_102 = tpu.memref_squeeze %dma_wait3A_101 : memref<1x128xi32, #tpu.memory_space<vmem>> -> memref<128xi32, #tpu.memory_space<vmem>>
      %dma_wait3A_103 = arith.constant 0 : i32
      %dma_wait3A_104 = arith.constant 0 : i32
      %dma_wait3A_105 = tpu.memref_slice %arg2[%dma_wait3A_103, %dma_wait3A_104] : memref<15x64xf32, #tpu.memory_space<hbm>> -> memref<15x64xf32, #tpu.memory_space<hbm>>
      tpu.wait_indirect_dma semaphore(%arg7 : memref<!tpu.dma_semaphore, #tpu.memory_space<semaphore_mem>>) src(%dma_wait3A_105 : memref<15x64xf32, #tpu.memory_space<hbm>>) dst(%dma_wait3A_99 : memref<128x64xf32, #tpu.memory_space<vmem>>)
      %dma_wait3A_106 = arith.constant 1 : i32
      %dma_wait3A_107 = arith.constant 128 : i32
      %dma_wait3A_108 = arith.constant 0 : i32
      %dma_wait3A_109 = tpu.memref_slice %arg6[%dma_wait3A_107, %dma_wait3A_108] : memref<896x64xf32, #tpu.memory_space<vmem>> -> memref<128x64xf32, #tpu.memory_space<vmem>>
      %dma_wait3A_110 = arith.constant 0 : i32
      %dma_wait3A_111 = tpu.memref_slice %arg5[%dma_wait3A_106, %dma_wait3A_110] : memref<7x128xi32, #tpu.memory_space<vmem>> -> memref<1x128xi32, #tpu.memory_space<vmem>>
      %dma_wait3A_112 = tpu.memref_squeeze %dma_wait3A_111 : memref<1x128xi32, #tpu.memory_space<vmem>> -> memref<128xi32, #tpu.memory_space<vmem>>
      %dma_wait3A_113 = arith.constant 0 : i32
      %dma_wait3A_114 = arith.constant 0 : i32
      %dma_wait3A_115 = tpu.memref_slice %arg2[%dma_wait3A_113, %dma_wait3A_114] : memref<15x64xf32, #tpu.memory_space<hbm>> -> memref<15x64xf32, #tpu.memory_space<hbm>>
      tpu.wait_indirect_dma semaphore(%arg7 : memref<!tpu.dma_semaphore, #tpu.memory_space<semaphore_mem>>) src(%dma_wait3A_115 : memref<15x64xf32, #tpu.memory_space<hbm>>) dst(%dma_wait3A_109 : memref<128x64xf32, #tpu.memory_space<vmem>>)
      %dma_wait3A_116 = arith.constant 2 : i32
      %dma_wait3A_117 = arith.constant 256 : i32
      %dma_wait3A_118 = arith.constant 0 : i32
      %dma_wait3A_119 = tpu.memref_slice %arg6[%dma_wait3A_117, %dma_wait3A_118] : memref<896x64xf32, #tpu.memory_space<vmem>> -> memref<128x64xf32, #tpu.memory_space<vmem>>
      %dma_wait3A_120 = arith.constant 0 : i32
      %dma_wait3A_121 = tpu.memref_slice %arg5[%dma_wait3A_116, %dma_wait3A_120] : memref<7x128xi32, #tpu.memory_space<vmem>> -> memref<1x128xi32, #tpu.memory_space<vmem>>
      %dma_wait3A_122 = tpu.memref_squeeze %dma_wait3A_121 : memref<1x128xi32, #tpu.memory_space<vmem>> -> memref<128xi32, #tpu.memory_space<vmem>>
      %dma_wait3A_123 = arith.constant 0 : i32
      %dma_wait3A_124 = arith.constant 0 : i32
      %dma_wait3A_125 = tpu.memref_slice %arg2[%dma_wait3A_123, %dma_wait3A_124] : memref<15x64xf32, #tpu.memory_space<hbm>> -> memref<15x64xf32, #tpu.memory_space<hbm>>
      tpu.wait_indirect_dma semaphore(%arg7 : memref<!tpu.dma_semaphore, #tpu.memory_space<semaphore_mem>>) src(%dma_wait3A_125 : memref<15x64xf32, #tpu.memory_space<hbm>>) dst(%dma_wait3A_119 : memref<128x64xf32, #tpu.memory_space<vmem>>)
      %dma_wait3A_126 = arith.constant 3 : i32
      %dma_wait3A_127 = arith.constant 384 : i32
      %dma_wait3A_128 = arith.constant 0 : i32
      %dma_wait3A_129 = tpu.memref_slice %arg6[%dma_wait3A_127, %dma_wait3A_128] : memref<896x64xf32, #tpu.memory_space<vmem>> -> memref<128x64xf32, #tpu.memory_space<vmem>>
      %dma_wait3A_130 = arith.constant 0 : i32
      %dma_wait3A_131 = tpu.memref_slice %arg5[%dma_wait3A_126, %dma_wait3A_130] : memref<7x128xi32, #tpu.memory_space<vmem>> -> memref<1x128xi32, #tpu.memory_space<vmem>>
      %dma_wait3A_132 = tpu.memref_squeeze %dma_wait3A_131 : memref<1x128xi32, #tpu.memory_space<vmem>> -> memref<128xi32, #tpu.memory_space<vmem>>
      %dma_wait3A_133 = arith.constant 0 : i32
      %dma_wait3A_134 = arith.constant 0 : i32
      %dma_wait3A_135 = tpu.memref_slice %arg2[%dma_wait3A_133, %dma_wait3A_134] : memref<15x64xf32, #tpu.memory_space<hbm>> -> memref<15x64xf32, #tpu.memory_space<hbm>>
      tpu.wait_indirect_dma semaphore(%arg7 : memref<!tpu.dma_semaphore, #tpu.memory_space<semaphore_mem>>) src(%dma_wait3A_135 : memref<15x64xf32, #tpu.memory_space<hbm>>) dst(%dma_wait3A_129 : memref<128x64xf32, #tpu.memory_space<vmem>>)
      %dma_wait3A_136 = arith.constant 4 : i32
      %dma_wait3A_137 = arith.constant 512 : i32
      %dma_wait3A_138 = arith.constant 0 : i32
      %dma_wait3A_139 = tpu.memref_slice %arg6[%dma_wait3A_137, %dma_wait3A_138] : memref<896x64xf32, #tpu.memory_space<vmem>> -> memref<128x64xf32, #tpu.memory_space<vmem>>
      %dma_wait3A_140 = arith.constant 0 : i32
      %dma_wait3A_141 = tpu.memref_slice %arg5[%dma_wait3A_136, %dma_wait3A_140] : memref<7x128xi32, #tpu.memory_space<vmem>> -> memref<1x128xi32, #tpu.memory_space<vmem>>
      %dma_wait3A_142 = tpu.memref_squeeze %dma_wait3A_141 : memref<1x128xi32, #tpu.memory_space<vmem>> -> memref<128xi32, #tpu.memory_space<vmem>>
      %dma_wait3A_143 = arith.constant 0 : i32
      %dma_wait3A_144 = arith.constant 0 : i32
      %dma_wait3A_145 = tpu.memref_slice %arg2[%dma_wait3A_143, %dma_wait3A_144] : memref<15x64xf32, #tpu.memory_space<hbm>> -> memref<15x64xf32, #tpu.memory_space<hbm>>
      tpu.wait_indirect_dma semaphore(%arg7 : memref<!tpu.dma_semaphore, #tpu.memory_space<semaphore_mem>>) src(%dma_wait3A_145 : memref<15x64xf32, #tpu.memory_space<hbm>>) dst(%dma_wait3A_139 : memref<128x64xf32, #tpu.memory_space<vmem>>)
      %dma_wait3A_146 = arith.constant 5 : i32
      %dma_wait3A_147 = arith.constant 640 : i32
      %dma_wait3A_148 = arith.constant 0 : i32
      %dma_wait3A_149 = tpu.memref_slice %arg6[%dma_wait3A_147, %dma_wait3A_148] : memref<896x64xf32, #tpu.memory_space<vmem>> -> memref<128x64xf32, #tpu.memory_space<vmem>>
      %dma_wait3A_150 = arith.constant 0 : i32
      %dma_wait3A_151 = tpu.memref_slice %arg5[%dma_wait3A_146, %dma_wait3A_150] : memref<7x128xi32, #tpu.memory_space<vmem>> -> memref<1x128xi32, #tpu.memory_space<vmem>>
      %dma_wait3A_152 = tpu.memref_squeeze %dma_wait3A_151 : memref<1x128xi32, #tpu.memory_space<vmem>> -> memref<128xi32, #tpu.memory_space<vmem>>
      %dma_wait3A_153 = arith.constant 0 : i32
      %dma_wait3A_154 = arith.constant 0 : i32
      %dma_wait3A_155 = tpu.memref_slice %arg2[%dma_wait3A_153, %dma_wait3A_154] : memref<15x64xf32, #tpu.memory_space<hbm>> -> memref<15x64xf32, #tpu.memory_space<hbm>>
      tpu.wait_indirect_dma semaphore(%arg7 : memref<!tpu.dma_semaphore, #tpu.memory_space<semaphore_mem>>) src(%dma_wait3A_155 : memref<15x64xf32, #tpu.memory_space<hbm>>) dst(%dma_wait3A_149 : memref<128x64xf32, #tpu.memory_space<vmem>>)
      %dma_wait3A_156 = arith.constant 6 : i32
      %dma_wait3A_157 = arith.constant 768 : i32
      %dma_wait3A_158 = arith.constant 0 : i32
      %dma_wait3A_159 = tpu.memref_slice %arg6[%dma_wait3A_157, %dma_wait3A_158] : memref<896x64xf32, #tpu.memory_space<vmem>> -> memref<128x64xf32, #tpu.memory_space<vmem>>
      %dma_wait3A_160 = arith.constant 0 : i32
      %dma_wait3A_161 = tpu.memref_slice %arg5[%dma_wait3A_156, %dma_wait3A_160] : memref<7x128xi32, #tpu.memory_space<vmem>> -> memref<1x128xi32, #tpu.memory_space<vmem>>
      %dma_wait3A_162 = tpu.memref_squeeze %dma_wait3A_161 : memref<1x128xi32, #tpu.memory_space<vmem>> -> memref<128xi32, #tpu.memory_space<vmem>>
      %dma_wait3A_163 = arith.constant 0 : i32
      %dma_wait3A_164 = arith.constant 0 : i32
      %dma_wait3A_165 = tpu.memref_slice %arg2[%dma_wait3A_163, %dma_wait3A_164] : memref<15x64xf32, #tpu.memory_space<hbm>> -> memref<15x64xf32, #tpu.memory_space<hbm>>
      tpu.wait_indirect_dma semaphore(%arg7 : memref<!tpu.dma_semaphore, #tpu.memory_space<semaphore_mem>>) src(%dma_wait3A_165 : memref<15x64xf32, #tpu.memory_space<hbm>>) dst(%dma_wait3A_159 : memref<128x64xf32, #tpu.memory_space<vmem>>)
      "tpu.region"() ({
        %run_scoped3A = tpu.sem_alloc : memref<!tpu.dma_semaphore, #tpu.memory_space<semaphore_mem>>
        %dma_start3A_166 = arith.constant 0 : i32
        %dma_start3A_167 = tpu.memref_slice %arg4[%add3A_11, %dma_start3A_166] : memref<802816x64xf32, #tpu.memory_space<hbm>> -> memref<896x64xf32, #tpu.memory_space<hbm>>
        %dma_start3A_168 = arith.constant 0 : i32
        %dma_start3A_169 = tpu.memref_slice %arg4[%add3A_11, %dma_start3A_168] : memref<802816x64xf32, #tpu.memory_space<hbm>> -> memref<896x64xf32, #tpu.memory_space<hbm>>
        tpu.enqueue_dma source(%arg6 : memref<896x64xf32, #tpu.memory_space<vmem>>) target(%dma_start3A_169 : memref<896x64xf32, #tpu.memory_space<hbm>>) target_semaphore(%run_scoped3A : memref<!tpu.dma_semaphore, #tpu.memory_space<semaphore_mem>>)
        %dma_wait3A_170 = arith.constant 0 : i32
        %dma_wait3A_171 = tpu.memref_slice %arg4[%add3A_11, %dma_wait3A_170] : memref<802816x64xf32, #tpu.memory_space<hbm>> -> memref<896x64xf32, #tpu.memory_space<hbm>>
        %dma_wait3A_172 = arith.constant 0 : i32
        %dma_wait3A_173 = tpu.memref_slice %arg4[%add3A_11, %dma_wait3A_172] : memref<802816x64xf32, #tpu.memory_space<hbm>> -> memref<896x64xf32, #tpu.memory_space<hbm>>
        tpu.wait_dma2 semaphore(%run_scoped3A : memref<!tpu.dma_semaphore, #tpu.memory_space<semaphore_mem>>) src(%arg6 : memref<896x64xf32, #tpu.memory_space<vmem>>) dst(%dma_wait3A_173 : memref<896x64xf32, #tpu.memory_space<hbm>>)
        tpu.yield
      }) : () -> ()
    }
    %scan3A_7 = arith.constant 28 : i32
    return
  }
}

#map = affine_map<(d0, d1) -> (0, 0)>
module attributes {stable_mosaic.version = 14 : i64} {
  func.func @k(%arg0: i32, %arg1: i32, %arg2: memref<20000x64xf32, #tpu.memory_space<hbm>>, %arg3: memref<4704x128xi32, #tpu.memory_space<hbm>>, %arg4: memref<602112x64xf32, #tpu.memory_space<hbm>>, %arg5: memref<7x128xi32, #tpu.memory_space<vmem>>, %arg6: memref<896x64xf32, #tpu.memory_space<vmem>>, %arg7: memref<!tpu.dma_semaphore, #tpu.memory_space<semaphore_mem>>) attributes {dimension_semantics = [#tpu.dimension_semantics<core_parallel>, #tpu.dimension_semantics<subcore_parallel>], iteration_bounds = array<i64: 2, 16>, scalar_prefetch = 0 : i64, scratch_operands = 3 : i64, tpu.core_type = #tpu.core_type<sc_vector_subcore>, window_params = [{transform_indices = #map}, {transform_indices = #map}, {transform_indices = #map}]} {
    %mul3A = arith.constant 2 : i32
    %mul3A_0 = arith.muli %arg1, %mul3A : i32
    %add3A = arith.addi %mul3A_0, %arg0 : i32
    %mul3A_1 = arith.constant 18816 : i32
    %mul3A_2 = arith.muli %add3A, %mul3A_1 : i32
    %scan3A = arith.constant 0 : i32
    %scan3A_3 = arith.constant 0 : i32
    %scan3A_4 = arith.constant 21 : i32
    %scan3A_5 = arith.addi %scan3A_3, %scan3A_4 : i32
    %scan3A_6 = arith.constant 1 : i32
    scf.for %scan3A_8 = %scan3A_3 to %scan3A_5 step %scan3A_6  : i32 {
      %mul3A_9 = arith.constant 896 : i32
      %mul3A_10 = arith.muli %scan3A_8, %mul3A_9 : i32
      %add3A_11 = arith.addi %mul3A_2, %mul3A_10 : i32
      %jit3A = arith.constant 128 : i32
      %div3A = arith.divsi %add3A_11, %jit3A : i32
      %sign3A = arith.constant 0 : i32
      %sign3A_12 = arith.cmpi sgt, %add3A_11, %sign3A : i32
      %sign3A_13 = arith.extui %sign3A_12 : i1 to i32
      %sign3A_14 = arith.constant 0 : i32
      %sign3A_15 = arith.cmpi slt, %add3A_11, %sign3A_14 : i32
      %sign3A_16 = arith.extui %sign3A_15 : i1 to i32
      %sign3A_17 = arith.subi %sign3A_13, %sign3A_16 : i32
      %sign3A_18 = arith.constant 0 : i32
      %sign3A_19 = arith.cmpi sgt, %jit3A, %sign3A_18 : i32
      %sign3A_20 = arith.extui %sign3A_19 : i1 to i32
      %sign3A_21 = arith.constant 0 : i32
      %sign3A_22 = arith.cmpi slt, %jit3A, %sign3A_21 : i32
      %sign3A_23 = arith.extui %sign3A_22 : i1 to i32
      %sign3A_24 = arith.subi %sign3A_20, %sign3A_23 : i32
      %ne3A = arith.cmpi ne, %sign3A_17, %sign3A_24 : i32
      %rem3A = arith.remsi %add3A_11, %jit3A : i32
      %ne3A_25 = arith.constant 0 : i32
      %ne3A_26 = arith.cmpi ne, %rem3A, %ne3A_25 : i32
      %and3A = arith.andi %ne3A, %ne3A_26 : i1
      %sub3A = arith.constant 1 : i32
      %sub3A_27 = arith.subi %div3A, %sub3A : i32
      %select_n3A = arith.select %and3A, %sub3A_27, %div3A : i32
      "tpu.region"() ({
        %run_scoped3A = tpu.sem_alloc : memref<!tpu.dma_semaphore, #tpu.memory_space<semaphore_mem>>
        %dma_start3A_166 = arith.constant 0 : i32
        %dma_start3A_167 = tpu.memref_slice %arg3[%select_n3A, %dma_start3A_166] : memref<4704x128xi32, #tpu.memory_space<hbm>> -> memref<7x128xi32, #tpu.memory_space<hbm>>
        %dma_start3A_168 = arith.constant 0 : i32
        %dma_start3A_169 = tpu.memref_slice %arg3[%select_n3A, %dma_start3A_168] : memref<4704x128xi32, #tpu.memory_space<hbm>> -> memref<7x128xi32, #tpu.memory_space<hbm>>
        tpu.enqueue_dma source(%dma_start3A_169 : memref<7x128xi32, #tpu.memory_space<hbm>>) target(%arg5 : memref<7x128xi32, #tpu.memory_space<vmem>>) target_semaphore(%run_scoped3A : memref<!tpu.dma_semaphore, #tpu.memory_space<semaphore_mem>>)
        %dma_wait3A_170 = arith.constant 0 : i32
        %dma_wait3A_171 = tpu.memref_slice %arg3[%select_n3A, %dma_wait3A_170] : memref<4704x128xi32, #tpu.memory_space<hbm>> -> memref<7x128xi32, #tpu.memory_space<hbm>>
        %dma_wait3A_172 = arith.constant 0 : i32
        %dma_wait3A_173 = tpu.memref_slice %arg3[%select_n3A, %dma_wait3A_172] : memref<4704x128xi32, #tpu.memory_space<hbm>> -> memref<7x128xi32, #tpu.memory_space<hbm>>
        tpu.wait_dma2 semaphore(%run_scoped3A : memref<!tpu.dma_semaphore, #tpu.memory_space<semaphore_mem>>) src(%dma_wait3A_173 : memref<7x128xi32, #tpu.memory_space<hbm>>) dst(%arg5 : memref<7x128xi32, #tpu.memory_space<vmem>>)
        tpu.yield
      }) : () -> ()
      %dma_start3A = arith.constant 0 : i32
      %dma_start3A_28 = arith.constant 0 : i32
      %dma_start3A_29 = arith.constant 0 : i32
      %dma_start3A_30 = tpu.memref_slice %arg6[%dma_start3A_28, %dma_start3A_29] : memref<896x64xf32, #tpu.memory_space<vmem>> -> memref<128x64xf32, #tpu.memory_space<vmem>>
      %dma_start3A_31 = arith.constant 0 : i32
      %dma_start3A_32 = tpu.memref_slice %arg5[%dma_start3A, %dma_start3A_31] : memref<7x128xi32, #tpu.memory_space<vmem>> -> memref<1x128xi32, #tpu.memory_space<vmem>>
      %dma_start3A_33 = tpu.memref_squeeze %dma_start3A_32 : memref<1x128xi32, #tpu.memory_space<vmem>> -> memref<128xi32, #tpu.memory_space<vmem>>
      %dma_start3A_34 = arith.constant 0 : i32
      %dma_start3A_35 = arith.constant 0 : i32
      %dma_start3A_36 = tpu.memref_slice %arg2[%dma_start3A_34, %dma_start3A_35] : memref<20000x64xf32, #tpu.memory_space<hbm>> -> memref<20000x64xf32, #tpu.memory_space<hbm>>
      tpu.enqueue_indirect_dma source(%dma_start3A_36 : memref<20000x64xf32, #tpu.memory_space<hbm>>) target(%dma_start3A_30 : memref<128x64xf32, #tpu.memory_space<vmem>>) offsets(%dma_start3A_33 : memref<128xi32, #tpu.memory_space<vmem>>) semaphore(%arg7 : memref<!tpu.dma_semaphore, #tpu.memory_space<semaphore_mem>>)
      %dma_start3A_37 = arith.constant 1 : i32
      %dma_start3A_38 = arith.constant 128 : i32
      %dma_start3A_39 = arith.constant 0 : i32
      %dma_start3A_40 = tpu.memref_slice %arg6[%dma_start3A_38, %dma_start3A_39] : memref<896x64xf32, #tpu.memory_space<vmem>> -> memref<128x64xf32, #tpu.memory_space<vmem>>
      %dma_start3A_41 = arith.constant 0 : i32
      %dma_start3A_42 = tpu.memref_slice %arg5[%dma_start3A_37, %dma_start3A_41] : memref<7x128xi32, #tpu.memory_space<vmem>> -> memref<1x128xi32, #tpu.memory_space<vmem>>
      %dma_start3A_43 = tpu.memref_squeeze %dma_start3A_42 : memref<1x128xi32, #tpu.memory_space<vmem>> -> memref<128xi32, #tpu.memory_space<vmem>>
      %dma_start3A_44 = arith.constant 0 : i32
      %dma_start3A_45 = arith.constant 0 : i32
      %dma_start3A_46 = tpu.memref_slice %arg2[%dma_start3A_44, %dma_start3A_45] : memref<20000x64xf32, #tpu.memory_space<hbm>> -> memref<20000x64xf32, #tpu.memory_space<hbm>>
      tpu.enqueue_indirect_dma source(%dma_start3A_46 : memref<20000x64xf32, #tpu.memory_space<hbm>>) target(%dma_start3A_40 : memref<128x64xf32, #tpu.memory_space<vmem>>) offsets(%dma_start3A_43 : memref<128xi32, #tpu.memory_space<vmem>>) semaphore(%arg7 : memref<!tpu.dma_semaphore, #tpu.memory_space<semaphore_mem>>)
      %dma_start3A_47 = arith.constant 2 : i32
      %dma_start3A_48 = arith.constant 256 : i32
      %dma_start3A_49 = arith.constant 0 : i32
      %dma_start3A_50 = tpu.memref_slice %arg6[%dma_start3A_48, %dma_start3A_49] : memref<896x64xf32, #tpu.memory_space<vmem>> -> memref<128x64xf32, #tpu.memory_space<vmem>>
      %dma_start3A_51 = arith.constant 0 : i32
      %dma_start3A_52 = tpu.memref_slice %arg5[%dma_start3A_47, %dma_start3A_51] : memref<7x128xi32, #tpu.memory_space<vmem>> -> memref<1x128xi32, #tpu.memory_space<vmem>>
      %dma_start3A_53 = tpu.memref_squeeze %dma_start3A_52 : memref<1x128xi32, #tpu.memory_space<vmem>> -> memref<128xi32, #tpu.memory_space<vmem>>
      %dma_start3A_54 = arith.constant 0 : i32
      %dma_start3A_55 = arith.constant 0 : i32
      %dma_start3A_56 = tpu.memref_slice %arg2[%dma_start3A_54, %dma_start3A_55] : memref<20000x64xf32, #tpu.memory_space<hbm>> -> memref<20000x64xf32, #tpu.memory_space<hbm>>
      tpu.enqueue_indirect_dma source(%dma_start3A_56 : memref<20000x64xf32, #tpu.memory_space<hbm>>) target(%dma_start3A_50 : memref<128x64xf32, #tpu.memory_space<vmem>>) offsets(%dma_start3A_53 : memref<128xi32, #tpu.memory_space<vmem>>) semaphore(%arg7 : memref<!tpu.dma_semaphore, #tpu.memory_space<semaphore_mem>>)
      %dma_start3A_57 = arith.constant 3 : i32
      %dma_start3A_58 = arith.constant 384 : i32
      %dma_start3A_59 = arith.constant 0 : i32
      %dma_start3A_60 = tpu.memref_slice %arg6[%dma_start3A_58, %dma_start3A_59] : memref<896x64xf32, #tpu.memory_space<vmem>> -> memref<128x64xf32, #tpu.memory_space<vmem>>
      %dma_start3A_61 = arith.constant 0 : i32
      %dma_start3A_62 = tpu.memref_slice %arg5[%dma_start3A_57, %dma_start3A_61] : memref<7x128xi32, #tpu.memory_space<vmem>> -> memref<1x128xi32, #tpu.memory_space<vmem>>
      %dma_start3A_63 = tpu.memref_squeeze %dma_start3A_62 : memref<1x128xi32, #tpu.memory_space<vmem>> -> memref<128xi32, #tpu.memory_space<vmem>>
      %dma_start3A_64 = arith.constant 0 : i32
      %dma_start3A_65 = arith.constant 0 : i32
      %dma_start3A_66 = tpu.memref_slice %arg2[%dma_start3A_64, %dma_start3A_65] : memref<20000x64xf32, #tpu.memory_space<hbm>> -> memref<20000x64xf32, #tpu.memory_space<hbm>>
      tpu.enqueue_indirect_dma source(%dma_start3A_66 : memref<20000x64xf32, #tpu.memory_space<hbm>>) target(%dma_start3A_60 : memref<128x64xf32, #tpu.memory_space<vmem>>) offsets(%dma_start3A_63 : memref<128xi32, #tpu.memory_space<vmem>>) semaphore(%arg7 : memref<!tpu.dma_semaphore, #tpu.memory_space<semaphore_mem>>)
      %dma_start3A_67 = arith.constant 4 : i32
      %dma_start3A_68 = arith.constant 512 : i32
      %dma_start3A_69 = arith.constant 0 : i32
      %dma_start3A_70 = tpu.memref_slice %arg6[%dma_start3A_68, %dma_start3A_69] : memref<896x64xf32, #tpu.memory_space<vmem>> -> memref<128x64xf32, #tpu.memory_space<vmem>>
      %dma_start3A_71 = arith.constant 0 : i32
      %dma_start3A_72 = tpu.memref_slice %arg5[%dma_start3A_67, %dma_start3A_71] : memref<7x128xi32, #tpu.memory_space<vmem>> -> memref<1x128xi32, #tpu.memory_space<vmem>>
      %dma_start3A_73 = tpu.memref_squeeze %dma_start3A_72 : memref<1x128xi32, #tpu.memory_space<vmem>> -> memref<128xi32, #tpu.memory_space<vmem>>
      %dma_start3A_74 = arith.constant 0 : i32
      %dma_start3A_75 = arith.constant 0 : i32
      %dma_start3A_76 = tpu.memref_slice %arg2[%dma_start3A_74, %dma_start3A_75] : memref<20000x64xf32, #tpu.memory_space<hbm>> -> memref<20000x64xf32, #tpu.memory_space<hbm>>
      tpu.enqueue_indirect_dma source(%dma_start3A_76 : memref<20000x64xf32, #tpu.memory_space<hbm>>) target(%dma_start3A_70 : memref<128x64xf32, #tpu.memory_space<vmem>>) offsets(%dma_start3A_73 : memref<128xi32, #tpu.memory_space<vmem>>) semaphore(%arg7 : memref<!tpu.dma_semaphore, #tpu.memory_space<semaphore_mem>>)
      %dma_start3A_77 = arith.constant 5 : i32
      %dma_start3A_78 = arith.constant 640 : i32
      %dma_start3A_79 = arith.constant 0 : i32
      %dma_start3A_80 = tpu.memref_slice %arg6[%dma_start3A_78, %dma_start3A_79] : memref<896x64xf32, #tpu.memory_space<vmem>> -> memref<128x64xf32, #tpu.memory_space<vmem>>
      %dma_start3A_81 = arith.constant 0 : i32
      %dma_start3A_82 = tpu.memref_slice %arg5[%dma_start3A_77, %dma_start3A_81] : memref<7x128xi32, #tpu.memory_space<vmem>> -> memref<1x128xi32, #tpu.memory_space<vmem>>
      %dma_start3A_83 = tpu.memref_squeeze %dma_start3A_82 : memref<1x128xi32, #tpu.memory_space<vmem>> -> memref<128xi32, #tpu.memory_space<vmem>>
      %dma_start3A_84 = arith.constant 0 : i32
      %dma_start3A_85 = arith.constant 0 : i32
      %dma_start3A_86 = tpu.memref_slice %arg2[%dma_start3A_84, %dma_start3A_85] : memref<20000x64xf32, #tpu.memory_space<hbm>> -> memref<20000x64xf32, #tpu.memory_space<hbm>>
      tpu.enqueue_indirect_dma source(%dma_start3A_86 : memref<20000x64xf32, #tpu.memory_space<hbm>>) target(%dma_start3A_80 : memref<128x64xf32, #tpu.memory_space<vmem>>) offsets(%dma_start3A_83 : memref<128xi32, #tpu.memory_space<vmem>>) semaphore(%arg7 : memref<!tpu.dma_semaphore, #tpu.memory_space<semaphore_mem>>)
      %dma_start3A_87 = arith.constant 6 : i32
      %dma_start3A_88 = arith.constant 768 : i32
      %dma_start3A_89 = arith.constant 0 : i32
      %dma_start3A_90 = tpu.memref_slice %arg6[%dma_start3A_88, %dma_start3A_89] : memref<896x64xf32, #tpu.memory_space<vmem>> -> memref<128x64xf32, #tpu.memory_space<vmem>>
      %dma_start3A_91 = arith.constant 0 : i32
      %dma_start3A_92 = tpu.memref_slice %arg5[%dma_start3A_87, %dma_start3A_91] : memref<7x128xi32, #tpu.memory_space<vmem>> -> memref<1x128xi32, #tpu.memory_space<vmem>>
      %dma_start3A_93 = tpu.memref_squeeze %dma_start3A_92 : memref<1x128xi32, #tpu.memory_space<vmem>> -> memref<128xi32, #tpu.memory_space<vmem>>
      %dma_start3A_94 = arith.constant 0 : i32
      %dma_start3A_95 = arith.constant 0 : i32
      %dma_start3A_96 = tpu.memref_slice %arg2[%dma_start3A_94, %dma_start3A_95] : memref<20000x64xf32, #tpu.memory_space<hbm>> -> memref<20000x64xf32, #tpu.memory_space<hbm>>
      tpu.enqueue_indirect_dma source(%dma_start3A_96 : memref<20000x64xf32, #tpu.memory_space<hbm>>) target(%dma_start3A_90 : memref<128x64xf32, #tpu.memory_space<vmem>>) offsets(%dma_start3A_93 : memref<128xi32, #tpu.memory_space<vmem>>) semaphore(%arg7 : memref<!tpu.dma_semaphore, #tpu.memory_space<semaphore_mem>>)
      %dma_wait3A = arith.constant 0 : i32
      %dma_wait3A_97 = arith.constant 0 : i32
      %dma_wait3A_98 = arith.constant 0 : i32
      %dma_wait3A_99 = tpu.memref_slice %arg6[%dma_wait3A_97, %dma_wait3A_98] : memref<896x64xf32, #tpu.memory_space<vmem>> -> memref<128x64xf32, #tpu.memory_space<vmem>>
      %dma_wait3A_100 = arith.constant 0 : i32
      %dma_wait3A_101 = tpu.memref_slice %arg5[%dma_wait3A, %dma_wait3A_100] : memref<7x128xi32, #tpu.memory_space<vmem>> -> memref<1x128xi32, #tpu.memory_space<vmem>>
      %dma_wait3A_102 = tpu.memref_squeeze %dma_wait3A_101 : memref<1x128xi32, #tpu.memory_space<vmem>> -> memref<128xi32, #tpu.memory_space<vmem>>
      %dma_wait3A_103 = arith.constant 0 : i32
      %dma_wait3A_104 = arith.constant 0 : i32
      %dma_wait3A_105 = tpu.memref_slice %arg2[%dma_wait3A_103, %dma_wait3A_104] : memref<20000x64xf32, #tpu.memory_space<hbm>> -> memref<20000x64xf32, #tpu.memory_space<hbm>>
      tpu.wait_indirect_dma semaphore(%arg7 : memref<!tpu.dma_semaphore, #tpu.memory_space<semaphore_mem>>) src(%dma_wait3A_105 : memref<20000x64xf32, #tpu.memory_space<hbm>>) dst(%dma_wait3A_99 : memref<128x64xf32, #tpu.memory_space<vmem>>)
      %dma_wait3A_106 = arith.constant 1 : i32
      %dma_wait3A_107 = arith.constant 128 : i32
      %dma_wait3A_108 = arith.constant 0 : i32
      %dma_wait3A_109 = tpu.memref_slice %arg6[%dma_wait3A_107, %dma_wait3A_108] : memref<896x64xf32, #tpu.memory_space<vmem>> -> memref<128x64xf32, #tpu.memory_space<vmem>>
      %dma_wait3A_110 = arith.constant 0 : i32
      %dma_wait3A_111 = tpu.memref_slice %arg5[%dma_wait3A_106, %dma_wait3A_110] : memref<7x128xi32, #tpu.memory_space<vmem>> -> memref<1x128xi32, #tpu.memory_space<vmem>>
      %dma_wait3A_112 = tpu.memref_squeeze %dma_wait3A_111 : memref<1x128xi32, #tpu.memory_space<vmem>> -> memref<128xi32, #tpu.memory_space<vmem>>
      %dma_wait3A_113 = arith.constant 0 : i32
      %dma_wait3A_114 = arith.constant 0 : i32
      %dma_wait3A_115 = tpu.memref_slice %arg2[%dma_wait3A_113, %dma_wait3A_114] : memref<20000x64xf32, #tpu.memory_space<hbm>> -> memref<20000x64xf32, #tpu.memory_space<hbm>>
      tpu.wait_indirect_dma semaphore(%arg7 : memref<!tpu.dma_semaphore, #tpu.memory_space<semaphore_mem>>) src(%dma_wait3A_115 : memref<20000x64xf32, #tpu.memory_space<hbm>>) dst(%dma_wait3A_109 : memref<128x64xf32, #tpu.memory_space<vmem>>)
      %dma_wait3A_116 = arith.constant 2 : i32
      %dma_wait3A_117 = arith.constant 256 : i32
      %dma_wait3A_118 = arith.constant 0 : i32
      %dma_wait3A_119 = tpu.memref_slice %arg6[%dma_wait3A_117, %dma_wait3A_118] : memref<896x64xf32, #tpu.memory_space<vmem>> -> memref<128x64xf32, #tpu.memory_space<vmem>>
      %dma_wait3A_120 = arith.constant 0 : i32
      %dma_wait3A_121 = tpu.memref_slice %arg5[%dma_wait3A_116, %dma_wait3A_120] : memref<7x128xi32, #tpu.memory_space<vmem>> -> memref<1x128xi32, #tpu.memory_space<vmem>>
      %dma_wait3A_122 = tpu.memref_squeeze %dma_wait3A_121 : memref<1x128xi32, #tpu.memory_space<vmem>> -> memref<128xi32, #tpu.memory_space<vmem>>
      %dma_wait3A_123 = arith.constant 0 : i32
      %dma_wait3A_124 = arith.constant 0 : i32
      %dma_wait3A_125 = tpu.memref_slice %arg2[%dma_wait3A_123, %dma_wait3A_124] : memref<20000x64xf32, #tpu.memory_space<hbm>> -> memref<20000x64xf32, #tpu.memory_space<hbm>>
      tpu.wait_indirect_dma semaphore(%arg7 : memref<!tpu.dma_semaphore, #tpu.memory_space<semaphore_mem>>) src(%dma_wait3A_125 : memref<20000x64xf32, #tpu.memory_space<hbm>>) dst(%dma_wait3A_119 : memref<128x64xf32, #tpu.memory_space<vmem>>)
      %dma_wait3A_126 = arith.constant 3 : i32
      %dma_wait3A_127 = arith.constant 384 : i32
      %dma_wait3A_128 = arith.constant 0 : i32
      %dma_wait3A_129 = tpu.memref_slice %arg6[%dma_wait3A_127, %dma_wait3A_128] : memref<896x64xf32, #tpu.memory_space<vmem>> -> memref<128x64xf32, #tpu.memory_space<vmem>>
      %dma_wait3A_130 = arith.constant 0 : i32
      %dma_wait3A_131 = tpu.memref_slice %arg5[%dma_wait3A_126, %dma_wait3A_130] : memref<7x128xi32, #tpu.memory_space<vmem>> -> memref<1x128xi32, #tpu.memory_space<vmem>>
      %dma_wait3A_132 = tpu.memref_squeeze %dma_wait3A_131 : memref<1x128xi32, #tpu.memory_space<vmem>> -> memref<128xi32, #tpu.memory_space<vmem>>
      %dma_wait3A_133 = arith.constant 0 : i32
      %dma_wait3A_134 = arith.constant 0 : i32
      %dma_wait3A_135 = tpu.memref_slice %arg2[%dma_wait3A_133, %dma_wait3A_134] : memref<20000x64xf32, #tpu.memory_space<hbm>> -> memref<20000x64xf32, #tpu.memory_space<hbm>>
      tpu.wait_indirect_dma semaphore(%arg7 : memref<!tpu.dma_semaphore, #tpu.memory_space<semaphore_mem>>) src(%dma_wait3A_135 : memref<20000x64xf32, #tpu.memory_space<hbm>>) dst(%dma_wait3A_129 : memref<128x64xf32, #tpu.memory_space<vmem>>)
      %dma_wait3A_136 = arith.constant 4 : i32
      %dma_wait3A_137 = arith.constant 512 : i32
      %dma_wait3A_138 = arith.constant 0 : i32
      %dma_wait3A_139 = tpu.memref_slice %arg6[%dma_wait3A_137, %dma_wait3A_138] : memref<896x64xf32, #tpu.memory_space<vmem>> -> memref<128x64xf32, #tpu.memory_space<vmem>>
      %dma_wait3A_140 = arith.constant 0 : i32
      %dma_wait3A_141 = tpu.memref_slice %arg5[%dma_wait3A_136, %dma_wait3A_140] : memref<7x128xi32, #tpu.memory_space<vmem>> -> memref<1x128xi32, #tpu.memory_space<vmem>>
      %dma_wait3A_142 = tpu.memref_squeeze %dma_wait3A_141 : memref<1x128xi32, #tpu.memory_space<vmem>> -> memref<128xi32, #tpu.memory_space<vmem>>
      %dma_wait3A_143 = arith.constant 0 : i32
      %dma_wait3A_144 = arith.constant 0 : i32
      %dma_wait3A_145 = tpu.memref_slice %arg2[%dma_wait3A_143, %dma_wait3A_144] : memref<20000x64xf32, #tpu.memory_space<hbm>> -> memref<20000x64xf32, #tpu.memory_space<hbm>>
      tpu.wait_indirect_dma semaphore(%arg7 : memref<!tpu.dma_semaphore, #tpu.memory_space<semaphore_mem>>) src(%dma_wait3A_145 : memref<20000x64xf32, #tpu.memory_space<hbm>>) dst(%dma_wait3A_139 : memref<128x64xf32, #tpu.memory_space<vmem>>)
      %dma_wait3A_146 = arith.constant 5 : i32
      %dma_wait3A_147 = arith.constant 640 : i32
      %dma_wait3A_148 = arith.constant 0 : i32
      %dma_wait3A_149 = tpu.memref_slice %arg6[%dma_wait3A_147, %dma_wait3A_148] : memref<896x64xf32, #tpu.memory_space<vmem>> -> memref<128x64xf32, #tpu.memory_space<vmem>>
      %dma_wait3A_150 = arith.constant 0 : i32
      %dma_wait3A_151 = tpu.memref_slice %arg5[%dma_wait3A_146, %dma_wait3A_150] : memref<7x128xi32, #tpu.memory_space<vmem>> -> memref<1x128xi32, #tpu.memory_space<vmem>>
      %dma_wait3A_152 = tpu.memref_squeeze %dma_wait3A_151 : memref<1x128xi32, #tpu.memory_space<vmem>> -> memref<128xi32, #tpu.memory_space<vmem>>
      %dma_wait3A_153 = arith.constant 0 : i32
      %dma_wait3A_154 = arith.constant 0 : i32
      %dma_wait3A_155 = tpu.memref_slice %arg2[%dma_wait3A_153, %dma_wait3A_154] : memref<20000x64xf32, #tpu.memory_space<hbm>> -> memref<20000x64xf32, #tpu.memory_space<hbm>>
      tpu.wait_indirect_dma semaphore(%arg7 : memref<!tpu.dma_semaphore, #tpu.memory_space<semaphore_mem>>) src(%dma_wait3A_155 : memref<20000x64xf32, #tpu.memory_space<hbm>>) dst(%dma_wait3A_149 : memref<128x64xf32, #tpu.memory_space<vmem>>)
      %dma_wait3A_156 = arith.constant 6 : i32
      %dma_wait3A_157 = arith.constant 768 : i32
      %dma_wait3A_158 = arith.constant 0 : i32
      %dma_wait3A_159 = tpu.memref_slice %arg6[%dma_wait3A_157, %dma_wait3A_158] : memref<896x64xf32, #tpu.memory_space<vmem>> -> memref<128x64xf32, #tpu.memory_space<vmem>>
      %dma_wait3A_160 = arith.constant 0 : i32
      %dma_wait3A_161 = tpu.memref_slice %arg5[%dma_wait3A_156, %dma_wait3A_160] : memref<7x128xi32, #tpu.memory_space<vmem>> -> memref<1x128xi32, #tpu.memory_space<vmem>>
      %dma_wait3A_162 = tpu.memref_squeeze %dma_wait3A_161 : memref<1x128xi32, #tpu.memory_space<vmem>> -> memref<128xi32, #tpu.memory_space<vmem>>
      %dma_wait3A_163 = arith.constant 0 : i32
      %dma_wait3A_164 = arith.constant 0 : i32
      %dma_wait3A_165 = tpu.memref_slice %arg2[%dma_wait3A_163, %dma_wait3A_164] : memref<20000x64xf32, #tpu.memory_space<hbm>> -> memref<20000x64xf32, #tpu.memory_space<hbm>>
      tpu.wait_indirect_dma semaphore(%arg7 : memref<!tpu.dma_semaphore, #tpu.memory_space<semaphore_mem>>) src(%dma_wait3A_165 : memref<20000x64xf32, #tpu.memory_space<hbm>>) dst(%dma_wait3A_159 : memref<128x64xf32, #tpu.memory_space<vmem>>)
      "tpu.region"() ({
        %run_scoped3A = tpu.sem_alloc : memref<!tpu.dma_semaphore, #tpu.memory_space<semaphore_mem>>
        %dma_start3A_166 = arith.constant 0 : i32
        %dma_start3A_167 = tpu.memref_slice %arg4[%add3A_11, %dma_start3A_166] : memref<602112x64xf32, #tpu.memory_space<hbm>> -> memref<896x64xf32, #tpu.memory_space<hbm>>
        %dma_start3A_168 = arith.constant 0 : i32
        %dma_start3A_169 = tpu.memref_slice %arg4[%add3A_11, %dma_start3A_168] : memref<602112x64xf32, #tpu.memory_space<hbm>> -> memref<896x64xf32, #tpu.memory_space<hbm>>
        tpu.enqueue_dma source(%arg6 : memref<896x64xf32, #tpu.memory_space<vmem>>) target(%dma_start3A_169 : memref<896x64xf32, #tpu.memory_space<hbm>>) target_semaphore(%run_scoped3A : memref<!tpu.dma_semaphore, #tpu.memory_space<semaphore_mem>>)
        %dma_wait3A_170 = arith.constant 0 : i32
        %dma_wait3A_171 = tpu.memref_slice %arg4[%add3A_11, %dma_wait3A_170] : memref<602112x64xf32, #tpu.memory_space<hbm>> -> memref<896x64xf32, #tpu.memory_space<hbm>>
        %dma_wait3A_172 = arith.constant 0 : i32
        %dma_wait3A_173 = tpu.memref_slice %arg4[%add3A_11, %dma_wait3A_172] : memref<602112x64xf32, #tpu.memory_space<hbm>> -> memref<896x64xf32, #tpu.memory_space<hbm>>
        tpu.wait_dma2 semaphore(%run_scoped3A : memref<!tpu.dma_semaphore, #tpu.memory_space<semaphore_mem>>) src(%arg6 : memref<896x64xf32, #tpu.memory_space<vmem>>) dst(%dma_wait3A_173 : memref<896x64xf32, #tpu.memory_space<hbm>>)
        tpu.yield
      }) : () -> ()
    }
    %scan3A_7 = arith.constant 21 : i32
    return
  }
}

#map = affine_map<(d0, d1) -> (0, 0)>
module attributes {stable_mosaic.version = 14 : i64} {
  func.func @k(%arg0: i32, %arg1: i32, %arg2: memref<50000x64xf32, #tpu.memory_space<hbm>>, %arg3: memref<6272x128xi32, #tpu.memory_space<hbm>>, %arg4: memref<802816x64xf32, #tpu.memory_space<hbm>>, %arg5: memref<7x128xi32, #tpu.memory_space<vmem>>, %arg6: memref<896x64xf32, #tpu.memory_space<vmem>>, %arg7: memref<!tpu.dma_semaphore, #tpu.memory_space<semaphore_mem>>) attributes {dimension_semantics = [#tpu.dimension_semantics<core_parallel>, #tpu.dimension_semantics<subcore_parallel>], iteration_bounds = array<i64: 2, 16>, scalar_prefetch = 0 : i64, scratch_operands = 3 : i64, tpu.core_type = #tpu.core_type<sc_vector_subcore>, window_params = [{transform_indices = #map}, {transform_indices = #map}, {transform_indices = #map}]} {
    %mul3A = arith.constant 2 : i32
    %mul3A_0 = arith.muli %arg1, %mul3A : i32
    %add3A = arith.addi %mul3A_0, %arg0 : i32
    %mul3A_1 = arith.constant 25088 : i32
    %mul3A_2 = arith.muli %add3A, %mul3A_1 : i32
    %scan3A = arith.constant 0 : i32
    %scan3A_3 = arith.constant 0 : i32
    %scan3A_4 = arith.constant 28 : i32
    %scan3A_5 = arith.addi %scan3A_3, %scan3A_4 : i32
    %scan3A_6 = arith.constant 1 : i32
    scf.for %scan3A_8 = %scan3A_3 to %scan3A_5 step %scan3A_6  : i32 {
      %mul3A_9 = arith.constant 896 : i32
      %mul3A_10 = arith.muli %scan3A_8, %mul3A_9 : i32
      %add3A_11 = arith.addi %mul3A_2, %mul3A_10 : i32
      %jit3A = arith.constant 128 : i32
      %div3A = arith.divsi %add3A_11, %jit3A : i32
      %sign3A = arith.constant 0 : i32
      %sign3A_12 = arith.cmpi sgt, %add3A_11, %sign3A : i32
      %sign3A_13 = arith.extui %sign3A_12 : i1 to i32
      %sign3A_14 = arith.constant 0 : i32
      %sign3A_15 = arith.cmpi slt, %add3A_11, %sign3A_14 : i32
      %sign3A_16 = arith.extui %sign3A_15 : i1 to i32
      %sign3A_17 = arith.subi %sign3A_13, %sign3A_16 : i32
      %sign3A_18 = arith.constant 0 : i32
      %sign3A_19 = arith.cmpi sgt, %jit3A, %sign3A_18 : i32
      %sign3A_20 = arith.extui %sign3A_19 : i1 to i32
      %sign3A_21 = arith.constant 0 : i32
      %sign3A_22 = arith.cmpi slt, %jit3A, %sign3A_21 : i32
      %sign3A_23 = arith.extui %sign3A_22 : i1 to i32
      %sign3A_24 = arith.subi %sign3A_20, %sign3A_23 : i32
      %ne3A = arith.cmpi ne, %sign3A_17, %sign3A_24 : i32
      %rem3A = arith.remsi %add3A_11, %jit3A : i32
      %ne3A_25 = arith.constant 0 : i32
      %ne3A_26 = arith.cmpi ne, %rem3A, %ne3A_25 : i32
      %and3A = arith.andi %ne3A, %ne3A_26 : i1
      %sub3A = arith.constant 1 : i32
      %sub3A_27 = arith.subi %div3A, %sub3A : i32
      %select_n3A = arith.select %and3A, %sub3A_27, %div3A : i32
      "tpu.region"() ({
        %run_scoped3A = tpu.sem_alloc : memref<!tpu.dma_semaphore, #tpu.memory_space<semaphore_mem>>
        %dma_start3A_166 = arith.constant 0 : i32
        %dma_start3A_167 = tpu.memref_slice %arg3[%select_n3A, %dma_start3A_166] : memref<6272x128xi32, #tpu.memory_space<hbm>> -> memref<7x128xi32, #tpu.memory_space<hbm>>
        %dma_start3A_168 = arith.constant 0 : i32
        %dma_start3A_169 = tpu.memref_slice %arg3[%select_n3A, %dma_start3A_168] : memref<6272x128xi32, #tpu.memory_space<hbm>> -> memref<7x128xi32, #tpu.memory_space<hbm>>
        tpu.enqueue_dma source(%dma_start3A_169 : memref<7x128xi32, #tpu.memory_space<hbm>>) target(%arg5 : memref<7x128xi32, #tpu.memory_space<vmem>>) target_semaphore(%run_scoped3A : memref<!tpu.dma_semaphore, #tpu.memory_space<semaphore_mem>>)
        %dma_wait3A_170 = arith.constant 0 : i32
        %dma_wait3A_171 = tpu.memref_slice %arg3[%select_n3A, %dma_wait3A_170] : memref<6272x128xi32, #tpu.memory_space<hbm>> -> memref<7x128xi32, #tpu.memory_space<hbm>>
        %dma_wait3A_172 = arith.constant 0 : i32
        %dma_wait3A_173 = tpu.memref_slice %arg3[%select_n3A, %dma_wait3A_172] : memref<6272x128xi32, #tpu.memory_space<hbm>> -> memref<7x128xi32, #tpu.memory_space<hbm>>
        tpu.wait_dma2 semaphore(%run_scoped3A : memref<!tpu.dma_semaphore, #tpu.memory_space<semaphore_mem>>) src(%dma_wait3A_173 : memref<7x128xi32, #tpu.memory_space<hbm>>) dst(%arg5 : memref<7x128xi32, #tpu.memory_space<vmem>>)
        tpu.yield
      }) : () -> ()
      %dma_start3A = arith.constant 0 : i32
      %dma_start3A_28 = arith.constant 0 : i32
      %dma_start3A_29 = arith.constant 0 : i32
      %dma_start3A_30 = tpu.memref_slice %arg6[%dma_start3A_28, %dma_start3A_29] : memref<896x64xf32, #tpu.memory_space<vmem>> -> memref<128x64xf32, #tpu.memory_space<vmem>>
      %dma_start3A_31 = arith.constant 0 : i32
      %dma_start3A_32 = tpu.memref_slice %arg5[%dma_start3A, %dma_start3A_31] : memref<7x128xi32, #tpu.memory_space<vmem>> -> memref<1x128xi32, #tpu.memory_space<vmem>>
      %dma_start3A_33 = tpu.memref_squeeze %dma_start3A_32 : memref<1x128xi32, #tpu.memory_space<vmem>> -> memref<128xi32, #tpu.memory_space<vmem>>
      %dma_start3A_34 = arith.constant 0 : i32
      %dma_start3A_35 = arith.constant 0 : i32
      %dma_start3A_36 = tpu.memref_slice %arg2[%dma_start3A_34, %dma_start3A_35] : memref<50000x64xf32, #tpu.memory_space<hbm>> -> memref<50000x64xf32, #tpu.memory_space<hbm>>
      tpu.enqueue_indirect_dma source(%dma_start3A_36 : memref<50000x64xf32, #tpu.memory_space<hbm>>) target(%dma_start3A_30 : memref<128x64xf32, #tpu.memory_space<vmem>>) offsets(%dma_start3A_33 : memref<128xi32, #tpu.memory_space<vmem>>) semaphore(%arg7 : memref<!tpu.dma_semaphore, #tpu.memory_space<semaphore_mem>>)
      %dma_start3A_37 = arith.constant 1 : i32
      %dma_start3A_38 = arith.constant 128 : i32
      %dma_start3A_39 = arith.constant 0 : i32
      %dma_start3A_40 = tpu.memref_slice %arg6[%dma_start3A_38, %dma_start3A_39] : memref<896x64xf32, #tpu.memory_space<vmem>> -> memref<128x64xf32, #tpu.memory_space<vmem>>
      %dma_start3A_41 = arith.constant 0 : i32
      %dma_start3A_42 = tpu.memref_slice %arg5[%dma_start3A_37, %dma_start3A_41] : memref<7x128xi32, #tpu.memory_space<vmem>> -> memref<1x128xi32, #tpu.memory_space<vmem>>
      %dma_start3A_43 = tpu.memref_squeeze %dma_start3A_42 : memref<1x128xi32, #tpu.memory_space<vmem>> -> memref<128xi32, #tpu.memory_space<vmem>>
      %dma_start3A_44 = arith.constant 0 : i32
      %dma_start3A_45 = arith.constant 0 : i32
      %dma_start3A_46 = tpu.memref_slice %arg2[%dma_start3A_44, %dma_start3A_45] : memref<50000x64xf32, #tpu.memory_space<hbm>> -> memref<50000x64xf32, #tpu.memory_space<hbm>>
      tpu.enqueue_indirect_dma source(%dma_start3A_46 : memref<50000x64xf32, #tpu.memory_space<hbm>>) target(%dma_start3A_40 : memref<128x64xf32, #tpu.memory_space<vmem>>) offsets(%dma_start3A_43 : memref<128xi32, #tpu.memory_space<vmem>>) semaphore(%arg7 : memref<!tpu.dma_semaphore, #tpu.memory_space<semaphore_mem>>)
      %dma_start3A_47 = arith.constant 2 : i32
      %dma_start3A_48 = arith.constant 256 : i32
      %dma_start3A_49 = arith.constant 0 : i32
      %dma_start3A_50 = tpu.memref_slice %arg6[%dma_start3A_48, %dma_start3A_49] : memref<896x64xf32, #tpu.memory_space<vmem>> -> memref<128x64xf32, #tpu.memory_space<vmem>>
      %dma_start3A_51 = arith.constant 0 : i32
      %dma_start3A_52 = tpu.memref_slice %arg5[%dma_start3A_47, %dma_start3A_51] : memref<7x128xi32, #tpu.memory_space<vmem>> -> memref<1x128xi32, #tpu.memory_space<vmem>>
      %dma_start3A_53 = tpu.memref_squeeze %dma_start3A_52 : memref<1x128xi32, #tpu.memory_space<vmem>> -> memref<128xi32, #tpu.memory_space<vmem>>
      %dma_start3A_54 = arith.constant 0 : i32
      %dma_start3A_55 = arith.constant 0 : i32
      %dma_start3A_56 = tpu.memref_slice %arg2[%dma_start3A_54, %dma_start3A_55] : memref<50000x64xf32, #tpu.memory_space<hbm>> -> memref<50000x64xf32, #tpu.memory_space<hbm>>
      tpu.enqueue_indirect_dma source(%dma_start3A_56 : memref<50000x64xf32, #tpu.memory_space<hbm>>) target(%dma_start3A_50 : memref<128x64xf32, #tpu.memory_space<vmem>>) offsets(%dma_start3A_53 : memref<128xi32, #tpu.memory_space<vmem>>) semaphore(%arg7 : memref<!tpu.dma_semaphore, #tpu.memory_space<semaphore_mem>>)
      %dma_start3A_57 = arith.constant 3 : i32
      %dma_start3A_58 = arith.constant 384 : i32
      %dma_start3A_59 = arith.constant 0 : i32
      %dma_start3A_60 = tpu.memref_slice %arg6[%dma_start3A_58, %dma_start3A_59] : memref<896x64xf32, #tpu.memory_space<vmem>> -> memref<128x64xf32, #tpu.memory_space<vmem>>
      %dma_start3A_61 = arith.constant 0 : i32
      %dma_start3A_62 = tpu.memref_slice %arg5[%dma_start3A_57, %dma_start3A_61] : memref<7x128xi32, #tpu.memory_space<vmem>> -> memref<1x128xi32, #tpu.memory_space<vmem>>
      %dma_start3A_63 = tpu.memref_squeeze %dma_start3A_62 : memref<1x128xi32, #tpu.memory_space<vmem>> -> memref<128xi32, #tpu.memory_space<vmem>>
      %dma_start3A_64 = arith.constant 0 : i32
      %dma_start3A_65 = arith.constant 0 : i32
      %dma_start3A_66 = tpu.memref_slice %arg2[%dma_start3A_64, %dma_start3A_65] : memref<50000x64xf32, #tpu.memory_space<hbm>> -> memref<50000x64xf32, #tpu.memory_space<hbm>>
      tpu.enqueue_indirect_dma source(%dma_start3A_66 : memref<50000x64xf32, #tpu.memory_space<hbm>>) target(%dma_start3A_60 : memref<128x64xf32, #tpu.memory_space<vmem>>) offsets(%dma_start3A_63 : memref<128xi32, #tpu.memory_space<vmem>>) semaphore(%arg7 : memref<!tpu.dma_semaphore, #tpu.memory_space<semaphore_mem>>)
      %dma_start3A_67 = arith.constant 4 : i32
      %dma_start3A_68 = arith.constant 512 : i32
      %dma_start3A_69 = arith.constant 0 : i32
      %dma_start3A_70 = tpu.memref_slice %arg6[%dma_start3A_68, %dma_start3A_69] : memref<896x64xf32, #tpu.memory_space<vmem>> -> memref<128x64xf32, #tpu.memory_space<vmem>>
      %dma_start3A_71 = arith.constant 0 : i32
      %dma_start3A_72 = tpu.memref_slice %arg5[%dma_start3A_67, %dma_start3A_71] : memref<7x128xi32, #tpu.memory_space<vmem>> -> memref<1x128xi32, #tpu.memory_space<vmem>>
      %dma_start3A_73 = tpu.memref_squeeze %dma_start3A_72 : memref<1x128xi32, #tpu.memory_space<vmem>> -> memref<128xi32, #tpu.memory_space<vmem>>
      %dma_start3A_74 = arith.constant 0 : i32
      %dma_start3A_75 = arith.constant 0 : i32
      %dma_start3A_76 = tpu.memref_slice %arg2[%dma_start3A_74, %dma_start3A_75] : memref<50000x64xf32, #tpu.memory_space<hbm>> -> memref<50000x64xf32, #tpu.memory_space<hbm>>
      tpu.enqueue_indirect_dma source(%dma_start3A_76 : memref<50000x64xf32, #tpu.memory_space<hbm>>) target(%dma_start3A_70 : memref<128x64xf32, #tpu.memory_space<vmem>>) offsets(%dma_start3A_73 : memref<128xi32, #tpu.memory_space<vmem>>) semaphore(%arg7 : memref<!tpu.dma_semaphore, #tpu.memory_space<semaphore_mem>>)
      %dma_start3A_77 = arith.constant 5 : i32
      %dma_start3A_78 = arith.constant 640 : i32
      %dma_start3A_79 = arith.constant 0 : i32
      %dma_start3A_80 = tpu.memref_slice %arg6[%dma_start3A_78, %dma_start3A_79] : memref<896x64xf32, #tpu.memory_space<vmem>> -> memref<128x64xf32, #tpu.memory_space<vmem>>
      %dma_start3A_81 = arith.constant 0 : i32
      %dma_start3A_82 = tpu.memref_slice %arg5[%dma_start3A_77, %dma_start3A_81] : memref<7x128xi32, #tpu.memory_space<vmem>> -> memref<1x128xi32, #tpu.memory_space<vmem>>
      %dma_start3A_83 = tpu.memref_squeeze %dma_start3A_82 : memref<1x128xi32, #tpu.memory_space<vmem>> -> memref<128xi32, #tpu.memory_space<vmem>>
      %dma_start3A_84 = arith.constant 0 : i32
      %dma_start3A_85 = arith.constant 0 : i32
      %dma_start3A_86 = tpu.memref_slice %arg2[%dma_start3A_84, %dma_start3A_85] : memref<50000x64xf32, #tpu.memory_space<hbm>> -> memref<50000x64xf32, #tpu.memory_space<hbm>>
      tpu.enqueue_indirect_dma source(%dma_start3A_86 : memref<50000x64xf32, #tpu.memory_space<hbm>>) target(%dma_start3A_80 : memref<128x64xf32, #tpu.memory_space<vmem>>) offsets(%dma_start3A_83 : memref<128xi32, #tpu.memory_space<vmem>>) semaphore(%arg7 : memref<!tpu.dma_semaphore, #tpu.memory_space<semaphore_mem>>)
      %dma_start3A_87 = arith.constant 6 : i32
      %dma_start3A_88 = arith.constant 768 : i32
      %dma_start3A_89 = arith.constant 0 : i32
      %dma_start3A_90 = tpu.memref_slice %arg6[%dma_start3A_88, %dma_start3A_89] : memref<896x64xf32, #tpu.memory_space<vmem>> -> memref<128x64xf32, #tpu.memory_space<vmem>>
      %dma_start3A_91 = arith.constant 0 : i32
      %dma_start3A_92 = tpu.memref_slice %arg5[%dma_start3A_87, %dma_start3A_91] : memref<7x128xi32, #tpu.memory_space<vmem>> -> memref<1x128xi32, #tpu.memory_space<vmem>>
      %dma_start3A_93 = tpu.memref_squeeze %dma_start3A_92 : memref<1x128xi32, #tpu.memory_space<vmem>> -> memref<128xi32, #tpu.memory_space<vmem>>
      %dma_start3A_94 = arith.constant 0 : i32
      %dma_start3A_95 = arith.constant 0 : i32
      %dma_start3A_96 = tpu.memref_slice %arg2[%dma_start3A_94, %dma_start3A_95] : memref<50000x64xf32, #tpu.memory_space<hbm>> -> memref<50000x64xf32, #tpu.memory_space<hbm>>
      tpu.enqueue_indirect_dma source(%dma_start3A_96 : memref<50000x64xf32, #tpu.memory_space<hbm>>) target(%dma_start3A_90 : memref<128x64xf32, #tpu.memory_space<vmem>>) offsets(%dma_start3A_93 : memref<128xi32, #tpu.memory_space<vmem>>) semaphore(%arg7 : memref<!tpu.dma_semaphore, #tpu.memory_space<semaphore_mem>>)
      %dma_wait3A = arith.constant 0 : i32
      %dma_wait3A_97 = arith.constant 0 : i32
      %dma_wait3A_98 = arith.constant 0 : i32
      %dma_wait3A_99 = tpu.memref_slice %arg6[%dma_wait3A_97, %dma_wait3A_98] : memref<896x64xf32, #tpu.memory_space<vmem>> -> memref<128x64xf32, #tpu.memory_space<vmem>>
      %dma_wait3A_100 = arith.constant 0 : i32
      %dma_wait3A_101 = tpu.memref_slice %arg5[%dma_wait3A, %dma_wait3A_100] : memref<7x128xi32, #tpu.memory_space<vmem>> -> memref<1x128xi32, #tpu.memory_space<vmem>>
      %dma_wait3A_102 = tpu.memref_squeeze %dma_wait3A_101 : memref<1x128xi32, #tpu.memory_space<vmem>> -> memref<128xi32, #tpu.memory_space<vmem>>
      %dma_wait3A_103 = arith.constant 0 : i32
      %dma_wait3A_104 = arith.constant 0 : i32
      %dma_wait3A_105 = tpu.memref_slice %arg2[%dma_wait3A_103, %dma_wait3A_104] : memref<50000x64xf32, #tpu.memory_space<hbm>> -> memref<50000x64xf32, #tpu.memory_space<hbm>>
      tpu.wait_indirect_dma semaphore(%arg7 : memref<!tpu.dma_semaphore, #tpu.memory_space<semaphore_mem>>) src(%dma_wait3A_105 : memref<50000x64xf32, #tpu.memory_space<hbm>>) dst(%dma_wait3A_99 : memref<128x64xf32, #tpu.memory_space<vmem>>)
      %dma_wait3A_106 = arith.constant 1 : i32
      %dma_wait3A_107 = arith.constant 128 : i32
      %dma_wait3A_108 = arith.constant 0 : i32
      %dma_wait3A_109 = tpu.memref_slice %arg6[%dma_wait3A_107, %dma_wait3A_108] : memref<896x64xf32, #tpu.memory_space<vmem>> -> memref<128x64xf32, #tpu.memory_space<vmem>>
      %dma_wait3A_110 = arith.constant 0 : i32
      %dma_wait3A_111 = tpu.memref_slice %arg5[%dma_wait3A_106, %dma_wait3A_110] : memref<7x128xi32, #tpu.memory_space<vmem>> -> memref<1x128xi32, #tpu.memory_space<vmem>>
      %dma_wait3A_112 = tpu.memref_squeeze %dma_wait3A_111 : memref<1x128xi32, #tpu.memory_space<vmem>> -> memref<128xi32, #tpu.memory_space<vmem>>
      %dma_wait3A_113 = arith.constant 0 : i32
      %dma_wait3A_114 = arith.constant 0 : i32
      %dma_wait3A_115 = tpu.memref_slice %arg2[%dma_wait3A_113, %dma_wait3A_114] : memref<50000x64xf32, #tpu.memory_space<hbm>> -> memref<50000x64xf32, #tpu.memory_space<hbm>>
      tpu.wait_indirect_dma semaphore(%arg7 : memref<!tpu.dma_semaphore, #tpu.memory_space<semaphore_mem>>) src(%dma_wait3A_115 : memref<50000x64xf32, #tpu.memory_space<hbm>>) dst(%dma_wait3A_109 : memref<128x64xf32, #tpu.memory_space<vmem>>)
      %dma_wait3A_116 = arith.constant 2 : i32
      %dma_wait3A_117 = arith.constant 256 : i32
      %dma_wait3A_118 = arith.constant 0 : i32
      %dma_wait3A_119 = tpu.memref_slice %arg6[%dma_wait3A_117, %dma_wait3A_118] : memref<896x64xf32, #tpu.memory_space<vmem>> -> memref<128x64xf32, #tpu.memory_space<vmem>>
      %dma_wait3A_120 = arith.constant 0 : i32
      %dma_wait3A_121 = tpu.memref_slice %arg5[%dma_wait3A_116, %dma_wait3A_120] : memref<7x128xi32, #tpu.memory_space<vmem>> -> memref<1x128xi32, #tpu.memory_space<vmem>>
      %dma_wait3A_122 = tpu.memref_squeeze %dma_wait3A_121 : memref<1x128xi32, #tpu.memory_space<vmem>> -> memref<128xi32, #tpu.memory_space<vmem>>
      %dma_wait3A_123 = arith.constant 0 : i32
      %dma_wait3A_124 = arith.constant 0 : i32
      %dma_wait3A_125 = tpu.memref_slice %arg2[%dma_wait3A_123, %dma_wait3A_124] : memref<50000x64xf32, #tpu.memory_space<hbm>> -> memref<50000x64xf32, #tpu.memory_space<hbm>>
      tpu.wait_indirect_dma semaphore(%arg7 : memref<!tpu.dma_semaphore, #tpu.memory_space<semaphore_mem>>) src(%dma_wait3A_125 : memref<50000x64xf32, #tpu.memory_space<hbm>>) dst(%dma_wait3A_119 : memref<128x64xf32, #tpu.memory_space<vmem>>)
      %dma_wait3A_126 = arith.constant 3 : i32
      %dma_wait3A_127 = arith.constant 384 : i32
      %dma_wait3A_128 = arith.constant 0 : i32
      %dma_wait3A_129 = tpu.memref_slice %arg6[%dma_wait3A_127, %dma_wait3A_128] : memref<896x64xf32, #tpu.memory_space<vmem>> -> memref<128x64xf32, #tpu.memory_space<vmem>>
      %dma_wait3A_130 = arith.constant 0 : i32
      %dma_wait3A_131 = tpu.memref_slice %arg5[%dma_wait3A_126, %dma_wait3A_130] : memref<7x128xi32, #tpu.memory_space<vmem>> -> memref<1x128xi32, #tpu.memory_space<vmem>>
      %dma_wait3A_132 = tpu.memref_squeeze %dma_wait3A_131 : memref<1x128xi32, #tpu.memory_space<vmem>> -> memref<128xi32, #tpu.memory_space<vmem>>
      %dma_wait3A_133 = arith.constant 0 : i32
      %dma_wait3A_134 = arith.constant 0 : i32
      %dma_wait3A_135 = tpu.memref_slice %arg2[%dma_wait3A_133, %dma_wait3A_134] : memref<50000x64xf32, #tpu.memory_space<hbm>> -> memref<50000x64xf32, #tpu.memory_space<hbm>>
      tpu.wait_indirect_dma semaphore(%arg7 : memref<!tpu.dma_semaphore, #tpu.memory_space<semaphore_mem>>) src(%dma_wait3A_135 : memref<50000x64xf32, #tpu.memory_space<hbm>>) dst(%dma_wait3A_129 : memref<128x64xf32, #tpu.memory_space<vmem>>)
      %dma_wait3A_136 = arith.constant 4 : i32
      %dma_wait3A_137 = arith.constant 512 : i32
      %dma_wait3A_138 = arith.constant 0 : i32
      %dma_wait3A_139 = tpu.memref_slice %arg6[%dma_wait3A_137, %dma_wait3A_138] : memref<896x64xf32, #tpu.memory_space<vmem>> -> memref<128x64xf32, #tpu.memory_space<vmem>>
      %dma_wait3A_140 = arith.constant 0 : i32
      %dma_wait3A_141 = tpu.memref_slice %arg5[%dma_wait3A_136, %dma_wait3A_140] : memref<7x128xi32, #tpu.memory_space<vmem>> -> memref<1x128xi32, #tpu.memory_space<vmem>>
      %dma_wait3A_142 = tpu.memref_squeeze %dma_wait3A_141 : memref<1x128xi32, #tpu.memory_space<vmem>> -> memref<128xi32, #tpu.memory_space<vmem>>
      %dma_wait3A_143 = arith.constant 0 : i32
      %dma_wait3A_144 = arith.constant 0 : i32
      %dma_wait3A_145 = tpu.memref_slice %arg2[%dma_wait3A_143, %dma_wait3A_144] : memref<50000x64xf32, #tpu.memory_space<hbm>> -> memref<50000x64xf32, #tpu.memory_space<hbm>>
      tpu.wait_indirect_dma semaphore(%arg7 : memref<!tpu.dma_semaphore, #tpu.memory_space<semaphore_mem>>) src(%dma_wait3A_145 : memref<50000x64xf32, #tpu.memory_space<hbm>>) dst(%dma_wait3A_139 : memref<128x64xf32, #tpu.memory_space<vmem>>)
      %dma_wait3A_146 = arith.constant 5 : i32
      %dma_wait3A_147 = arith.constant 640 : i32
      %dma_wait3A_148 = arith.constant 0 : i32
      %dma_wait3A_149 = tpu.memref_slice %arg6[%dma_wait3A_147, %dma_wait3A_148] : memref<896x64xf32, #tpu.memory_space<vmem>> -> memref<128x64xf32, #tpu.memory_space<vmem>>
      %dma_wait3A_150 = arith.constant 0 : i32
      %dma_wait3A_151 = tpu.memref_slice %arg5[%dma_wait3A_146, %dma_wait3A_150] : memref<7x128xi32, #tpu.memory_space<vmem>> -> memref<1x128xi32, #tpu.memory_space<vmem>>
      %dma_wait3A_152 = tpu.memref_squeeze %dma_wait3A_151 : memref<1x128xi32, #tpu.memory_space<vmem>> -> memref<128xi32, #tpu.memory_space<vmem>>
      %dma_wait3A_153 = arith.constant 0 : i32
      %dma_wait3A_154 = arith.constant 0 : i32
      %dma_wait3A_155 = tpu.memref_slice %arg2[%dma_wait3A_153, %dma_wait3A_154] : memref<50000x64xf32, #tpu.memory_space<hbm>> -> memref<50000x64xf32, #tpu.memory_space<hbm>>
      tpu.wait_indirect_dma semaphore(%arg7 : memref<!tpu.dma_semaphore, #tpu.memory_space<semaphore_mem>>) src(%dma_wait3A_155 : memref<50000x64xf32, #tpu.memory_space<hbm>>) dst(%dma_wait3A_149 : memref<128x64xf32, #tpu.memory_space<vmem>>)
      %dma_wait3A_156 = arith.constant 6 : i32
      %dma_wait3A_157 = arith.constant 768 : i32
      %dma_wait3A_158 = arith.constant 0 : i32
      %dma_wait3A_159 = tpu.memref_slice %arg6[%dma_wait3A_157, %dma_wait3A_158] : memref<896x64xf32, #tpu.memory_space<vmem>> -> memref<128x64xf32, #tpu.memory_space<vmem>>
      %dma_wait3A_160 = arith.constant 0 : i32
      %dma_wait3A_161 = tpu.memref_slice %arg5[%dma_wait3A_156, %dma_wait3A_160] : memref<7x128xi32, #tpu.memory_space<vmem>> -> memref<1x128xi32, #tpu.memory_space<vmem>>
      %dma_wait3A_162 = tpu.memref_squeeze %dma_wait3A_161 : memref<1x128xi32, #tpu.memory_space<vmem>> -> memref<128xi32, #tpu.memory_space<vmem>>
      %dma_wait3A_163 = arith.constant 0 : i32
      %dma_wait3A_164 = arith.constant 0 : i32
      %dma_wait3A_165 = tpu.memref_slice %arg2[%dma_wait3A_163, %dma_wait3A_164] : memref<50000x64xf32, #tpu.memory_space<hbm>> -> memref<50000x64xf32, #tpu.memory_space<hbm>>
      tpu.wait_indirect_dma semaphore(%arg7 : memref<!tpu.dma_semaphore, #tpu.memory_space<semaphore_mem>>) src(%dma_wait3A_165 : memref<50000x64xf32, #tpu.memory_space<hbm>>) dst(%dma_wait3A_159 : memref<128x64xf32, #tpu.memory_space<vmem>>)
      "tpu.region"() ({
        %run_scoped3A = tpu.sem_alloc : memref<!tpu.dma_semaphore, #tpu.memory_space<semaphore_mem>>
        %dma_start3A_166 = arith.constant 0 : i32
        %dma_start3A_167 = tpu.memref_slice %arg4[%add3A_11, %dma_start3A_166] : memref<802816x64xf32, #tpu.memory_space<hbm>> -> memref<896x64xf32, #tpu.memory_space<hbm>>
        %dma_start3A_168 = arith.constant 0 : i32
        %dma_start3A_169 = tpu.memref_slice %arg4[%add3A_11, %dma_start3A_168] : memref<802816x64xf32, #tpu.memory_space<hbm>> -> memref<896x64xf32, #tpu.memory_space<hbm>>
        tpu.enqueue_dma source(%arg6 : memref<896x64xf32, #tpu.memory_space<vmem>>) target(%dma_start3A_169 : memref<896x64xf32, #tpu.memory_space<hbm>>) target_semaphore(%run_scoped3A : memref<!tpu.dma_semaphore, #tpu.memory_space<semaphore_mem>>)
        %dma_wait3A_170 = arith.constant 0 : i32
        %dma_wait3A_171 = tpu.memref_slice %arg4[%add3A_11, %dma_wait3A_170] : memref<802816x64xf32, #tpu.memory_space<hbm>> -> memref<896x64xf32, #tpu.memory_space<hbm>>
        %dma_wait3A_172 = arith.constant 0 : i32
        %dma_wait3A_173 = tpu.memref_slice %arg4[%add3A_11, %dma_wait3A_172] : memref<802816x64xf32, #tpu.memory_space<hbm>> -> memref<896x64xf32, #tpu.memory_space<hbm>>
        tpu.wait_dma2 semaphore(%run_scoped3A : memref<!tpu.dma_semaphore, #tpu.memory_space<semaphore_mem>>) src(%arg6 : memref<896x64xf32, #tpu.memory_space<vmem>>) dst(%dma_wait3A_173 : memref<896x64xf32, #tpu.memory_space<hbm>>)
        tpu.yield
      }) : () -> ()
    }
    %scan3A_7 = arith.constant 28 : i32
    return
  }
}

#map = affine_map<(d0, d1) -> (0, 0)>
#map1 = affine_map<(d0, d1) -> (0, 0, 0)>
module attributes {stable_mosaic.version = 14 : i64} {
  func.func @k(%arg0: i32, %arg1: i32, %arg2: memref<6272x128xi32, #tpu.memory_space<hbm>>, %arg3: memref<50016x16xf32, #tpu.memory_space<hbm>>, %arg4: memref<128x16xf32, #tpu.memory_space<hbm>>, %arg5: memref<2x50016x16xf32, #tpu.memory_space<hbm>>, %arg6: memref<7x128xi32, #tpu.memory_space<vmem>>, %arg7: memref<128x16xf32, #tpu.memory_space<vmem>>, %arg8: memref<50016x16xf32, #tpu.memory_space<vmem_shared>>) attributes {dimension_semantics = [#tpu.dimension_semantics<core_parallel>, #tpu.dimension_semantics<subcore_parallel>], iteration_bounds = array<i64: 2, 16>, scalar_prefetch = 0 : i64, scratch_operands = 3 : i64, tpu.core_type = #tpu.core_type<sc_vector_subcore>, window_params = [{transform_indices = #map}, {transform_indices = #map}, {transform_indices = #map}, {transform_indices = #map1}]} {
    %mul3A = arith.constant 2 : i32
    %mul3A_0 = arith.muli %arg1, %mul3A : i32
    %add3A = arith.addi %mul3A_0, %arg0 : i32
    %mul3A_1 = arith.constant 25088 : i32
    %mul3A_2 = arith.muli %add3A, %mul3A_1 : i32
    "tpu.region"() ({
      %run_scoped3A = tpu.sem_alloc : memref<!tpu.dma_semaphore, #tpu.memory_space<semaphore_mem>>
      tpu.enqueue_dma source(%arg4 : memref<128x16xf32, #tpu.memory_space<hbm>>) target(%arg7 : memref<128x16xf32, #tpu.memory_space<vmem>>) target_semaphore(%run_scoped3A : memref<!tpu.dma_semaphore, #tpu.memory_space<semaphore_mem>>)
      tpu.wait_dma2 semaphore(%run_scoped3A : memref<!tpu.dma_semaphore, #tpu.memory_space<semaphore_mem>>) src(%arg4 : memref<128x16xf32, #tpu.memory_space<hbm>>) dst(%arg7 : memref<128x16xf32, #tpu.memory_space<vmem>>)
      tpu.yield
    }) : () -> ()
    %mul3A_3 = arith.constant 3126 : i32
    %mul3A_4 = arith.muli %arg1, %mul3A_3 : i32
    %mul3A_5 = arith.constant 3126 : i32
    %mul3A_6 = arith.muli %arg1, %mul3A_5 : i32
    "tpu.region"() ({
      %run_scoped3A = tpu.sem_alloc : memref<!tpu.dma_semaphore, #tpu.memory_space<semaphore_mem>>
      %dma_start3A = arith.constant 0 : i32
      %dma_start3A_17 = tpu.memref_slice %arg8[%mul3A_6, %dma_start3A] : memref<50016x16xf32, #tpu.memory_space<vmem_shared>> -> memref<3126x16xf32, #tpu.memory_space<vmem_shared>>
      %dma_start3A_18 = arith.constant 0 : i32
      %dma_start3A_19 = tpu.memref_slice %arg3[%mul3A_4, %dma_start3A_18] : memref<50016x16xf32, #tpu.memory_space<hbm>> -> memref<3126x16xf32, #tpu.memory_space<hbm>>
      tpu.enqueue_dma source(%dma_start3A_19 : memref<3126x16xf32, #tpu.memory_space<hbm>>) target(%dma_start3A_17 : memref<3126x16xf32, #tpu.memory_space<vmem_shared>>) target_semaphore(%run_scoped3A : memref<!tpu.dma_semaphore, #tpu.memory_space<semaphore_mem>>)
      %dma_wait3A = arith.constant 0 : i32
      %dma_wait3A_20 = tpu.memref_slice %arg8[%mul3A_6, %dma_wait3A] : memref<50016x16xf32, #tpu.memory_space<vmem_shared>> -> memref<3126x16xf32, #tpu.memory_space<vmem_shared>>
      %dma_wait3A_21 = arith.constant 0 : i32
      %dma_wait3A_22 = tpu.memref_slice %arg3[%mul3A_4, %dma_wait3A_21] : memref<50016x16xf32, #tpu.memory_space<hbm>> -> memref<3126x16xf32, #tpu.memory_space<hbm>>
      tpu.wait_dma2 semaphore(%run_scoped3A : memref<!tpu.dma_semaphore, #tpu.memory_space<semaphore_mem>>) src(%dma_wait3A_22 : memref<3126x16xf32, #tpu.memory_space<hbm>>) dst(%dma_wait3A_20 : memref<3126x16xf32, #tpu.memory_space<vmem_shared>>)
      tpu.yield
    }) : () -> ()
    %barrier3A = arith.constant 0 : index
    tpu.barrier barrier_id(%barrier3A)
    %scan3A = arith.constant 0 : i32
    %scan3A_7 = arith.constant 0 : i32
    %scan3A_8 = arith.constant 28 : i32
    %scan3A_9 = arith.addi %scan3A_7, %scan3A_8 : i32
    %scan3A_10 = arith.constant 1 : i32
    scf.for %scan3A_17 = %scan3A_7 to %scan3A_9 step %scan3A_10  : i32 {
      %mul3A_18 = arith.constant 896 : i32
      %mul3A_19 = arith.muli %scan3A_17, %mul3A_18 : i32
      %add3A_20 = arith.addi %mul3A_2, %mul3A_19 : i32
      %jit3A = arith.constant 128 : i32
      %div3A = arith.divsi %add3A_20, %jit3A : i32
      %sign3A = arith.constant 0 : i32
      %sign3A_21 = arith.cmpi sgt, %add3A_20, %sign3A : i32
      %sign3A_22 = arith.extui %sign3A_21 : i1 to i32
      %sign3A_23 = arith.constant 0 : i32
      %sign3A_24 = arith.cmpi slt, %add3A_20, %sign3A_23 : i32
      %sign3A_25 = arith.extui %sign3A_24 : i1 to i32
      %sign3A_26 = arith.subi %sign3A_22, %sign3A_25 : i32
      %sign3A_27 = arith.constant 0 : i32
      %sign3A_28 = arith.cmpi sgt, %jit3A, %sign3A_27 : i32
      %sign3A_29 = arith.extui %sign3A_28 : i1 to i32
      %sign3A_30 = arith.constant 0 : i32
      %sign3A_31 = arith.cmpi slt, %jit3A, %sign3A_30 : i32
      %sign3A_32 = arith.extui %sign3A_31 : i1 to i32
      %sign3A_33 = arith.subi %sign3A_29, %sign3A_32 : i32
      %ne3A = arith.cmpi ne, %sign3A_26, %sign3A_33 : i32
      %rem3A = arith.remsi %add3A_20, %jit3A : i32
      %ne3A_34 = arith.constant 0 : i32
      %ne3A_35 = arith.cmpi ne, %rem3A, %ne3A_34 : i32
      %and3A = arith.andi %ne3A, %ne3A_35 : i1
      %sub3A = arith.constant 1 : i32
      %sub3A_36 = arith.subi %div3A, %sub3A : i32
      %select_n3A = arith.select %and3A, %sub3A_36, %div3A : i32
      "tpu.region"() ({
        %run_scoped3A_43 = tpu.sem_alloc : memref<!tpu.dma_semaphore, #tpu.memory_space<semaphore_mem>>
        %dma_start3A = arith.constant 0 : i32
        %dma_start3A_44 = tpu.memref_slice %arg2[%select_n3A, %dma_start3A] : memref<6272x128xi32, #tpu.memory_space<hbm>> -> memref<7x128xi32, #tpu.memory_space<hbm>>
        %dma_start3A_45 = arith.constant 0 : i32
        %dma_start3A_46 = tpu.memref_slice %arg2[%select_n3A, %dma_start3A_45] : memref<6272x128xi32, #tpu.memory_space<hbm>> -> memref<7x128xi32, #tpu.memory_space<hbm>>
        tpu.enqueue_dma source(%dma_start3A_46 : memref<7x128xi32, #tpu.memory_space<hbm>>) target(%arg6 : memref<7x128xi32, #tpu.memory_space<vmem>>) target_semaphore(%run_scoped3A_43 : memref<!tpu.dma_semaphore, #tpu.memory_space<semaphore_mem>>)
        %dma_wait3A = arith.constant 0 : i32
        %dma_wait3A_47 = tpu.memref_slice %arg2[%select_n3A, %dma_wait3A] : memref<6272x128xi32, #tpu.memory_space<hbm>> -> memref<7x128xi32, #tpu.memory_space<hbm>>
        %dma_wait3A_48 = arith.constant 0 : i32
        %dma_wait3A_49 = tpu.memref_slice %arg2[%select_n3A, %dma_wait3A_48] : memref<6272x128xi32, #tpu.memory_space<hbm>> -> memref<7x128xi32, #tpu.memory_space<hbm>>
        tpu.wait_dma2 semaphore(%run_scoped3A_43 : memref<!tpu.dma_semaphore, #tpu.memory_space<semaphore_mem>>) src(%dma_wait3A_49 : memref<7x128xi32, #tpu.memory_space<hbm>>) dst(%arg6 : memref<7x128xi32, #tpu.memory_space<vmem>>)
        tpu.yield
      }) : () -> ()
      %run_scoped3A = arith.constant 0 : i32
      "tpu.region"() ({
        %run_scoped3A_43 = tpu.sem_alloc : memref<!tpu.dma_semaphore, #tpu.memory_space<semaphore_mem>>
        %dma_start3A = arith.constant 0 : i32
        %dma_start3A_44 = tpu.memref_slice %arg6[%run_scoped3A, %dma_start3A] : memref<7x128xi32, #tpu.memory_space<vmem>> -> memref<1x128xi32, #tpu.memory_space<vmem>>
        %dma_start3A_45 = tpu.memref_squeeze %dma_start3A_44 : memref<1x128xi32, #tpu.memory_space<vmem>> -> memref<128xi32, #tpu.memory_space<vmem>>
        %dma_start3A_46 = arith.constant 0 : i32
        %dma_start3A_47 = arith.constant 0 : i32
        %dma_start3A_48 = tpu.memref_slice %arg8[%dma_start3A_46, %dma_start3A_47] : memref<50016x16xf32, #tpu.memory_space<vmem_shared>> -> memref<50016x16xf32, #tpu.memory_space<vmem_shared>>
        tpu.enqueue_indirect_dma source(%arg7 : memref<128x16xf32, #tpu.memory_space<vmem>>) target(%dma_start3A_48 : memref<50016x16xf32, #tpu.memory_space<vmem_shared>>) offsets(%dma_start3A_45 : memref<128xi32, #tpu.memory_space<vmem>>) semaphore(%run_scoped3A_43 : memref<!tpu.dma_semaphore, #tpu.memory_space<semaphore_mem>>) {add = true}
        %dma_wait3A = arith.constant 0 : i32
        %dma_wait3A_49 = tpu.memref_slice %arg6[%run_scoped3A, %dma_wait3A] : memref<7x128xi32, #tpu.memory_space<vmem>> -> memref<1x128xi32, #tpu.memory_space<vmem>>
        %dma_wait3A_50 = tpu.memref_squeeze %dma_wait3A_49 : memref<1x128xi32, #tpu.memory_space<vmem>> -> memref<128xi32, #tpu.memory_space<vmem>>
        %dma_wait3A_51 = arith.constant 0 : i32
        %dma_wait3A_52 = arith.constant 0 : i32
        %dma_wait3A_53 = tpu.memref_slice %arg8[%dma_wait3A_51, %dma_wait3A_52] : memref<50016x16xf32, #tpu.memory_space<vmem_shared>> -> memref<50016x16xf32, #tpu.memory_space<vmem_shared>>
        tpu.wait_indirect_dma semaphore(%run_scoped3A_43 : memref<!tpu.dma_semaphore, #tpu.memory_space<semaphore_mem>>) src(%arg7 : memref<128x16xf32, #tpu.memory_space<vmem>>) dst(%dma_wait3A_53 : memref<50016x16xf32, #tpu.memory_space<vmem_shared>>)
        tpu.yield
      }) : () -> ()
      %run_scoped3A_37 = arith.constant 1 : i32
      "tpu.region"() ({
        %run_scoped3A_43 = tpu.sem_alloc : memref<!tpu.dma_semaphore, #tpu.memory_space<semaphore_mem>>
        %dma_start3A = arith.constant 0 : i32
        %dma_start3A_44 = tpu.memref_slice %arg6[%run_scoped3A_37, %dma_start3A] : memref<7x128xi32, #tpu.memory_space<vmem>> -> memref<1x128xi32, #tpu.memory_space<vmem>>
        %dma_start3A_45 = tpu.memref_squeeze %dma_start3A_44 : memref<1x128xi32, #tpu.memory_space<vmem>> -> memref<128xi32, #tpu.memory_space<vmem>>
        %dma_start3A_46 = arith.constant 0 : i32
        %dma_start3A_47 = arith.constant 0 : i32
        %dma_start3A_48 = tpu.memref_slice %arg8[%dma_start3A_46, %dma_start3A_47] : memref<50016x16xf32, #tpu.memory_space<vmem_shared>> -> memref<50016x16xf32, #tpu.memory_space<vmem_shared>>
        tpu.enqueue_indirect_dma source(%arg7 : memref<128x16xf32, #tpu.memory_space<vmem>>) target(%dma_start3A_48 : memref<50016x16xf32, #tpu.memory_space<vmem_shared>>) offsets(%dma_start3A_45 : memref<128xi32, #tpu.memory_space<vmem>>) semaphore(%run_scoped3A_43 : memref<!tpu.dma_semaphore, #tpu.memory_space<semaphore_mem>>) {add = true}
        %dma_wait3A = arith.constant 0 : i32
        %dma_wait3A_49 = tpu.memref_slice %arg6[%run_scoped3A_37, %dma_wait3A] : memref<7x128xi32, #tpu.memory_space<vmem>> -> memref<1x128xi32, #tpu.memory_space<vmem>>
        %dma_wait3A_50 = tpu.memref_squeeze %dma_wait3A_49 : memref<1x128xi32, #tpu.memory_space<vmem>> -> memref<128xi32, #tpu.memory_space<vmem>>
        %dma_wait3A_51 = arith.constant 0 : i32
        %dma_wait3A_52 = arith.constant 0 : i32
        %dma_wait3A_53 = tpu.memref_slice %arg8[%dma_wait3A_51, %dma_wait3A_52] : memref<50016x16xf32, #tpu.memory_space<vmem_shared>> -> memref<50016x16xf32, #tpu.memory_space<vmem_shared>>
        tpu.wait_indirect_dma semaphore(%run_scoped3A_43 : memref<!tpu.dma_semaphore, #tpu.memory_space<semaphore_mem>>) src(%arg7 : memref<128x16xf32, #tpu.memory_space<vmem>>) dst(%dma_wait3A_53 : memref<50016x16xf32, #tpu.memory_space<vmem_shared>>)
        tpu.yield
      }) : () -> ()
      %run_scoped3A_38 = arith.constant 2 : i32
      "tpu.region"() ({
        %run_scoped3A_43 = tpu.sem_alloc : memref<!tpu.dma_semaphore, #tpu.memory_space<semaphore_mem>>
        %dma_start3A = arith.constant 0 : i32
        %dma_start3A_44 = tpu.memref_slice %arg6[%run_scoped3A_38, %dma_start3A] : memref<7x128xi32, #tpu.memory_space<vmem>> -> memref<1x128xi32, #tpu.memory_space<vmem>>
        %dma_start3A_45 = tpu.memref_squeeze %dma_start3A_44 : memref<1x128xi32, #tpu.memory_space<vmem>> -> memref<128xi32, #tpu.memory_space<vmem>>
        %dma_start3A_46 = arith.constant 0 : i32
        %dma_start3A_47 = arith.constant 0 : i32
        %dma_start3A_48 = tpu.memref_slice %arg8[%dma_start3A_46, %dma_start3A_47] : memref<50016x16xf32, #tpu.memory_space<vmem_shared>> -> memref<50016x16xf32, #tpu.memory_space<vmem_shared>>
        tpu.enqueue_indirect_dma source(%arg7 : memref<128x16xf32, #tpu.memory_space<vmem>>) target(%dma_start3A_48 : memref<50016x16xf32, #tpu.memory_space<vmem_shared>>) offsets(%dma_start3A_45 : memref<128xi32, #tpu.memory_space<vmem>>) semaphore(%run_scoped3A_43 : memref<!tpu.dma_semaphore, #tpu.memory_space<semaphore_mem>>) {add = true}
        %dma_wait3A = arith.constant 0 : i32
        %dma_wait3A_49 = tpu.memref_slice %arg6[%run_scoped3A_38, %dma_wait3A] : memref<7x128xi32, #tpu.memory_space<vmem>> -> memref<1x128xi32, #tpu.memory_space<vmem>>
        %dma_wait3A_50 = tpu.memref_squeeze %dma_wait3A_49 : memref<1x128xi32, #tpu.memory_space<vmem>> -> memref<128xi32, #tpu.memory_space<vmem>>
        %dma_wait3A_51 = arith.constant 0 : i32
        %dma_wait3A_52 = arith.constant 0 : i32
        %dma_wait3A_53 = tpu.memref_slice %arg8[%dma_wait3A_51, %dma_wait3A_52] : memref<50016x16xf32, #tpu.memory_space<vmem_shared>> -> memref<50016x16xf32, #tpu.memory_space<vmem_shared>>
        tpu.wait_indirect_dma semaphore(%run_scoped3A_43 : memref<!tpu.dma_semaphore, #tpu.memory_space<semaphore_mem>>) src(%arg7 : memref<128x16xf32, #tpu.memory_space<vmem>>) dst(%dma_wait3A_53 : memref<50016x16xf32, #tpu.memory_space<vmem_shared>>)
        tpu.yield
      }) : () -> ()
      %run_scoped3A_39 = arith.constant 3 : i32
      "tpu.region"() ({
        %run_scoped3A_43 = tpu.sem_alloc : memref<!tpu.dma_semaphore, #tpu.memory_space<semaphore_mem>>
        %dma_start3A = arith.constant 0 : i32
        %dma_start3A_44 = tpu.memref_slice %arg6[%run_scoped3A_39, %dma_start3A] : memref<7x128xi32, #tpu.memory_space<vmem>> -> memref<1x128xi32, #tpu.memory_space<vmem>>
        %dma_start3A_45 = tpu.memref_squeeze %dma_start3A_44 : memref<1x128xi32, #tpu.memory_space<vmem>> -> memref<128xi32, #tpu.memory_space<vmem>>
        %dma_start3A_46 = arith.constant 0 : i32
        %dma_start3A_47 = arith.constant 0 : i32
        %dma_start3A_48 = tpu.memref_slice %arg8[%dma_start3A_46, %dma_start3A_47] : memref<50016x16xf32, #tpu.memory_space<vmem_shared>> -> memref<50016x16xf32, #tpu.memory_space<vmem_shared>>
        tpu.enqueue_indirect_dma source(%arg7 : memref<128x16xf32, #tpu.memory_space<vmem>>) target(%dma_start3A_48 : memref<50016x16xf32, #tpu.memory_space<vmem_shared>>) offsets(%dma_start3A_45 : memref<128xi32, #tpu.memory_space<vmem>>) semaphore(%run_scoped3A_43 : memref<!tpu.dma_semaphore, #tpu.memory_space<semaphore_mem>>) {add = true}
        %dma_wait3A = arith.constant 0 : i32
        %dma_wait3A_49 = tpu.memref_slice %arg6[%run_scoped3A_39, %dma_wait3A] : memref<7x128xi32, #tpu.memory_space<vmem>> -> memref<1x128xi32, #tpu.memory_space<vmem>>
        %dma_wait3A_50 = tpu.memref_squeeze %dma_wait3A_49 : memref<1x128xi32, #tpu.memory_space<vmem>> -> memref<128xi32, #tpu.memory_space<vmem>>
        %dma_wait3A_51 = arith.constant 0 : i32
        %dma_wait3A_52 = arith.constant 0 : i32
        %dma_wait3A_53 = tpu.memref_slice %arg8[%dma_wait3A_51, %dma_wait3A_52] : memref<50016x16xf32, #tpu.memory_space<vmem_shared>> -> memref<50016x16xf32, #tpu.memory_space<vmem_shared>>
        tpu.wait_indirect_dma semaphore(%run_scoped3A_43 : memref<!tpu.dma_semaphore, #tpu.memory_space<semaphore_mem>>) src(%arg7 : memref<128x16xf32, #tpu.memory_space<vmem>>) dst(%dma_wait3A_53 : memref<50016x16xf32, #tpu.memory_space<vmem_shared>>)
        tpu.yield
      }) : () -> ()
      %run_scoped3A_40 = arith.constant 4 : i32
      "tpu.region"() ({
        %run_scoped3A_43 = tpu.sem_alloc : memref<!tpu.dma_semaphore, #tpu.memory_space<semaphore_mem>>
        %dma_start3A = arith.constant 0 : i32
        %dma_start3A_44 = tpu.memref_slice %arg6[%run_scoped3A_40, %dma_start3A] : memref<7x128xi32, #tpu.memory_space<vmem>> -> memref<1x128xi32, #tpu.memory_space<vmem>>
        %dma_start3A_45 = tpu.memref_squeeze %dma_start3A_44 : memref<1x128xi32, #tpu.memory_space<vmem>> -> memref<128xi32, #tpu.memory_space<vmem>>
        %dma_start3A_46 = arith.constant 0 : i32
        %dma_start3A_47 = arith.constant 0 : i32
        %dma_start3A_48 = tpu.memref_slice %arg8[%dma_start3A_46, %dma_start3A_47] : memref<50016x16xf32, #tpu.memory_space<vmem_shared>> -> memref<50016x16xf32, #tpu.memory_space<vmem_shared>>
        tpu.enqueue_indirect_dma source(%arg7 : memref<128x16xf32, #tpu.memory_space<vmem>>) target(%dma_start3A_48 : memref<50016x16xf32, #tpu.memory_space<vmem_shared>>) offsets(%dma_start3A_45 : memref<128xi32, #tpu.memory_space<vmem>>) semaphore(%run_scoped3A_43 : memref<!tpu.dma_semaphore, #tpu.memory_space<semaphore_mem>>) {add = true}
        %dma_wait3A = arith.constant 0 : i32
        %dma_wait3A_49 = tpu.memref_slice %arg6[%run_scoped3A_40, %dma_wait3A] : memref<7x128xi32, #tpu.memory_space<vmem>> -> memref<1x128xi32, #tpu.memory_space<vmem>>
        %dma_wait3A_50 = tpu.memref_squeeze %dma_wait3A_49 : memref<1x128xi32, #tpu.memory_space<vmem>> -> memref<128xi32, #tpu.memory_space<vmem>>
        %dma_wait3A_51 = arith.constant 0 : i32
        %dma_wait3A_52 = arith.constant 0 : i32
        %dma_wait3A_53 = tpu.memref_slice %arg8[%dma_wait3A_51, %dma_wait3A_52] : memref<50016x16xf32, #tpu.memory_space<vmem_shared>> -> memref<50016x16xf32, #tpu.memory_space<vmem_shared>>
        tpu.wait_indirect_dma semaphore(%run_scoped3A_43 : memref<!tpu.dma_semaphore, #tpu.memory_space<semaphore_mem>>) src(%arg7 : memref<128x16xf32, #tpu.memory_space<vmem>>) dst(%dma_wait3A_53 : memref<50016x16xf32, #tpu.memory_space<vmem_shared>>)
        tpu.yield
      }) : () -> ()
      %run_scoped3A_41 = arith.constant 5 : i32
      "tpu.region"() ({
        %run_scoped3A_43 = tpu.sem_alloc : memref<!tpu.dma_semaphore, #tpu.memory_space<semaphore_mem>>
        %dma_start3A = arith.constant 0 : i32
        %dma_start3A_44 = tpu.memref_slice %arg6[%run_scoped3A_41, %dma_start3A] : memref<7x128xi32, #tpu.memory_space<vmem>> -> memref<1x128xi32, #tpu.memory_space<vmem>>
        %dma_start3A_45 = tpu.memref_squeeze %dma_start3A_44 : memref<1x128xi32, #tpu.memory_space<vmem>> -> memref<128xi32, #tpu.memory_space<vmem>>
        %dma_start3A_46 = arith.constant 0 : i32
        %dma_start3A_47 = arith.constant 0 : i32
        %dma_start3A_48 = tpu.memref_slice %arg8[%dma_start3A_46, %dma_start3A_47] : memref<50016x16xf32, #tpu.memory_space<vmem_shared>> -> memref<50016x16xf32, #tpu.memory_space<vmem_shared>>
        tpu.enqueue_indirect_dma source(%arg7 : memref<128x16xf32, #tpu.memory_space<vmem>>) target(%dma_start3A_48 : memref<50016x16xf32, #tpu.memory_space<vmem_shared>>) offsets(%dma_start3A_45 : memref<128xi32, #tpu.memory_space<vmem>>) semaphore(%run_scoped3A_43 : memref<!tpu.dma_semaphore, #tpu.memory_space<semaphore_mem>>) {add = true}
        %dma_wait3A = arith.constant 0 : i32
        %dma_wait3A_49 = tpu.memref_slice %arg6[%run_scoped3A_41, %dma_wait3A] : memref<7x128xi32, #tpu.memory_space<vmem>> -> memref<1x128xi32, #tpu.memory_space<vmem>>
        %dma_wait3A_50 = tpu.memref_squeeze %dma_wait3A_49 : memref<1x128xi32, #tpu.memory_space<vmem>> -> memref<128xi32, #tpu.memory_space<vmem>>
        %dma_wait3A_51 = arith.constant 0 : i32
        %dma_wait3A_52 = arith.constant 0 : i32
        %dma_wait3A_53 = tpu.memref_slice %arg8[%dma_wait3A_51, %dma_wait3A_52] : memref<50016x16xf32, #tpu.memory_space<vmem_shared>> -> memref<50016x16xf32, #tpu.memory_space<vmem_shared>>
        tpu.wait_indirect_dma semaphore(%run_scoped3A_43 : memref<!tpu.dma_semaphore, #tpu.memory_space<semaphore_mem>>) src(%arg7 : memref<128x16xf32, #tpu.memory_space<vmem>>) dst(%dma_wait3A_53 : memref<50016x16xf32, #tpu.memory_space<vmem_shared>>)
        tpu.yield
      }) : () -> ()
      %run_scoped3A_42 = arith.constant 6 : i32
      "tpu.region"() ({
        %run_scoped3A_43 = tpu.sem_alloc : memref<!tpu.dma_semaphore, #tpu.memory_space<semaphore_mem>>
        %dma_start3A = arith.constant 0 : i32
        %dma_start3A_44 = tpu.memref_slice %arg6[%run_scoped3A_42, %dma_start3A] : memref<7x128xi32, #tpu.memory_space<vmem>> -> memref<1x128xi32, #tpu.memory_space<vmem>>
        %dma_start3A_45 = tpu.memref_squeeze %dma_start3A_44 : memref<1x128xi32, #tpu.memory_space<vmem>> -> memref<128xi32, #tpu.memory_space<vmem>>
        %dma_start3A_46 = arith.constant 0 : i32
        %dma_start3A_47 = arith.constant 0 : i32
        %dma_start3A_48 = tpu.memref_slice %arg8[%dma_start3A_46, %dma_start3A_47] : memref<50016x16xf32, #tpu.memory_space<vmem_shared>> -> memref<50016x16xf32, #tpu.memory_space<vmem_shared>>
        tpu.enqueue_indirect_dma source(%arg7 : memref<128x16xf32, #tpu.memory_space<vmem>>) target(%dma_start3A_48 : memref<50016x16xf32, #tpu.memory_space<vmem_shared>>) offsets(%dma_start3A_45 : memref<128xi32, #tpu.memory_space<vmem>>) semaphore(%run_scoped3A_43 : memref<!tpu.dma_semaphore, #tpu.memory_space<semaphore_mem>>) {add = true}
        %dma_wait3A = arith.constant 0 : i32
        %dma_wait3A_49 = tpu.memref_slice %arg6[%run_scoped3A_42, %dma_wait3A] : memref<7x128xi32, #tpu.memory_space<vmem>> -> memref<1x128xi32, #tpu.memory_space<vmem>>
        %dma_wait3A_50 = tpu.memref_squeeze %dma_wait3A_49 : memref<1x128xi32, #tpu.memory_space<vmem>> -> memref<128xi32, #tpu.memory_space<vmem>>
        %dma_wait3A_51 = arith.constant 0 : i32
        %dma_wait3A_52 = arith.constant 0 : i32
        %dma_wait3A_53 = tpu.memref_slice %arg8[%dma_wait3A_51, %dma_wait3A_52] : memref<50016x16xf32, #tpu.memory_space<vmem_shared>> -> memref<50016x16xf32, #tpu.memory_space<vmem_shared>>
        tpu.wait_indirect_dma semaphore(%run_scoped3A_43 : memref<!tpu.dma_semaphore, #tpu.memory_space<semaphore_mem>>) src(%arg7 : memref<128x16xf32, #tpu.memory_space<vmem>>) dst(%dma_wait3A_53 : memref<50016x16xf32, #tpu.memory_space<vmem_shared>>)
        tpu.yield
      }) : () -> ()
    }
    %scan3A_11 = arith.constant 28 : i32
    %barrier3A_12 = arith.constant 0 : index
    tpu.barrier barrier_id(%barrier3A_12)
    %mul3A_13 = arith.constant 3126 : i32
    %mul3A_14 = arith.muli %arg1, %mul3A_13 : i32
    %mul3A_15 = arith.constant 3126 : i32
    %mul3A_16 = arith.muli %arg1, %mul3A_15 : i32
    "tpu.region"() ({
      %run_scoped3A = tpu.sem_alloc : memref<!tpu.dma_semaphore, #tpu.memory_space<semaphore_mem>>
      %dma_start3A = arith.constant 0 : i32
      %dma_start3A_17 = tpu.memref_slice %arg5[%arg0, %mul3A_16, %dma_start3A] : memref<2x50016x16xf32, #tpu.memory_space<hbm>> -> memref<1x3126x16xf32, #tpu.memory_space<hbm>>
      %dma_start3A_18 = tpu.memref_squeeze %dma_start3A_17 : memref<1x3126x16xf32, #tpu.memory_space<hbm>> -> memref<3126x16xf32, #tpu.memory_space<hbm>>
      %dma_start3A_19 = arith.constant 0 : i32
      %dma_start3A_20 = tpu.memref_slice %arg8[%mul3A_14, %dma_start3A_19] : memref<50016x16xf32, #tpu.memory_space<vmem_shared>> -> memref<3126x16xf32, #tpu.memory_space<vmem_shared>>
      tpu.enqueue_dma source(%dma_start3A_20 : memref<3126x16xf32, #tpu.memory_space<vmem_shared>>) target(%dma_start3A_18 : memref<3126x16xf32, #tpu.memory_space<hbm>>) target_semaphore(%run_scoped3A : memref<!tpu.dma_semaphore, #tpu.memory_space<semaphore_mem>>)
      %dma_wait3A = arith.constant 0 : i32
      %dma_wait3A_21 = tpu.memref_slice %arg5[%arg0, %mul3A_16, %dma_wait3A] : memref<2x50016x16xf32, #tpu.memory_space<hbm>> -> memref<1x3126x16xf32, #tpu.memory_space<hbm>>
      %dma_wait3A_22 = tpu.memref_squeeze %dma_wait3A_21 : memref<1x3126x16xf32, #tpu.memory_space<hbm>> -> memref<3126x16xf32, #tpu.memory_space<hbm>>
      %dma_wait3A_23 = arith.constant 0 : i32
      %dma_wait3A_24 = tpu.memref_slice %arg8[%mul3A_14, %dma_wait3A_23] : memref<50016x16xf32, #tpu.memory_space<vmem_shared>> -> memref<3126x16xf32, #tpu.memory_space<vmem_shared>>
      tpu.wait_dma2 semaphore(%run_scoped3A : memref<!tpu.dma_semaphore, #tpu.memory_space<semaphore_mem>>) src(%dma_wait3A_24 : memref<3126x16xf32, #tpu.memory_space<vmem_shared>>) dst(%dma_wait3A_22 : memref<3126x16xf32, #tpu.memory_space<hbm>>)
      tpu.yield
    }) : () -> ()
    return
  }
}

#map = affine_map<(d0, d1) -> (0, 0)>
#map1 = affine_map<(d0, d1) -> (0, 0, 0)>
module attributes {stable_mosaic.version = 14 : i64} {
  func.func @k(%arg0: i32, %arg1: i32, %arg2: memref<30000x64xf32, #tpu.memory_space<hbm>>, %arg3: memref<4704x128xi32, #tpu.memory_space<hbm>>, %arg4: memref<4704x128xi32, #tpu.memory_space<hbm>>, %arg5: memref<20016x64xf32, #tpu.memory_space<hbm>>, %arg6: memref<2x20016x64xf32, #tpu.memory_space<hbm>>, %arg7: memref<3x128xi32, #tpu.memory_space<vmem>>, %arg8: memref<3x128xi32, #tpu.memory_space<vmem>>, %arg9: memref<384x64xf32, #tpu.memory_space<vmem>>, %arg10: memref<20016x64xf32, #tpu.memory_space<vmem_shared>>, %arg11: memref<!tpu.dma_semaphore, #tpu.memory_space<semaphore_mem>>) attributes {dimension_semantics = [#tpu.dimension_semantics<core_parallel>, #tpu.dimension_semantics<subcore_parallel>], iteration_bounds = array<i64: 2, 16>, scalar_prefetch = 0 : i64, scratch_operands = 5 : i64, tpu.core_type = #tpu.core_type<sc_vector_subcore>, window_params = [{transform_indices = #map}, {transform_indices = #map}, {transform_indices = #map}, {transform_indices = #map}, {transform_indices = #map1}]} {
    %mul3A = arith.constant 2 : i32
    %mul3A_0 = arith.muli %arg1, %mul3A : i32
    %add3A = arith.addi %mul3A_0, %arg0 : i32
    %mul3A_1 = arith.constant 18816 : i32
    %mul3A_2 = arith.muli %add3A, %mul3A_1 : i32
    %mul3A_3 = arith.constant 1251 : i32
    %mul3A_4 = arith.muli %arg1, %mul3A_3 : i32
    %mul3A_5 = arith.constant 1251 : i32
    %mul3A_6 = arith.muli %arg1, %mul3A_5 : i32
    "tpu.region"() ({
      %run_scoped3A = tpu.sem_alloc : memref<!tpu.dma_semaphore, #tpu.memory_space<semaphore_mem>>
      %dma_start3A = arith.constant 0 : i32
      %dma_start3A_17 = tpu.memref_slice %arg10[%mul3A_6, %dma_start3A] : memref<20016x64xf32, #tpu.memory_space<vmem_shared>> -> memref<1251x64xf32, #tpu.memory_space<vmem_shared>>
      %dma_start3A_18 = arith.constant 0 : i32
      %dma_start3A_19 = tpu.memref_slice %arg5[%mul3A_4, %dma_start3A_18] : memref<20016x64xf32, #tpu.memory_space<hbm>> -> memref<1251x64xf32, #tpu.memory_space<hbm>>
      tpu.enqueue_dma source(%dma_start3A_19 : memref<1251x64xf32, #tpu.memory_space<hbm>>) target(%dma_start3A_17 : memref<1251x64xf32, #tpu.memory_space<vmem_shared>>) target_semaphore(%run_scoped3A : memref<!tpu.dma_semaphore, #tpu.memory_space<semaphore_mem>>)
      %dma_wait3A = arith.constant 0 : i32
      %dma_wait3A_20 = tpu.memref_slice %arg10[%mul3A_6, %dma_wait3A] : memref<20016x64xf32, #tpu.memory_space<vmem_shared>> -> memref<1251x64xf32, #tpu.memory_space<vmem_shared>>
      %dma_wait3A_21 = arith.constant 0 : i32
      %dma_wait3A_22 = tpu.memref_slice %arg5[%mul3A_4, %dma_wait3A_21] : memref<20016x64xf32, #tpu.memory_space<hbm>> -> memref<1251x64xf32, #tpu.memory_space<hbm>>
      tpu.wait_dma2 semaphore(%run_scoped3A : memref<!tpu.dma_semaphore, #tpu.memory_space<semaphore_mem>>) src(%dma_wait3A_22 : memref<1251x64xf32, #tpu.memory_space<hbm>>) dst(%dma_wait3A_20 : memref<1251x64xf32, #tpu.memory_space<vmem_shared>>)
      tpu.yield
    }) : () -> ()
    %barrier3A = arith.constant 0 : index
    tpu.barrier barrier_id(%barrier3A)
    %scan3A = arith.constant 0 : i32
    %scan3A_7 = arith.constant 0 : i32
    %scan3A_8 = arith.constant 49 : i32
    %scan3A_9 = arith.addi %scan3A_7, %scan3A_8 : i32
    %scan3A_10 = arith.constant 1 : i32
    scf.for %scan3A_17 = %scan3A_7 to %scan3A_9 step %scan3A_10  : i32 {
      %mul3A_18 = arith.constant 384 : i32
      %mul3A_19 = arith.muli %scan3A_17, %mul3A_18 : i32
      %add3A_20 = arith.addi %mul3A_2, %mul3A_19 : i32
      %jit3A = arith.constant 128 : i32
      %div3A = arith.divsi %add3A_20, %jit3A : i32
      %sign3A = arith.constant 0 : i32
      %sign3A_21 = arith.cmpi sgt, %add3A_20, %sign3A : i32
      %sign3A_22 = arith.extui %sign3A_21 : i1 to i32
      %sign3A_23 = arith.constant 0 : i32
      %sign3A_24 = arith.cmpi slt, %add3A_20, %sign3A_23 : i32
      %sign3A_25 = arith.extui %sign3A_24 : i1 to i32
      %sign3A_26 = arith.subi %sign3A_22, %sign3A_25 : i32
      %sign3A_27 = arith.constant 0 : i32
      %sign3A_28 = arith.cmpi sgt, %jit3A, %sign3A_27 : i32
      %sign3A_29 = arith.extui %sign3A_28 : i1 to i32
      %sign3A_30 = arith.constant 0 : i32
      %sign3A_31 = arith.cmpi slt, %jit3A, %sign3A_30 : i32
      %sign3A_32 = arith.extui %sign3A_31 : i1 to i32
      %sign3A_33 = arith.subi %sign3A_29, %sign3A_32 : i32
      %ne3A = arith.cmpi ne, %sign3A_26, %sign3A_33 : i32
      %rem3A = arith.remsi %add3A_20, %jit3A : i32
      %ne3A_34 = arith.constant 0 : i32
      %ne3A_35 = arith.cmpi ne, %rem3A, %ne3A_34 : i32
      %and3A = arith.andi %ne3A, %ne3A_35 : i1
      %sub3A = arith.constant 1 : i32
      %sub3A_36 = arith.subi %div3A, %sub3A : i32
      %select_n3A = arith.select %and3A, %sub3A_36, %div3A : i32
      "tpu.region"() ({
        %run_scoped3A = tpu.sem_alloc : memref<!tpu.dma_semaphore, #tpu.memory_space<semaphore_mem>>
        %dma_start3A_179 = arith.constant 0 : i32
        %dma_start3A_180 = tpu.memref_slice %arg3[%select_n3A, %dma_start3A_179] : memref<4704x128xi32, #tpu.memory_space<hbm>> -> memref<3x128xi32, #tpu.memory_space<hbm>>
        %dma_start3A_181 = arith.constant 0 : i32
        %dma_start3A_182 = tpu.memref_slice %arg3[%select_n3A, %dma_start3A_181] : memref<4704x128xi32, #tpu.memory_space<hbm>> -> memref<3x128xi32, #tpu.memory_space<hbm>>
        tpu.enqueue_dma source(%dma_start3A_182 : memref<3x128xi32, #tpu.memory_space<hbm>>) target(%arg7 : memref<3x128xi32, #tpu.memory_space<vmem>>) target_semaphore(%run_scoped3A : memref<!tpu.dma_semaphore, #tpu.memory_space<semaphore_mem>>)
        %dma_wait3A_183 = arith.constant 0 : i32
        %dma_wait3A_184 = tpu.memref_slice %arg3[%select_n3A, %dma_wait3A_183] : memref<4704x128xi32, #tpu.memory_space<hbm>> -> memref<3x128xi32, #tpu.memory_space<hbm>>
        %dma_wait3A_185 = arith.constant 0 : i32
        %dma_wait3A_186 = tpu.memref_slice %arg3[%select_n3A, %dma_wait3A_185] : memref<4704x128xi32, #tpu.memory_space<hbm>> -> memref<3x128xi32, #tpu.memory_space<hbm>>
        tpu.wait_dma2 semaphore(%run_scoped3A : memref<!tpu.dma_semaphore, #tpu.memory_space<semaphore_mem>>) src(%dma_wait3A_186 : memref<3x128xi32, #tpu.memory_space<hbm>>) dst(%arg7 : memref<3x128xi32, #tpu.memory_space<vmem>>)
        tpu.yield
      }) : () -> ()
      %jit3A_37 = arith.constant 128 : i32
      %div3A_38 = arith.divsi %add3A_20, %jit3A_37 : i32
      %sign3A_39 = arith.constant 0 : i32
      %sign3A_40 = arith.cmpi sgt, %add3A_20, %sign3A_39 : i32
      %sign3A_41 = arith.extui %sign3A_40 : i1 to i32
      %sign3A_42 = arith.constant 0 : i32
      %sign3A_43 = arith.cmpi slt, %add3A_20, %sign3A_42 : i32
      %sign3A_44 = arith.extui %sign3A_43 : i1 to i32
      %sign3A_45 = arith.subi %sign3A_41, %sign3A_44 : i32
      %sign3A_46 = arith.constant 0 : i32
      %sign3A_47 = arith.cmpi sgt, %jit3A_37, %sign3A_46 : i32
      %sign3A_48 = arith.extui %sign3A_47 : i1 to i32
      %sign3A_49 = arith.constant 0 : i32
      %sign3A_50 = arith.cmpi slt, %jit3A_37, %sign3A_49 : i32
      %sign3A_51 = arith.extui %sign3A_50 : i1 to i32
      %sign3A_52 = arith.subi %sign3A_48, %sign3A_51 : i32
      %ne3A_53 = arith.cmpi ne, %sign3A_45, %sign3A_52 : i32
      %rem3A_54 = arith.remsi %add3A_20, %jit3A_37 : i32
      %ne3A_55 = arith.constant 0 : i32
      %ne3A_56 = arith.cmpi ne, %rem3A_54, %ne3A_55 : i32
      %and3A_57 = arith.andi %ne3A_53, %ne3A_56 : i1
      %sub3A_58 = arith.constant 1 : i32
      %sub3A_59 = arith.subi %div3A_38, %sub3A_58 : i32
      %select_n3A_60 = arith.select %and3A_57, %sub3A_59, %div3A_38 : i32
      "tpu.region"() ({
        %run_scoped3A = tpu.sem_alloc : memref<!tpu.dma_semaphore, #tpu.memory_space<semaphore_mem>>
        %dma_start3A_179 = arith.constant 0 : i32
        %dma_start3A_180 = tpu.memref_slice %arg4[%select_n3A_60, %dma_start3A_179] : memref<4704x128xi32, #tpu.memory_space<hbm>> -> memref<3x128xi32, #tpu.memory_space<hbm>>
        %dma_start3A_181 = arith.constant 0 : i32
        %dma_start3A_182 = tpu.memref_slice %arg4[%select_n3A_60, %dma_start3A_181] : memref<4704x128xi32, #tpu.memory_space<hbm>> -> memref<3x128xi32, #tpu.memory_space<hbm>>
        tpu.enqueue_dma source(%dma_start3A_182 : memref<3x128xi32, #tpu.memory_space<hbm>>) target(%arg8 : memref<3x128xi32, #tpu.memory_space<vmem>>) target_semaphore(%run_scoped3A : memref<!tpu.dma_semaphore, #tpu.memory_space<semaphore_mem>>)
        %dma_wait3A_183 = arith.constant 0 : i32
        %dma_wait3A_184 = tpu.memref_slice %arg4[%select_n3A_60, %dma_wait3A_183] : memref<4704x128xi32, #tpu.memory_space<hbm>> -> memref<3x128xi32, #tpu.memory_space<hbm>>
        %dma_wait3A_185 = arith.constant 0 : i32
        %dma_wait3A_186 = tpu.memref_slice %arg4[%select_n3A_60, %dma_wait3A_185] : memref<4704x128xi32, #tpu.memory_space<hbm>> -> memref<3x128xi32, #tpu.memory_space<hbm>>
        tpu.wait_dma2 semaphore(%run_scoped3A : memref<!tpu.dma_semaphore, #tpu.memory_space<semaphore_mem>>) src(%dma_wait3A_186 : memref<3x128xi32, #tpu.memory_space<hbm>>) dst(%arg8 : memref<3x128xi32, #tpu.memory_space<vmem>>)
        tpu.yield
      }) : () -> ()
      %dma_start3A = arith.constant 0 : i32
      %dma_start3A_61 = arith.constant 0 : i32
      %dma_start3A_62 = arith.constant 0 : i32
      %dma_start3A_63 = tpu.memref_slice %arg9[%dma_start3A_61, %dma_start3A_62] : memref<384x64xf32, #tpu.memory_space<vmem>> -> memref<128x64xf32, #tpu.memory_space<vmem>>
      %dma_start3A_64 = arith.constant 0 : i32
      %dma_start3A_65 = tpu.memref_slice %arg7[%dma_start3A, %dma_start3A_64] : memref<3x128xi32, #tpu.memory_space<vmem>> -> memref<1x128xi32, #tpu.memory_space<vmem>>
      %dma_start3A_66 = tpu.memref_squeeze %dma_start3A_65 : memref<1x128xi32, #tpu.memory_space<vmem>> -> memref<128xi32, #tpu.memory_space<vmem>>
      %dma_start3A_67 = arith.constant 0 : i32
      %dma_start3A_68 = arith.constant 0 : i32
      %dma_start3A_69 = tpu.memref_slice %arg2[%dma_start3A_67, %dma_start3A_68] : memref<30000x64xf32, #tpu.memory_space<hbm>> -> memref<30000x64xf32, #tpu.memory_space<hbm>>
      tpu.enqueue_indirect_dma source(%dma_start3A_69 : memref<30000x64xf32, #tpu.memory_space<hbm>>) target(%dma_start3A_63 : memref<128x64xf32, #tpu.memory_space<vmem>>) offsets(%dma_start3A_66 : memref<128xi32, #tpu.memory_space<vmem>>) semaphore(%arg11 : memref<!tpu.dma_semaphore, #tpu.memory_space<semaphore_mem>>)
      %dma_start3A_70 = arith.constant 1 : i32
      %dma_start3A_71 = arith.constant 128 : i32
      %dma_start3A_72 = arith.constant 0 : i32
      %dma_start3A_73 = tpu.memref_slice %arg9[%dma_start3A_71, %dma_start3A_72] : memref<384x64xf32, #tpu.memory_space<vmem>> -> memref<128x64xf32, #tpu.memory_space<vmem>>
      %dma_start3A_74 = arith.constant 0 : i32
      %dma_start3A_75 = tpu.memref_slice %arg7[%dma_start3A_70, %dma_start3A_74] : memref<3x128xi32, #tpu.memory_space<vmem>> -> memref<1x128xi32, #tpu.memory_space<vmem>>
      %dma_start3A_76 = tpu.memref_squeeze %dma_start3A_75 : memref<1x128xi32, #tpu.memory_space<vmem>> -> memref<128xi32, #tpu.memory_space<vmem>>
      %dma_start3A_77 = arith.constant 0 : i32
      %dma_start3A_78 = arith.constant 0 : i32
      %dma_start3A_79 = tpu.memref_slice %arg2[%dma_start3A_77, %dma_start3A_78] : memref<30000x64xf32, #tpu.memory_space<hbm>> -> memref<30000x64xf32, #tpu.memory_space<hbm>>
      tpu.enqueue_indirect_dma source(%dma_start3A_79 : memref<30000x64xf32, #tpu.memory_space<hbm>>) target(%dma_start3A_73 : memref<128x64xf32, #tpu.memory_space<vmem>>) offsets(%dma_start3A_76 : memref<128xi32, #tpu.memory_space<vmem>>) semaphore(%arg11 : memref<!tpu.dma_semaphore, #tpu.memory_space<semaphore_mem>>)
      %dma_start3A_80 = arith.constant 2 : i32
      %dma_start3A_81 = arith.constant 256 : i32
      %dma_start3A_82 = arith.constant 0 : i32
      %dma_start3A_83 = tpu.memref_slice %arg9[%dma_start3A_81, %dma_start3A_82] : memref<384x64xf32, #tpu.memory_space<vmem>> -> memref<128x64xf32, #tpu.memory_space<vmem>>
      %dma_start3A_84 = arith.constant 0 : i32
      %dma_start3A_85 = tpu.memref_slice %arg7[%dma_start3A_80, %dma_start3A_84] : memref<3x128xi32, #tpu.memory_space<vmem>> -> memref<1x128xi32, #tpu.memory_space<vmem>>
      %dma_start3A_86 = tpu.memref_squeeze %dma_start3A_85 : memref<1x128xi32, #tpu.memory_space<vmem>> -> memref<128xi32, #tpu.memory_space<vmem>>
      %dma_start3A_87 = arith.constant 0 : i32
      %dma_start3A_88 = arith.constant 0 : i32
      %dma_start3A_89 = tpu.memref_slice %arg2[%dma_start3A_87, %dma_start3A_88] : memref<30000x64xf32, #tpu.memory_space<hbm>> -> memref<30000x64xf32, #tpu.memory_space<hbm>>
      tpu.enqueue_indirect_dma source(%dma_start3A_89 : memref<30000x64xf32, #tpu.memory_space<hbm>>) target(%dma_start3A_83 : memref<128x64xf32, #tpu.memory_space<vmem>>) offsets(%dma_start3A_86 : memref<128xi32, #tpu.memory_space<vmem>>) semaphore(%arg11 : memref<!tpu.dma_semaphore, #tpu.memory_space<semaphore_mem>>)
      %dma_wait3A = arith.constant 0 : i32
      %dma_wait3A_90 = arith.constant 0 : i32
      %dma_wait3A_91 = arith.constant 0 : i32
      %dma_wait3A_92 = tpu.memref_slice %arg9[%dma_wait3A_90, %dma_wait3A_91] : memref<384x64xf32, #tpu.memory_space<vmem>> -> memref<128x64xf32, #tpu.memory_space<vmem>>
      %dma_wait3A_93 = arith.constant 0 : i32
      %dma_wait3A_94 = tpu.memref_slice %arg7[%dma_wait3A, %dma_wait3A_93] : memref<3x128xi32, #tpu.memory_space<vmem>> -> memref<1x128xi32, #tpu.memory_space<vmem>>
      %dma_wait3A_95 = tpu.memref_squeeze %dma_wait3A_94 : memref<1x128xi32, #tpu.memory_space<vmem>> -> memref<128xi32, #tpu.memory_space<vmem>>
      %dma_wait3A_96 = arith.constant 0 : i32
      %dma_wait3A_97 = arith.constant 0 : i32
      %dma_wait3A_98 = tpu.memref_slice %arg2[%dma_wait3A_96, %dma_wait3A_97] : memref<30000x64xf32, #tpu.memory_space<hbm>> -> memref<30000x64xf32, #tpu.memory_space<hbm>>
      tpu.wait_indirect_dma semaphore(%arg11 : memref<!tpu.dma_semaphore, #tpu.memory_space<semaphore_mem>>) src(%dma_wait3A_98 : memref<30000x64xf32, #tpu.memory_space<hbm>>) dst(%dma_wait3A_92 : memref<128x64xf32, #tpu.memory_space<vmem>>)
      %dma_wait3A_99 = arith.constant 1 : i32
      %dma_wait3A_100 = arith.constant 128 : i32
      %dma_wait3A_101 = arith.constant 0 : i32
      %dma_wait3A_102 = tpu.memref_slice %arg9[%dma_wait3A_100, %dma_wait3A_101] : memref<384x64xf32, #tpu.memory_space<vmem>> -> memref<128x64xf32, #tpu.memory_space<vmem>>
      %dma_wait3A_103 = arith.constant 0 : i32
      %dma_wait3A_104 = tpu.memref_slice %arg7[%dma_wait3A_99, %dma_wait3A_103] : memref<3x128xi32, #tpu.memory_space<vmem>> -> memref<1x128xi32, #tpu.memory_space<vmem>>
      %dma_wait3A_105 = tpu.memref_squeeze %dma_wait3A_104 : memref<1x128xi32, #tpu.memory_space<vmem>> -> memref<128xi32, #tpu.memory_space<vmem>>
      %dma_wait3A_106 = arith.constant 0 : i32
      %dma_wait3A_107 = arith.constant 0 : i32
      %dma_wait3A_108 = tpu.memref_slice %arg2[%dma_wait3A_106, %dma_wait3A_107] : memref<30000x64xf32, #tpu.memory_space<hbm>> -> memref<30000x64xf32, #tpu.memory_space<hbm>>
      tpu.wait_indirect_dma semaphore(%arg11 : memref<!tpu.dma_semaphore, #tpu.memory_space<semaphore_mem>>) src(%dma_wait3A_108 : memref<30000x64xf32, #tpu.memory_space<hbm>>) dst(%dma_wait3A_102 : memref<128x64xf32, #tpu.memory_space<vmem>>)
      %dma_wait3A_109 = arith.constant 2 : i32
      %dma_wait3A_110 = arith.constant 256 : i32
      %dma_wait3A_111 = arith.constant 0 : i32
      %dma_wait3A_112 = tpu.memref_slice %arg9[%dma_wait3A_110, %dma_wait3A_111] : memref<384x64xf32, #tpu.memory_space<vmem>> -> memref<128x64xf32, #tpu.memory_space<vmem>>
      %dma_wait3A_113 = arith.constant 0 : i32
      %dma_wait3A_114 = tpu.memref_slice %arg7[%dma_wait3A_109, %dma_wait3A_113] : memref<3x128xi32, #tpu.memory_space<vmem>> -> memref<1x128xi32, #tpu.memory_space<vmem>>
      %dma_wait3A_115 = tpu.memref_squeeze %dma_wait3A_114 : memref<1x128xi32, #tpu.memory_space<vmem>> -> memref<128xi32, #tpu.memory_space<vmem>>
      %dma_wait3A_116 = arith.constant 0 : i32
      %dma_wait3A_117 = arith.constant 0 : i32
      %dma_wait3A_118 = tpu.memref_slice %arg2[%dma_wait3A_116, %dma_wait3A_117] : memref<30000x64xf32, #tpu.memory_space<hbm>> -> memref<30000x64xf32, #tpu.memory_space<hbm>>
      tpu.wait_indirect_dma semaphore(%arg11 : memref<!tpu.dma_semaphore, #tpu.memory_space<semaphore_mem>>) src(%dma_wait3A_118 : memref<30000x64xf32, #tpu.memory_space<hbm>>) dst(%dma_wait3A_112 : memref<128x64xf32, #tpu.memory_space<vmem>>)
      %dma_start3A_119 = arith.constant 0 : i32
      %dma_start3A_120 = arith.constant 0 : i32
      %dma_start3A_121 = arith.constant 0 : i32
      %dma_start3A_122 = tpu.memref_slice %arg9[%dma_start3A_120, %dma_start3A_121] : memref<384x64xf32, #tpu.memory_space<vmem>> -> memref<128x64xf32, #tpu.memory_space<vmem>>
      %dma_start3A_123 = arith.constant 0 : i32
      %dma_start3A_124 = tpu.memref_slice %arg8[%dma_start3A_119, %dma_start3A_123] : memref<3x128xi32, #tpu.memory_space<vmem>> -> memref<1x128xi32, #tpu.memory_space<vmem>>
      %dma_start3A_125 = tpu.memref_squeeze %dma_start3A_124 : memref<1x128xi32, #tpu.memory_space<vmem>> -> memref<128xi32, #tpu.memory_space<vmem>>
      %dma_start3A_126 = arith.constant 0 : i32
      %dma_start3A_127 = arith.constant 0 : i32
      %dma_start3A_128 = tpu.memref_slice %arg10[%dma_start3A_126, %dma_start3A_127] : memref<20016x64xf32, #tpu.memory_space<vmem_shared>> -> memref<20016x64xf32, #tpu.memory_space<vmem_shared>>
      tpu.enqueue_indirect_dma source(%dma_start3A_122 : memref<128x64xf32, #tpu.memory_space<vmem>>) target(%dma_start3A_128 : memref<20016x64xf32, #tpu.memory_space<vmem_shared>>) offsets(%dma_start3A_125 : memref<128xi32, #tpu.memory_space<vmem>>) semaphore(%arg11 : memref<!tpu.dma_semaphore, #tpu.memory_space<semaphore_mem>>) {add = true}
      %dma_start3A_129 = arith.constant 1 : i32
      %dma_start3A_130 = arith.constant 128 : i32
      %dma_start3A_131 = arith.constant 0 : i32
      %dma_start3A_132 = tpu.memref_slice %arg9[%dma_start3A_130, %dma_start3A_131] : memref<384x64xf32, #tpu.memory_space<vmem>> -> memref<128x64xf32, #tpu.memory_space<vmem>>
      %dma_start3A_133 = arith.constant 0 : i32
      %dma_start3A_134 = tpu.memref_slice %arg8[%dma_start3A_129, %dma_start3A_133] : memref<3x128xi32, #tpu.memory_space<vmem>> -> memref<1x128xi32, #tpu.memory_space<vmem>>
      %dma_start3A_135 = tpu.memref_squeeze %dma_start3A_134 : memref<1x128xi32, #tpu.memory_space<vmem>> -> memref<128xi32, #tpu.memory_space<vmem>>
      %dma_start3A_136 = arith.constant 0 : i32
      %dma_start3A_137 = arith.constant 0 : i32
      %dma_start3A_138 = tpu.memref_slice %arg10[%dma_start3A_136, %dma_start3A_137] : memref<20016x64xf32, #tpu.memory_space<vmem_shared>> -> memref<20016x64xf32, #tpu.memory_space<vmem_shared>>
      tpu.enqueue_indirect_dma source(%dma_start3A_132 : memref<128x64xf32, #tpu.memory_space<vmem>>) target(%dma_start3A_138 : memref<20016x64xf32, #tpu.memory_space<vmem_shared>>) offsets(%dma_start3A_135 : memref<128xi32, #tpu.memory_space<vmem>>) semaphore(%arg11 : memref<!tpu.dma_semaphore, #tpu.memory_space<semaphore_mem>>) {add = true}
      %dma_start3A_139 = arith.constant 2 : i32
      %dma_start3A_140 = arith.constant 256 : i32
      %dma_start3A_141 = arith.constant 0 : i32
      %dma_start3A_142 = tpu.memref_slice %arg9[%dma_start3A_140, %dma_start3A_141] : memref<384x64xf32, #tpu.memory_space<vmem>> -> memref<128x64xf32, #tpu.memory_space<vmem>>
      %dma_start3A_143 = arith.constant 0 : i32
      %dma_start3A_144 = tpu.memref_slice %arg8[%dma_start3A_139, %dma_start3A_143] : memref<3x128xi32, #tpu.memory_space<vmem>> -> memref<1x128xi32, #tpu.memory_space<vmem>>
      %dma_start3A_145 = tpu.memref_squeeze %dma_start3A_144 : memref<1x128xi32, #tpu.memory_space<vmem>> -> memref<128xi32, #tpu.memory_space<vmem>>
      %dma_start3A_146 = arith.constant 0 : i32
      %dma_start3A_147 = arith.constant 0 : i32
      %dma_start3A_148 = tpu.memref_slice %arg10[%dma_start3A_146, %dma_start3A_147] : memref<20016x64xf32, #tpu.memory_space<vmem_shared>> -> memref<20016x64xf32, #tpu.memory_space<vmem_shared>>
      tpu.enqueue_indirect_dma source(%dma_start3A_142 : memref<128x64xf32, #tpu.memory_space<vmem>>) target(%dma_start3A_148 : memref<20016x64xf32, #tpu.memory_space<vmem_shared>>) offsets(%dma_start3A_145 : memref<128xi32, #tpu.memory_space<vmem>>) semaphore(%arg11 : memref<!tpu.dma_semaphore, #tpu.memory_space<semaphore_mem>>) {add = true}
      %dma_wait3A_149 = arith.constant 0 : i32
      %dma_wait3A_150 = arith.constant 0 : i32
      %dma_wait3A_151 = arith.constant 0 : i32
      %dma_wait3A_152 = tpu.memref_slice %arg9[%dma_wait3A_150, %dma_wait3A_151] : memref<384x64xf32, #tpu.memory_space<vmem>> -> memref<128x64xf32, #tpu.memory_space<vmem>>
      %dma_wait3A_153 = arith.constant 0 : i32
      %dma_wait3A_154 = tpu.memref_slice %arg8[%dma_wait3A_149, %dma_wait3A_153] : memref<3x128xi32, #tpu.memory_space<vmem>> -> memref<1x128xi32, #tpu.memory_space<vmem>>
      %dma_wait3A_155 = tpu.memref_squeeze %dma_wait3A_154 : memref<1x128xi32, #tpu.memory_space<vmem>> -> memref<128xi32, #tpu.memory_space<vmem>>
      %dma_wait3A_156 = arith.constant 0 : i32
      %dma_wait3A_157 = arith.constant 0 : i32
      %dma_wait3A_158 = tpu.memref_slice %arg10[%dma_wait3A_156, %dma_wait3A_157] : memref<20016x64xf32, #tpu.memory_space<vmem_shared>> -> memref<20016x64xf32, #tpu.memory_space<vmem_shared>>
      tpu.wait_indirect_dma semaphore(%arg11 : memref<!tpu.dma_semaphore, #tpu.memory_space<semaphore_mem>>) src(%dma_wait3A_152 : memref<128x64xf32, #tpu.memory_space<vmem>>) dst(%dma_wait3A_158 : memref<20016x64xf32, #tpu.memory_space<vmem_shared>>)
      %dma_wait3A_159 = arith.constant 1 : i32
      %dma_wait3A_160 = arith.constant 128 : i32
      %dma_wait3A_161 = arith.constant 0 : i32
      %dma_wait3A_162 = tpu.memref_slice %arg9[%dma_wait3A_160, %dma_wait3A_161] : memref<384x64xf32, #tpu.memory_space<vmem>> -> memref<128x64xf32, #tpu.memory_space<vmem>>
      %dma_wait3A_163 = arith.constant 0 : i32
      %dma_wait3A_164 = tpu.memref_slice %arg8[%dma_wait3A_159, %dma_wait3A_163] : memref<3x128xi32, #tpu.memory_space<vmem>> -> memref<1x128xi32, #tpu.memory_space<vmem>>
      %dma_wait3A_165 = tpu.memref_squeeze %dma_wait3A_164 : memref<1x128xi32, #tpu.memory_space<vmem>> -> memref<128xi32, #tpu.memory_space<vmem>>
      %dma_wait3A_166 = arith.constant 0 : i32
      %dma_wait3A_167 = arith.constant 0 : i32
      %dma_wait3A_168 = tpu.memref_slice %arg10[%dma_wait3A_166, %dma_wait3A_167] : memref<20016x64xf32, #tpu.memory_space<vmem_shared>> -> memref<20016x64xf32, #tpu.memory_space<vmem_shared>>
      tpu.wait_indirect_dma semaphore(%arg11 : memref<!tpu.dma_semaphore, #tpu.memory_space<semaphore_mem>>) src(%dma_wait3A_162 : memref<128x64xf32, #tpu.memory_space<vmem>>) dst(%dma_wait3A_168 : memref<20016x64xf32, #tpu.memory_space<vmem_shared>>)
      %dma_wait3A_169 = arith.constant 2 : i32
      %dma_wait3A_170 = arith.constant 256 : i32
      %dma_wait3A_171 = arith.constant 0 : i32
      %dma_wait3A_172 = tpu.memref_slice %arg9[%dma_wait3A_170, %dma_wait3A_171] : memref<384x64xf32, #tpu.memory_space<vmem>> -> memref<128x64xf32, #tpu.memory_space<vmem>>
      %dma_wait3A_173 = arith.constant 0 : i32
      %dma_wait3A_174 = tpu.memref_slice %arg8[%dma_wait3A_169, %dma_wait3A_173] : memref<3x128xi32, #tpu.memory_space<vmem>> -> memref<1x128xi32, #tpu.memory_space<vmem>>
      %dma_wait3A_175 = tpu.memref_squeeze %dma_wait3A_174 : memref<1x128xi32, #tpu.memory_space<vmem>> -> memref<128xi32, #tpu.memory_space<vmem>>
      %dma_wait3A_176 = arith.constant 0 : i32
      %dma_wait3A_177 = arith.constant 0 : i32
      %dma_wait3A_178 = tpu.memref_slice %arg10[%dma_wait3A_176, %dma_wait3A_177] : memref<20016x64xf32, #tpu.memory_space<vmem_shared>> -> memref<20016x64xf32, #tpu.memory_space<vmem_shared>>
      tpu.wait_indirect_dma semaphore(%arg11 : memref<!tpu.dma_semaphore, #tpu.memory_space<semaphore_mem>>) src(%dma_wait3A_172 : memref<128x64xf32, #tpu.memory_space<vmem>>) dst(%dma_wait3A_178 : memref<20016x64xf32, #tpu.memory_space<vmem_shared>>)
    }
    %scan3A_11 = arith.constant 49 : i32
    %barrier3A_12 = arith.constant 0 : index
    tpu.barrier barrier_id(%barrier3A_12)
    %mul3A_13 = arith.constant 1251 : i32
    %mul3A_14 = arith.muli %arg1, %mul3A_13 : i32
    %mul3A_15 = arith.constant 1251 : i32
    %mul3A_16 = arith.muli %arg1, %mul3A_15 : i32
    "tpu.region"() ({
      %run_scoped3A = tpu.sem_alloc : memref<!tpu.dma_semaphore, #tpu.memory_space<semaphore_mem>>
      %dma_start3A = arith.constant 0 : i32
      %dma_start3A_17 = tpu.memref_slice %arg6[%arg0, %mul3A_16, %dma_start3A] : memref<2x20016x64xf32, #tpu.memory_space<hbm>> -> memref<1x1251x64xf32, #tpu.memory_space<hbm>>
      %dma_start3A_18 = tpu.memref_squeeze %dma_start3A_17 : memref<1x1251x64xf32, #tpu.memory_space<hbm>> -> memref<1251x64xf32, #tpu.memory_space<hbm>>
      %dma_start3A_19 = arith.constant 0 : i32
      %dma_start3A_20 = tpu.memref_slice %arg10[%mul3A_14, %dma_start3A_19] : memref<20016x64xf32, #tpu.memory_space<vmem_shared>> -> memref<1251x64xf32, #tpu.memory_space<vmem_shared>>
      tpu.enqueue_dma source(%dma_start3A_20 : memref<1251x64xf32, #tpu.memory_space<vmem_shared>>) target(%dma_start3A_18 : memref<1251x64xf32, #tpu.memory_space<hbm>>) target_semaphore(%run_scoped3A : memref<!tpu.dma_semaphore, #tpu.memory_space<semaphore_mem>>)
      %dma_wait3A = arith.constant 0 : i32
      %dma_wait3A_21 = tpu.memref_slice %arg6[%arg0, %mul3A_16, %dma_wait3A] : memref<2x20016x64xf32, #tpu.memory_space<hbm>> -> memref<1x1251x64xf32, #tpu.memory_space<hbm>>
      %dma_wait3A_22 = tpu.memref_squeeze %dma_wait3A_21 : memref<1x1251x64xf32, #tpu.memory_space<hbm>> -> memref<1251x64xf32, #tpu.memory_space<hbm>>
      %dma_wait3A_23 = arith.constant 0 : i32
      %dma_wait3A_24 = tpu.memref_slice %arg10[%mul3A_14, %dma_wait3A_23] : memref<20016x64xf32, #tpu.memory_space<vmem_shared>> -> memref<1251x64xf32, #tpu.memory_space<vmem_shared>>
      tpu.wait_dma2 semaphore(%run_scoped3A : memref<!tpu.dma_semaphore, #tpu.memory_space<semaphore_mem>>) src(%dma_wait3A_24 : memref<1251x64xf32, #tpu.memory_space<vmem_shared>>) dst(%dma_wait3A_22 : memref<1251x64xf32, #tpu.memory_space<hbm>>)
      tpu.yield
    }) : () -> ()
    return
  }
}

#map = affine_map<(d0, d1) -> (0, 0)>
#map1 = affine_map<(d0, d1) -> (0, 0, 0)>
module attributes {stable_mosaic.version = 14 : i64} {
  func.func @k(%arg0: i32, %arg1: i32, %arg2: memref<802816x32xf32, #tpu.memory_space<hbm>>, %arg3: memref<6272x128xi32, #tpu.memory_space<hbm>>, %arg4: memref<50016x32xf32, #tpu.memory_space<hbm>>, %arg5: memref<2x50016x32xf32, #tpu.memory_space<hbm>>, %arg6: memref<7x128xi32, #tpu.memory_space<vmem>>, %arg7: memref<896x32xf32, #tpu.memory_space<vmem>>, %arg8: memref<50016x32xf32, #tpu.memory_space<vmem_shared>>, %arg9: memref<!tpu.dma_semaphore, #tpu.memory_space<semaphore_mem>>) attributes {dimension_semantics = [#tpu.dimension_semantics<core_parallel>, #tpu.dimension_semantics<subcore_parallel>], iteration_bounds = array<i64: 2, 16>, scalar_prefetch = 0 : i64, scratch_operands = 4 : i64, tpu.core_type = #tpu.core_type<sc_vector_subcore>, window_params = [{transform_indices = #map}, {transform_indices = #map}, {transform_indices = #map}, {transform_indices = #map1}]} {
    %mul3A = arith.constant 2 : i32
    %mul3A_0 = arith.muli %arg1, %mul3A : i32
    %add3A = arith.addi %mul3A_0, %arg0 : i32
    %mul3A_1 = arith.constant 25088 : i32
    %mul3A_2 = arith.muli %add3A, %mul3A_1 : i32
    %mul3A_3 = arith.constant 3126 : i32
    %mul3A_4 = arith.muli %arg1, %mul3A_3 : i32
    %mul3A_5 = arith.constant 3126 : i32
    %mul3A_6 = arith.muli %arg1, %mul3A_5 : i32
    "tpu.region"() ({
      %run_scoped3A = tpu.sem_alloc : memref<!tpu.dma_semaphore, #tpu.memory_space<semaphore_mem>>
      %dma_start3A = arith.constant 0 : i32
      %dma_start3A_17 = tpu.memref_slice %arg8[%mul3A_6, %dma_start3A] : memref<50016x32xf32, #tpu.memory_space<vmem_shared>> -> memref<3126x32xf32, #tpu.memory_space<vmem_shared>>
      %dma_start3A_18 = arith.constant 0 : i32
      %dma_start3A_19 = tpu.memref_slice %arg4[%mul3A_4, %dma_start3A_18] : memref<50016x32xf32, #tpu.memory_space<hbm>> -> memref<3126x32xf32, #tpu.memory_space<hbm>>
      tpu.enqueue_dma source(%dma_start3A_19 : memref<3126x32xf32, #tpu.memory_space<hbm>>) target(%dma_start3A_17 : memref<3126x32xf32, #tpu.memory_space<vmem_shared>>) target_semaphore(%run_scoped3A : memref<!tpu.dma_semaphore, #tpu.memory_space<semaphore_mem>>)
      %dma_wait3A = arith.constant 0 : i32
      %dma_wait3A_20 = tpu.memref_slice %arg8[%mul3A_6, %dma_wait3A] : memref<50016x32xf32, #tpu.memory_space<vmem_shared>> -> memref<3126x32xf32, #tpu.memory_space<vmem_shared>>
      %dma_wait3A_21 = arith.constant 0 : i32
      %dma_wait3A_22 = tpu.memref_slice %arg4[%mul3A_4, %dma_wait3A_21] : memref<50016x32xf32, #tpu.memory_space<hbm>> -> memref<3126x32xf32, #tpu.memory_space<hbm>>
      tpu.wait_dma2 semaphore(%run_scoped3A : memref<!tpu.dma_semaphore, #tpu.memory_space<semaphore_mem>>) src(%dma_wait3A_22 : memref<3126x32xf32, #tpu.memory_space<hbm>>) dst(%dma_wait3A_20 : memref<3126x32xf32, #tpu.memory_space<vmem_shared>>)
      tpu.yield
    }) : () -> ()
    %barrier3A = arith.constant 0 : index
    tpu.barrier barrier_id(%barrier3A)
    %scan3A = arith.constant 0 : i32
    %scan3A_7 = arith.constant 0 : i32
    %scan3A_8 = arith.constant 28 : i32
    %scan3A_9 = arith.addi %scan3A_7, %scan3A_8 : i32
    %scan3A_10 = arith.constant 1 : i32
    scf.for %scan3A_17 = %scan3A_7 to %scan3A_9 step %scan3A_10  : i32 {
      %mul3A_18 = arith.constant 896 : i32
      %mul3A_19 = arith.muli %scan3A_17, %mul3A_18 : i32
      %add3A_20 = arith.addi %mul3A_2, %mul3A_19 : i32
      %jit3A = arith.constant 128 : i32
      %div3A = arith.divsi %add3A_20, %jit3A : i32
      %sign3A = arith.constant 0 : i32
      %sign3A_21 = arith.cmpi sgt, %add3A_20, %sign3A : i32
      %sign3A_22 = arith.extui %sign3A_21 : i1 to i32
      %sign3A_23 = arith.constant 0 : i32
      %sign3A_24 = arith.cmpi slt, %add3A_20, %sign3A_23 : i32
      %sign3A_25 = arith.extui %sign3A_24 : i1 to i32
      %sign3A_26 = arith.subi %sign3A_22, %sign3A_25 : i32
      %sign3A_27 = arith.constant 0 : i32
      %sign3A_28 = arith.cmpi sgt, %jit3A, %sign3A_27 : i32
      %sign3A_29 = arith.extui %sign3A_28 : i1 to i32
      %sign3A_30 = arith.constant 0 : i32
      %sign3A_31 = arith.cmpi slt, %jit3A, %sign3A_30 : i32
      %sign3A_32 = arith.extui %sign3A_31 : i1 to i32
      %sign3A_33 = arith.subi %sign3A_29, %sign3A_32 : i32
      %ne3A = arith.cmpi ne, %sign3A_26, %sign3A_33 : i32
      %rem3A = arith.remsi %add3A_20, %jit3A : i32
      %ne3A_34 = arith.constant 0 : i32
      %ne3A_35 = arith.cmpi ne, %rem3A, %ne3A_34 : i32
      %and3A = arith.andi %ne3A, %ne3A_35 : i1
      %sub3A = arith.constant 1 : i32
      %sub3A_36 = arith.subi %div3A, %sub3A : i32
      %select_n3A = arith.select %and3A, %sub3A_36, %div3A : i32
      "tpu.region"() ({
        %run_scoped3A = tpu.sem_alloc : memref<!tpu.dma_semaphore, #tpu.memory_space<semaphore_mem>>
        %dma_start3A_175 = arith.constant 0 : i32
        %dma_start3A_176 = tpu.memref_slice %arg3[%select_n3A, %dma_start3A_175] : memref<6272x128xi32, #tpu.memory_space<hbm>> -> memref<7x128xi32, #tpu.memory_space<hbm>>
        %dma_start3A_177 = arith.constant 0 : i32
        %dma_start3A_178 = tpu.memref_slice %arg3[%select_n3A, %dma_start3A_177] : memref<6272x128xi32, #tpu.memory_space<hbm>> -> memref<7x128xi32, #tpu.memory_space<hbm>>
        tpu.enqueue_dma source(%dma_start3A_178 : memref<7x128xi32, #tpu.memory_space<hbm>>) target(%arg6 : memref<7x128xi32, #tpu.memory_space<vmem>>) target_semaphore(%run_scoped3A : memref<!tpu.dma_semaphore, #tpu.memory_space<semaphore_mem>>)
        %dma_wait3A_179 = arith.constant 0 : i32
        %dma_wait3A_180 = tpu.memref_slice %arg3[%select_n3A, %dma_wait3A_179] : memref<6272x128xi32, #tpu.memory_space<hbm>> -> memref<7x128xi32, #tpu.memory_space<hbm>>
        %dma_wait3A_181 = arith.constant 0 : i32
        %dma_wait3A_182 = tpu.memref_slice %arg3[%select_n3A, %dma_wait3A_181] : memref<6272x128xi32, #tpu.memory_space<hbm>> -> memref<7x128xi32, #tpu.memory_space<hbm>>
        tpu.wait_dma2 semaphore(%run_scoped3A : memref<!tpu.dma_semaphore, #tpu.memory_space<semaphore_mem>>) src(%dma_wait3A_182 : memref<7x128xi32, #tpu.memory_space<hbm>>) dst(%arg6 : memref<7x128xi32, #tpu.memory_space<vmem>>)
        tpu.yield
      }) : () -> ()
      "tpu.region"() ({
        %run_scoped3A = tpu.sem_alloc : memref<!tpu.dma_semaphore, #tpu.memory_space<semaphore_mem>>
        %dma_start3A_175 = arith.constant 0 : i32
        %dma_start3A_176 = tpu.memref_slice %arg2[%add3A_20, %dma_start3A_175] : memref<802816x32xf32, #tpu.memory_space<hbm>> -> memref<896x32xf32, #tpu.memory_space<hbm>>
        %dma_start3A_177 = arith.constant 0 : i32
        %dma_start3A_178 = tpu.memref_slice %arg2[%add3A_20, %dma_start3A_177] : memref<802816x32xf32, #tpu.memory_space<hbm>> -> memref<896x32xf32, #tpu.memory_space<hbm>>
        tpu.enqueue_dma source(%dma_start3A_178 : memref<896x32xf32, #tpu.memory_space<hbm>>) target(%arg7 : memref<896x32xf32, #tpu.memory_space<vmem>>) target_semaphore(%run_scoped3A : memref<!tpu.dma_semaphore, #tpu.memory_space<semaphore_mem>>)
        %dma_wait3A_179 = arith.constant 0 : i32
        %dma_wait3A_180 = tpu.memref_slice %arg2[%add3A_20, %dma_wait3A_179] : memref<802816x32xf32, #tpu.memory_space<hbm>> -> memref<896x32xf32, #tpu.memory_space<hbm>>
        %dma_wait3A_181 = arith.constant 0 : i32
        %dma_wait3A_182 = tpu.memref_slice %arg2[%add3A_20, %dma_wait3A_181] : memref<802816x32xf32, #tpu.memory_space<hbm>> -> memref<896x32xf32, #tpu.memory_space<hbm>>
        tpu.wait_dma2 semaphore(%run_scoped3A : memref<!tpu.dma_semaphore, #tpu.memory_space<semaphore_mem>>) src(%dma_wait3A_182 : memref<896x32xf32, #tpu.memory_space<hbm>>) dst(%arg7 : memref<896x32xf32, #tpu.memory_space<vmem>>)
        tpu.yield
      }) : () -> ()
      %dma_start3A = arith.constant 0 : i32
      %dma_start3A_37 = arith.constant 0 : i32
      %dma_start3A_38 = arith.constant 0 : i32
      %dma_start3A_39 = tpu.memref_slice %arg7[%dma_start3A_37, %dma_start3A_38] : memref<896x32xf32, #tpu.memory_space<vmem>> -> memref<128x32xf32, #tpu.memory_space<vmem>>
      %dma_start3A_40 = arith.constant 0 : i32
      %dma_start3A_41 = tpu.memref_slice %arg6[%dma_start3A, %dma_start3A_40] : memref<7x128xi32, #tpu.memory_space<vmem>> -> memref<1x128xi32, #tpu.memory_space<vmem>>
      %dma_start3A_42 = tpu.memref_squeeze %dma_start3A_41 : memref<1x128xi32, #tpu.memory_space<vmem>> -> memref<128xi32, #tpu.memory_space<vmem>>
      %dma_start3A_43 = arith.constant 0 : i32
      %dma_start3A_44 = arith.constant 0 : i32
      %dma_start3A_45 = tpu.memref_slice %arg8[%dma_start3A_43, %dma_start3A_44] : memref<50016x32xf32, #tpu.memory_space<vmem_shared>> -> memref<50016x32xf32, #tpu.memory_space<vmem_shared>>
      tpu.enqueue_indirect_dma source(%dma_start3A_39 : memref<128x32xf32, #tpu.memory_space<vmem>>) target(%dma_start3A_45 : memref<50016x32xf32, #tpu.memory_space<vmem_shared>>) offsets(%dma_start3A_42 : memref<128xi32, #tpu.memory_space<vmem>>) semaphore(%arg9 : memref<!tpu.dma_semaphore, #tpu.memory_space<semaphore_mem>>) {add = true}
      %dma_start3A_46 = arith.constant 1 : i32
      %dma_start3A_47 = arith.constant 128 : i32
      %dma_start3A_48 = arith.constant 0 : i32
      %dma_start3A_49 = tpu.memref_slice %arg7[%dma_start3A_47, %dma_start3A_48] : memref<896x32xf32, #tpu.memory_space<vmem>> -> memref<128x32xf32, #tpu.memory_space<vmem>>
      %dma_start3A_50 = arith.constant 0 : i32
      %dma_start3A_51 = tpu.memref_slice %arg6[%dma_start3A_46, %dma_start3A_50] : memref<7x128xi32, #tpu.memory_space<vmem>> -> memref<1x128xi32, #tpu.memory_space<vmem>>
      %dma_start3A_52 = tpu.memref_squeeze %dma_start3A_51 : memref<1x128xi32, #tpu.memory_space<vmem>> -> memref<128xi32, #tpu.memory_space<vmem>>
      %dma_start3A_53 = arith.constant 0 : i32
      %dma_start3A_54 = arith.constant 0 : i32
      %dma_start3A_55 = tpu.memref_slice %arg8[%dma_start3A_53, %dma_start3A_54] : memref<50016x32xf32, #tpu.memory_space<vmem_shared>> -> memref<50016x32xf32, #tpu.memory_space<vmem_shared>>
      tpu.enqueue_indirect_dma source(%dma_start3A_49 : memref<128x32xf32, #tpu.memory_space<vmem>>) target(%dma_start3A_55 : memref<50016x32xf32, #tpu.memory_space<vmem_shared>>) offsets(%dma_start3A_52 : memref<128xi32, #tpu.memory_space<vmem>>) semaphore(%arg9 : memref<!tpu.dma_semaphore, #tpu.memory_space<semaphore_mem>>) {add = true}
      %dma_start3A_56 = arith.constant 2 : i32
      %dma_start3A_57 = arith.constant 256 : i32
      %dma_start3A_58 = arith.constant 0 : i32
      %dma_start3A_59 = tpu.memref_slice %arg7[%dma_start3A_57, %dma_start3A_58] : memref<896x32xf32, #tpu.memory_space<vmem>> -> memref<128x32xf32, #tpu.memory_space<vmem>>
      %dma_start3A_60 = arith.constant 0 : i32
      %dma_start3A_61 = tpu.memref_slice %arg6[%dma_start3A_56, %dma_start3A_60] : memref<7x128xi32, #tpu.memory_space<vmem>> -> memref<1x128xi32, #tpu.memory_space<vmem>>
      %dma_start3A_62 = tpu.memref_squeeze %dma_start3A_61 : memref<1x128xi32, #tpu.memory_space<vmem>> -> memref<128xi32, #tpu.memory_space<vmem>>
      %dma_start3A_63 = arith.constant 0 : i32
      %dma_start3A_64 = arith.constant 0 : i32
      %dma_start3A_65 = tpu.memref_slice %arg8[%dma_start3A_63, %dma_start3A_64] : memref<50016x32xf32, #tpu.memory_space<vmem_shared>> -> memref<50016x32xf32, #tpu.memory_space<vmem_shared>>
      tpu.enqueue_indirect_dma source(%dma_start3A_59 : memref<128x32xf32, #tpu.memory_space<vmem>>) target(%dma_start3A_65 : memref<50016x32xf32, #tpu.memory_space<vmem_shared>>) offsets(%dma_start3A_62 : memref<128xi32, #tpu.memory_space<vmem>>) semaphore(%arg9 : memref<!tpu.dma_semaphore, #tpu.memory_space<semaphore_mem>>) {add = true}
      %dma_start3A_66 = arith.constant 3 : i32
      %dma_start3A_67 = arith.constant 384 : i32
      %dma_start3A_68 = arith.constant 0 : i32
      %dma_start3A_69 = tpu.memref_slice %arg7[%dma_start3A_67, %dma_start3A_68] : memref<896x32xf32, #tpu.memory_space<vmem>> -> memref<128x32xf32, #tpu.memory_space<vmem>>
      %dma_start3A_70 = arith.constant 0 : i32
      %dma_start3A_71 = tpu.memref_slice %arg6[%dma_start3A_66, %dma_start3A_70] : memref<7x128xi32, #tpu.memory_space<vmem>> -> memref<1x128xi32, #tpu.memory_space<vmem>>
      %dma_start3A_72 = tpu.memref_squeeze %dma_start3A_71 : memref<1x128xi32, #tpu.memory_space<vmem>> -> memref<128xi32, #tpu.memory_space<vmem>>
      %dma_start3A_73 = arith.constant 0 : i32
      %dma_start3A_74 = arith.constant 0 : i32
      %dma_start3A_75 = tpu.memref_slice %arg8[%dma_start3A_73, %dma_start3A_74] : memref<50016x32xf32, #tpu.memory_space<vmem_shared>> -> memref<50016x32xf32, #tpu.memory_space<vmem_shared>>
      tpu.enqueue_indirect_dma source(%dma_start3A_69 : memref<128x32xf32, #tpu.memory_space<vmem>>) target(%dma_start3A_75 : memref<50016x32xf32, #tpu.memory_space<vmem_shared>>) offsets(%dma_start3A_72 : memref<128xi32, #tpu.memory_space<vmem>>) semaphore(%arg9 : memref<!tpu.dma_semaphore, #tpu.memory_space<semaphore_mem>>) {add = true}
      %dma_start3A_76 = arith.constant 4 : i32
      %dma_start3A_77 = arith.constant 512 : i32
      %dma_start3A_78 = arith.constant 0 : i32
      %dma_start3A_79 = tpu.memref_slice %arg7[%dma_start3A_77, %dma_start3A_78] : memref<896x32xf32, #tpu.memory_space<vmem>> -> memref<128x32xf32, #tpu.memory_space<vmem>>
      %dma_start3A_80 = arith.constant 0 : i32
      %dma_start3A_81 = tpu.memref_slice %arg6[%dma_start3A_76, %dma_start3A_80] : memref<7x128xi32, #tpu.memory_space<vmem>> -> memref<1x128xi32, #tpu.memory_space<vmem>>
      %dma_start3A_82 = tpu.memref_squeeze %dma_start3A_81 : memref<1x128xi32, #tpu.memory_space<vmem>> -> memref<128xi32, #tpu.memory_space<vmem>>
      %dma_start3A_83 = arith.constant 0 : i32
      %dma_start3A_84 = arith.constant 0 : i32
      %dma_start3A_85 = tpu.memref_slice %arg8[%dma_start3A_83, %dma_start3A_84] : memref<50016x32xf32, #tpu.memory_space<vmem_shared>> -> memref<50016x32xf32, #tpu.memory_space<vmem_shared>>
      tpu.enqueue_indirect_dma source(%dma_start3A_79 : memref<128x32xf32, #tpu.memory_space<vmem>>) target(%dma_start3A_85 : memref<50016x32xf32, #tpu.memory_space<vmem_shared>>) offsets(%dma_start3A_82 : memref<128xi32, #tpu.memory_space<vmem>>) semaphore(%arg9 : memref<!tpu.dma_semaphore, #tpu.memory_space<semaphore_mem>>) {add = true}
      %dma_start3A_86 = arith.constant 5 : i32
      %dma_start3A_87 = arith.constant 640 : i32
      %dma_start3A_88 = arith.constant 0 : i32
      %dma_start3A_89 = tpu.memref_slice %arg7[%dma_start3A_87, %dma_start3A_88] : memref<896x32xf32, #tpu.memory_space<vmem>> -> memref<128x32xf32, #tpu.memory_space<vmem>>
      %dma_start3A_90 = arith.constant 0 : i32
      %dma_start3A_91 = tpu.memref_slice %arg6[%dma_start3A_86, %dma_start3A_90] : memref<7x128xi32, #tpu.memory_space<vmem>> -> memref<1x128xi32, #tpu.memory_space<vmem>>
      %dma_start3A_92 = tpu.memref_squeeze %dma_start3A_91 : memref<1x128xi32, #tpu.memory_space<vmem>> -> memref<128xi32, #tpu.memory_space<vmem>>
      %dma_start3A_93 = arith.constant 0 : i32
      %dma_start3A_94 = arith.constant 0 : i32
      %dma_start3A_95 = tpu.memref_slice %arg8[%dma_start3A_93, %dma_start3A_94] : memref<50016x32xf32, #tpu.memory_space<vmem_shared>> -> memref<50016x32xf32, #tpu.memory_space<vmem_shared>>
      tpu.enqueue_indirect_dma source(%dma_start3A_89 : memref<128x32xf32, #tpu.memory_space<vmem>>) target(%dma_start3A_95 : memref<50016x32xf32, #tpu.memory_space<vmem_shared>>) offsets(%dma_start3A_92 : memref<128xi32, #tpu.memory_space<vmem>>) semaphore(%arg9 : memref<!tpu.dma_semaphore, #tpu.memory_space<semaphore_mem>>) {add = true}
      %dma_start3A_96 = arith.constant 6 : i32
      %dma_start3A_97 = arith.constant 768 : i32
      %dma_start3A_98 = arith.constant 0 : i32
      %dma_start3A_99 = tpu.memref_slice %arg7[%dma_start3A_97, %dma_start3A_98] : memref<896x32xf32, #tpu.memory_space<vmem>> -> memref<128x32xf32, #tpu.memory_space<vmem>>
      %dma_start3A_100 = arith.constant 0 : i32
      %dma_start3A_101 = tpu.memref_slice %arg6[%dma_start3A_96, %dma_start3A_100] : memref<7x128xi32, #tpu.memory_space<vmem>> -> memref<1x128xi32, #tpu.memory_space<vmem>>
      %dma_start3A_102 = tpu.memref_squeeze %dma_start3A_101 : memref<1x128xi32, #tpu.memory_space<vmem>> -> memref<128xi32, #tpu.memory_space<vmem>>
      %dma_start3A_103 = arith.constant 0 : i32
      %dma_start3A_104 = arith.constant 0 : i32
      %dma_start3A_105 = tpu.memref_slice %arg8[%dma_start3A_103, %dma_start3A_104] : memref<50016x32xf32, #tpu.memory_space<vmem_shared>> -> memref<50016x32xf32, #tpu.memory_space<vmem_shared>>
      tpu.enqueue_indirect_dma source(%dma_start3A_99 : memref<128x32xf32, #tpu.memory_space<vmem>>) target(%dma_start3A_105 : memref<50016x32xf32, #tpu.memory_space<vmem_shared>>) offsets(%dma_start3A_102 : memref<128xi32, #tpu.memory_space<vmem>>) semaphore(%arg9 : memref<!tpu.dma_semaphore, #tpu.memory_space<semaphore_mem>>) {add = true}
      %dma_wait3A = arith.constant 0 : i32
      %dma_wait3A_106 = arith.constant 0 : i32
      %dma_wait3A_107 = arith.constant 0 : i32
      %dma_wait3A_108 = tpu.memref_slice %arg7[%dma_wait3A_106, %dma_wait3A_107] : memref<896x32xf32, #tpu.memory_space<vmem>> -> memref<128x32xf32, #tpu.memory_space<vmem>>
      %dma_wait3A_109 = arith.constant 0 : i32
      %dma_wait3A_110 = tpu.memref_slice %arg6[%dma_wait3A, %dma_wait3A_109] : memref<7x128xi32, #tpu.memory_space<vmem>> -> memref<1x128xi32, #tpu.memory_space<vmem>>
      %dma_wait3A_111 = tpu.memref_squeeze %dma_wait3A_110 : memref<1x128xi32, #tpu.memory_space<vmem>> -> memref<128xi32, #tpu.memory_space<vmem>>
      %dma_wait3A_112 = arith.constant 0 : i32
      %dma_wait3A_113 = arith.constant 0 : i32
      %dma_wait3A_114 = tpu.memref_slice %arg8[%dma_wait3A_112, %dma_wait3A_113] : memref<50016x32xf32, #tpu.memory_space<vmem_shared>> -> memref<50016x32xf32, #tpu.memory_space<vmem_shared>>
      tpu.wait_indirect_dma semaphore(%arg9 : memref<!tpu.dma_semaphore, #tpu.memory_space<semaphore_mem>>) src(%dma_wait3A_108 : memref<128x32xf32, #tpu.memory_space<vmem>>) dst(%dma_wait3A_114 : memref<50016x32xf32, #tpu.memory_space<vmem_shared>>)
      %dma_wait3A_115 = arith.constant 1 : i32
      %dma_wait3A_116 = arith.constant 128 : i32
      %dma_wait3A_117 = arith.constant 0 : i32
      %dma_wait3A_118 = tpu.memref_slice %arg7[%dma_wait3A_116, %dma_wait3A_117] : memref<896x32xf32, #tpu.memory_space<vmem>> -> memref<128x32xf32, #tpu.memory_space<vmem>>
      %dma_wait3A_119 = arith.constant 0 : i32
      %dma_wait3A_120 = tpu.memref_slice %arg6[%dma_wait3A_115, %dma_wait3A_119] : memref<7x128xi32, #tpu.memory_space<vmem>> -> memref<1x128xi32, #tpu.memory_space<vmem>>
      %dma_wait3A_121 = tpu.memref_squeeze %dma_wait3A_120 : memref<1x128xi32, #tpu.memory_space<vmem>> -> memref<128xi32, #tpu.memory_space<vmem>>
      %dma_wait3A_122 = arith.constant 0 : i32
      %dma_wait3A_123 = arith.constant 0 : i32
      %dma_wait3A_124 = tpu.memref_slice %arg8[%dma_wait3A_122, %dma_wait3A_123] : memref<50016x32xf32, #tpu.memory_space<vmem_shared>> -> memref<50016x32xf32, #tpu.memory_space<vmem_shared>>
      tpu.wait_indirect_dma semaphore(%arg9 : memref<!tpu.dma_semaphore, #tpu.memory_space<semaphore_mem>>) src(%dma_wait3A_118 : memref<128x32xf32, #tpu.memory_space<vmem>>) dst(%dma_wait3A_124 : memref<50016x32xf32, #tpu.memory_space<vmem_shared>>)
      %dma_wait3A_125 = arith.constant 2 : i32
      %dma_wait3A_126 = arith.constant 256 : i32
      %dma_wait3A_127 = arith.constant 0 : i32
      %dma_wait3A_128 = tpu.memref_slice %arg7[%dma_wait3A_126, %dma_wait3A_127] : memref<896x32xf32, #tpu.memory_space<vmem>> -> memref<128x32xf32, #tpu.memory_space<vmem>>
      %dma_wait3A_129 = arith.constant 0 : i32
      %dma_wait3A_130 = tpu.memref_slice %arg6[%dma_wait3A_125, %dma_wait3A_129] : memref<7x128xi32, #tpu.memory_space<vmem>> -> memref<1x128xi32, #tpu.memory_space<vmem>>
      %dma_wait3A_131 = tpu.memref_squeeze %dma_wait3A_130 : memref<1x128xi32, #tpu.memory_space<vmem>> -> memref<128xi32, #tpu.memory_space<vmem>>
      %dma_wait3A_132 = arith.constant 0 : i32
      %dma_wait3A_133 = arith.constant 0 : i32
      %dma_wait3A_134 = tpu.memref_slice %arg8[%dma_wait3A_132, %dma_wait3A_133] : memref<50016x32xf32, #tpu.memory_space<vmem_shared>> -> memref<50016x32xf32, #tpu.memory_space<vmem_shared>>
      tpu.wait_indirect_dma semaphore(%arg9 : memref<!tpu.dma_semaphore, #tpu.memory_space<semaphore_mem>>) src(%dma_wait3A_128 : memref<128x32xf32, #tpu.memory_space<vmem>>) dst(%dma_wait3A_134 : memref<50016x32xf32, #tpu.memory_space<vmem_shared>>)
      %dma_wait3A_135 = arith.constant 3 : i32
      %dma_wait3A_136 = arith.constant 384 : i32
      %dma_wait3A_137 = arith.constant 0 : i32
      %dma_wait3A_138 = tpu.memref_slice %arg7[%dma_wait3A_136, %dma_wait3A_137] : memref<896x32xf32, #tpu.memory_space<vmem>> -> memref<128x32xf32, #tpu.memory_space<vmem>>
      %dma_wait3A_139 = arith.constant 0 : i32
      %dma_wait3A_140 = tpu.memref_slice %arg6[%dma_wait3A_135, %dma_wait3A_139] : memref<7x128xi32, #tpu.memory_space<vmem>> -> memref<1x128xi32, #tpu.memory_space<vmem>>
      %dma_wait3A_141 = tpu.memref_squeeze %dma_wait3A_140 : memref<1x128xi32, #tpu.memory_space<vmem>> -> memref<128xi32, #tpu.memory_space<vmem>>
      %dma_wait3A_142 = arith.constant 0 : i32
      %dma_wait3A_143 = arith.constant 0 : i32
      %dma_wait3A_144 = tpu.memref_slice %arg8[%dma_wait3A_142, %dma_wait3A_143] : memref<50016x32xf32, #tpu.memory_space<vmem_shared>> -> memref<50016x32xf32, #tpu.memory_space<vmem_shared>>
      tpu.wait_indirect_dma semaphore(%arg9 : memref<!tpu.dma_semaphore, #tpu.memory_space<semaphore_mem>>) src(%dma_wait3A_138 : memref<128x32xf32, #tpu.memory_space<vmem>>) dst(%dma_wait3A_144 : memref<50016x32xf32, #tpu.memory_space<vmem_shared>>)
      %dma_wait3A_145 = arith.constant 4 : i32
      %dma_wait3A_146 = arith.constant 512 : i32
      %dma_wait3A_147 = arith.constant 0 : i32
      %dma_wait3A_148 = tpu.memref_slice %arg7[%dma_wait3A_146, %dma_wait3A_147] : memref<896x32xf32, #tpu.memory_space<vmem>> -> memref<128x32xf32, #tpu.memory_space<vmem>>
      %dma_wait3A_149 = arith.constant 0 : i32
      %dma_wait3A_150 = tpu.memref_slice %arg6[%dma_wait3A_145, %dma_wait3A_149] : memref<7x128xi32, #tpu.memory_space<vmem>> -> memref<1x128xi32, #tpu.memory_space<vmem>>
      %dma_wait3A_151 = tpu.memref_squeeze %dma_wait3A_150 : memref<1x128xi32, #tpu.memory_space<vmem>> -> memref<128xi32, #tpu.memory_space<vmem>>
      %dma_wait3A_152 = arith.constant 0 : i32
      %dma_wait3A_153 = arith.constant 0 : i32
      %dma_wait3A_154 = tpu.memref_slice %arg8[%dma_wait3A_152, %dma_wait3A_153] : memref<50016x32xf32, #tpu.memory_space<vmem_shared>> -> memref<50016x32xf32, #tpu.memory_space<vmem_shared>>
      tpu.wait_indirect_dma semaphore(%arg9 : memref<!tpu.dma_semaphore, #tpu.memory_space<semaphore_mem>>) src(%dma_wait3A_148 : memref<128x32xf32, #tpu.memory_space<vmem>>) dst(%dma_wait3A_154 : memref<50016x32xf32, #tpu.memory_space<vmem_shared>>)
      %dma_wait3A_155 = arith.constant 5 : i32
      %dma_wait3A_156 = arith.constant 640 : i32
      %dma_wait3A_157 = arith.constant 0 : i32
      %dma_wait3A_158 = tpu.memref_slice %arg7[%dma_wait3A_156, %dma_wait3A_157] : memref<896x32xf32, #tpu.memory_space<vmem>> -> memref<128x32xf32, #tpu.memory_space<vmem>>
      %dma_wait3A_159 = arith.constant 0 : i32
      %dma_wait3A_160 = tpu.memref_slice %arg6[%dma_wait3A_155, %dma_wait3A_159] : memref<7x128xi32, #tpu.memory_space<vmem>> -> memref<1x128xi32, #tpu.memory_space<vmem>>
      %dma_wait3A_161 = tpu.memref_squeeze %dma_wait3A_160 : memref<1x128xi32, #tpu.memory_space<vmem>> -> memref<128xi32, #tpu.memory_space<vmem>>
      %dma_wait3A_162 = arith.constant 0 : i32
      %dma_wait3A_163 = arith.constant 0 : i32
      %dma_wait3A_164 = tpu.memref_slice %arg8[%dma_wait3A_162, %dma_wait3A_163] : memref<50016x32xf32, #tpu.memory_space<vmem_shared>> -> memref<50016x32xf32, #tpu.memory_space<vmem_shared>>
      tpu.wait_indirect_dma semaphore(%arg9 : memref<!tpu.dma_semaphore, #tpu.memory_space<semaphore_mem>>) src(%dma_wait3A_158 : memref<128x32xf32, #tpu.memory_space<vmem>>) dst(%dma_wait3A_164 : memref<50016x32xf32, #tpu.memory_space<vmem_shared>>)
      %dma_wait3A_165 = arith.constant 6 : i32
      %dma_wait3A_166 = arith.constant 768 : i32
      %dma_wait3A_167 = arith.constant 0 : i32
      %dma_wait3A_168 = tpu.memref_slice %arg7[%dma_wait3A_166, %dma_wait3A_167] : memref<896x32xf32, #tpu.memory_space<vmem>> -> memref<128x32xf32, #tpu.memory_space<vmem>>
      %dma_wait3A_169 = arith.constant 0 : i32
      %dma_wait3A_170 = tpu.memref_slice %arg6[%dma_wait3A_165, %dma_wait3A_169] : memref<7x128xi32, #tpu.memory_space<vmem>> -> memref<1x128xi32, #tpu.memory_space<vmem>>
      %dma_wait3A_171 = tpu.memref_squeeze %dma_wait3A_170 : memref<1x128xi32, #tpu.memory_space<vmem>> -> memref<128xi32, #tpu.memory_space<vmem>>
      %dma_wait3A_172 = arith.constant 0 : i32
      %dma_wait3A_173 = arith.constant 0 : i32
      %dma_wait3A_174 = tpu.memref_slice %arg8[%dma_wait3A_172, %dma_wait3A_173] : memref<50016x32xf32, #tpu.memory_space<vmem_shared>> -> memref<50016x32xf32, #tpu.memory_space<vmem_shared>>
      tpu.wait_indirect_dma semaphore(%arg9 : memref<!tpu.dma_semaphore, #tpu.memory_space<semaphore_mem>>) src(%dma_wait3A_168 : memref<128x32xf32, #tpu.memory_space<vmem>>) dst(%dma_wait3A_174 : memref<50016x32xf32, #tpu.memory_space<vmem_shared>>)
    }
    %scan3A_11 = arith.constant 28 : i32
    %barrier3A_12 = arith.constant 0 : index
    tpu.barrier barrier_id(%barrier3A_12)
    %mul3A_13 = arith.constant 3126 : i32
    %mul3A_14 = arith.muli %arg1, %mul3A_13 : i32
    %mul3A_15 = arith.constant 3126 : i32
    %mul3A_16 = arith.muli %arg1, %mul3A_15 : i32
    "tpu.region"() ({
      %run_scoped3A = tpu.sem_alloc : memref<!tpu.dma_semaphore, #tpu.memory_space<semaphore_mem>>
      %dma_start3A = arith.constant 0 : i32
      %dma_start3A_17 = tpu.memref_slice %arg5[%arg0, %mul3A_16, %dma_start3A] : memref<2x50016x32xf32, #tpu.memory_space<hbm>> -> memref<1x3126x32xf32, #tpu.memory_space<hbm>>
      %dma_start3A_18 = tpu.memref_squeeze %dma_start3A_17 : memref<1x3126x32xf32, #tpu.memory_space<hbm>> -> memref<3126x32xf32, #tpu.memory_space<hbm>>
      %dma_start3A_19 = arith.constant 0 : i32
      %dma_start3A_20 = tpu.memref_slice %arg8[%mul3A_14, %dma_start3A_19] : memref<50016x32xf32, #tpu.memory_space<vmem_shared>> -> memref<3126x32xf32, #tpu.memory_space<vmem_shared>>
      tpu.enqueue_dma source(%dma_start3A_20 : memref<3126x32xf32, #tpu.memory_space<vmem_shared>>) target(%dma_start3A_18 : memref<3126x32xf32, #tpu.memory_space<hbm>>) target_semaphore(%run_scoped3A : memref<!tpu.dma_semaphore, #tpu.memory_space<semaphore_mem>>)
      %dma_wait3A = arith.constant 0 : i32
      %dma_wait3A_21 = tpu.memref_slice %arg5[%arg0, %mul3A_16, %dma_wait3A] : memref<2x50016x32xf32, #tpu.memory_space<hbm>> -> memref<1x3126x32xf32, #tpu.memory_space<hbm>>
      %dma_wait3A_22 = tpu.memref_squeeze %dma_wait3A_21 : memref<1x3126x32xf32, #tpu.memory_space<hbm>> -> memref<3126x32xf32, #tpu.memory_space<hbm>>
      %dma_wait3A_23 = arith.constant 0 : i32
      %dma_wait3A_24 = tpu.memref_slice %arg8[%mul3A_14, %dma_wait3A_23] : memref<50016x32xf32, #tpu.memory_space<vmem_shared>> -> memref<3126x32xf32, #tpu.memory_space<vmem_shared>>
      tpu.wait_dma2 semaphore(%run_scoped3A : memref<!tpu.dma_semaphore, #tpu.memory_space<semaphore_mem>>) src(%dma_wait3A_24 : memref<3126x32xf32, #tpu.memory_space<vmem_shared>>) dst(%dma_wait3A_22 : memref<3126x32xf32, #tpu.memory_space<hbm>>)
      tpu.yield
    }) : () -> ()
    return
  }
}

#map = affine_map<(d0, d1) -> (0, 0)>
#map1 = affine_map<(d0, d1) -> (0, 0, 0)>
module attributes {stable_mosaic.version = 14 : i64} {
  func.func @k(%arg0: i32, %arg1: i32, %arg2: memref<602112x64xf32, #tpu.memory_space<hbm>>, %arg3: memref<4704x128xi32, #tpu.memory_space<hbm>>, %arg4: memref<30016x64xf32, #tpu.memory_space<hbm>>, %arg5: memref<2x30016x64xf32, #tpu.memory_space<hbm>>, %arg6: memref<1x128xi32, #tpu.memory_space<vmem>>, %arg7: memref<128x64xf32, #tpu.memory_space<vmem>>, %arg8: memref<30016x64xf32, #tpu.memory_space<vmem_shared>>, %arg9: memref<!tpu.dma_semaphore, #tpu.memory_space<semaphore_mem>>) attributes {dimension_semantics = [#tpu.dimension_semantics<core_parallel>, #tpu.dimension_semantics<subcore_parallel>], iteration_bounds = array<i64: 2, 16>, scalar_prefetch = 0 : i64, scratch_operands = 4 : i64, tpu.core_type = #tpu.core_type<sc_vector_subcore>, window_params = [{transform_indices = #map}, {transform_indices = #map}, {transform_indices = #map}, {transform_indices = #map1}]} {
    %mul3A = arith.constant 2 : i32
    %mul3A_0 = arith.muli %arg1, %mul3A : i32
    %add3A = arith.addi %mul3A_0, %arg0 : i32
    %mul3A_1 = arith.constant 18816 : i32
    %mul3A_2 = arith.muli %add3A, %mul3A_1 : i32
    %mul3A_3 = arith.constant 1876 : i32
    %mul3A_4 = arith.muli %arg1, %mul3A_3 : i32
    %mul3A_5 = arith.constant 1876 : i32
    %mul3A_6 = arith.muli %arg1, %mul3A_5 : i32
    "tpu.region"() ({
      %run_scoped3A = tpu.sem_alloc : memref<!tpu.dma_semaphore, #tpu.memory_space<semaphore_mem>>
      %dma_start3A = arith.constant 0 : i32
      %dma_start3A_17 = tpu.memref_slice %arg8[%mul3A_6, %dma_start3A] : memref<30016x64xf32, #tpu.memory_space<vmem_shared>> -> memref<1876x64xf32, #tpu.memory_space<vmem_shared>>
      %dma_start3A_18 = arith.constant 0 : i32
      %dma_start3A_19 = tpu.memref_slice %arg4[%mul3A_4, %dma_start3A_18] : memref<30016x64xf32, #tpu.memory_space<hbm>> -> memref<1876x64xf32, #tpu.memory_space<hbm>>
      tpu.enqueue_dma source(%dma_start3A_19 : memref<1876x64xf32, #tpu.memory_space<hbm>>) target(%dma_start3A_17 : memref<1876x64xf32, #tpu.memory_space<vmem_shared>>) target_semaphore(%run_scoped3A : memref<!tpu.dma_semaphore, #tpu.memory_space<semaphore_mem>>)
      %dma_wait3A = arith.constant 0 : i32
      %dma_wait3A_20 = tpu.memref_slice %arg8[%mul3A_6, %dma_wait3A] : memref<30016x64xf32, #tpu.memory_space<vmem_shared>> -> memref<1876x64xf32, #tpu.memory_space<vmem_shared>>
      %dma_wait3A_21 = arith.constant 0 : i32
      %dma_wait3A_22 = tpu.memref_slice %arg4[%mul3A_4, %dma_wait3A_21] : memref<30016x64xf32, #tpu.memory_space<hbm>> -> memref<1876x64xf32, #tpu.memory_space<hbm>>
      tpu.wait_dma2 semaphore(%run_scoped3A : memref<!tpu.dma_semaphore, #tpu.memory_space<semaphore_mem>>) src(%dma_wait3A_22 : memref<1876x64xf32, #tpu.memory_space<hbm>>) dst(%dma_wait3A_20 : memref<1876x64xf32, #tpu.memory_space<vmem_shared>>)
      tpu.yield
    }) : () -> ()
    %barrier3A = arith.constant 0 : index
    tpu.barrier barrier_id(%barrier3A)
    %scan3A = arith.constant 0 : i32
    %scan3A_7 = arith.constant 0 : i32
    %scan3A_8 = arith.constant 147 : i32
    %scan3A_9 = arith.addi %scan3A_7, %scan3A_8 : i32
    %scan3A_10 = arith.constant 1 : i32
    scf.for %scan3A_17 = %scan3A_7 to %scan3A_9 step %scan3A_10  : i32 {
      %mul3A_18 = arith.constant 128 : i32
      %mul3A_19 = arith.muli %scan3A_17, %mul3A_18 : i32
      %add3A_20 = arith.addi %mul3A_2, %mul3A_19 : i32
      %jit3A = arith.constant 128 : i32
      %div3A = arith.divsi %add3A_20, %jit3A : i32
      %sign3A = arith.constant 0 : i32
      %sign3A_21 = arith.cmpi sgt, %add3A_20, %sign3A : i32
      %sign3A_22 = arith.extui %sign3A_21 : i1 to i32
      %sign3A_23 = arith.constant 0 : i32
      %sign3A_24 = arith.cmpi slt, %add3A_20, %sign3A_23 : i32
      %sign3A_25 = arith.extui %sign3A_24 : i1 to i32
      %sign3A_26 = arith.subi %sign3A_22, %sign3A_25 : i32
      %sign3A_27 = arith.constant 0 : i32
      %sign3A_28 = arith.cmpi sgt, %jit3A, %sign3A_27 : i32
      %sign3A_29 = arith.extui %sign3A_28 : i1 to i32
      %sign3A_30 = arith.constant 0 : i32
      %sign3A_31 = arith.cmpi slt, %jit3A, %sign3A_30 : i32
      %sign3A_32 = arith.extui %sign3A_31 : i1 to i32
      %sign3A_33 = arith.subi %sign3A_29, %sign3A_32 : i32
      %ne3A = arith.cmpi ne, %sign3A_26, %sign3A_33 : i32
      %rem3A = arith.remsi %add3A_20, %jit3A : i32
      %ne3A_34 = arith.constant 0 : i32
      %ne3A_35 = arith.cmpi ne, %rem3A, %ne3A_34 : i32
      %and3A = arith.andi %ne3A, %ne3A_35 : i1
      %sub3A = arith.constant 1 : i32
      %sub3A_36 = arith.subi %div3A, %sub3A : i32
      %select_n3A = arith.select %and3A, %sub3A_36, %div3A : i32
      "tpu.region"() ({
        %run_scoped3A = tpu.sem_alloc : memref<!tpu.dma_semaphore, #tpu.memory_space<semaphore_mem>>
        %dma_start3A_55 = arith.constant 0 : i32
        %dma_start3A_56 = tpu.memref_slice %arg3[%select_n3A, %dma_start3A_55] : memref<4704x128xi32, #tpu.memory_space<hbm>> -> memref<1x128xi32, #tpu.memory_space<hbm>>
        %dma_start3A_57 = arith.constant 0 : i32
        %dma_start3A_58 = tpu.memref_slice %arg3[%select_n3A, %dma_start3A_57] : memref<4704x128xi32, #tpu.memory_space<hbm>> -> memref<1x128xi32, #tpu.memory_space<hbm>>
        tpu.enqueue_dma source(%dma_start3A_58 : memref<1x128xi32, #tpu.memory_space<hbm>>) target(%arg6 : memref<1x128xi32, #tpu.memory_space<vmem>>) target_semaphore(%run_scoped3A : memref<!tpu.dma_semaphore, #tpu.memory_space<semaphore_mem>>)
        %dma_wait3A_59 = arith.constant 0 : i32
        %dma_wait3A_60 = tpu.memref_slice %arg3[%select_n3A, %dma_wait3A_59] : memref<4704x128xi32, #tpu.memory_space<hbm>> -> memref<1x128xi32, #tpu.memory_space<hbm>>
        %dma_wait3A_61 = arith.constant 0 : i32
        %dma_wait3A_62 = tpu.memref_slice %arg3[%select_n3A, %dma_wait3A_61] : memref<4704x128xi32, #tpu.memory_space<hbm>> -> memref<1x128xi32, #tpu.memory_space<hbm>>
        tpu.wait_dma2 semaphore(%run_scoped3A : memref<!tpu.dma_semaphore, #tpu.memory_space<semaphore_mem>>) src(%dma_wait3A_62 : memref<1x128xi32, #tpu.memory_space<hbm>>) dst(%arg6 : memref<1x128xi32, #tpu.memory_space<vmem>>)
        tpu.yield
      }) : () -> ()
      "tpu.region"() ({
        %run_scoped3A = tpu.sem_alloc : memref<!tpu.dma_semaphore, #tpu.memory_space<semaphore_mem>>
        %dma_start3A_55 = arith.constant 0 : i32
        %dma_start3A_56 = tpu.memref_slice %arg2[%add3A_20, %dma_start3A_55] : memref<602112x64xf32, #tpu.memory_space<hbm>> -> memref<128x64xf32, #tpu.memory_space<hbm>>
        %dma_start3A_57 = arith.constant 0 : i32
        %dma_start3A_58 = tpu.memref_slice %arg2[%add3A_20, %dma_start3A_57] : memref<602112x64xf32, #tpu.memory_space<hbm>> -> memref<128x64xf32, #tpu.memory_space<hbm>>
        tpu.enqueue_dma source(%dma_start3A_58 : memref<128x64xf32, #tpu.memory_space<hbm>>) target(%arg7 : memref<128x64xf32, #tpu.memory_space<vmem>>) target_semaphore(%run_scoped3A : memref<!tpu.dma_semaphore, #tpu.memory_space<semaphore_mem>>)
        %dma_wait3A_59 = arith.constant 0 : i32
        %dma_wait3A_60 = tpu.memref_slice %arg2[%add3A_20, %dma_wait3A_59] : memref<602112x64xf32, #tpu.memory_space<hbm>> -> memref<128x64xf32, #tpu.memory_space<hbm>>
        %dma_wait3A_61 = arith.constant 0 : i32
        %dma_wait3A_62 = tpu.memref_slice %arg2[%add3A_20, %dma_wait3A_61] : memref<602112x64xf32, #tpu.memory_space<hbm>> -> memref<128x64xf32, #tpu.memory_space<hbm>>
        tpu.wait_dma2 semaphore(%run_scoped3A : memref<!tpu.dma_semaphore, #tpu.memory_space<semaphore_mem>>) src(%dma_wait3A_62 : memref<128x64xf32, #tpu.memory_space<hbm>>) dst(%arg7 : memref<128x64xf32, #tpu.memory_space<vmem>>)
        tpu.yield
      }) : () -> ()
      %dma_start3A = arith.constant 0 : i32
      %dma_start3A_37 = arith.constant 0 : i32
      %dma_start3A_38 = arith.constant 0 : i32
      %dma_start3A_39 = tpu.memref_slice %arg7[%dma_start3A_37, %dma_start3A_38] : memref<128x64xf32, #tpu.memory_space<vmem>> -> memref<128x64xf32, #tpu.memory_space<vmem>>
      %dma_start3A_40 = arith.constant 0 : i32
      %dma_start3A_41 = tpu.memref_slice %arg6[%dma_start3A, %dma_start3A_40] : memref<1x128xi32, #tpu.memory_space<vmem>> -> memref<1x128xi32, #tpu.memory_space<vmem>>
      %dma_start3A_42 = tpu.memref_squeeze %dma_start3A_41 : memref<1x128xi32, #tpu.memory_space<vmem>> -> memref<128xi32, #tpu.memory_space<vmem>>
      %dma_start3A_43 = arith.constant 0 : i32
      %dma_start3A_44 = arith.constant 0 : i32
      %dma_start3A_45 = tpu.memref_slice %arg8[%dma_start3A_43, %dma_start3A_44] : memref<30016x64xf32, #tpu.memory_space<vmem_shared>> -> memref<30016x64xf32, #tpu.memory_space<vmem_shared>>
      tpu.enqueue_indirect_dma source(%dma_start3A_39 : memref<128x64xf32, #tpu.memory_space<vmem>>) target(%dma_start3A_45 : memref<30016x64xf32, #tpu.memory_space<vmem_shared>>) offsets(%dma_start3A_42 : memref<128xi32, #tpu.memory_space<vmem>>) semaphore(%arg9 : memref<!tpu.dma_semaphore, #tpu.memory_space<semaphore_mem>>) {add = true}
      %dma_wait3A = arith.constant 0 : i32
      %dma_wait3A_46 = arith.constant 0 : i32
      %dma_wait3A_47 = arith.constant 0 : i32
      %dma_wait3A_48 = tpu.memref_slice %arg7[%dma_wait3A_46, %dma_wait3A_47] : memref<128x64xf32, #tpu.memory_space<vmem>> -> memref<128x64xf32, #tpu.memory_space<vmem>>
      %dma_wait3A_49 = arith.constant 0 : i32
      %dma_wait3A_50 = tpu.memref_slice %arg6[%dma_wait3A, %dma_wait3A_49] : memref<1x128xi32, #tpu.memory_space<vmem>> -> memref<1x128xi32, #tpu.memory_space<vmem>>
      %dma_wait3A_51 = tpu.memref_squeeze %dma_wait3A_50 : memref<1x128xi32, #tpu.memory_space<vmem>> -> memref<128xi32, #tpu.memory_space<vmem>>
      %dma_wait3A_52 = arith.constant 0 : i32
      %dma_wait3A_53 = arith.constant 0 : i32
      %dma_wait3A_54 = tpu.memref_slice %arg8[%dma_wait3A_52, %dma_wait3A_53] : memref<30016x64xf32, #tpu.memory_space<vmem_shared>> -> memref<30016x64xf32, #tpu.memory_space<vmem_shared>>
      tpu.wait_indirect_dma semaphore(%arg9 : memref<!tpu.dma_semaphore, #tpu.memory_space<semaphore_mem>>) src(%dma_wait3A_48 : memref<128x64xf32, #tpu.memory_space<vmem>>) dst(%dma_wait3A_54 : memref<30016x64xf32, #tpu.memory_space<vmem_shared>>)
    }
    %scan3A_11 = arith.constant 147 : i32
    %barrier3A_12 = arith.constant 0 : index
    tpu.barrier barrier_id(%barrier3A_12)
    %mul3A_13 = arith.constant 1876 : i32
    %mul3A_14 = arith.muli %arg1, %mul3A_13 : i32
    %mul3A_15 = arith.constant 1876 : i32
    %mul3A_16 = arith.muli %arg1, %mul3A_15 : i32
    "tpu.region"() ({
      %run_scoped3A = tpu.sem_alloc : memref<!tpu.dma_semaphore, #tpu.memory_space<semaphore_mem>>
      %dma_start3A = arith.constant 0 : i32
      %dma_start3A_17 = tpu.memref_slice %arg5[%arg0, %mul3A_16, %dma_start3A] : memref<2x30016x64xf32, #tpu.memory_space<hbm>> -> memref<1x1876x64xf32, #tpu.memory_space<hbm>>
      %dma_start3A_18 = tpu.memref_squeeze %dma_start3A_17 : memref<1x1876x64xf32, #tpu.memory_space<hbm>> -> memref<1876x64xf32, #tpu.memory_space<hbm>>
      %dma_start3A_19 = arith.constant 0 : i32
      %dma_start3A_20 = tpu.memref_slice %arg8[%mul3A_14, %dma_start3A_19] : memref<30016x64xf32, #tpu.memory_space<vmem_shared>> -> memref<1876x64xf32, #tpu.memory_space<vmem_shared>>
      tpu.enqueue_dma source(%dma_start3A_20 : memref<1876x64xf32, #tpu.memory_space<vmem_shared>>) target(%dma_start3A_18 : memref<1876x64xf32, #tpu.memory_space<hbm>>) target_semaphore(%run_scoped3A : memref<!tpu.dma_semaphore, #tpu.memory_space<semaphore_mem>>)
      %dma_wait3A = arith.constant 0 : i32
      %dma_wait3A_21 = tpu.memref_slice %arg5[%arg0, %mul3A_16, %dma_wait3A] : memref<2x30016x64xf32, #tpu.memory_space<hbm>> -> memref<1x1876x64xf32, #tpu.memory_space<hbm>>
      %dma_wait3A_22 = tpu.memref_squeeze %dma_wait3A_21 : memref<1x1876x64xf32, #tpu.memory_space<hbm>> -> memref<1876x64xf32, #tpu.memory_space<hbm>>
      %dma_wait3A_23 = arith.constant 0 : i32
      %dma_wait3A_24 = tpu.memref_slice %arg8[%mul3A_14, %dma_wait3A_23] : memref<30016x64xf32, #tpu.memory_space<vmem_shared>> -> memref<1876x64xf32, #tpu.memory_space<vmem_shared>>
      tpu.wait_dma2 semaphore(%run_scoped3A : memref<!tpu.dma_semaphore, #tpu.memory_space<semaphore_mem>>) src(%dma_wait3A_24 : memref<1876x64xf32, #tpu.memory_space<vmem_shared>>) dst(%dma_wait3A_22 : memref<1876x64xf32, #tpu.memory_space<hbm>>)
      tpu.yield
    }) : () -> ()
    return
  }
}

#map = affine_map<(d0, d1) -> (0, 0)>
#map1 = affine_map<(d0, d1) -> (0, 0, 0)>
module attributes {stable_mosaic.version = 14 : i64} {
  func.func @k(%arg0: i32, %arg1: i32, %arg2: memref<802816x32xf32, #tpu.memory_space<hbm>>, %arg3: memref<6272x128xi32, #tpu.memory_space<hbm>>, %arg4: memref<50016x32xf32, #tpu.memory_space<hbm>>, %arg5: memref<2x50016x32xf32, #tpu.memory_space<hbm>>, %arg6: memref<7x128xi32, #tpu.memory_space<vmem>>, %arg7: memref<896x32xf32, #tpu.memory_space<vmem>>, %arg8: memref<50016x32xf32, #tpu.memory_space<vmem_shared>>, %arg9: memref<!tpu.dma_semaphore, #tpu.memory_space<semaphore_mem>>) attributes {dimension_semantics = [#tpu.dimension_semantics<core_parallel>, #tpu.dimension_semantics<subcore_parallel>], iteration_bounds = array<i64: 2, 16>, scalar_prefetch = 0 : i64, scratch_operands = 4 : i64, tpu.core_type = #tpu.core_type<sc_vector_subcore>, window_params = [{transform_indices = #map}, {transform_indices = #map}, {transform_indices = #map}, {transform_indices = #map1}]} {
    %mul3A = arith.constant 2 : i32
    %mul3A_0 = arith.muli %arg1, %mul3A : i32
    %add3A = arith.addi %mul3A_0, %arg0 : i32
    %mul3A_1 = arith.constant 25088 : i32
    %mul3A_2 = arith.muli %add3A, %mul3A_1 : i32
    %mul3A_3 = arith.constant 3126 : i32
    %mul3A_4 = arith.muli %arg1, %mul3A_3 : i32
    %mul3A_5 = arith.constant 3126 : i32
    %mul3A_6 = arith.muli %arg1, %mul3A_5 : i32
    "tpu.region"() ({
      %run_scoped3A = tpu.sem_alloc : memref<!tpu.dma_semaphore, #tpu.memory_space<semaphore_mem>>
      %dma_start3A = arith.constant 0 : i32
      %dma_start3A_17 = tpu.memref_slice %arg8[%mul3A_6, %dma_start3A] : memref<50016x32xf32, #tpu.memory_space<vmem_shared>> -> memref<3126x32xf32, #tpu.memory_space<vmem_shared>>
      %dma_start3A_18 = arith.constant 0 : i32
      %dma_start3A_19 = tpu.memref_slice %arg4[%mul3A_4, %dma_start3A_18] : memref<50016x32xf32, #tpu.memory_space<hbm>> -> memref<3126x32xf32, #tpu.memory_space<hbm>>
      tpu.enqueue_dma source(%dma_start3A_19 : memref<3126x32xf32, #tpu.memory_space<hbm>>) target(%dma_start3A_17 : memref<3126x32xf32, #tpu.memory_space<vmem_shared>>) target_semaphore(%run_scoped3A : memref<!tpu.dma_semaphore, #tpu.memory_space<semaphore_mem>>)
      %dma_wait3A = arith.constant 0 : i32
      %dma_wait3A_20 = tpu.memref_slice %arg8[%mul3A_6, %dma_wait3A] : memref<50016x32xf32, #tpu.memory_space<vmem_shared>> -> memref<3126x32xf32, #tpu.memory_space<vmem_shared>>
      %dma_wait3A_21 = arith.constant 0 : i32
      %dma_wait3A_22 = tpu.memref_slice %arg4[%mul3A_4, %dma_wait3A_21] : memref<50016x32xf32, #tpu.memory_space<hbm>> -> memref<3126x32xf32, #tpu.memory_space<hbm>>
      tpu.wait_dma2 semaphore(%run_scoped3A : memref<!tpu.dma_semaphore, #tpu.memory_space<semaphore_mem>>) src(%dma_wait3A_22 : memref<3126x32xf32, #tpu.memory_space<hbm>>) dst(%dma_wait3A_20 : memref<3126x32xf32, #tpu.memory_space<vmem_shared>>)
      tpu.yield
    }) : () -> ()
    %barrier3A = arith.constant 0 : index
    tpu.barrier barrier_id(%barrier3A)
    %scan3A = arith.constant 0 : i32
    %scan3A_7 = arith.constant 0 : i32
    %scan3A_8 = arith.constant 28 : i32
    %scan3A_9 = arith.addi %scan3A_7, %scan3A_8 : i32
    %scan3A_10 = arith.constant 1 : i32
    scf.for %scan3A_17 = %scan3A_7 to %scan3A_9 step %scan3A_10  : i32 {
      %mul3A_18 = arith.constant 896 : i32
      %mul3A_19 = arith.muli %scan3A_17, %mul3A_18 : i32
      %add3A_20 = arith.addi %mul3A_2, %mul3A_19 : i32
      %jit3A = arith.constant 128 : i32
      %div3A = arith.divsi %add3A_20, %jit3A : i32
      %sign3A = arith.constant 0 : i32
      %sign3A_21 = arith.cmpi sgt, %add3A_20, %sign3A : i32
      %sign3A_22 = arith.extui %sign3A_21 : i1 to i32
      %sign3A_23 = arith.constant 0 : i32
      %sign3A_24 = arith.cmpi slt, %add3A_20, %sign3A_23 : i32
      %sign3A_25 = arith.extui %sign3A_24 : i1 to i32
      %sign3A_26 = arith.subi %sign3A_22, %sign3A_25 : i32
      %sign3A_27 = arith.constant 0 : i32
      %sign3A_28 = arith.cmpi sgt, %jit3A, %sign3A_27 : i32
      %sign3A_29 = arith.extui %sign3A_28 : i1 to i32
      %sign3A_30 = arith.constant 0 : i32
      %sign3A_31 = arith.cmpi slt, %jit3A, %sign3A_30 : i32
      %sign3A_32 = arith.extui %sign3A_31 : i1 to i32
      %sign3A_33 = arith.subi %sign3A_29, %sign3A_32 : i32
      %ne3A = arith.cmpi ne, %sign3A_26, %sign3A_33 : i32
      %rem3A = arith.remsi %add3A_20, %jit3A : i32
      %ne3A_34 = arith.constant 0 : i32
      %ne3A_35 = arith.cmpi ne, %rem3A, %ne3A_34 : i32
      %and3A = arith.andi %ne3A, %ne3A_35 : i1
      %sub3A = arith.constant 1 : i32
      %sub3A_36 = arith.subi %div3A, %sub3A : i32
      %select_n3A = arith.select %and3A, %sub3A_36, %div3A : i32
      "tpu.region"() ({
        %run_scoped3A = tpu.sem_alloc : memref<!tpu.dma_semaphore, #tpu.memory_space<semaphore_mem>>
        %dma_start3A_175 = arith.constant 0 : i32
        %dma_start3A_176 = tpu.memref_slice %arg3[%select_n3A, %dma_start3A_175] : memref<6272x128xi32, #tpu.memory_space<hbm>> -> memref<7x128xi32, #tpu.memory_space<hbm>>
        %dma_start3A_177 = arith.constant 0 : i32
        %dma_start3A_178 = tpu.memref_slice %arg3[%select_n3A, %dma_start3A_177] : memref<6272x128xi32, #tpu.memory_space<hbm>> -> memref<7x128xi32, #tpu.memory_space<hbm>>
        tpu.enqueue_dma source(%dma_start3A_178 : memref<7x128xi32, #tpu.memory_space<hbm>>) target(%arg6 : memref<7x128xi32, #tpu.memory_space<vmem>>) target_semaphore(%run_scoped3A : memref<!tpu.dma_semaphore, #tpu.memory_space<semaphore_mem>>)
        %dma_wait3A_179 = arith.constant 0 : i32
        %dma_wait3A_180 = tpu.memref_slice %arg3[%select_n3A, %dma_wait3A_179] : memref<6272x128xi32, #tpu.memory_space<hbm>> -> memref<7x128xi32, #tpu.memory_space<hbm>>
        %dma_wait3A_181 = arith.constant 0 : i32
        %dma_wait3A_182 = tpu.memref_slice %arg3[%select_n3A, %dma_wait3A_181] : memref<6272x128xi32, #tpu.memory_space<hbm>> -> memref<7x128xi32, #tpu.memory_space<hbm>>
        tpu.wait_dma2 semaphore(%run_scoped3A : memref<!tpu.dma_semaphore, #tpu.memory_space<semaphore_mem>>) src(%dma_wait3A_182 : memref<7x128xi32, #tpu.memory_space<hbm>>) dst(%arg6 : memref<7x128xi32, #tpu.memory_space<vmem>>)
        tpu.yield
      }) : () -> ()
      "tpu.region"() ({
        %run_scoped3A = tpu.sem_alloc : memref<!tpu.dma_semaphore, #tpu.memory_space<semaphore_mem>>
        %dma_start3A_175 = arith.constant 0 : i32
        %dma_start3A_176 = tpu.memref_slice %arg2[%add3A_20, %dma_start3A_175] : memref<802816x32xf32, #tpu.memory_space<hbm>> -> memref<896x32xf32, #tpu.memory_space<hbm>>
        %dma_start3A_177 = arith.constant 0 : i32
        %dma_start3A_178 = tpu.memref_slice %arg2[%add3A_20, %dma_start3A_177] : memref<802816x32xf32, #tpu.memory_space<hbm>> -> memref<896x32xf32, #tpu.memory_space<hbm>>
        tpu.enqueue_dma source(%dma_start3A_178 : memref<896x32xf32, #tpu.memory_space<hbm>>) target(%arg7 : memref<896x32xf32, #tpu.memory_space<vmem>>) target_semaphore(%run_scoped3A : memref<!tpu.dma_semaphore, #tpu.memory_space<semaphore_mem>>)
        %dma_wait3A_179 = arith.constant 0 : i32
        %dma_wait3A_180 = tpu.memref_slice %arg2[%add3A_20, %dma_wait3A_179] : memref<802816x32xf32, #tpu.memory_space<hbm>> -> memref<896x32xf32, #tpu.memory_space<hbm>>
        %dma_wait3A_181 = arith.constant 0 : i32
        %dma_wait3A_182 = tpu.memref_slice %arg2[%add3A_20, %dma_wait3A_181] : memref<802816x32xf32, #tpu.memory_space<hbm>> -> memref<896x32xf32, #tpu.memory_space<hbm>>
        tpu.wait_dma2 semaphore(%run_scoped3A : memref<!tpu.dma_semaphore, #tpu.memory_space<semaphore_mem>>) src(%dma_wait3A_182 : memref<896x32xf32, #tpu.memory_space<hbm>>) dst(%arg7 : memref<896x32xf32, #tpu.memory_space<vmem>>)
        tpu.yield
      }) : () -> ()
      %dma_start3A = arith.constant 0 : i32
      %dma_start3A_37 = arith.constant 0 : i32
      %dma_start3A_38 = arith.constant 0 : i32
      %dma_start3A_39 = tpu.memref_slice %arg7[%dma_start3A_37, %dma_start3A_38] : memref<896x32xf32, #tpu.memory_space<vmem>> -> memref<128x32xf32, #tpu.memory_space<vmem>>
      %dma_start3A_40 = arith.constant 0 : i32
      %dma_start3A_41 = tpu.memref_slice %arg6[%dma_start3A, %dma_start3A_40] : memref<7x128xi32, #tpu.memory_space<vmem>> -> memref<1x128xi32, #tpu.memory_space<vmem>>
      %dma_start3A_42 = tpu.memref_squeeze %dma_start3A_41 : memref<1x128xi32, #tpu.memory_space<vmem>> -> memref<128xi32, #tpu.memory_space<vmem>>
      %dma_start3A_43 = arith.constant 0 : i32
      %dma_start3A_44 = arith.constant 0 : i32
      %dma_start3A_45 = tpu.memref_slice %arg8[%dma_start3A_43, %dma_start3A_44] : memref<50016x32xf32, #tpu.memory_space<vmem_shared>> -> memref<50016x32xf32, #tpu.memory_space<vmem_shared>>
      tpu.enqueue_indirect_dma source(%dma_start3A_39 : memref<128x32xf32, #tpu.memory_space<vmem>>) target(%dma_start3A_45 : memref<50016x32xf32, #tpu.memory_space<vmem_shared>>) offsets(%dma_start3A_42 : memref<128xi32, #tpu.memory_space<vmem>>) semaphore(%arg9 : memref<!tpu.dma_semaphore, #tpu.memory_space<semaphore_mem>>) {add = true}
      %dma_start3A_46 = arith.constant 1 : i32
      %dma_start3A_47 = arith.constant 128 : i32
      %dma_start3A_48 = arith.constant 0 : i32
      %dma_start3A_49 = tpu.memref_slice %arg7[%dma_start3A_47, %dma_start3A_48] : memref<896x32xf32, #tpu.memory_space<vmem>> -> memref<128x32xf32, #tpu.memory_space<vmem>>
      %dma_start3A_50 = arith.constant 0 : i32
      %dma_start3A_51 = tpu.memref_slice %arg6[%dma_start3A_46, %dma_start3A_50] : memref<7x128xi32, #tpu.memory_space<vmem>> -> memref<1x128xi32, #tpu.memory_space<vmem>>
      %dma_start3A_52 = tpu.memref_squeeze %dma_start3A_51 : memref<1x128xi32, #tpu.memory_space<vmem>> -> memref<128xi32, #tpu.memory_space<vmem>>
      %dma_start3A_53 = arith.constant 0 : i32
      %dma_start3A_54 = arith.constant 0 : i32
      %dma_start3A_55 = tpu.memref_slice %arg8[%dma_start3A_53, %dma_start3A_54] : memref<50016x32xf32, #tpu.memory_space<vmem_shared>> -> memref<50016x32xf32, #tpu.memory_space<vmem_shared>>
      tpu.enqueue_indirect_dma source(%dma_start3A_49 : memref<128x32xf32, #tpu.memory_space<vmem>>) target(%dma_start3A_55 : memref<50016x32xf32, #tpu.memory_space<vmem_shared>>) offsets(%dma_start3A_52 : memref<128xi32, #tpu.memory_space<vmem>>) semaphore(%arg9 : memref<!tpu.dma_semaphore, #tpu.memory_space<semaphore_mem>>) {add = true}
      %dma_start3A_56 = arith.constant 2 : i32
      %dma_start3A_57 = arith.constant 256 : i32
      %dma_start3A_58 = arith.constant 0 : i32
      %dma_start3A_59 = tpu.memref_slice %arg7[%dma_start3A_57, %dma_start3A_58] : memref<896x32xf32, #tpu.memory_space<vmem>> -> memref<128x32xf32, #tpu.memory_space<vmem>>
      %dma_start3A_60 = arith.constant 0 : i32
      %dma_start3A_61 = tpu.memref_slice %arg6[%dma_start3A_56, %dma_start3A_60] : memref<7x128xi32, #tpu.memory_space<vmem>> -> memref<1x128xi32, #tpu.memory_space<vmem>>
      %dma_start3A_62 = tpu.memref_squeeze %dma_start3A_61 : memref<1x128xi32, #tpu.memory_space<vmem>> -> memref<128xi32, #tpu.memory_space<vmem>>
      %dma_start3A_63 = arith.constant 0 : i32
      %dma_start3A_64 = arith.constant 0 : i32
      %dma_start3A_65 = tpu.memref_slice %arg8[%dma_start3A_63, %dma_start3A_64] : memref<50016x32xf32, #tpu.memory_space<vmem_shared>> -> memref<50016x32xf32, #tpu.memory_space<vmem_shared>>
      tpu.enqueue_indirect_dma source(%dma_start3A_59 : memref<128x32xf32, #tpu.memory_space<vmem>>) target(%dma_start3A_65 : memref<50016x32xf32, #tpu.memory_space<vmem_shared>>) offsets(%dma_start3A_62 : memref<128xi32, #tpu.memory_space<vmem>>) semaphore(%arg9 : memref<!tpu.dma_semaphore, #tpu.memory_space<semaphore_mem>>) {add = true}
      %dma_start3A_66 = arith.constant 3 : i32
      %dma_start3A_67 = arith.constant 384 : i32
      %dma_start3A_68 = arith.constant 0 : i32
      %dma_start3A_69 = tpu.memref_slice %arg7[%dma_start3A_67, %dma_start3A_68] : memref<896x32xf32, #tpu.memory_space<vmem>> -> memref<128x32xf32, #tpu.memory_space<vmem>>
      %dma_start3A_70 = arith.constant 0 : i32
      %dma_start3A_71 = tpu.memref_slice %arg6[%dma_start3A_66, %dma_start3A_70] : memref<7x128xi32, #tpu.memory_space<vmem>> -> memref<1x128xi32, #tpu.memory_space<vmem>>
      %dma_start3A_72 = tpu.memref_squeeze %dma_start3A_71 : memref<1x128xi32, #tpu.memory_space<vmem>> -> memref<128xi32, #tpu.memory_space<vmem>>
      %dma_start3A_73 = arith.constant 0 : i32
      %dma_start3A_74 = arith.constant 0 : i32
      %dma_start3A_75 = tpu.memref_slice %arg8[%dma_start3A_73, %dma_start3A_74] : memref<50016x32xf32, #tpu.memory_space<vmem_shared>> -> memref<50016x32xf32, #tpu.memory_space<vmem_shared>>
      tpu.enqueue_indirect_dma source(%dma_start3A_69 : memref<128x32xf32, #tpu.memory_space<vmem>>) target(%dma_start3A_75 : memref<50016x32xf32, #tpu.memory_space<vmem_shared>>) offsets(%dma_start3A_72 : memref<128xi32, #tpu.memory_space<vmem>>) semaphore(%arg9 : memref<!tpu.dma_semaphore, #tpu.memory_space<semaphore_mem>>) {add = true}
      %dma_start3A_76 = arith.constant 4 : i32
      %dma_start3A_77 = arith.constant 512 : i32
      %dma_start3A_78 = arith.constant 0 : i32
      %dma_start3A_79 = tpu.memref_slice %arg7[%dma_start3A_77, %dma_start3A_78] : memref<896x32xf32, #tpu.memory_space<vmem>> -> memref<128x32xf32, #tpu.memory_space<vmem>>
      %dma_start3A_80 = arith.constant 0 : i32
      %dma_start3A_81 = tpu.memref_slice %arg6[%dma_start3A_76, %dma_start3A_80] : memref<7x128xi32, #tpu.memory_space<vmem>> -> memref<1x128xi32, #tpu.memory_space<vmem>>
      %dma_start3A_82 = tpu.memref_squeeze %dma_start3A_81 : memref<1x128xi32, #tpu.memory_space<vmem>> -> memref<128xi32, #tpu.memory_space<vmem>>
      %dma_start3A_83 = arith.constant 0 : i32
      %dma_start3A_84 = arith.constant 0 : i32
      %dma_start3A_85 = tpu.memref_slice %arg8[%dma_start3A_83, %dma_start3A_84] : memref<50016x32xf32, #tpu.memory_space<vmem_shared>> -> memref<50016x32xf32, #tpu.memory_space<vmem_shared>>
      tpu.enqueue_indirect_dma source(%dma_start3A_79 : memref<128x32xf32, #tpu.memory_space<vmem>>) target(%dma_start3A_85 : memref<50016x32xf32, #tpu.memory_space<vmem_shared>>) offsets(%dma_start3A_82 : memref<128xi32, #tpu.memory_space<vmem>>) semaphore(%arg9 : memref<!tpu.dma_semaphore, #tpu.memory_space<semaphore_mem>>) {add = true}
      %dma_start3A_86 = arith.constant 5 : i32
      %dma_start3A_87 = arith.constant 640 : i32
      %dma_start3A_88 = arith.constant 0 : i32
      %dma_start3A_89 = tpu.memref_slice %arg7[%dma_start3A_87, %dma_start3A_88] : memref<896x32xf32, #tpu.memory_space<vmem>> -> memref<128x32xf32, #tpu.memory_space<vmem>>
      %dma_start3A_90 = arith.constant 0 : i32
      %dma_start3A_91 = tpu.memref_slice %arg6[%dma_start3A_86, %dma_start3A_90] : memref<7x128xi32, #tpu.memory_space<vmem>> -> memref<1x128xi32, #tpu.memory_space<vmem>>
      %dma_start3A_92 = tpu.memref_squeeze %dma_start3A_91 : memref<1x128xi32, #tpu.memory_space<vmem>> -> memref<128xi32, #tpu.memory_space<vmem>>
      %dma_start3A_93 = arith.constant 0 : i32
      %dma_start3A_94 = arith.constant 0 : i32
      %dma_start3A_95 = tpu.memref_slice %arg8[%dma_start3A_93, %dma_start3A_94] : memref<50016x32xf32, #tpu.memory_space<vmem_shared>> -> memref<50016x32xf32, #tpu.memory_space<vmem_shared>>
      tpu.enqueue_indirect_dma source(%dma_start3A_89 : memref<128x32xf32, #tpu.memory_space<vmem>>) target(%dma_start3A_95 : memref<50016x32xf32, #tpu.memory_space<vmem_shared>>) offsets(%dma_start3A_92 : memref<128xi32, #tpu.memory_space<vmem>>) semaphore(%arg9 : memref<!tpu.dma_semaphore, #tpu.memory_space<semaphore_mem>>) {add = true}
      %dma_start3A_96 = arith.constant 6 : i32
      %dma_start3A_97 = arith.constant 768 : i32
      %dma_start3A_98 = arith.constant 0 : i32
      %dma_start3A_99 = tpu.memref_slice %arg7[%dma_start3A_97, %dma_start3A_98] : memref<896x32xf32, #tpu.memory_space<vmem>> -> memref<128x32xf32, #tpu.memory_space<vmem>>
      %dma_start3A_100 = arith.constant 0 : i32
      %dma_start3A_101 = tpu.memref_slice %arg6[%dma_start3A_96, %dma_start3A_100] : memref<7x128xi32, #tpu.memory_space<vmem>> -> memref<1x128xi32, #tpu.memory_space<vmem>>
      %dma_start3A_102 = tpu.memref_squeeze %dma_start3A_101 : memref<1x128xi32, #tpu.memory_space<vmem>> -> memref<128xi32, #tpu.memory_space<vmem>>
      %dma_start3A_103 = arith.constant 0 : i32
      %dma_start3A_104 = arith.constant 0 : i32
      %dma_start3A_105 = tpu.memref_slice %arg8[%dma_start3A_103, %dma_start3A_104] : memref<50016x32xf32, #tpu.memory_space<vmem_shared>> -> memref<50016x32xf32, #tpu.memory_space<vmem_shared>>
      tpu.enqueue_indirect_dma source(%dma_start3A_99 : memref<128x32xf32, #tpu.memory_space<vmem>>) target(%dma_start3A_105 : memref<50016x32xf32, #tpu.memory_space<vmem_shared>>) offsets(%dma_start3A_102 : memref<128xi32, #tpu.memory_space<vmem>>) semaphore(%arg9 : memref<!tpu.dma_semaphore, #tpu.memory_space<semaphore_mem>>) {add = true}
      %dma_wait3A = arith.constant 0 : i32
      %dma_wait3A_106 = arith.constant 0 : i32
      %dma_wait3A_107 = arith.constant 0 : i32
      %dma_wait3A_108 = tpu.memref_slice %arg7[%dma_wait3A_106, %dma_wait3A_107] : memref<896x32xf32, #tpu.memory_space<vmem>> -> memref<128x32xf32, #tpu.memory_space<vmem>>
      %dma_wait3A_109 = arith.constant 0 : i32
      %dma_wait3A_110 = tpu.memref_slice %arg6[%dma_wait3A, %dma_wait3A_109] : memref<7x128xi32, #tpu.memory_space<vmem>> -> memref<1x128xi32, #tpu.memory_space<vmem>>
      %dma_wait3A_111 = tpu.memref_squeeze %dma_wait3A_110 : memref<1x128xi32, #tpu.memory_space<vmem>> -> memref<128xi32, #tpu.memory_space<vmem>>
      %dma_wait3A_112 = arith.constant 0 : i32
      %dma_wait3A_113 = arith.constant 0 : i32
      %dma_wait3A_114 = tpu.memref_slice %arg8[%dma_wait3A_112, %dma_wait3A_113] : memref<50016x32xf32, #tpu.memory_space<vmem_shared>> -> memref<50016x32xf32, #tpu.memory_space<vmem_shared>>
      tpu.wait_indirect_dma semaphore(%arg9 : memref<!tpu.dma_semaphore, #tpu.memory_space<semaphore_mem>>) src(%dma_wait3A_108 : memref<128x32xf32, #tpu.memory_space<vmem>>) dst(%dma_wait3A_114 : memref<50016x32xf32, #tpu.memory_space<vmem_shared>>)
      %dma_wait3A_115 = arith.constant 1 : i32
      %dma_wait3A_116 = arith.constant 128 : i32
      %dma_wait3A_117 = arith.constant 0 : i32
      %dma_wait3A_118 = tpu.memref_slice %arg7[%dma_wait3A_116, %dma_wait3A_117] : memref<896x32xf32, #tpu.memory_space<vmem>> -> memref<128x32xf32, #tpu.memory_space<vmem>>
      %dma_wait3A_119 = arith.constant 0 : i32
      %dma_wait3A_120 = tpu.memref_slice %arg6[%dma_wait3A_115, %dma_wait3A_119] : memref<7x128xi32, #tpu.memory_space<vmem>> -> memref<1x128xi32, #tpu.memory_space<vmem>>
      %dma_wait3A_121 = tpu.memref_squeeze %dma_wait3A_120 : memref<1x128xi32, #tpu.memory_space<vmem>> -> memref<128xi32, #tpu.memory_space<vmem>>
      %dma_wait3A_122 = arith.constant 0 : i32
      %dma_wait3A_123 = arith.constant 0 : i32
      %dma_wait3A_124 = tpu.memref_slice %arg8[%dma_wait3A_122, %dma_wait3A_123] : memref<50016x32xf32, #tpu.memory_space<vmem_shared>> -> memref<50016x32xf32, #tpu.memory_space<vmem_shared>>
      tpu.wait_indirect_dma semaphore(%arg9 : memref<!tpu.dma_semaphore, #tpu.memory_space<semaphore_mem>>) src(%dma_wait3A_118 : memref<128x32xf32, #tpu.memory_space<vmem>>) dst(%dma_wait3A_124 : memref<50016x32xf32, #tpu.memory_space<vmem_shared>>)
      %dma_wait3A_125 = arith.constant 2 : i32
      %dma_wait3A_126 = arith.constant 256 : i32
      %dma_wait3A_127 = arith.constant 0 : i32
      %dma_wait3A_128 = tpu.memref_slice %arg7[%dma_wait3A_126, %dma_wait3A_127] : memref<896x32xf32, #tpu.memory_space<vmem>> -> memref<128x32xf32, #tpu.memory_space<vmem>>
      %dma_wait3A_129 = arith.constant 0 : i32
      %dma_wait3A_130 = tpu.memref_slice %arg6[%dma_wait3A_125, %dma_wait3A_129] : memref<7x128xi32, #tpu.memory_space<vmem>> -> memref<1x128xi32, #tpu.memory_space<vmem>>
      %dma_wait3A_131 = tpu.memref_squeeze %dma_wait3A_130 : memref<1x128xi32, #tpu.memory_space<vmem>> -> memref<128xi32, #tpu.memory_space<vmem>>
      %dma_wait3A_132 = arith.constant 0 : i32
      %dma_wait3A_133 = arith.constant 0 : i32
      %dma_wait3A_134 = tpu.memref_slice %arg8[%dma_wait3A_132, %dma_wait3A_133] : memref<50016x32xf32, #tpu.memory_space<vmem_shared>> -> memref<50016x32xf32, #tpu.memory_space<vmem_shared>>
      tpu.wait_indirect_dma semaphore(%arg9 : memref<!tpu.dma_semaphore, #tpu.memory_space<semaphore_mem>>) src(%dma_wait3A_128 : memref<128x32xf32, #tpu.memory_space<vmem>>) dst(%dma_wait3A_134 : memref<50016x32xf32, #tpu.memory_space<vmem_shared>>)
      %dma_wait3A_135 = arith.constant 3 : i32
      %dma_wait3A_136 = arith.constant 384 : i32
      %dma_wait3A_137 = arith.constant 0 : i32
      %dma_wait3A_138 = tpu.memref_slice %arg7[%dma_wait3A_136, %dma_wait3A_137] : memref<896x32xf32, #tpu.memory_space<vmem>> -> memref<128x32xf32, #tpu.memory_space<vmem>>
      %dma_wait3A_139 = arith.constant 0 : i32
      %dma_wait3A_140 = tpu.memref_slice %arg6[%dma_wait3A_135, %dma_wait3A_139] : memref<7x128xi32, #tpu.memory_space<vmem>> -> memref<1x128xi32, #tpu.memory_space<vmem>>
      %dma_wait3A_141 = tpu.memref_squeeze %dma_wait3A_140 : memref<1x128xi32, #tpu.memory_space<vmem>> -> memref<128xi32, #tpu.memory_space<vmem>>
      %dma_wait3A_142 = arith.constant 0 : i32
      %dma_wait3A_143 = arith.constant 0 : i32
      %dma_wait3A_144 = tpu.memref_slice %arg8[%dma_wait3A_142, %dma_wait3A_143] : memref<50016x32xf32, #tpu.memory_space<vmem_shared>> -> memref<50016x32xf32, #tpu.memory_space<vmem_shared>>
      tpu.wait_indirect_dma semaphore(%arg9 : memref<!tpu.dma_semaphore, #tpu.memory_space<semaphore_mem>>) src(%dma_wait3A_138 : memref<128x32xf32, #tpu.memory_space<vmem>>) dst(%dma_wait3A_144 : memref<50016x32xf32, #tpu.memory_space<vmem_shared>>)
      %dma_wait3A_145 = arith.constant 4 : i32
      %dma_wait3A_146 = arith.constant 512 : i32
      %dma_wait3A_147 = arith.constant 0 : i32
      %dma_wait3A_148 = tpu.memref_slice %arg7[%dma_wait3A_146, %dma_wait3A_147] : memref<896x32xf32, #tpu.memory_space<vmem>> -> memref<128x32xf32, #tpu.memory_space<vmem>>
      %dma_wait3A_149 = arith.constant 0 : i32
      %dma_wait3A_150 = tpu.memref_slice %arg6[%dma_wait3A_145, %dma_wait3A_149] : memref<7x128xi32, #tpu.memory_space<vmem>> -> memref<1x128xi32, #tpu.memory_space<vmem>>
      %dma_wait3A_151 = tpu.memref_squeeze %dma_wait3A_150 : memref<1x128xi32, #tpu.memory_space<vmem>> -> memref<128xi32, #tpu.memory_space<vmem>>
      %dma_wait3A_152 = arith.constant 0 : i32
      %dma_wait3A_153 = arith.constant 0 : i32
      %dma_wait3A_154 = tpu.memref_slice %arg8[%dma_wait3A_152, %dma_wait3A_153] : memref<50016x32xf32, #tpu.memory_space<vmem_shared>> -> memref<50016x32xf32, #tpu.memory_space<vmem_shared>>
      tpu.wait_indirect_dma semaphore(%arg9 : memref<!tpu.dma_semaphore, #tpu.memory_space<semaphore_mem>>) src(%dma_wait3A_148 : memref<128x32xf32, #tpu.memory_space<vmem>>) dst(%dma_wait3A_154 : memref<50016x32xf32, #tpu.memory_space<vmem_shared>>)
      %dma_wait3A_155 = arith.constant 5 : i32
      %dma_wait3A_156 = arith.constant 640 : i32
      %dma_wait3A_157 = arith.constant 0 : i32
      %dma_wait3A_158 = tpu.memref_slice %arg7[%dma_wait3A_156, %dma_wait3A_157] : memref<896x32xf32, #tpu.memory_space<vmem>> -> memref<128x32xf32, #tpu.memory_space<vmem>>
      %dma_wait3A_159 = arith.constant 0 : i32
      %dma_wait3A_160 = tpu.memref_slice %arg6[%dma_wait3A_155, %dma_wait3A_159] : memref<7x128xi32, #tpu.memory_space<vmem>> -> memref<1x128xi32, #tpu.memory_space<vmem>>
      %dma_wait3A_161 = tpu.memref_squeeze %dma_wait3A_160 : memref<1x128xi32, #tpu.memory_space<vmem>> -> memref<128xi32, #tpu.memory_space<vmem>>
      %dma_wait3A_162 = arith.constant 0 : i32
      %dma_wait3A_163 = arith.constant 0 : i32
      %dma_wait3A_164 = tpu.memref_slice %arg8[%dma_wait3A_162, %dma_wait3A_163] : memref<50016x32xf32, #tpu.memory_space<vmem_shared>> -> memref<50016x32xf32, #tpu.memory_space<vmem_shared>>
      tpu.wait_indirect_dma semaphore(%arg9 : memref<!tpu.dma_semaphore, #tpu.memory_space<semaphore_mem>>) src(%dma_wait3A_158 : memref<128x32xf32, #tpu.memory_space<vmem>>) dst(%dma_wait3A_164 : memref<50016x32xf32, #tpu.memory_space<vmem_shared>>)
      %dma_wait3A_165 = arith.constant 6 : i32
      %dma_wait3A_166 = arith.constant 768 : i32
      %dma_wait3A_167 = arith.constant 0 : i32
      %dma_wait3A_168 = tpu.memref_slice %arg7[%dma_wait3A_166, %dma_wait3A_167] : memref<896x32xf32, #tpu.memory_space<vmem>> -> memref<128x32xf32, #tpu.memory_space<vmem>>
      %dma_wait3A_169 = arith.constant 0 : i32
      %dma_wait3A_170 = tpu.memref_slice %arg6[%dma_wait3A_165, %dma_wait3A_169] : memref<7x128xi32, #tpu.memory_space<vmem>> -> memref<1x128xi32, #tpu.memory_space<vmem>>
      %dma_wait3A_171 = tpu.memref_squeeze %dma_wait3A_170 : memref<1x128xi32, #tpu.memory_space<vmem>> -> memref<128xi32, #tpu.memory_space<vmem>>
      %dma_wait3A_172 = arith.constant 0 : i32
      %dma_wait3A_173 = arith.constant 0 : i32
      %dma_wait3A_174 = tpu.memref_slice %arg8[%dma_wait3A_172, %dma_wait3A_173] : memref<50016x32xf32, #tpu.memory_space<vmem_shared>> -> memref<50016x32xf32, #tpu.memory_space<vmem_shared>>
      tpu.wait_indirect_dma semaphore(%arg9 : memref<!tpu.dma_semaphore, #tpu.memory_space<semaphore_mem>>) src(%dma_wait3A_168 : memref<128x32xf32, #tpu.memory_space<vmem>>) dst(%dma_wait3A_174 : memref<50016x32xf32, #tpu.memory_space<vmem_shared>>)
    }
    %scan3A_11 = arith.constant 28 : i32
    %barrier3A_12 = arith.constant 0 : index
    tpu.barrier barrier_id(%barrier3A_12)
    %mul3A_13 = arith.constant 3126 : i32
    %mul3A_14 = arith.muli %arg1, %mul3A_13 : i32
    %mul3A_15 = arith.constant 3126 : i32
    %mul3A_16 = arith.muli %arg1, %mul3A_15 : i32
    "tpu.region"() ({
      %run_scoped3A = tpu.sem_alloc : memref<!tpu.dma_semaphore, #tpu.memory_space<semaphore_mem>>
      %dma_start3A = arith.constant 0 : i32
      %dma_start3A_17 = tpu.memref_slice %arg5[%arg0, %mul3A_16, %dma_start3A] : memref<2x50016x32xf32, #tpu.memory_space<hbm>> -> memref<1x3126x32xf32, #tpu.memory_space<hbm>>
      %dma_start3A_18 = tpu.memref_squeeze %dma_start3A_17 : memref<1x3126x32xf32, #tpu.memory_space<hbm>> -> memref<3126x32xf32, #tpu.memory_space<hbm>>
      %dma_start3A_19 = arith.constant 0 : i32
      %dma_start3A_20 = tpu.memref_slice %arg8[%mul3A_14, %dma_start3A_19] : memref<50016x32xf32, #tpu.memory_space<vmem_shared>> -> memref<3126x32xf32, #tpu.memory_space<vmem_shared>>
      tpu.enqueue_dma source(%dma_start3A_20 : memref<3126x32xf32, #tpu.memory_space<vmem_shared>>) target(%dma_start3A_18 : memref<3126x32xf32, #tpu.memory_space<hbm>>) target_semaphore(%run_scoped3A : memref<!tpu.dma_semaphore, #tpu.memory_space<semaphore_mem>>)
      %dma_wait3A = arith.constant 0 : i32
      %dma_wait3A_21 = tpu.memref_slice %arg5[%arg0, %mul3A_16, %dma_wait3A] : memref<2x50016x32xf32, #tpu.memory_space<hbm>> -> memref<1x3126x32xf32, #tpu.memory_space<hbm>>
      %dma_wait3A_22 = tpu.memref_squeeze %dma_wait3A_21 : memref<1x3126x32xf32, #tpu.memory_space<hbm>> -> memref<3126x32xf32, #tpu.memory_space<hbm>>
      %dma_wait3A_23 = arith.constant 0 : i32
      %dma_wait3A_24 = tpu.memref_slice %arg8[%mul3A_14, %dma_wait3A_23] : memref<50016x32xf32, #tpu.memory_space<vmem_shared>> -> memref<3126x32xf32, #tpu.memory_space<vmem_shared>>
      tpu.wait_dma2 semaphore(%run_scoped3A : memref<!tpu.dma_semaphore, #tpu.memory_space<semaphore_mem>>) src(%dma_wait3A_24 : memref<3126x32xf32, #tpu.memory_space<vmem_shared>>) dst(%dma_wait3A_22 : memref<3126x32xf32, #tpu.memory_space<hbm>>)
      tpu.yield
    }) : () -> ()
    return
  }
}

module attributes {stable_mosaic.version = 14 : i64} {
  func.func @body(%arg0: i32, %arg1: memref<1000x64xf32, #tpu.memory_space<vmem>>, %arg2: memref<1000x64xf32, #tpu.memory_space<vmem>>, %arg3: memref<64x64xf32, #tpu.memory_space<vmem>>, %arg4: memref<64x64xf32, #tpu.memory_space<vmem>>, %arg5: memref<1000x64xf32, #tpu.memory_space<vmem>>) attributes {dimension_semantics = [#tpu.dimension_semantics<arbitrary>], iteration_bounds = array<i64: 20>, scalar_prefetch = 0 : i64, scratch_operands = 0 : i64, tpu.core_type = #tpu.core_type<tc>, window_params = [{transform_indices = @transform_0, window_bounds = array<i64: 1000, 64>}, {transform_indices = @transform_1, window_bounds = array<i64: 1000, 64>}, {pipeline_mode = #tpu.pipeline_mode<synchronous>, transform_indices = @transform_2, window_bounds = array<i64: 64, 64>}, {pipeline_mode = #tpu.pipeline_mode<synchronous>, transform_indices = @transform_3, window_bounds = array<i64: 64, 64>}, {transform_indices = @transform_4, window_bounds = array<i64: 1000, 64>}]} {
    %get3A = arith.constant 0 : index
    %get3A_0 = arith.constant 0 : index
    %get3A_1 = vector.load %arg1[%get3A, %get3A_0] : memref<1000x64xf32, #tpu.memory_space<vmem>>, vector<1000x64xf32>
    %get3A_2 = arith.constant 0 : index
    %get3A_3 = arith.constant 0 : index
    %get3A_4 = vector.load %arg2[%get3A_2, %get3A_3] : memref<1000x64xf32, #tpu.memory_space<vmem>>, vector<1000x64xf32>
    %get3A_5 = arith.constant 0 : index
    %get3A_6 = arith.constant 0 : index
    %get3A_7 = vector.load %arg3[%get3A_5, %get3A_6] : memref<64x64xf32, #tpu.memory_space<vmem>>, vector<64x64xf32>
    %dot_general3A = arith.constant dense<0.000000e+00> : vector<1000x64xf32>
    %dot_general3A_8 = tpu.matmul %get3A_1, %get3A_7, %dot_general3A {dimension_numbers = #tpu.dot_dimension_numbers<[1], [1], [0], [0], [0, 0, 1, 0], [], []>, transpose_lhs_hint = false} : vector<1000x64xf32>, vector<64x64xf32>, vector<1000x64xf32> -> vector<1000x64xf32>
    %get3A_9 = arith.constant 0 : index
    %get3A_10 = arith.constant 0 : index
    %get3A_11 = vector.load %arg4[%get3A_9, %get3A_10] : memref<64x64xf32, #tpu.memory_space<vmem>>, vector<64x64xf32>
    %dot_general3A_12 = arith.constant dense<0.000000e+00> : vector<1000x64xf32>
    %dot_general3A_13 = tpu.matmul %get3A_4, %get3A_11, %dot_general3A_12 {dimension_numbers = #tpu.dot_dimension_numbers<[1], [1], [0], [0], [0, 0, 1, 0], [], []>, transpose_lhs_hint = false} : vector<1000x64xf32>, vector<64x64xf32>, vector<1000x64xf32> -> vector<1000x64xf32>
    %add3A = arith.addf %dot_general3A_8, %dot_general3A_13 : vector<1000x64xf32>
    %logistic3A = arith.negf %add3A : vector<1000x64xf32>
    %logistic3A_14 = math.exp %logistic3A : vector<1000x64xf32>
    %logistic3A_15 = arith.constant 1.000000e+00 : f32
    %logistic3A_16 = vector.broadcast %logistic3A_15 : f32 to vector<1000x64xf32>
    %logistic3A_17 = arith.addf %logistic3A_16, %logistic3A_14 : vector<1000x64xf32>
    %logistic3A_18 = arith.divf %logistic3A_16, %logistic3A_17 : vector<1000x64xf32>
    %mul3A = arith.mulf %logistic3A_18, %get3A_1 : vector<1000x64xf32>
    %sub3A = arith.constant 1.000000e+00 : f32
    %sub3A_19 = vector.broadcast %sub3A : f32 to vector<1000x64xf32>
    %sub3A_20 = arith.subf %sub3A_19, %logistic3A_18 : vector<1000x64xf32>
    %mul3A_21 = arith.mulf %sub3A_20, %get3A_4 : vector<1000x64xf32>
    %add3A_22 = arith.addf %mul3A, %mul3A_21 : vector<1000x64xf32>
    %swap3A = arith.constant 0 : index
    %swap3A_23 = arith.constant 0 : index
    %swap3A_24 = vector.load %arg5[%swap3A, %swap3A_23] : memref<1000x64xf32, #tpu.memory_space<vmem>>, vector<1000x64xf32>
    tpu.vector_store %arg5[%swap3A, %swap3A_23], %add3A_22 {strides = array<i32>} : memref<1000x64xf32, #tpu.memory_space<vmem>>, vector<1000x64xf32>,
    return
  }
  func.func @transform_0(%arg0: i32) -> (i32, i32) {
    %c0_i32 = arith.constant 0 : i32
    %c0_i32_0 = arith.constant 0 : i32
    return %arg0, %c0_i32 : i32, i32
  }
  func.func @transform_1(%arg0: i32) -> (i32, i32) {
    %c0_i32 = arith.constant 0 : i32
    %c0_i32_0 = arith.constant 0 : i32
    return %arg0, %c0_i32 : i32, i32
  }
  func.func @transform_2(%arg0: i32) -> (i32, i32) {
    %c0_i32 = arith.constant 0 : i32
    %c0_i32_0 = arith.constant 0 : i32
    %c0_i32_1 = arith.constant 0 : i32
    return %c0_i32, %c0_i32_0 : i32, i32
  }
  func.func @transform_3(%arg0: i32) -> (i32, i32) {
    %c0_i32 = arith.constant 0 : i32
    %c0_i32_0 = arith.constant 0 : i32
    %c0_i32_1 = arith.constant 0 : i32
    return %c0_i32, %c0_i32_0 : i32, i32
  }
  func.func @transform_4(%arg0: i32) -> (i32, i32) {
    %c0_i32 = arith.constant 0 : i32
    %c0_i32_0 = arith.constant 0 : i32
    return %arg0, %c0_i32 : i32, i32
  }
}

module attributes {stable_mosaic.version = 14 : i64} {
  func.func @body(%arg0: i32, %arg1: memref<1024x64xf32, #tpu.memory_space<vmem>>, %arg2: memref<1024x64xf32, #tpu.memory_space<vmem>>, %arg3: memref<1024x64xf32, #tpu.memory_space<vmem>>, %arg4: memref<1024x32xf32, #tpu.memory_space<vmem>>, %arg5: memref<1024x32xf32, #tpu.memory_space<vmem>>) attributes {dimension_semantics = [#tpu.dimension_semantics<arbitrary>], iteration_bounds = array<i64: 784>, scalar_prefetch = 0 : i64, scratch_operands = 0 : i64, tpu.core_type = #tpu.core_type<tc>, window_params = [{transform_indices = @transform_0, window_bounds = array<i64: 1024, 64>}, {transform_indices = @transform_1, window_bounds = array<i64: 1024, 64>}, {transform_indices = @transform_2, window_bounds = array<i64: 1024, 64>}, {transform_indices = @transform_3, window_bounds = array<i64: 1024, 32>}, {transform_indices = @transform_4, window_bounds = array<i64: 1024, 32>}]} {
    %get3A = arith.constant 0 : index
    %get3A_0 = arith.constant 0 : index
    %get3A_1 = vector.load %arg1[%get3A, %get3A_0] : memref<1024x64xf32, #tpu.memory_space<vmem>>, vector<1024x64xf32>
    %get3A_2 = arith.constant 0 : index
    %get3A_3 = arith.constant 0 : index
    %get3A_4 = vector.load %arg2[%get3A_2, %get3A_3] : memref<1024x64xf32, #tpu.memory_space<vmem>>, vector<1024x64xf32>
    %get3A_5 = arith.constant 0 : index
    %get3A_6 = arith.constant 0 : index
    %get3A_7 = vector.load %arg3[%get3A_5, %get3A_6] : memref<1024x64xf32, #tpu.memory_space<vmem>>, vector<1024x64xf32>
    %mul3A = arith.mulf %get3A_1, %get3A_1 : vector<1024x64xf32>
    %reduce_sum3A = arith.constant dense<0.000000e+00> : vector<1024xf32>
    %reduce_sum3A_8 = vector.multi_reduction <add>, %mul3A, %reduce_sum3A [1] : vector<1024x64xf32> to vector<1024xf32>
    %broadcast_in_dim3A = vector.shape_cast %reduce_sum3A_8 : vector<1024xf32> to vector<1024x1xf32>
    %sqrt3A = math.sqrt %broadcast_in_dim3A : vector<1024x1xf32>
    %jit3A = arith.constant 1.000000e-15 : f32
    %max3A = vector.broadcast %jit3A : f32 to vector<1024x1xf32>
    %max3A_9 = arith.maximumf %max3A, %sqrt3A : vector<1024x1xf32>
    %tanh3A = math.tanh %max3A_9 : vector<1024x1xf32>
    %mul3A_10 = vector.broadcast %tanh3A : vector<1024x1xf32> to vector<1024x64xf32>
    %mul3A_11 = arith.mulf %mul3A_10, %get3A_1 : vector<1024x64xf32>
    %div3A = vector.broadcast %max3A_9 : vector<1024x1xf32> to vector<1024x64xf32>
    %div3A_12 = arith.divf %mul3A_11, %div3A : vector<1024x64xf32>
    %mul3A_13 = arith.mulf %div3A_12, %div3A_12 : vector<1024x64xf32>
    %reduce_sum3A_14 = arith.constant dense<0.000000e+00> : vector<1024xf32>
    %reduce_sum3A_15 = vector.multi_reduction <add>, %mul3A_13, %reduce_sum3A_14 [1] : vector<1024x64xf32> to vector<1024xf32>
    %broadcast_in_dim3A_16 = vector.shape_cast %reduce_sum3A_15 : vector<1024xf32> to vector<1024x1xf32>
    %sqrt3A_17 = math.sqrt %broadcast_in_dim3A_16 : vector<1024x1xf32>
    %jit3A_18 = arith.constant 1.000000e-15 : f32
    %max3A_19 = vector.broadcast %jit3A_18 : f32 to vector<1024x1xf32>
    %max3A_20 = arith.maximumf %max3A_19, %sqrt3A_17 : vector<1024x1xf32>
    %gt3A = arith.constant 0.999989986 : f32
    %gt3A_21 = vector.broadcast %gt3A : f32 to vector<1024x1xf32>
    %gt3A_22 = arith.cmpf ogt, %max3A_20, %gt3A_21 : vector<1024x1xf32>
    %div3A_23 = vector.broadcast %max3A_20 : vector<1024x1xf32> to vector<1024x64xf32>
    %div3A_24 = arith.divf %div3A_12, %div3A_23 : vector<1024x64xf32>
    %mul3A_25 = arith.constant 0.999989986 : f32
    %mul3A_26 = vector.broadcast %mul3A_25 : f32 to vector<1024x64xf32>
    %mul3A_27 = arith.mulf %div3A_24, %mul3A_26 : vector<1024x64xf32>
    %broadcast_in_dim3A_28 = vector.shape_cast %gt3A_22 : vector<1024x1xi1> to vector<1024x1xi1>
    %broadcast_in_dim3A_29 = vector.broadcast %broadcast_in_dim3A_28 : vector<1024x1xi1> to vector<1024x64xi1>
    %select_n3A = arith.select %broadcast_in_dim3A_29, %mul3A_27, %div3A_12 : vector<1024x64xi1>, vector<1024x64xf32>
    %mul3A_30 = arith.mulf %get3A_4, %get3A_4 : vector<1024x64xf32>
    %reduce_sum3A_31 = arith.constant dense<0.000000e+00> : vector<1024xf32>
    %reduce_sum3A_32 = vector.multi_reduction <add>, %mul3A_30, %reduce_sum3A_31 [1] : vector<1024x64xf32> to vector<1024xf32>
    %broadcast_in_dim3A_33 = vector.shape_cast %reduce_sum3A_32 : vector<1024xf32> to vector<1024x1xf32>
    %sqrt3A_34 = math.sqrt %broadcast_in_dim3A_33 : vector<1024x1xf32>
    %jit3A_35 = arith.constant 1.000000e-15 : f32
    %max3A_36 = vector.broadcast %jit3A_35 : f32 to vector<1024x1xf32>
    %max3A_37 = arith.maximumf %max3A_36, %sqrt3A_34 : vector<1024x1xf32>
    %mul3A_38 = arith.mulf %select_n3A, %select_n3A : vector<1024x64xf32>
    %reduce_sum3A_39 = arith.constant dense<0.000000e+00> : vector<1024xf32>
    %reduce_sum3A_40 = vector.multi_reduction <add>, %mul3A_38, %reduce_sum3A_39 [1] : vector<1024x64xf32> to vector<1024xf32>
    %broadcast_in_dim3A_41 = vector.shape_cast %reduce_sum3A_40 : vector<1024xf32> to vector<1024x1xf32>
    %sub3A = arith.constant 1.000000e+00 : f32
    %sub3A_42 = vector.broadcast %sub3A : f32 to vector<1024x1xf32>
    %sub3A_43 = arith.subf %sub3A_42, %broadcast_in_dim3A_41 : vector<1024x1xf32>
    %jit3A_44 = arith.constant 1.000000e-15 : f32
    %max3A_45 = vector.broadcast %jit3A_44 : f32 to vector<1024x1xf32>
    %max3A_46 = arith.maximumf %max3A_45, %sub3A_43 : vector<1024x1xf32>
    %div3A_47 = arith.constant 2.000000e+00 : f32
    %div3A_48 = vector.broadcast %div3A_47 : f32 to vector<1024x1xf32>
    %div3A_49 = arith.divf %div3A_48, %max3A_46 : vector<1024x1xf32>
    %mul3A_50 = arith.mulf %div3A_49, %max3A_37 : vector<1024x1xf32>
    %div3A_51 = arith.constant 2.000000e+00 : f32
    %div3A_52 = vector.broadcast %div3A_51 : f32 to vector<1024x1xf32>
    %div3A_53 = arith.divf %mul3A_50, %div3A_52 : vector<1024x1xf32>
    %tanh3A_54 = math.tanh %div3A_53 : vector<1024x1xf32>
    %mul3A_55 = vector.broadcast %tanh3A_54 : vector<1024x1xf32> to vector<1024x64xf32>
    %mul3A_56 = arith.mulf %mul3A_55, %get3A_4 : vector<1024x64xf32>
    %div3A_57 = vector.broadcast %max3A_37 : vector<1024x1xf32> to vector<1024x64xf32>
    %div3A_58 = arith.divf %mul3A_56, %div3A_57 : vector<1024x64xf32>
    %mul3A_59 = arith.mulf %select_n3A, %select_n3A : vector<1024x64xf32>
    %reduce_sum3A_60 = arith.constant dense<0.000000e+00> : vector<1024xf32>
    %reduce_sum3A_61 = vector.multi_reduction <add>, %mul3A_59, %reduce_sum3A_60 [1] : vector<1024x64xf32> to vector<1024xf32>
    %broadcast_in_dim3A_62 = vector.shape_cast %reduce_sum3A_61 : vector<1024xf32> to vector<1024x1xf32>
    %mul3A_63 = arith.mulf %div3A_58, %div3A_58 : vector<1024x64xf32>
    %reduce_sum3A_64 = arith.constant dense<0.000000e+00> : vector<1024xf32>
    %reduce_sum3A_65 = vector.multi_reduction <add>, %mul3A_63, %reduce_sum3A_64 [1] : vector<1024x64xf32> to vector<1024xf32>
    %broadcast_in_dim3A_66 = vector.shape_cast %reduce_sum3A_65 : vector<1024xf32> to vector<1024x1xf32>
    %mul3A_67 = arith.mulf %select_n3A, %div3A_58 : vector<1024x64xf32>
    %reduce_sum3A_68 = arith.constant dense<0.000000e+00> : vector<1024xf32>
    %reduce_sum3A_69 = vector.multi_reduction <add>, %mul3A_67, %reduce_sum3A_68 [1] : vector<1024x64xf32> to vector<1024xf32>
    %broadcast_in_dim3A_70 = vector.shape_cast %reduce_sum3A_69 : vector<1024xf32> to vector<1024x1xf32>
    %mul3A_71 = arith.constant 2.000000e+00 : f32
    %mul3A_72 = vector.broadcast %mul3A_71 : f32 to vector<1024x1xf32>
    %mul3A_73 = arith.mulf %mul3A_72, %broadcast_in_dim3A_70 : vector<1024x1xf32>
    %add3A = arith.constant 1.000000e+00 : f32
    %add3A_74 = vector.broadcast %add3A : f32 to vector<1024x1xf32>
    %add3A_75 = arith.addf %add3A_74, %mul3A_73 : vector<1024x1xf32>
    %add3A_76 = arith.addf %add3A_75, %broadcast_in_dim3A_66 : vector<1024x1xf32>
    %mul3A_77 = vector.broadcast %add3A_76 : vector<1024x1xf32> to vector<1024x64xf32>
    %mul3A_78 = arith.mulf %mul3A_77, %select_n3A : vector<1024x64xf32>
    %sub3A_79 = arith.constant 1.000000e+00 : f32
    %sub3A_80 = vector.broadcast %sub3A_79 : f32 to vector<1024x1xf32>
    %sub3A_81 = arith.subf %sub3A_80, %broadcast_in_dim3A_62 : vector<1024x1xf32>
    %mul3A_82 = vector.broadcast %sub3A_81 : vector<1024x1xf32> to vector<1024x64xf32>
    %mul3A_83 = arith.mulf %mul3A_82, %div3A_58 : vector<1024x64xf32>
    %add3A_84 = arith.addf %mul3A_78, %mul3A_83 : vector<1024x64xf32>
    %mul3A_85 = arith.constant 2.000000e+00 : f32
    %mul3A_86 = vector.broadcast %mul3A_85 : f32 to vector<1024x1xf32>
    %mul3A_87 = arith.mulf %mul3A_86, %broadcast_in_dim3A_70 : vector<1024x1xf32>
    %add3A_88 = arith.constant 1.000000e+00 : f32
    %add3A_89 = vector.broadcast %add3A_88 : f32 to vector<1024x1xf32>
    %add3A_90 = arith.addf %add3A_89, %mul3A_87 : vector<1024x1xf32>
    %mul3A_91 = arith.mulf %broadcast_in_dim3A_62, %broadcast_in_dim3A_66 : vector<1024x1xf32>
    %add3A_92 = arith.addf %add3A_90, %mul3A_91 : vector<1024x1xf32>
    %jit3A_93 = arith.constant 1.000000e-15 : f32
    %max3A_94 = vector.broadcast %jit3A_93 : f32 to vector<1024x1xf32>
    %max3A_95 = arith.maximumf %max3A_94, %add3A_92 : vector<1024x1xf32>
    %div3A_96 = vector.broadcast %max3A_95 : vector<1024x1xf32> to vector<1024x64xf32>
    %div3A_97 = arith.divf %add3A_84, %div3A_96 : vector<1024x64xf32>
    %mul3A_98 = arith.mulf %div3A_97, %div3A_97 : vector<1024x64xf32>
    %reduce_sum3A_99 = arith.constant dense<0.000000e+00> : vector<1024xf32>
    %reduce_sum3A_100 = vector.multi_reduction <add>, %mul3A_98, %reduce_sum3A_99 [1] : vector<1024x64xf32> to vector<1024xf32>
    %broadcast_in_dim3A_101 = vector.shape_cast %reduce_sum3A_100 : vector<1024xf32> to vector<1024x1xf32>
    %sqrt3A_102 = math.sqrt %broadcast_in_dim3A_101 : vector<1024x1xf32>
    %jit3A_103 = arith.constant 1.000000e-15 : f32
    %max3A_104 = vector.broadcast %jit3A_103 : f32 to vector<1024x1xf32>
    %max3A_105 = arith.maximumf %max3A_104, %sqrt3A_102 : vector<1024x1xf32>
    %gt3A_106 = arith.constant 0.999989986 : f32
    %gt3A_107 = vector.broadcast %gt3A_106 : f32 to vector<1024x1xf32>
    %gt3A_108 = arith.cmpf ogt, %max3A_105, %gt3A_107 : vector<1024x1xf32>
    %div3A_109 = vector.broadcast %max3A_105 : vector<1024x1xf32> to vector<1024x64xf32>
    %div3A_110 = arith.divf %div3A_97, %div3A_109 : vector<1024x64xf32>
    %mul3A_111 = arith.constant 0.999989986 : f32
    %mul3A_112 = vector.broadcast %mul3A_111 : f32 to vector<1024x64xf32>
    %mul3A_113 = arith.mulf %div3A_110, %mul3A_112 : vector<1024x64xf32>
    %broadcast_in_dim3A_114 = vector.shape_cast %gt3A_108 : vector<1024x1xi1> to vector<1024x1xi1>
    %broadcast_in_dim3A_115 = vector.broadcast %broadcast_in_dim3A_114 : vector<1024x1xi1> to vector<1024x64xi1>
    %select_n3A_116 = arith.select %broadcast_in_dim3A_115, %mul3A_113, %div3A_97 : vector<1024x64xi1>, vector<1024x64xf32>
    %mul3A_117 = arith.mulf %get3A_7, %get3A_7 : vector<1024x64xf32>
    %reduce_sum3A_118 = arith.constant dense<0.000000e+00> : vector<1024xf32>
    %reduce_sum3A_119 = vector.multi_reduction <add>, %mul3A_117, %reduce_sum3A_118 [1] : vector<1024x64xf32> to vector<1024xf32>
    %broadcast_in_dim3A_120 = vector.shape_cast %reduce_sum3A_119 : vector<1024xf32> to vector<1024x1xf32>
    %sqrt3A_121 = math.sqrt %broadcast_in_dim3A_120 : vector<1024x1xf32>
    %jit3A_122 = arith.constant 1.000000e-15 : f32
    %max3A_123 = vector.broadcast %jit3A_122 : f32 to vector<1024x1xf32>
    %max3A_124 = arith.maximumf %max3A_123, %sqrt3A_121 : vector<1024x1xf32>
    %mul3A_125 = arith.mulf %select_n3A, %select_n3A : vector<1024x64xf32>
    %reduce_sum3A_126 = arith.constant dense<0.000000e+00> : vector<1024xf32>
    %reduce_sum3A_127 = vector.multi_reduction <add>, %mul3A_125, %reduce_sum3A_126 [1] : vector<1024x64xf32> to vector<1024xf32>
    %broadcast_in_dim3A_128 = vector.shape_cast %reduce_sum3A_127 : vector<1024xf32> to vector<1024x1xf32>
    %sub3A_129 = arith.constant 1.000000e+00 : f32
    %sub3A_130 = vector.broadcast %sub3A_129 : f32 to vector<1024x1xf32>
    %sub3A_131 = arith.subf %sub3A_130, %broadcast_in_dim3A_128 : vector<1024x1xf32>
    %jit3A_132 = arith.constant 1.000000e-15 : f32
    %max3A_133 = vector.broadcast %jit3A_132 : f32 to vector<1024x1xf32>
    %max3A_134 = arith.maximumf %max3A_133, %sub3A_131 : vector<1024x1xf32>
    %div3A_135 = arith.constant 2.000000e+00 : f32
    %div3A_136 = vector.broadcast %div3A_135 : f32 to vector<1024x1xf32>
    %div3A_137 = arith.divf %div3A_136, %max3A_134 : vector<1024x1xf32>
    %mul3A_138 = arith.mulf %div3A_137, %max3A_124 : vector<1024x1xf32>
    %div3A_139 = arith.constant 2.000000e+00 : f32
    %div3A_140 = vector.broadcast %div3A_139 : f32 to vector<1024x1xf32>
    %div3A_141 = arith.divf %mul3A_138, %div3A_140 : vector<1024x1xf32>
    %tanh3A_142 = math.tanh %div3A_141 : vector<1024x1xf32>
    %mul3A_143 = vector.broadcast %tanh3A_142 : vector<1024x1xf32> to vector<1024x64xf32>
    %mul3A_144 = arith.mulf %mul3A_143, %get3A_7 : vector<1024x64xf32>
    %div3A_145 = vector.broadcast %max3A_124 : vector<1024x1xf32> to vector<1024x64xf32>
    %div3A_146 = arith.divf %mul3A_144, %div3A_145 : vector<1024x64xf32>
    %mul3A_147 = arith.mulf %select_n3A, %select_n3A : vector<1024x64xf32>
    %reduce_sum3A_148 = arith.constant dense<0.000000e+00> : vector<1024xf32>
    %reduce_sum3A_149 = vector.multi_reduction <add>, %mul3A_147, %reduce_sum3A_148 [1] : vector<1024x64xf32> to vector<1024xf32>
    %broadcast_in_dim3A_150 = vector.shape_cast %reduce_sum3A_149 : vector<1024xf32> to vector<1024x1xf32>
    %mul3A_151 = arith.mulf %div3A_146, %div3A_146 : vector<1024x64xf32>
    %reduce_sum3A_152 = arith.constant dense<0.000000e+00> : vector<1024xf32>
    %reduce_sum3A_153 = vector.multi_reduction <add>, %mul3A_151, %reduce_sum3A_152 [1] : vector<1024x64xf32> to vector<1024xf32>
    %broadcast_in_dim3A_154 = vector.shape_cast %reduce_sum3A_153 : vector<1024xf32> to vector<1024x1xf32>
    %mul3A_155 = arith.mulf %select_n3A, %div3A_146 : vector<1024x64xf32>
    %reduce_sum3A_156 = arith.constant dense<0.000000e+00> : vector<1024xf32>
    %reduce_sum3A_157 = vector.multi_reduction <add>, %mul3A_155, %reduce_sum3A_156 [1] : vector<1024x64xf32> to vector<1024xf32>
    %broadcast_in_dim3A_158 = vector.shape_cast %reduce_sum3A_157 : vector<1024xf32> to vector<1024x1xf32>
    %mul3A_159 = arith.constant 2.000000e+00 : f32
    %mul3A_160 = vector.broadcast %mul3A_159 : f32 to vector<1024x1xf32>
    %mul3A_161 = arith.mulf %mul3A_160, %broadcast_in_dim3A_158 : vector<1024x1xf32>
    %add3A_162 = arith.constant 1.000000e+00 : f32
    %add3A_163 = vector.broadcast %add3A_162 : f32 to vector<1024x1xf32>
    %add3A_164 = arith.addf %add3A_163, %mul3A_161 : vector<1024x1xf32>
    %add3A_165 = arith.addf %add3A_164, %broadcast_in_dim3A_154 : vector<1024x1xf32>
    %mul3A_166 = vector.broadcast %add3A_165 : vector<1024x1xf32> to vector<1024x64xf32>
    %mul3A_167 = arith.mulf %mul3A_166, %select_n3A : vector<1024x64xf32>
    %sub3A_168 = arith.constant 1.000000e+00 : f32
    %sub3A_169 = vector.broadcast %sub3A_168 : f32 to vector<1024x1xf32>
    %sub3A_170 = arith.subf %sub3A_169, %broadcast_in_dim3A_150 : vector<1024x1xf32>
    %mul3A_171 = vector.broadcast %sub3A_170 : vector<1024x1xf32> to vector<1024x64xf32>
    %mul3A_172 = arith.mulf %mul3A_171, %div3A_146 : vector<1024x64xf32>
    %add3A_173 = arith.addf %mul3A_167, %mul3A_172 : vector<1024x64xf32>
    %mul3A_174 = arith.constant 2.000000e+00 : f32
    %mul3A_175 = vector.broadcast %mul3A_174 : f32 to vector<1024x1xf32>
    %mul3A_176 = arith.mulf %mul3A_175, %broadcast_in_dim3A_158 : vector<1024x1xf32>
    %add3A_177 = arith.constant 1.000000e+00 : f32
    %add3A_178 = vector.broadcast %add3A_177 : f32 to vector<1024x1xf32>
    %add3A_179 = arith.addf %add3A_178, %mul3A_176 : vector<1024x1xf32>
    %mul3A_180 = arith.mulf %broadcast_in_dim3A_150, %broadcast_in_dim3A_154 : vector<1024x1xf32>
    %add3A_181 = arith.addf %add3A_179, %mul3A_180 : vector<1024x1xf32>
    %jit3A_182 = arith.constant 1.000000e-15 : f32
    %max3A_183 = vector.broadcast %jit3A_182 : f32 to vector<1024x1xf32>
    %max3A_184 = arith.maximumf %max3A_183, %add3A_181 : vector<1024x1xf32>
    %div3A_185 = vector.broadcast %max3A_184 : vector<1024x1xf32> to vector<1024x64xf32>
    %div3A_186 = arith.divf %add3A_173, %div3A_185 : vector<1024x64xf32>
    %mul3A_187 = arith.mulf %div3A_186, %div3A_186 : vector<1024x64xf32>
    %reduce_sum3A_188 = arith.constant dense<0.000000e+00> : vector<1024xf32>
    %reduce_sum3A_189 = vector.multi_reduction <add>, %mul3A_187, %reduce_sum3A_188 [1] : vector<1024x64xf32> to vector<1024xf32>
    %broadcast_in_dim3A_190 = vector.shape_cast %reduce_sum3A_189 : vector<1024xf32> to vector<1024x1xf32>
    %sqrt3A_191 = math.sqrt %broadcast_in_dim3A_190 : vector<1024x1xf32>
    %jit3A_192 = arith.constant 1.000000e-15 : f32
    %max3A_193 = vector.broadcast %jit3A_192 : f32 to vector<1024x1xf32>
    %max3A_194 = arith.maximumf %max3A_193, %sqrt3A_191 : vector<1024x1xf32>
    %gt3A_195 = arith.constant 0.999989986 : f32
    %gt3A_196 = vector.broadcast %gt3A_195 : f32 to vector<1024x1xf32>
    %gt3A_197 = arith.cmpf ogt, %max3A_194, %gt3A_196 : vector<1024x1xf32>
    %div3A_198 = vector.broadcast %max3A_194 : vector<1024x1xf32> to vector<1024x64xf32>
    %div3A_199 = arith.divf %div3A_186, %div3A_198 : vector<1024x64xf32>
    %mul3A_200 = arith.constant 0.999989986 : f32
    %mul3A_201 = vector.broadcast %mul3A_200 : f32 to vector<1024x64xf32>
    %mul3A_202 = arith.mulf %div3A_199, %mul3A_201 : vector<1024x64xf32>
    %broadcast_in_dim3A_203 = vector.shape_cast %gt3A_197 : vector<1024x1xi1> to vector<1024x1xi1>
    %broadcast_in_dim3A_204 = vector.broadcast %broadcast_in_dim3A_203 : vector<1024x1xi1> to vector<1024x64xi1>
    %select_n3A_205 = arith.select %broadcast_in_dim3A_204, %mul3A_202, %div3A_186 : vector<1024x64xi1>, vector<1024x64xf32>
    %mul3A_206 = arith.mulf %select_n3A_116, %select_n3A_116 : vector<1024x64xf32>
    %reduce_sum3A_207 = arith.constant dense<0.000000e+00> : vector<1024xf32>
    %reduce_sum3A_208 = vector.multi_reduction <add>, %mul3A_206, %reduce_sum3A_207 [1] : vector<1024x64xf32> to vector<1024xf32>
    %broadcast_in_dim3A_209 = vector.shape_cast %reduce_sum3A_208 : vector<1024xf32> to vector<1024x1xf32>
    %mul3A_210 = arith.mulf %select_n3A_205, %select_n3A_205 : vector<1024x64xf32>
    %reduce_sum3A_211 = arith.constant dense<0.000000e+00> : vector<1024xf32>
    %reduce_sum3A_212 = vector.multi_reduction <add>, %mul3A_210, %reduce_sum3A_211 [1] : vector<1024x64xf32> to vector<1024xf32>
    %broadcast_in_dim3A_213 = vector.shape_cast %reduce_sum3A_212 : vector<1024xf32> to vector<1024x1xf32>
    %mul3A_214 = arith.mulf %select_n3A_116, %select_n3A_205 : vector<1024x64xf32>
    %reduce_sum3A_215 = arith.constant dense<0.000000e+00> : vector<1024xf32>
    %reduce_sum3A_216 = vector.multi_reduction <add>, %mul3A_214, %reduce_sum3A_215 [1] : vector<1024x64xf32> to vector<1024xf32>
    %broadcast_in_dim3A_217 = vector.shape_cast %reduce_sum3A_216 : vector<1024xf32> to vector<1024x1xf32>
    %mul3A_218 = arith.constant 2.000000e+00 : f32
    %mul3A_219 = vector.broadcast %mul3A_218 : f32 to vector<1024x1xf32>
    %mul3A_220 = arith.mulf %mul3A_219, %broadcast_in_dim3A_217 : vector<1024x1xf32>
    %add3A_221 = arith.constant 1.000000e+00 : f32
    %add3A_222 = vector.broadcast %add3A_221 : f32 to vector<1024x1xf32>
    %add3A_223 = arith.addf %add3A_222, %mul3A_220 : vector<1024x1xf32>
    %add3A_224 = arith.addf %add3A_223, %broadcast_in_dim3A_213 : vector<1024x1xf32>
    %mul3A_225 = vector.broadcast %add3A_224 : vector<1024x1xf32> to vector<1024x64xf32>
    %mul3A_226 = arith.mulf %mul3A_225, %select_n3A_116 : vector<1024x64xf32>
    %sub3A_227 = arith.constant 1.000000e+00 : f32
    %sub3A_228 = vector.broadcast %sub3A_227 : f32 to vector<1024x1xf32>
    %sub3A_229 = arith.subf %sub3A_228, %broadcast_in_dim3A_209 : vector<1024x1xf32>
    %mul3A_230 = vector.broadcast %sub3A_229 : vector<1024x1xf32> to vector<1024x64xf32>
    %mul3A_231 = arith.mulf %mul3A_230, %select_n3A_205 : vector<1024x64xf32>
    %add3A_232 = arith.addf %mul3A_226, %mul3A_231 : vector<1024x64xf32>
    %mul3A_233 = arith.constant 2.000000e+00 : f32
    %mul3A_234 = vector.broadcast %mul3A_233 : f32 to vector<1024x1xf32>
    %mul3A_235 = arith.mulf %mul3A_234, %broadcast_in_dim3A_217 : vector<1024x1xf32>
    %add3A_236 = arith.constant 1.000000e+00 : f32
    %add3A_237 = vector.broadcast %add3A_236 : f32 to vector<1024x1xf32>
    %add3A_238 = arith.addf %add3A_237, %mul3A_235 : vector<1024x1xf32>
    %mul3A_239 = arith.mulf %broadcast_in_dim3A_209, %broadcast_in_dim3A_213 : vector<1024x1xf32>
    %add3A_240 = arith.addf %add3A_238, %mul3A_239 : vector<1024x1xf32>
    %jit3A_241 = arith.constant 1.000000e-15 : f32
    %max3A_242 = vector.broadcast %jit3A_241 : f32 to vector<1024x1xf32>
    %max3A_243 = arith.maximumf %max3A_242, %add3A_240 : vector<1024x1xf32>
    %div3A_244 = vector.broadcast %max3A_243 : vector<1024x1xf32> to vector<1024x64xf32>
    %div3A_245 = arith.divf %add3A_232, %div3A_244 : vector<1024x64xf32>
    %mul3A_246 = arith.mulf %div3A_245, %div3A_245 : vector<1024x64xf32>
    %reduce_sum3A_247 = arith.constant dense<0.000000e+00> : vector<1024xf32>
    %reduce_sum3A_248 = vector.multi_reduction <add>, %mul3A_246, %reduce_sum3A_247 [1] : vector<1024x64xf32> to vector<1024xf32>
    %broadcast_in_dim3A_249 = vector.shape_cast %reduce_sum3A_248 : vector<1024xf32> to vector<1024x1xf32>
    %sqrt3A_250 = math.sqrt %broadcast_in_dim3A_249 : vector<1024x1xf32>
    %jit3A_251 = arith.constant 1.000000e-15 : f32
    %max3A_252 = vector.broadcast %jit3A_251 : f32 to vector<1024x1xf32>
    %max3A_253 = arith.maximumf %max3A_252, %sqrt3A_250 : vector<1024x1xf32>
    %gt3A_254 = arith.constant 0.999989986 : f32
    %gt3A_255 = vector.broadcast %gt3A_254 : f32 to vector<1024x1xf32>
    %gt3A_256 = arith.cmpf ogt, %max3A_253, %gt3A_255 : vector<1024x1xf32>
    %div3A_257 = vector.broadcast %max3A_253 : vector<1024x1xf32> to vector<1024x64xf32>
    %div3A_258 = arith.divf %div3A_245, %div3A_257 : vector<1024x64xf32>
    %mul3A_259 = arith.constant 0.999989986 : f32
    %mul3A_260 = vector.broadcast %mul3A_259 : f32 to vector<1024x64xf32>
    %mul3A_261 = arith.mulf %div3A_258, %mul3A_260 : vector<1024x64xf32>
    %broadcast_in_dim3A_262 = vector.shape_cast %gt3A_256 : vector<1024x1xi1> to vector<1024x1xi1>
    %broadcast_in_dim3A_263 = vector.broadcast %broadcast_in_dim3A_262 : vector<1024x1xi1> to vector<1024x64xi1>
    %select_n3A_264 = arith.select %broadcast_in_dim3A_263, %mul3A_261, %div3A_245 : vector<1024x64xi1>, vector<1024x64xf32>
    %neg3A = arith.constant 0.000000e+00 : f32
    %neg3A_265 = vector.broadcast %neg3A : f32 to vector<1024x64xf32>
    %neg3A_266 = arith.subf %neg3A_265, %select_n3A : vector<1024x64xf32>
    %mul3A_267 = arith.mulf %neg3A_266, %neg3A_266 : vector<1024x64xf32>
    %reduce_sum3A_268 = arith.constant dense<0.000000e+00> : vector<1024xf32>
    %reduce_sum3A_269 = vector.multi_reduction <add>, %mul3A_267, %reduce_sum3A_268 [1] : vector<1024x64xf32> to vector<1024xf32>
    %broadcast_in_dim3A_270 = vector.shape_cast %reduce_sum3A_269 : vector<1024xf32> to vector<1024x1xf32>
    %mul3A_271 = arith.mulf %select_n3A_264, %select_n3A_264 : vector<1024x64xf32>
    %reduce_sum3A_272 = arith.constant dense<0.000000e+00> : vector<1024xf32>
    %reduce_sum3A_273 = vector.multi_reduction <add>, %mul3A_271, %reduce_sum3A_272 [1] : vector<1024x64xf32> to vector<1024xf32>
    %broadcast_in_dim3A_274 = vector.shape_cast %reduce_sum3A_273 : vector<1024xf32> to vector<1024x1xf32>
    %mul3A_275 = arith.mulf %neg3A_266, %select_n3A_264 : vector<1024x64xf32>
    %reduce_sum3A_276 = arith.constant dense<0.000000e+00> : vector<1024xf32>
    %reduce_sum3A_277 = vector.multi_reduction <add>, %mul3A_275, %reduce_sum3A_276 [1] : vector<1024x64xf32> to vector<1024xf32>
    %broadcast_in_dim3A_278 = vector.shape_cast %reduce_sum3A_277 : vector<1024xf32> to vector<1024x1xf32>
    %mul3A_279 = arith.constant 2.000000e+00 : f32
    %mul3A_280 = vector.broadcast %mul3A_279 : f32 to vector<1024x1xf32>
    %mul3A_281 = arith.mulf %mul3A_280, %broadcast_in_dim3A_278 : vector<1024x1xf32>
    %add3A_282 = arith.constant 1.000000e+00 : f32
    %add3A_283 = vector.broadcast %add3A_282 : f32 to vector<1024x1xf32>
    %add3A_284 = arith.addf %add3A_283, %mul3A_281 : vector<1024x1xf32>
    %add3A_285 = arith.addf %add3A_284, %broadcast_in_dim3A_274 : vector<1024x1xf32>
    %mul3A_286 = vector.broadcast %add3A_285 : vector<1024x1xf32> to vector<1024x64xf32>
    %mul3A_287 = arith.mulf %mul3A_286, %neg3A_266 : vector<1024x64xf32>
    %sub3A_288 = arith.constant 1.000000e+00 : f32
    %sub3A_289 = vector.broadcast %sub3A_288 : f32 to vector<1024x1xf32>
    %sub3A_290 = arith.subf %sub3A_289, %broadcast_in_dim3A_270 : vector<1024x1xf32>
    %mul3A_291 = vector.broadcast %sub3A_290 : vector<1024x1xf32> to vector<1024x64xf32>
    %mul3A_292 = arith.mulf %mul3A_291, %select_n3A_264 : vector<1024x64xf32>
    %add3A_293 = arith.addf %mul3A_287, %mul3A_292 : vector<1024x64xf32>
    %mul3A_294 = arith.constant 2.000000e+00 : f32
    %mul3A_295 = vector.broadcast %mul3A_294 : f32 to vector<1024x1xf32>
    %mul3A_296 = arith.mulf %mul3A_295, %broadcast_in_dim3A_278 : vector<1024x1xf32>
    %add3A_297 = arith.constant 1.000000e+00 : f32
    %add3A_298 = vector.broadcast %add3A_297 : f32 to vector<1024x1xf32>
    %add3A_299 = arith.addf %add3A_298, %mul3A_296 : vector<1024x1xf32>
    %mul3A_300 = arith.mulf %broadcast_in_dim3A_270, %broadcast_in_dim3A_274 : vector<1024x1xf32>
    %add3A_301 = arith.addf %add3A_299, %mul3A_300 : vector<1024x1xf32>
    %jit3A_302 = arith.constant 1.000000e-15 : f32
    %max3A_303 = vector.broadcast %jit3A_302 : f32 to vector<1024x1xf32>
    %max3A_304 = arith.maximumf %max3A_303, %add3A_301 : vector<1024x1xf32>
    %div3A_305 = vector.broadcast %max3A_304 : vector<1024x1xf32> to vector<1024x64xf32>
    %div3A_306 = arith.divf %add3A_293, %div3A_305 : vector<1024x64xf32>
    %mul3A_307 = arith.mulf %div3A_306, %div3A_306 : vector<1024x64xf32>
    %reduce_sum3A_308 = arith.constant dense<0.000000e+00> : vector<1024xf32>
    %reduce_sum3A_309 = vector.multi_reduction <add>, %mul3A_307, %reduce_sum3A_308 [1] : vector<1024x64xf32> to vector<1024xf32>
    %broadcast_in_dim3A_310 = vector.shape_cast %reduce_sum3A_309 : vector<1024xf32> to vector<1024x1xf32>
    %sqrt3A_311 = math.sqrt %broadcast_in_dim3A_310 : vector<1024x1xf32>
    %jit3A_312 = arith.constant 1.000000e-15 : f32
    %max3A_313 = vector.broadcast %jit3A_312 : f32 to vector<1024x1xf32>
    %max3A_314 = arith.maximumf %max3A_313, %sqrt3A_311 : vector<1024x1xf32>
    %mul3A_315 = arith.mulf %select_n3A, %select_n3A : vector<1024x64xf32>
    %reduce_sum3A_316 = arith.constant dense<0.000000e+00> : vector<1024xf32>
    %reduce_sum3A_317 = vector.multi_reduction <add>, %mul3A_315, %reduce_sum3A_316 [1] : vector<1024x64xf32> to vector<1024xf32>
    %broadcast_in_dim3A_318 = vector.shape_cast %reduce_sum3A_317 : vector<1024xf32> to vector<1024x1xf32>
    %sub3A_319 = arith.constant 1.000000e+00 : f32
    %sub3A_320 = vector.broadcast %sub3A_319 : f32 to vector<1024x1xf32>
    %sub3A_321 = arith.subf %sub3A_320, %broadcast_in_dim3A_318 : vector<1024x1xf32>
    %jit3A_322 = arith.constant 1.000000e-15 : f32
    %max3A_323 = vector.broadcast %jit3A_322 : f32 to vector<1024x1xf32>
    %max3A_324 = arith.maximumf %max3A_323, %sub3A_321 : vector<1024x1xf32>
    %div3A_325 = arith.constant 2.000000e+00 : f32
    %div3A_326 = vector.broadcast %div3A_325 : f32 to vector<1024x1xf32>
    %div3A_327 = arith.divf %div3A_326, %max3A_324 : vector<1024x1xf32>
    %div3A_328 = arith.constant 2.000000e+00 : f32
    %div3A_329 = vector.broadcast %div3A_328 : f32 to vector<1024x1xf32>
    %div3A_330 = arith.divf %div3A_329, %div3A_327 : vector<1024x1xf32>
    %jit3A_331 = arith.constant -0.99999988 : f32
    %jit3A_332 = arith.constant 0.99999988 : f32
    %max3A_333 = vector.broadcast %jit3A_331 : f32 to vector<1024x1xf32>
    %max3A_334 = arith.maximumf %max3A_333, %max3A_314 : vector<1024x1xf32>
    %min3A = vector.broadcast %jit3A_332 : f32 to vector<1024x1xf32>
    %min3A_335 = arith.minimumf %min3A, %max3A_334 : vector<1024x1xf32>
    %add3A_336 = arith.constant 1.000000e+00 : f32
    %add3A_337 = vector.broadcast %add3A_336 : f32 to vector<1024x1xf32>
    %add3A_338 = arith.addf %add3A_337, %min3A_335 : vector<1024x1xf32>
    %sub3A_339 = arith.constant 1.000000e+00 : f32
    %sub3A_340 = vector.broadcast %sub3A_339 : f32 to vector<1024x1xf32>
    %sub3A_341 = arith.subf %sub3A_340, %min3A_335 : vector<1024x1xf32>
    %div3A_342 = arith.divf %add3A_338, %sub3A_341 : vector<1024x1xf32>
    %log3A = math.log %div3A_342 : vector<1024x1xf32>
    %mul3A_343 = arith.constant 5.000000e-01 : f32
    %mul3A_344 = vector.broadcast %mul3A_343 : f32 to vector<1024x1xf32>
    %mul3A_345 = arith.mulf %mul3A_344, %log3A : vector<1024x1xf32>
    %mul3A_346 = arith.mulf %div3A_330, %mul3A_345 : vector<1024x1xf32>
    %mul3A_347 = vector.broadcast %mul3A_346 : vector<1024x1xf32> to vector<1024x64xf32>
    %mul3A_348 = arith.mulf %mul3A_347, %div3A_306 : vector<1024x64xf32>
    %div3A_349 = vector.broadcast %max3A_314 : vector<1024x1xf32> to vector<1024x64xf32>
    %div3A_350 = arith.divf %mul3A_348, %div3A_349 : vector<1024x64xf32>
    %slice3A = vector.extract_strided_slice %div3A_350 {offsets = [0, 0], sizes = [1024, 32], strides = [1, 1]} : vector<1024x64xf32> to vector<1024x32xf32>
    %swap3A = arith.constant 0 : index
    %swap3A_351 = arith.constant 0 : index
    %swap3A_352 = vector.load %arg4[%swap3A, %swap3A_351] : memref<1024x32xf32, #tpu.memory_space<vmem>>, vector<1024x32xf32>
    tpu.vector_store %arg4[%swap3A, %swap3A_351], %slice3A {strides = array<i32>} : memref<1024x32xf32, #tpu.memory_space<vmem>>, vector<1024x32xf32>,
    %slice3A_353 = vector.extract_strided_slice %div3A_350 {offsets = [0, 32], sizes = [1024, 32], strides = [1, 1]} : vector<1024x64xf32> to vector<1024x32xf32>
    %swap3A_354 = arith.constant 0 : index
    %swap3A_355 = arith.constant 0 : index
    %swap3A_356 = vector.load %arg5[%swap3A_354, %swap3A_355] : memref<1024x32xf32, #tpu.memory_space<vmem>>, vector<1024x32xf32>
    tpu.vector_store %arg5[%swap3A_354, %swap3A_355], %slice3A_353 {strides = array<i32>} : memref<1024x32xf32, #tpu.memory_space<vmem>>, vector<1024x32xf32>,
    return
  }
  func.func @transform_0(%arg0: i32) -> (i32, i32) {
    %c0_i32 = arith.constant 0 : i32
    %c0_i32_0 = arith.constant 0 : i32
    return %arg0, %c0_i32 : i32, i32
  }
  func.func @transform_1(%arg0: i32) -> (i32, i32) {
    %c0_i32 = arith.constant 0 : i32
    %c0_i32_0 = arith.constant 0 : i32
    return %arg0, %c0_i32 : i32, i32
  }
  func.func @transform_2(%arg0: i32) -> (i32, i32) {
    %c0_i32 = arith.constant 0 : i32
    %c0_i32_0 = arith.constant 0 : i32
    return %arg0, %c0_i32 : i32, i32
  }
  func.func @transform_3(%arg0: i32) -> (i32, i32) {
    %c0_i32 = arith.constant 0 : i32
    %c0_i32_0 = arith.constant 0 : i32
    return %arg0, %c0_i32 : i32, i32
  }
  func.func @transform_4(%arg0: i32) -> (i32, i32) {
    %c0_i32 = arith.constant 0 : i32
    %c0_i32_0 = arith.constant 0 : i32
    return %arg0, %c0_i32 : i32, i32
  }
}

module attributes {stable_mosaic.version = 14 : i64} {
  func.func @body(%arg0: i32, %arg1: memref<2048x64xf32, #tpu.memory_space<vmem>>, %arg2: memref<2048x1xf32, #tpu.memory_space<vmem>>, %arg3: memref<2048x64xf32, #tpu.memory_space<vmem>>) attributes {dimension_semantics = [#tpu.dimension_semantics<arbitrary>], iteration_bounds = array<i64: 294>, scalar_prefetch = 0 : i64, scratch_operands = 0 : i64, tpu.core_type = #tpu.core_type<tc>, window_params = [{transform_indices = @transform_0, window_bounds = array<i64: 2048, 64>}, {transform_indices = @transform_1, window_bounds = array<i64: 2048, 1>}, {transform_indices = @transform_2, window_bounds = array<i64: 2048, 64>}]} {
    %get3A = arith.constant 0 : index
    %get3A_0 = arith.constant 0 : index
    %get3A_1 = vector.load %arg1[%get3A, %get3A_0] : memref<2048x64xf32, #tpu.memory_space<vmem>>, vector<2048x64xf32>
    %get3A_2 = arith.constant 0 : index
    %get3A_3 = arith.constant 0 : index
    %get3A_4 = vector.load %arg2[%get3A_2, %get3A_3] : memref<2048x1xf32, #tpu.memory_space<vmem>>, vector<2048x1xf32>
    %mul3A = vector.broadcast %get3A_4 : vector<2048x1xf32> to vector<2048x64xf32>
    %mul3A_5 = arith.mulf %get3A_1, %mul3A : vector<2048x64xf32>
    %swap3A = arith.constant 0 : index
    %swap3A_6 = arith.constant 0 : index
    %swap3A_7 = vector.load %arg3[%swap3A, %swap3A_6] : memref<2048x64xf32, #tpu.memory_space<vmem>>, vector<2048x64xf32>
    tpu.vector_store %arg3[%swap3A, %swap3A_6], %mul3A_5 {strides = array<i32>} : memref<2048x64xf32, #tpu.memory_space<vmem>>, vector<2048x64xf32>,
    return
  }
  func.func @transform_0(%arg0: i32) -> (i32, i32) {
    %c0_i32 = arith.constant 0 : i32
    %c0_i32_0 = arith.constant 0 : i32
    return %arg0, %c0_i32 : i32, i32
  }
  func.func @transform_1(%arg0: i32) -> (i32, i32) {
    %c0_i32 = arith.constant 0 : i32
    %c0_i32_0 = arith.constant 0 : i32
    return %arg0, %c0_i32 : i32, i32
  }
  func.func @transform_2(%arg0: i32) -> (i32, i32) {
    %c0_i32 = arith.constant 0 : i32
    %c0_i32_0 = arith.constant 0 : i32
    return %arg0, %c0_i32 : i32, i32
  }
}

module attributes {stable_mosaic.version = 14 : i64} {
  func.func @body(%arg0: i32, %arg1: memref<2x1000x64xf32, #tpu.memory_space<vmem>>, %arg2: memref<1000x64xf32, #tpu.memory_space<vmem>>) attributes {dimension_semantics = [#tpu.dimension_semantics<arbitrary>], iteration_bounds = array<i64: 20>, scalar_prefetch = 0 : i64, scratch_operands = 0 : i64, tpu.core_type = #tpu.core_type<tc>, window_params = [{transform_indices = @transform_0, window_bounds = array<i64: 2, 1000, 64>}, {transform_indices = @transform_1, window_bounds = array<i64: 1000, 64>}]} {
    %get3A = arith.constant 0 : index
    %get3A_0 = arith.constant 0 : index
    %get3A_1 = arith.constant 0 : index
    %get3A_2 = vector.load %arg1[%get3A, %get3A_0, %get3A_1] : memref<2x1000x64xf32, #tpu.memory_space<vmem>>, vector<1x1000x64xf32>
    %get3A_3 = vector.shape_cast %get3A_2 : vector<1x1000x64xf32> to vector<1000x64xf32>
    %get3A_4 = arith.constant 1 : index
    %get3A_5 = arith.constant 0 : index
    %get3A_6 = arith.constant 0 : index
    %get3A_7 = vector.load %arg1[%get3A_4, %get3A_5, %get3A_6] : memref<2x1000x64xf32, #tpu.memory_space<vmem>>, vector<1x1000x64xf32>
    %get3A_8 = vector.shape_cast %get3A_7 : vector<1x1000x64xf32> to vector<1000x64xf32>
    %add3A = arith.addf %get3A_3, %get3A_8 : vector<1000x64xf32>
    %swap3A = arith.constant 0 : index
    %swap3A_9 = arith.constant 0 : index
    %swap3A_10 = vector.load %arg2[%swap3A, %swap3A_9] : memref<1000x64xf32, #tpu.memory_space<vmem>>, vector<1000x64xf32>
    tpu.vector_store %arg2[%swap3A, %swap3A_9], %add3A {strides = array<i32>} : memref<1000x64xf32, #tpu.memory_space<vmem>>, vector<1000x64xf32>,
    return
  }
  func.func @transform_0(%arg0: i32) -> (i32, i32, i32) {
    %c0_i32 = arith.constant 0 : i32
    %c0_i32_0 = arith.constant 0 : i32
    %c0_i32_1 = arith.constant 0 : i32
    return %c0_i32, %arg0, %c0_i32_0 : i32, i32, i32
  }
  func.func @transform_1(%arg0: i32) -> (i32, i32) {
    %c0_i32 = arith.constant 0 : i32
    %c0_i32_0 = arith.constant 0 : i32
    return %arg0, %c0_i32 : i32, i32
  }
}

module attributes {stable_mosaic.version = 14 : i64} {
  func.func @body(%arg0: i32, %arg1: memref<2x1000x32xf32, #tpu.memory_space<vmem>>, %arg2: memref<2x1000x32xf32, #tpu.memory_space<vmem>>, %arg3: memref<2x1000x16xf32, #tpu.memory_space<vmem>>, %arg4: memref<1000x64xf32, #tpu.memory_space<vmem>>) attributes {dimension_semantics = [#tpu.dimension_semantics<arbitrary>], iteration_bounds = array<i64: 50>, scalar_prefetch = 0 : i64, scratch_operands = 0 : i64, tpu.core_type = #tpu.core_type<tc>, window_params = [{transform_indices = @transform_0, window_bounds = array<i64: 2, 1000, 32>}, {transform_indices = @transform_1, window_bounds = array<i64: 2, 1000, 32>}, {transform_indices = @transform_2, window_bounds = array<i64: 2, 1000, 16>}, {transform_indices = @transform_3, window_bounds = array<i64: 1000, 64>}]} {
    %get3A = arith.constant 0 : index
    %get3A_0 = arith.constant 0 : index
    %get3A_1 = arith.constant 0 : index
    %get3A_2 = vector.load %arg1[%get3A, %get3A_0, %get3A_1] : memref<2x1000x32xf32, #tpu.memory_space<vmem>>, vector<1x1000x32xf32>
    %get3A_3 = vector.shape_cast %get3A_2 : vector<1x1000x32xf32> to vector<1000x32xf32>
    %get3A_4 = arith.constant 1 : index
    %get3A_5 = arith.constant 0 : index
    %get3A_6 = arith.constant 0 : index
    %get3A_7 = vector.load %arg1[%get3A_4, %get3A_5, %get3A_6] : memref<2x1000x32xf32, #tpu.memory_space<vmem>>, vector<1x1000x32xf32>
    %get3A_8 = vector.shape_cast %get3A_7 : vector<1x1000x32xf32> to vector<1000x32xf32>
    %add3A = arith.addf %get3A_3, %get3A_8 : vector<1000x32xf32>
    %get3A_9 = arith.constant 0 : index
    %get3A_10 = arith.constant 0 : index
    %get3A_11 = arith.constant 0 : index
    %get3A_12 = vector.load %arg2[%get3A_9, %get3A_10, %get3A_11] : memref<2x1000x32xf32, #tpu.memory_space<vmem>>, vector<1x1000x32xf32>
    %get3A_13 = vector.shape_cast %get3A_12 : vector<1x1000x32xf32> to vector<1000x32xf32>
    %get3A_14 = arith.constant 1 : index
    %get3A_15 = arith.constant 0 : index
    %get3A_16 = arith.constant 0 : index
    %get3A_17 = vector.load %arg2[%get3A_14, %get3A_15, %get3A_16] : memref<2x1000x32xf32, #tpu.memory_space<vmem>>, vector<1x1000x32xf32>
    %get3A_18 = vector.shape_cast %get3A_17 : vector<1x1000x32xf32> to vector<1000x32xf32>
    %add3A_19 = arith.addf %get3A_13, %get3A_18 : vector<1000x32xf32>
    %get3A_20 = arith.constant 0 : index
    %get3A_21 = arith.constant 0 : index
    %get3A_22 = arith.constant 0 : index
    %get3A_23 = vector.load %arg3[%get3A_20, %get3A_21, %get3A_22] : memref<2x1000x16xf32, #tpu.memory_space<vmem>>, vector<1x1000x1xf32>
    %get3A_24 = vector.shape_cast %get3A_23 : vector<1x1000x1xf32> to vector<1000x1xf32>
    %get3A_25 = arith.constant 1 : index
    %get3A_26 = arith.constant 0 : index
    %get3A_27 = arith.constant 0 : index
    %get3A_28 = vector.load %arg3[%get3A_25, %get3A_26, %get3A_27] : memref<2x1000x16xf32, #tpu.memory_space<vmem>>, vector<1x1000x1xf32>
    %get3A_29 = vector.shape_cast %get3A_28 : vector<1x1000x1xf32> to vector<1000x1xf32>
    %add3A_30 = arith.addf %get3A_24, %get3A_29 : vector<1000x1xf32>
    %concatenate3A = tpu.concatenate %add3A, %add3A_19 in 1 : vector<1000x32xf32>, vector<1000x32xf32> -> vector<1000x64xf32>
    %jit3A = arith.constant 1.000000e+00 : f32
    %max3A = vector.broadcast %jit3A : f32 to vector<1000x1xf32>
    %max3A_31 = arith.maximumf %max3A, %add3A_30 : vector<1000x1xf32>
    %div3A = vector.broadcast %max3A_31 : vector<1000x1xf32> to vector<1000x64xf32>
    %div3A_32 = arith.divf %concatenate3A, %div3A : vector<1000x64xf32>
    %swap3A = arith.constant 0 : index
    %swap3A_33 = arith.constant 0 : index
    %swap3A_34 = vector.load %arg4[%swap3A, %swap3A_33] : memref<1000x64xf32, #tpu.memory_space<vmem>>, vector<1000x64xf32>
    tpu.vector_store %arg4[%swap3A, %swap3A_33], %div3A_32 {strides = array<i32>} : memref<1000x64xf32, #tpu.memory_space<vmem>>, vector<1000x64xf32>,
    return
  }
  func.func @transform_0(%arg0: i32) -> (i32, i32, i32) {
    %c0_i32 = arith.constant 0 : i32
    %c0_i32_0 = arith.constant 0 : i32
    %c0_i32_1 = arith.constant 0 : i32
    return %c0_i32, %arg0, %c0_i32_0 : i32, i32, i32
  }
  func.func @transform_1(%arg0: i32) -> (i32, i32, i32) {
    %c0_i32 = arith.constant 0 : i32
    %c0_i32_0 = arith.constant 0 : i32
    %c0_i32_1 = arith.constant 0 : i32
    return %c0_i32, %arg0, %c0_i32_0 : i32, i32, i32
  }
  func.func @transform_2(%arg0: i32) -> (i32, i32, i32) {
    %c0_i32 = arith.constant 0 : i32
    %c0_i32_0 = arith.constant 0 : i32
    %c0_i32_1 = arith.constant 0 : i32
    return %c0_i32, %arg0, %c0_i32_0 : i32, i32, i32
  }
  func.func @transform_3(%arg0: i32) -> (i32, i32) {
    %c0_i32 = arith.constant 0 : i32
    %c0_i32_0 = arith.constant 0 : i32
    return %arg0, %c0_i32 : i32, i32
  }
}

module attributes {stable_mosaic.version = 14 : i64} {
  func.func @body(%arg0: i32, %arg1: memref<2x1000x64xf32, #tpu.memory_space<vmem>>, %arg2: memref<1000x64xf32, #tpu.memory_space<vmem>>) attributes {dimension_semantics = [#tpu.dimension_semantics<arbitrary>], iteration_bounds = array<i64: 30>, scalar_prefetch = 0 : i64, scratch_operands = 0 : i64, tpu.core_type = #tpu.core_type<tc>, window_params = [{transform_indices = @transform_0, window_bounds = array<i64: 2, 1000, 64>}, {transform_indices = @transform_1, window_bounds = array<i64: 1000, 64>}]} {
    %get3A = arith.constant 0 : index
    %get3A_0 = arith.constant 0 : index
    %get3A_1 = arith.constant 0 : index
    %get3A_2 = vector.load %arg1[%get3A, %get3A_0, %get3A_1] : memref<2x1000x64xf32, #tpu.memory_space<vmem>>, vector<1x1000x64xf32>
    %get3A_3 = vector.shape_cast %get3A_2 : vector<1x1000x64xf32> to vector<1000x64xf32>
    %get3A_4 = arith.constant 1 : index
    %get3A_5 = arith.constant 0 : index
    %get3A_6 = arith.constant 0 : index
    %get3A_7 = vector.load %arg1[%get3A_4, %get3A_5, %get3A_6] : memref<2x1000x64xf32, #tpu.memory_space<vmem>>, vector<1x1000x64xf32>
    %get3A_8 = vector.shape_cast %get3A_7 : vector<1x1000x64xf32> to vector<1000x64xf32>
    %add3A = arith.addf %get3A_3, %get3A_8 : vector<1000x64xf32>
    %swap3A = arith.constant 0 : index
    %swap3A_9 = arith.constant 0 : index
    %swap3A_10 = vector.load %arg2[%swap3A, %swap3A_9] : memref<1000x64xf32, #tpu.memory_space<vmem>>, vector<1000x64xf32>
    tpu.vector_store %arg2[%swap3A, %swap3A_9], %add3A {strides = array<i32>} : memref<1000x64xf32, #tpu.memory_space<vmem>>, vector<1000x64xf32>,
    return
  }
  func.func @transform_0(%arg0: i32) -> (i32, i32, i32) {
    %c0_i32 = arith.constant 0 : i32
    %c0_i32_0 = arith.constant 0 : i32
    %c0_i32_1 = arith.constant 0 : i32
    return %c0_i32, %arg0, %c0_i32_0 : i32, i32, i32
  }
  func.func @transform_1(%arg0: i32) -> (i32, i32) {
    %c0_i32 = arith.constant 0 : i32
    %c0_i32_0 = arith.constant 0 : i32
    return %arg0, %c0_i32 : i32, i32
  }
}

</mosaic_0001>

<sc_bundles>
// kernel: kernel.17.cloned.1.call-start
scs
__scs_entry_jumppad:
0x0: {  	(pc) =	sbr.rel $0x88, $3  }
0x1: {  	(tag) =	ssettag $0x0;
	lr =	simm.s32 $0x1  }
0x2: {  	[smem:$0x3F96] =	sst lr;
	_ =	strace $0xD0000000  }
0x3: {  	_ = 	snop  }
0x4: {  	_ = 	snop  }
0x5: {  	_ = 	snop  }
0x6: {  	_ = 	snop  }
0x7: {  	_ = 	snop  }
__scs_overlays_trampoline_lowered:
0x8: {  	[smem:$0x3FA5] =	sst s0  }
0x9: {  	[smem:$0x3FA6] =	sst s1  }
0xa: {  	[smem:$0x3FA7] =	sst s2  }
0xb: {  	[smem:$0x3FA8] =	sst s3  }
0xc: {  	[smem:$0x3FA9] =	sst s4  }
0xd: {  	[smem:$0x3FAA] =	sst s5  }
0xe: {  	[smem:$0x3FAB] =	sst s6  }
0xf: {  	[smem:$0x3FAC] =	sst s7  }
0x10: {  	[smem:$0x3FAD] =	sst s8  }
0x11: {  	[smem:$0x3FAE] =	sst s9;
	s0 =	simm.s32 @!p0 $0x0  }
0x12: {  	s1 =	sld [smem:$0x3F94];
	s0 =	simm.s32 @p0 $0x1  }
0x13: {  	[smem:$0x3FAF] =	sst s0;
	s0 =	simm.s32 @!p1 $0x0  }
0x14: {  	s2 =	sld [smem:$0x3F93];
	s0 =	simm.s32 @p1 $0x1  }
0x15: {  	[smem:$0x3FB0] =	sst s0;
	s0 =	simm.s32 @!p2 $0x0  }
0x16: {  	s3 =	sld [smem:$0x3FDB];
	s0 =	simm.s32 @p2 $0x1  }
0x17: {  	s4 =	simm.s32 $0x1BF5;
	[smem:$0x3FB2] =	sst s0  }
0x18: {  	s0 =	sld [smem:$0x3F95];
	_ =	swait.ge [sflag:s4], $0x0  }
0x19: {  	s7 =	sld [smem:$0x3F96]  }
0x1a: {  	s8 =	sadd.s32 $0xFFFFE003, lr  }
0x1b: {  	s9 =	sadd.s32 $0xFFFFFEF7, lr;
	s5 =	simm.s32 $0xFFFFFFFF;
	p2 =	slt.u32 s8, $0xFFFFF086  }
0x1c: {  	p1 =	slt.u32 s9, $0xF7A;
	s5 =	simm.s32 @!p2 $0x0  }
0x1d: {  	s5 =	simm.s32 @p1 $0x1;
	p0 =	seq.s32 s7, s2  }
0x1e: {  	s7 =	smul.u32 @!p0 $0xF7A, s2;
	p2 =	seq.s32 @!p0 s5, $0x0  }
0x1f: {  	s9 =	smul.u32 $0xF7A, s1;
	s8 =	simm.s32 @!p0 $0x1BF5;
	p2 =	por !p2, p0  }
0x20: {  	[sflag:s8] =	ssyncset.s32 @!p0 $0xFFFFF086;
	s6 =	sadd.s32 @!p0 s3, s7;
	s7 =	simm.s32 @!p0 $0x108  }
0x21: {  	s3 =	sadd.s32 s3, s9;
	s6 =	sadd.s32 @!p0 $0x88, s6;
	s7 =	simm.s32 @p2 $0x1082  }
0x22: {  	[simem:s7], [sflag:s8] =	dma.local @!p0 [hbm:s6], $0xF7A  }
0x23: {  	s9 =	sor.u32 $0xD0000000, s2;
	s6 =	simm.s32 $0x108;
	_ =	swait.ge @!p0 [sflag:s8], $0x0  }
0x24: {  	s3 =	sadd.s32 $0x88, s3;
	s6 =	simm.s32 @!p1 $0x1082;
	[sflag:s4] =	ssyncset.s32 $0xFFFFF086  }
0x25: {  	[simem:s6], [sflag:s4] =	dma.local [hbm:s3], $0xF7A  }
0x26: {  	[smem:$0x3F96] =	sst s1;
	(tag) =	ssettag s2;
	_ =	strace s9  }
0x27: {  	s1 =	sld [smem:$0x3FA6]  }
0x28: {  	s2 =	sld [smem:$0x3FA7]  }
0x29: {  	s4 =	sld [smem:$0x3FA9]  }
0x2a: {  	p0 =	seq.s32 s5, $0x0;
	s5 =	sld [smem:$0x3FAA]  }
0x2b: {  	s6 =	sld [smem:$0x3FAB]  }
0x2c: {  	s7 =	sld [smem:$0x3FAC]  }
0x2d: {  	s3 =	simm.s32 $0x108;
	s8 =	sld [smem:$0x3FAD]  }
0x2e: {  	s3 =	simm.s32 @!p0 $0x1082;
	s9 =	sld [smem:$0x3FAE]  }
0x2f: {  	lr =	sadd.s32 s0, s3;
	s0 =	sld [smem:$0x3FA5]  }
0x30: {  	s3 =	sld [smem:$0x3FA8]  }
0x31: {  	[smem:$0x3FB1] =	sst s10  }
0x32: {  	s10 =	sld [smem:$0x3FAF];
	_ =	sdelay $0x3  }
0x33: {  	p0 =	seq.s32 s10, $0x1;
	s10 =	sld [smem:$0x3FB1];
	_ =	sdelay $0x3  }
0x34: {  	[smem:$0x3FB1] =	sst s10  }
0x35: {  	s10 =	sld [smem:$0x3FB0];
	_ =	sdelay $0x3  }
0x36: {  	p1 =	seq.s32 s10, $0x1;
	s10 =	sld [smem:$0x3FB1];
	_ =	sdelay $0x3  }
0x37: {  	[smem:$0x3FB1] =	sst s10  }
0x38: {  	s10 =	sld [smem:$0x3FB2]  }
0x39: {  	_ = 	snop;
	(pc) =	sbr.ind lr, $3  }
0x3a: {  	_ = 	snop  }
0x3b: {  	_ = 	snop  }
0x3c: {  	p2 =	seq.s32 s10, $0x1;
	s10 =	sld [smem:$0x3FB1]  }
0x3d: {  	_ =	shalt  }
0x3e: {  	_ =	shalt  }
0x3f: {  	_ =	shalt  }
0x40: {  	_ =	shalt  }
0x41: {  	_ =	shalt  }
0x42: {  	_ =	shalt  }
0x43: {  	_ =	shalt  }
0x44: {  	_ =	shalt  }
0x45: {  	_ =	shalt  }
0x46: {  	_ =	shalt  }
0x47: {  	_ =	shalt  }
0x48: {  	_ =	shalt  }
0x49: {  	_ =	shalt  }
0x4a: {  	_ =	shalt  }
0x4b: {  	_ =	shalt  }
0x4c: {  	_ =	shalt  }
0x4d: {  	_ =	shalt  }
0x4e: {  	_ =	shalt  }
0x4f: {  	_ =	shalt  }
0x50: {  	_ =	shalt  }
0x51: {  	_ =	shalt  }
0x52: {  	_ =	shalt  }
0x53: {  	_ =	shalt  }
0x54: {  	_ =	shalt  }
0x55: {  	_ =	shalt  }
0x56: {  	_ =	shalt  }
0x57: {  	_ =	shalt  }
0x58: {  	_ =	shalt  }
0x59: {  	_ =	shalt  }
0x5a: {  	_ =	shalt  }
0x5b: {  	_ =	shalt  }
0x5c: {  	_ =	shalt  }
0x5d: {  	_ =	shalt  }
0x5e: {  	_ =	shalt  }
0x5f: {  	_ =	shalt  }
0x60: {  	_ =	shalt  }
0x61: {  	_ =	shalt  }
0x62: {  	_ =	shalt  }
0x63: {  	_ =	shalt  }
0x64: {  	_ =	shalt  }
0x65: {  	_ =	shalt  }
0x66: {  	_ =	shalt  }
0x67: {  	_ =	shalt  }
0x68: {  	_ =	shalt  }
0x69: {  	_ =	shalt  }
0x6a: {  	_ =	shalt  }
0x6b: {  	_ =	shalt  }
0x6c: {  	_ =	shalt  }
0x6d: {  	_ =	shalt  }
0x6e: {  	_ =	shalt  }
0x6f: {  	_ =	shalt  }
0x70: {  	_ =	shalt  }
0x71: {  	_ =	shalt  }
0x72: {  	_ =	shalt  }
0x73: {  	_ =	shalt  }
0x74: {  	_ =	shalt  }
0x75: {  	_ =	shalt  }
0x76: {  	_ =	shalt  }
0x77: {  	_ =	shalt  }
0x78: {  	_ =	shalt  }
0x79: {  	_ =	shalt  }
0x7a: {  	_ =	shalt  }
0x7b: {  	_ =	shalt  }
0x7c: {  	_ =	shalt  }
0x7d: {  	_ =	shalt  }
0x7e: {  	_ =	shalt  }
0x7f: {  	_ =	shalt  }
0x80: {  	_ =	shalt  }
0x81: {  	_ =	shalt  }
0x82: {  	_ =	shalt  }
0x83: {  	_ =	shalt  }
0x84: {  	_ =	shalt  }
0x85: {  	_ =	shalt  }
0x86: {  	_ =	shalt  }
0x87: {  	_ =	shalt  }
.Lfunc_end0:
.L_simem_size_0:
called_computation_lowered:
.L_overlay_start_0:
0x88: {  	s2 =	sld [smem:$0x3FD9]  }
0x89: {  	s3 =	sld [smem:$0x3FFE];
	_ =	sdelay $0x1  }
0x8a: {  	s1 =	srdreg.scid  }
0x8b: {  	s0 =	sand.u32 $0x1, s1  }
0x8c: {  	s14 =	sshll.u32 s0, $0xA;
	s2 =	sadd.s32 s3, s2  }
0x8d: {  	s2 =	sadd.s32 s2, s14  }
0x8e: {  	[smem:$0x3FBD] =	sst s2  }
0x8f: {  	_ = 	snop  }
0x90: {  	s2 =	sld [smem:$0x3FD0];
	_ =	sdelay $0x2  }
0x91: {  	s15 =	simm.s32 $0xF;
	s4 =	simm.s32 $0x10  }
0x92: {  	[smem:s4], [sflag:s15] =	dma.local [hbm:s2], $0x1  }
0x93: {  	_ =	swait.eq [sflag:s15], $0x1  }
0x94: {  	[sflag:s15] =	ssyncset.done $0x0  }
0x95: {  	[sflag:s15] =	ssyncadd.s32 $0xFFFFFFFF  }
0x96: {  	s16 =	sld [smem:$0x10];
	(tm) =	ssettm $0x1  }
0x97: {  	s17 =	sld [smem:$0x3FFB];
	_ =	sdelay $0x3  }
0x98: {  	_ =	strace s17  }
0x99: {  	s3 =	sld [smem:$0x3FFC];
	_ =	sdelay $0x3  }
0x9a: {  	_ =	strace s3  }
0x9b: {  	s3 =	sld [smem:$0x3FFD];
	_ =	sdelay $0x3  }
0x9c: {  	_ =	strace s3  }
0x9d: {  	_ =	strace $0x8FFFFFFF  }
0x9e: {  	s18 =	sld [smem:$0x3FDB];
	_ =	sdelay $0x1  }
0x9f: {  	s19 =	simm.s32 $_scs_section_size  }
0xa0: {  	s5 =	simm.s32 $_size__tile_overlayer_lowered;
	s6 =	simm.s32 $_tile_overlayer_lowered  }
0xa1: {  	s22 =	simm.s32 $0x1BFF;
	s21 =	sshll.u32 s6, $0x1;
	s3 =	sadd.s32 s19, s18  }
0xa2: {  	s7 =	simm.s32 $0x0;
	s20 =	sshll.u32 s5, $0x1;
	s5 =	sadd.s32 s21, s3  }
0xa3: {  	[timem:s7], [sflag:s22] =	dma.local [hbm:s5], s20  }
0xa4: {  	_ =	swait.ge [sflag:s22], s20  }
0xa5: {  	s4 =	ssub.s32 $0x0, s20;
	[sflag:s22] =	ssyncset.done $0x0  }
0xa6: {  	[sflag:s22] =	ssyncadd.s32 s4;
	_ =	sdelay $0x1  }
0xa7: {  	s23 =	simm.s32 $0x1B8B  }
0xa8: {  	_ =	swait.ge [sflag:s23], $0x1  }
0xa9: {  	[sflag:s23] =	ssyncset.done $0x0  }
0xaa: {  	s25 =	simm.s32 $0x1B8E;
	s24 =	sld [smem:$0x3FFE];
	[sflag:s23] =	ssyncadd.s32 $0xFFFFFFFF  }
0xab: {  	s26 =	simm.s32 $execute0_lowered;
	[smem:$0x3FD2] =	sst s25  }
0xac: {  	s5 =	sshll.u32 s26, $0x1;
	_ =	strace $0x80000046;
	[dreg:$0x1] =	wrdreg $0xFFFFFFFF  }
0xad: {  	s28 =	simm.s32 $_size_execute0_lowered;
	s3 =	sadd.s32 s3, s5;
	[dreg:$0x0] =	wrdreg $0x0  }
0xae: {  	s5 =	sshll.u32 s28, $0x1;
	[dreg:$0x2] =	wrdreg s3  }
0xaf: {  	[dreg:$0x3] =	wrdreg s5  }
0xb0: {  	[dreg:$0x4] =	wrdreg $0xC0  }
0xb1: {  	_ =	task [dreg:s7], $0x5FFFF  }
0xb2: {  	[dreg:$0x1] =	wrdreg $0xFFFFFFFF  }
0xb3: {  	[dreg:$0x0] =	wrdreg $0x60  }
0xb4: {  	[dreg:$0x2] =	wrdreg s16  }
0xb5: {  	[dreg:$0x3] =	wrdreg s24  }
0xb6: {  	[dreg:$0x4] =	wrdreg $0xC  }
0xb7: {  	_ =	task.clear_ibuf [dreg:s7], $0x5FFFF;
	_ =	strace $0x90000046  }
0xb8: {  	s29 =	simm.s32 $0xC;
	_ =	strace $0x80000048  }
0xb9: {  	_ =	swait.ge [sflag:s29], $0x1  }
0xba: {  	[sflag:s29] =	ssyncadd.s32 $0xFFFFFFFF  }
0xbb: {  	_ =	strace $0x90000048  }
0xbc: {  	_ =	sfence  }
0xbd: {  	s30 =	sld [smem:$0x0];
	_ =	sdelay $0x2  }
0xbe: {  	s31 =	sshll.u32 s1, $0xD;
	s1 =	sshrl.u32 s1, $0x2  }
0xbf: {  	s3 =	sand.u32 $0x4000, s31;
	s1 =	sadd.s32 s1, s30  }
0xc0: {  	s0 =	sor.u32 s3, s0;
	s1 =	sshll.u32 s1, $0x11  }
0xc1: {  	s0 =	sor.u32 s1, s0  }
0xc2: {  	s0 =	sadd.s32 $0x8F2B, s0  }
0xc3: {  	[sflag:s0] =	ssyncadd.remote.s32 $0x1  }
0xc4: {  	_ =	sfence.sel $0xFFFF  }
0xc5: {  	[dreg:$0x0] =	wrdreg $0xFFFFFFFF;
	(pc) =	sbr.abs _section_cstart, $3  }
0xc6: {  	[dreg:$0x1] =	wrdreg $0xFFFFFFFF  }
0xc7: {  	_ =	task.clear_ibuf [dreg:s7], $0x2FFFF;
	_ =	strace $0x9FFFFFFF  }
0xc8: {  	(tm) =	ssettm $0x7FFFFFFF  }
0xc9: {  	_ =	shalt  }
tec
execute0_lowered:
.L_overlay_start_1:
0x0: {  	(tag) =	ssettag $0x1  }
0x1: {  	s2 =	rddreg [dreg:$0x0]  }
0x2: {  	s4 =	rddreg [dreg:$0x1]  }
0x3: {  	s0 =	rddreg [dreg:$0x2];
	s5 =	srdreg.scid  }
0x4: {  	s1 =	stileid.u32;
	s3 =	simm.s32 $0x0;
	s10 =	simm.s32 $0x2380  }
0x5: {  	s11 =	simm.s32 $0x100;
	s12 =	simm.s32 $0x4380;
	s13 =	simm.s32 $0x180  }
0x6: {  	s14 =	simm.s32 $0x6380;
	s15 =	simm.s32 $0x200;
	s16 =	simm.s32 $0x8380  }
0x7: {  	s17 =	simm.s32 $0x280;
	s18 =	simm.s32 $0xA380;
	s19 =	simm.s32 $0x300  }
0x8: {  	s20 =	simm.s32 $0xC380;
	s21 =	simm.s32 $0x1;
	s6 =	smul.u32 $0xC400, s1  }
0x9: {  	s22 =	simm.s32 $0x0;
	s5 =	sand.u32 $0x1, s5;
	s8 =	smul.u32 $0x62000, s1  }
0xa: {  	[smem:$0x7FF] =	sst s3;
	s7 =	smul.u32 $0x6200, s5;
	s9 =	ssub.s32 $0x2, s5  }
0xb: {  	_ =	strace $0x80000047;
	s5 =	smul.u32 $0x31000, s5;
	s31 =	sshrl.u32 s9, $0x1  }
0xc: {  	s8 =	sadd.s32 s8, s4;
	s6 =	sadd.s32 s7, s6;
	s7 =	ssub.s32 s9, s31  }
0xd: {  	s5 =	sadd.s32 s5, s8;
	s8 =	simm.s32 $0x80;
	s6 =	sshrl.u32 s6, $0x3  }
0xe: {  	s9 =	simm.s32 $0x380;
	s5 =	sadd.s32 $0xF8400, s5;
	s6 =	sadd.s32 s6, s4  }
0xf: {  	s4 =	smax.u32 s7, $0x1;
	s7 =	simm.s32 $0x2;
	s6 =	sadd.s32 $0xC7400, s6  }
.LBB2_1:
0x10: {  	s23 =	sadd.s32 $0x0, s6  }
0x11: {  	[tilespmem:s3], [sflag:$0x2] =	stream.linear.gather [hbm4b:s23+s3], $0x380, $0x38;
	[tilespmem:$0xE380] =	vst v63  }
0x12: {  	_ =	swait.ge [sflag:s7], $0x380  }
0x13: {  	[sflag:s7] =	ssyncset.done $0x0  }
0x14: {  	[sflag:s7] =	ssyncadd.s32 $0xFFFFFC80  }
0x15: {  	[tilespmem:s9], [sflag:$0x1] =	stream.indirect.gather [hbm4b:s2+s8], $0x40, s3, s8, $0xb8;
	[tilespmem:$0xE380] =	vst v63  }
0x16: {  	_ = 	snop  }
0x17: {  	[tilespmem:s10], [sflag:$0x1] =	stream.indirect.gather [hbm4b:s2+s8], $0x40, s8, s8, $0xb8;
	[tilespmem:$0xE380] =	vst v63  }
0x18: {  	_ = 	snop  }
0x19: {  	[tilespmem:s12], [sflag:$0x1] =	stream.indirect.gather [hbm4b:s2+s8], $0x40, s11, s8, $0xb8;
	[tilespmem:$0xE380] =	vst v63  }
0x1a: {  	_ = 	snop  }
0x1b: {  	[tilespmem:s14], [sflag:$0x1] =	stream.indirect.gather [hbm4b:s2+s8], $0x40, s13, s8, $0xb8;
	[tilespmem:$0xE380] =	vst v63  }
0x1c: {  	_ = 	snop  }
0x1d: {  	[tilespmem:s16], [sflag:$0x1] =	stream.indirect.gather [hbm4b:s2+s8], $0x40, s15, s8, $0xb8;
	[tilespmem:$0xE380] =	vst v63  }
0x1e: {  	_ = 	snop  }
0x1f: {  	[tilespmem:s18], [sflag:$0x1] =	stream.indirect.gather [hbm4b:s2+s8], $0x40, s17, s8, $0xb8;
	[tilespmem:$0xE380] =	vst v63  }
0x20: {  	_ = 	snop  }
0x21: {  	[tilespmem:s20], [sflag:$0x1] =	stream.indirect.gather [hbm4b:s2+s8], $0x40, s19, s8, $0xb8;
	[tilespmem:$0xE380] =	vst v63  }
0x22: {  	_ =	swait.ge [sflag:s21], $0x2000  }
0x23: {  	[sflag:s21] =	ssyncset.done $0x0  }
0x24: {  	[sflag:s21] =	ssyncadd.s32 $0xFFFFE000  }
0x25: {  	_ =	swait.ge [sflag:s21], $0x2000  }
0x26: {  	[sflag:s21] =	ssyncset.done $0x0  }
0x27: {  	[sflag:s21] =	ssyncadd.s32 $0xFFFFE000  }
0x28: {  	_ =	swait.ge [sflag:s21], $0x2000  }
0x29: {  	[sflag:s21] =	ssyncset.done $0x0  }
0x2a: {  	[sflag:s21] =	ssyncadd.s32 $0xFFFFE000  }
0x2b: {  	_ =	swait.ge [sflag:s21], $0x2000  }
0x2c: {  	[sflag:s21] =	ssyncset.done $0x0  }
0x2d: {  	[sflag:s21] =	ssyncadd.s32 $0xFFFFE000  }
0x2e: {  	_ =	swait.ge [sflag:s21], $0x2000  }
0x2f: {  	[sflag:s21] =	ssyncset.done $0x0  }
0x30: {  	[sflag:s21] =	ssyncadd.s32 $0xFFFFE000  }
0x31: {  	_ =	swait.ge [sflag:s21], $0x2000  }
0x32: {  	[sflag:s21] =	ssyncset.done $0x0  }
0x33: {  	[sflag:s21] =	ssyncadd.s32 $0xFFFFE000  }
0x34: {  	_ =	swait.ge [sflag:s21], $0x2000  }
0x35: {  	[sflag:s21] =	ssyncset.done $0x0  }
0x36: {  	[sflag:s21] =	ssyncadd.s32 $0xFFFFE000  }
0x37: {  	[hbm4b:s5+s3] =	stream.linear.scatter [tilespmem:s9], [sflag:$0x2], $0xE000, $0x38;
	[tilespmem:$0xE380] =	vst v63  }
0x38: {  	s24 =	simm.s32 $0x70;
	_ =	swait.ge [sflag:s7], $0xE000  }
0x39: {  	s26 =	simm.s32 $0xE0;
	s23 =	sadd.s32 $0x1C00, s5;
	[sflag:s7] =	ssyncset.done $0x0  }
.LBB2_2:
0x3a: {  	s28 =	sadd.s32 s24, s6  }
0x3b: {  	[sflag:s7] =	ssyncadd.s32 $0xFFFF2000;
	s24 =	smov.u32 s26;
	s25 =	sadd.s32 $0x70, s26  }
0x3c: {  	[tilespmem:s3], [sflag:$0x2] =	stream.linear.gather [hbm4b:s28+s3], $0x380, $0x38;
	[tilespmem:$0xE380] =	vst v63  }
0x3d: {  	p0 =	sne.s32 s26, $0xBD0;
	_ =	swait.ge [sflag:s7], $0x380  }
0x3e: {  	[sflag:s7] =	ssyncset.done $0x0  }
0x3f: {  	[sflag:s7] =	ssyncadd.s32 $0xFFFFFC80  }
0x40: {  	[tilespmem:s9], [sflag:$0x1] =	stream.indirect.gather [hbm4b:s2+s8], $0x40, s3, s8, $0xb8;
	[tilespmem:$0xE380] =	vst v63  }
0x41: {  	_ = 	snop  }
0x42: {  	[tilespmem:s10], [sflag:$0x1] =	stream.indirect.gather [hbm4b:s2+s8], $0x40, s8, s8, $0xb8;
	[tilespmem:$0xE380] =	vst v63  }
0x43: {  	_ = 	snop  }
0x44: {  	[tilespmem:s12], [sflag:$0x1] =	stream.indirect.gather [hbm4b:s2+s8], $0x40, s11, s8, $0xb8;
	[tilespmem:$0xE380] =	vst v63  }
0x45: {  	_ = 	snop  }
0x46: {  	[tilespmem:s14], [sflag:$0x1] =	stream.indirect.gather [hbm4b:s2+s8], $0x40, s13, s8, $0xb8;
	[tilespmem:$0xE380] =	vst v63  }
0x47: {  	_ = 	snop  }
0x48: {  	[tilespmem:s16], [sflag:$0x1] =	stream.indirect.gather [hbm4b:s2+s8], $0x40, s15, s8, $0xb8;
	[tilespmem:$0xE380] =	vst v63  }
0x49: {  	_ = 	snop  }
0x4a: {  	[tilespmem:s18], [sflag:$0x1] =	stream.indirect.gather [hbm4b:s2+s8], $0x40, s17, s8, $0xb8;
	[tilespmem:$0xE380] =	vst v63  }
0x4b: {  	_ = 	snop  }
0x4c: {  	[tilespmem:s20], [sflag:$0x1] =	stream.indirect.gather [hbm4b:s2+s8], $0x40, s19, s8, $0xb8;
	[tilespmem:$0xE380] =	vst v63  }
0x4d: {  	_ =	swait.ge [sflag:s21], $0x2000  }
0x4e: {  	[sflag:s21] =	ssyncset.done $0x0  }
0x4f: {  	[sflag:s21] =	ssyncadd.s32 $0xFFFFE000  }
0x50: {  	_ =	swait.ge [sflag:s21], $0x2000  }
0x51: {  	[sflag:s21] =	ssyncset.done $0x0  }
0x52: {  	[sflag:s21] =	ssyncadd.s32 $0xFFFFE000  }
0x53: {  	_ =	swait.ge [sflag:s21], $0x2000  }
0x54: {  	[sflag:s21] =	ssyncset.done $0x0  }
0x55: {  	[sflag:s21] =	ssyncadd.s32 $0xFFFFE000  }
0x56: {  	_ =	swait.ge [sflag:s21], $0x2000  }
0x57: {  	[sflag:s21] =	ssyncset.done $0x0  }
0x58: {  	[sflag:s21] =	ssyncadd.s32 $0xFFFFE000  }
0x59: {  	_ =	swait.ge [sflag:s21], $0x2000  }
0x5a: {  	[sflag:s21] =	ssyncset.done $0x0  }
0x5b: {  	[sflag:s21] =	ssyncadd.s32 $0xFFFFE000  }
0x5c: {  	_ =	swait.ge [sflag:s21], $0x2000  }
0x5d: {  	[sflag:s21] =	ssyncset.done $0x0  }
0x5e: {  	[sflag:s21] =	ssyncadd.s32 $0xFFFFE000  }
0x5f: {  	_ =	swait.ge [sflag:s21], $0x2000  }
.Ltmp0:
0x60: {  	[sflag:s21] =	ssyncset.done $0x0;
	(pc) =	sbr.rel @p0 .LBB2_2-.Ltmp0, $4  }
0x61: {  	[sflag:s21] =	ssyncadd.s32 $0xFFFFE000  }
0x62: {  	[hbm4b:s23+s3] =	stream.linear.scatter [tilespmem:s9], [sflag:$0x2], $0xE000, $0x38;
	[tilespmem:$0xE380] =	vst v63  }
0x63: {  	_ =	swait.ge [sflag:s7], $0xE000  }
0x64: {  	s26 =	smov.u32 s25;
	s23 =	sadd.s32 $0x1C00, s23;
	[sflag:s7] =	ssyncset.done $0x0  }
0x65: {  	s24 =	sadd.s32 s24, s6;
	[sflag:s7] =	ssyncadd.s32 $0xFFFF2000  }
0x66: {  	[tilespmem:s3], [sflag:$0x2] =	stream.linear.gather [hbm4b:s24+s3], $0x380, $0x38;
	[tilespmem:$0xE380] =	vst v63  }
0x67: {  	_ =	swait.ge [sflag:s7], $0x380  }
0x68: {  	[sflag:s7] =	ssyncset.done $0x0  }
0x69: {  	[sflag:s7] =	ssyncadd.s32 $0xFFFFFC80  }
0x6a: {  	[tilespmem:s9], [sflag:$0x1] =	stream.indirect.gather [hbm4b:s2+s8], $0x40, s3, s8, $0xb8;
	[tilespmem:$0xE380] =	vst v63  }
0x6b: {  	_ = 	snop  }
0x6c: {  	[tilespmem:s10], [sflag:$0x1] =	stream.indirect.gather [hbm4b:s2+s8], $0x40, s8, s8, $0xb8;
	[tilespmem:$0xE380] =	vst v63  }
0x6d: {  	_ = 	snop  }
0x6e: {  	[tilespmem:s12], [sflag:$0x1] =	stream.indirect.gather [hbm4b:s2+s8], $0x40, s11, s8, $0xb8;
	[tilespmem:$0xE380] =	vst v63  }
0x6f: {  	_ = 	snop  }
0x70: {  	[tilespmem:s14], [sflag:$0x1] =	stream.indirect.gather [hbm4b:s2+s8], $0x40, s13, s8, $0xb8;
	[tilespmem:$0xE380] =	vst v63  }
0x71: {  	_ = 	snop  }
0x72: {  	[tilespmem:s16], [sflag:$0x1] =	stream.indirect.gather [hbm4b:s2+s8], $0x40, s15, s8, $0xb8;
	[tilespmem:$0xE380] =	vst v63  }
0x73: {  	_ = 	snop  }
0x74: {  	[tilespmem:s18], [sflag:$0x1] =	stream.indirect.gather [hbm4b:s2+s8], $0x40, s17, s8, $0xb8;
	[tilespmem:$0xE380] =	vst v63  }
0x75: {  	_ = 	snop  }
0x76: {  	[tilespmem:s20], [sflag:$0x1] =	stream.indirect.gather [hbm4b:s2+s8], $0x40, s19, s8, $0xb8;
	[tilespmem:$0xE380] =	vst v63  }
0x77: {  	_ =	swait.ge [sflag:s21], $0x2000  }
0x78: {  	[sflag:s21] =	ssyncset.done $0x0  }
0x79: {  	[sflag:s21] =	ssyncadd.s32 $0xFFFFE000  }
0x7a: {  	_ =	swait.ge [sflag:s21], $0x2000  }
0x7b: {  	[sflag:s21] =	ssyncset.done $0x0  }
0x7c: {  	[sflag:s21] =	ssyncadd.s32 $0xFFFFE000  }
0x7d: {  	_ =	swait.ge [sflag:s21], $0x2000  }
0x7e: {  	[sflag:s21] =	ssyncset.done $0x0  }
0x7f: {  	[sflag:s21] =	ssyncadd.s32 $0xFFFFE000  }
0x80: {  	_ =	swait.ge [sflag:s21], $0x2000  }
0x81: {  	[sflag:s21] =	ssyncset.done $0x0  }
0x82: {  	[sflag:s21] =	ssyncadd.s32 $0xFFFFE000  }
0x83: {  	_ =	swait.ge [sflag:s21], $0x2000  }
0x84: {  	[sflag:s21] =	ssyncset.done $0x0  }
0x85: {  	[sflag:s21] =	ssyncadd.s32 $0xFFFFE000  }
0x86: {  	_ =	swait.ge [sflag:s21], $0x2000  }
0x87: {  	[sflag:s21] =	ssyncset.done $0x0  }
0x88: {  	[sflag:s21] =	ssyncadd.s32 $0xFFFFE000  }
0x89: {  	s22 =	sadd.s32 $0x1, s22;
	_ =	swait.ge [sflag:s21], $0x2000  }
0x8a: {  	p0 =	sne.s32 s22, s4;
	[sflag:s21] =	ssyncset.done $0x0  }
.Ltmp1:
0x8b: {  	[sflag:s21] =	ssyncadd.s32 $0xFFFFE000;
	(pc) =	sbr.rel @p0 .LBB2_1-.Ltmp1, $4  }
0x8c: {  	[hbm4b:s23+s3] =	stream.linear.scatter [tilespmem:s9], [sflag:$0x2], $0xE000, $0x38;
	[tilespmem:$0xE380] =	vst v63  }
0x8d: {  	_ =	swait.ge [sflag:s7], $0xE000  }
0x8e: {  	[sflag:s7] =	ssyncset.done $0x0  }
0x8f: {  	[sflag:s7] =	ssyncadd.s32 $0xFFFF2000  }
0x90: {  	_ =	sfence.sel $0x180000  }
0x91: {  	[bflag:$0x0] =	sbarrier.arrive $0xFFFF  }
0x92: {  	p0 =	sne.s32 s1, $0x0;
	_ =	strace $0x90000047  }
0x93: {  	s0 =	sadd.s32 @!p0 $0x100000, s0;
	[bflag:$0x2] =	sbarrier.arrive $0xFFFF  }
0x94: {  	[sflag:s0] =	ssyncadd.tile.s32 @!p0 $0x1;
	_ =	shalt  }
.Lfunc_end2:
_tile_overlayer_lowered:
.L_overlay_start_2:
0x95: {  	(tag) =	ssettag $0x2  }
0x96: {  	s0 =	rddreg [dreg:$0x0];
	s2 =	stileid.u32  }
0x97: {  	s1 =	rddreg [dreg:$0x1];
	p0 =	sne.s32 s2, $0x0  }
0x98: {  	s3 =	rddreg [dreg:$0x2];
	[bflag:$0x3] =	sbarrier.arrive $0xFFFF;
	s2 =	simm.s32 @!p0 $0x1C02  }
0x99: {  	[timem:s3], [sflag:s2] =	dma.local @!p0 [hbm:s0], s1  }
0x9a: {  	s0 =	simm.s32 @!p0 $0x2  }
0x9b: {  	_ =	swait.ge @!p0 [sflag:s0], s1  }
0x9c: {  	s1 =	ssub.s32 @!p0 $0x0, s1;
	[sflag:s0] =	ssyncset.done @!p0 $0x0  }
0x9d: {  	[sflag:s0] =	ssyncadd.s32 @!p0 s1  }
0x9e: {  	[bflag:$0x3] =	sbarrier.arrive $0xFFFF  }
0x9f: {  	_ =	shalt  }

// kernel: kernel.20.cloned.1.call-start
scs
__scs_entry_jumppad:
0x0: {  	(pc) =	sbr.rel $0x88, $3  }
0x1: {  	(tag) =	ssettag $0x0;
	lr =	simm.s32 $0x1  }
0x2: {  	[smem:$0x3F96] =	sst lr;
	_ =	strace $0xD0000000  }
0x3: {  	_ = 	snop  }
0x4: {  	_ = 	snop  }
0x5: {  	_ = 	snop  }
0x6: {  	_ = 	snop  }
0x7: {  	_ = 	snop  }
__scs_overlays_trampoline_lowered:
0x8: {  	[smem:$0x3FA5] =	sst s0  }
0x9: {  	[smem:$0x3FA6] =	sst s1  }
0xa: {  	[smem:$0x3FA7] =	sst s2  }
0xb: {  	[smem:$0x3FA8] =	sst s3  }
0xc: {  	[smem:$0x3FA9] =	sst s4  }
0xd: {  	[smem:$0x3FAA] =	sst s5  }
0xe: {  	[smem:$0x3FAB] =	sst s6  }
0xf: {  	[smem:$0x3FAC] =	sst s7  }
0x10: {  	[smem:$0x3FAD] =	sst s8  }
0x11: {  	[smem:$0x3FAE] =	sst s9;
	s0 =	simm.s32 @!p0 $0x0  }
0x12: {  	s1 =	sld [smem:$0x3F94];
	s0 =	simm.s32 @p0 $0x1  }
0x13: {  	[smem:$0x3FAF] =	sst s0;
	s0 =	simm.s32 @!p1 $0x0  }
0x14: {  	s2 =	sld [smem:$0x3F93];
	s0 =	simm.s32 @p1 $0x1  }
0x15: {  	[smem:$0x3FB0] =	sst s0;
	s0 =	simm.s32 @!p2 $0x0  }
0x16: {  	s3 =	sld [smem:$0x3FDB];
	s0 =	simm.s32 @p2 $0x1  }
0x17: {  	s4 =	simm.s32 $0x1BF5;
	[smem:$0x3FB2] =	sst s0  }
0x18: {  	s0 =	sld [smem:$0x3F95];
	_ =	swait.ge [sflag:s4], $0x0  }
0x19: {  	s7 =	sld [smem:$0x3F96]  }
0x1a: {  	s8 =	sadd.s32 $0xFFFFE003, lr  }
0x1b: {  	s9 =	sadd.s32 $0xFFFFFEF7, lr;
	s5 =	simm.s32 $0xFFFFFFFF;
	p2 =	slt.u32 s8, $0xFFFFF086  }
0x1c: {  	p1 =	slt.u32 s9, $0xF7A;
	s5 =	simm.s32 @!p2 $0x0  }
0x1d: {  	s5 =	simm.s32 @p1 $0x1;
	p0 =	seq.s32 s7, s2  }
0x1e: {  	s7 =	smul.u32 @!p0 $0xF7A, s2;
	p2 =	seq.s32 @!p0 s5, $0x0  }
0x1f: {  	s9 =	smul.u32 $0xF7A, s1;
	s8 =	simm.s32 @!p0 $0x1BF5;
	p2 =	por !p2, p0  }
0x20: {  	[sflag:s8] =	ssyncset.s32 @!p0 $0xFFFFF086;
	s6 =	sadd.s32 @!p0 s3, s7;
	s7 =	simm.s32 @!p0 $0x108  }
0x21: {  	s3 =	sadd.s32 s3, s9;
	s6 =	sadd.s32 @!p0 $0x88, s6;
	s7 =	simm.s32 @p2 $0x1082  }
0x22: {  	[simem:s7], [sflag:s8] =	dma.local @!p0 [hbm:s6], $0xF7A  }
0x23: {  	s9 =	sor.u32 $0xD0000000, s2;
	s6 =	simm.s32 $0x108;
	_ =	swait.ge @!p0 [sflag:s8], $0x0  }
0x24: {  	s3 =	sadd.s32 $0x88, s3;
	s6 =	simm.s32 @!p1 $0x1082;
	[sflag:s4] =	ssyncset.s32 $0xFFFFF086  }
0x25: {  	[simem:s6], [sflag:s4] =	dma.local [hbm:s3], $0xF7A  }
0x26: {  	[smem:$0x3F96] =	sst s1;
	(tag) =	ssettag s2;
	_ =	strace s9  }
0x27: {  	s1 =	sld [smem:$0x3FA6]  }
0x28: {  	s2 =	sld [smem:$0x3FA7]  }
0x29: {  	s4 =	sld [smem:$0x3FA9]  }
0x2a: {  	p0 =	seq.s32 s5, $0x0;
	s5 =	sld [smem:$0x3FAA]  }
0x2b: {  	s6 =	sld [smem:$0x3FAB]  }
0x2c: {  	s7 =	sld [smem:$0x3FAC]  }
0x2d: {  	s3 =	simm.s32 $0x108;
	s8 =	sld [smem:$0x3FAD]  }
0x2e: {  	s3 =	simm.s32 @!p0 $0x1082;
	s9 =	sld [smem:$0x3FAE]  }
0x2f: {  	lr =	sadd.s32 s0, s3;
	s0 =	sld [smem:$0x3FA5]  }
0x30: {  	s3 =	sld [smem:$0x3FA8]  }
0x31: {  	[smem:$0x3FB1] =	sst s10  }
0x32: {  	s10 =	sld [smem:$0x3FAF];
	_ =	sdelay $0x3  }
0x33: {  	p0 =	seq.s32 s10, $0x1;
	s10 =	sld [smem:$0x3FB1];
	_ =	sdelay $0x3  }
0x34: {  	[smem:$0x3FB1] =	sst s10  }
0x35: {  	s10 =	sld [smem:$0x3FB0];
	_ =	sdelay $0x3  }
0x36: {  	p1 =	seq.s32 s10, $0x1;
	s10 =	sld [smem:$0x3FB1];
	_ =	sdelay $0x3  }
0x37: {  	[smem:$0x3FB1] =	sst s10  }
0x38: {  	s10 =	sld [smem:$0x3FB2]  }
0x39: {  	_ = 	snop;
	(pc) =	sbr.ind lr, $3  }
0x3a: {  	_ = 	snop  }
0x3b: {  	_ = 	snop  }
0x3c: {  	p2 =	seq.s32 s10, $0x1;
	s10 =	sld [smem:$0x3FB1]  }
0x3d: {  	_ =	shalt  }
0x3e: {  	_ =	shalt  }
0x3f: {  	_ =	shalt  }
0x40: {  	_ =	shalt  }
0x41: {  	_ =	shalt  }
0x42: {  	_ =	shalt  }
0x43: {  	_ =	shalt  }
0x44: {  	_ =	shalt  }
0x45: {  	_ =	shalt  }
0x46: {  	_ =	shalt  }
0x47: {  	_ =	shalt  }
0x48: {  	_ =	shalt  }
0x49: {  	_ =	shalt  }
0x4a: {  	_ =	shalt  }
0x4b: {  	_ =	shalt  }
0x4c: {  	_ =	shalt  }
0x4d: {  	_ =	shalt  }
0x4e: {  	_ =	shalt  }
0x4f: {  	_ =	shalt  }
0x50: {  	_ =	shalt  }
0x51: {  	_ =	shalt  }
0x52: {  	_ =	shalt  }
0x53: {  	_ =	shalt  }
0x54: {  	_ =	shalt  }
0x55: {  	_ =	shalt  }
0x56: {  	_ =	shalt  }
0x57: {  	_ =	shalt  }
0x58: {  	_ =	shalt  }
0x59: {  	_ =	shalt  }
0x5a: {  	_ =	shalt  }
0x5b: {  	_ =	shalt  }
0x5c: {  	_ =	shalt  }
0x5d: {  	_ =	shalt  }
0x5e: {  	_ =	shalt  }
0x5f: {  	_ =	shalt  }
0x60: {  	_ =	shalt  }
0x61: {  	_ =	shalt  }
0x62: {  	_ =	shalt  }
0x63: {  	_ =	shalt  }
0x64: {  	_ =	shalt  }
0x65: {  	_ =	shalt  }
0x66: {  	_ =	shalt  }
0x67: {  	_ =	shalt  }
0x68: {  	_ =	shalt  }
0x69: {  	_ =	shalt  }
0x6a: {  	_ =	shalt  }
0x6b: {  	_ =	shalt  }
0x6c: {  	_ =	shalt  }
0x6d: {  	_ =	shalt  }
0x6e: {  	_ =	shalt  }
0x6f: {  	_ =	shalt  }
0x70: {  	_ =	shalt  }
0x71: {  	_ =	shalt  }
0x72: {  	_ =	shalt  }
0x73: {  	_ =	shalt  }
0x74: {  	_ =	shalt  }
0x75: {  	_ =	shalt  }
0x76: {  	_ =	shalt  }
0x77: {  	_ =	shalt  }
0x78: {  	_ =	shalt  }
0x79: {  	_ =	shalt  }
0x7a: {  	_ =	shalt  }
0x7b: {  	_ =	shalt  }
0x7c: {  	_ =	shalt  }
0x7d: {  	_ =	shalt  }
0x7e: {  	_ =	shalt  }
0x7f: {  	_ =	shalt  }
0x80: {  	_ =	shalt  }
0x81: {  	_ =	shalt  }
0x82: {  	_ =	shalt  }
0x83: {  	_ =	shalt  }
0x84: {  	_ =	shalt  }
0x85: {  	_ =	shalt  }
0x86: {  	_ =	shalt  }
0x87: {  	_ =	shalt  }
.Lfunc_end0:
.L_simem_size_0:
called_computation.1_lowered:
.L_overlay_start_0:
0x88: {  	s2 =	sld [smem:$0x3FD9]  }
0x89: {  	s3 =	sld [smem:$0x3FFE];
	_ =	sdelay $0x1  }
0x8a: {  	s1 =	srdreg.scid  }
0x8b: {  	s0 =	sand.u32 $0x1, s1  }
0x8c: {  	s15 =	sshll.u32 s0, $0xA;
	s2 =	sadd.s32 s3, s2  }
0x8d: {  	s2 =	sadd.s32 s2, s15  }
0x8e: {  	[smem:$0x3FBD] =	sst s2  }
0x8f: {  	_ = 	snop  }
0x90: {  	s2 =	sld [smem:$0x3FD0];
	_ =	sdelay $0x2  }
0x91: {  	s16 =	simm.s32 $0xF;
	s4 =	simm.s32 $0x10  }
0x92: {  	[smem:s4], [sflag:s16] =	dma.local [hbm:s2], $0x1  }
0x93: {  	_ =	swait.eq [sflag:s16], $0x1  }
0x94: {  	[sflag:s16] =	ssyncset.done $0x0  }
0x95: {  	[sflag:s16] =	ssyncadd.s32 $0xFFFFFFFF  }
0x96: {  	s17 =	sld [smem:$0x10];
	(tm) =	ssettm $0x1  }
0x97: {  	s18 =	sld [smem:$0x3FFB];
	_ =	sdelay $0x3  }
0x98: {  	_ =	strace s18  }
0x99: {  	s2 =	sld [smem:$0x3FFC];
	_ =	sdelay $0x3  }
0x9a: {  	_ =	strace s2  }
0x9b: {  	s2 =	sld [smem:$0x3FFD];
	_ =	sdelay $0x3  }
0x9c: {  	_ =	strace s2  }
0x9d: {  	_ =	strace $0x8FFFFFFF  }
0x9e: {  	s19 =	sld [smem:$0x3FDB];
	_ =	sdelay $0x1  }
0x9f: {  	s20 =	simm.s32 $_scs_section_size  }
0xa0: {  	s5 =	simm.s32 $_size__tile_overlayer_lowered;
	s6 =	simm.s32 $_tile_overlayer_lowered  }
0xa1: {  	s7 =	simm.s32 $0x1BFF;
	s21 =	sshll.u32 s6, $0x1;
	s4 =	sadd.s32 s20, s19  }
0xa2: {  	s22 =	simm.s32 $0x0;
	s5 =	sshll.u32 s5, $0x1;
	s6 =	sadd.s32 s21, s4  }
0xa3: {  	[timem:s22], [sflag:s7] =	dma.local [hbm:s6], s5  }
0xa4: {  	_ =	swait.ge [sflag:s7], s5  }
0xa5: {  	s5 =	ssub.s32 $0x0, s5;
	[sflag:s7] =	ssyncset.done $0x0  }
0xa6: {  	[sflag:s7] =	ssyncadd.s32 s5;
	_ =	sdelay $0x1  }
0xa7: {  	s23 =	simm.s32 $0x1B8B  }
0xa8: {  	_ =	swait.ge [sflag:s23], $0x1  }
0xa9: {  	[sflag:s23] =	ssyncset.done $0x0  }
0xaa: {  	[sflag:s23] =	ssyncadd.s32 $0xFFFFFFFF  }
0xab: {  	s5 =	sld [smem:$0x0]  }
0xac: {  	s6 =	sand.u32 $0xFFFFFFFE, s1  }
0xad: {  	p0 =	sne.s32 s1, s6  }
0xae: {  	s6 =	sshll.u32 @p0 s6, $0xE  }
0xaf: {  	s6 =	sadd.s32 @p0 $0x11B8D, s6;
	s7 =	sshll.u32 @p0 s5, $0x11  }
0xb0: {  	s6 =	sor.u32 @p0 s7, s6  }
0xb1: {  	[sflag:s6] =	ssyncadd.remote.s32 @p0 $0x1;
	_ =	sdelay $0x1  }
0xb2: {  	s6 =	simm.s32 @p0 $0x1B8D  }
0xb3: {  	_ =	swait.eq @p0 [sflag:s6], $0x1  }
0xb4: {  	[sflag:s6] =	ssyncadd.s32 @p0 $0xFFFFFFFF  }
0xb5: {  	s7 =	sshll.u32 @!p0 s1, $0xE  }
0xb6: {  	s7 =	sor.u32 @!p0 $0x4000, s7;
	s6 =	simm.s32 @!p0 $0x1B8D  }
0xb7: {  	s5 =	sshll.u32 @!p0 s5, $0x11;
	s7 =	sadd.s32 @!p0 $0x11B8D, s7;
	_ =	swait.eq @!p0 [sflag:s6], $0x1  }
0xb8: {  	s5 =	sor.u32 @!p0 s5, s7;
	[sflag:s6] =	ssyncadd.s32 @!p0 $0xFFFFFFFF  }
0xb9: {  	s25 =	simm.s32 $0x1B8E;
	s24 =	sld [smem:$0x3FFE];
	[sflag:s5] =	ssyncadd.remote.s32 @!p0 $0x1  }
0xba: {  	s26 =	simm.s32 $execute0_lowered;
	[smem:$0x3FD2] =	sst s25  }
0xbb: {  	s6 =	sshll.u32 s26, $0x1;
	_ =	strace $0x80000049;
	[dreg:$0x1] =	wrdreg $0xFFFFFFFF  }
0xbc: {  	s28 =	simm.s32 $_size_execute0_lowered;
	s4 =	sadd.s32 s4, s6;
	[dreg:$0x0] =	wrdreg $0x0  }
0xbd: {  	s6 =	sshll.u32 s28, $0x1;
	[dreg:$0x2] =	wrdreg s4  }
0xbe: {  	[dreg:$0x3] =	wrdreg s6  }
0xbf: {  	[dreg:$0x4] =	wrdreg $0xC0  }
0xc0: {  	_ =	task [dreg:s22], $0x5FFFF  }
0xc1: {  	[dreg:$0x1] =	wrdreg $0xFFFFFFFF  }
0xc2: {  	[dreg:$0x0] =	wrdreg $0x60  }
0xc3: {  	[dreg:$0x2] =	wrdreg s17  }
0xc4: {  	[dreg:$0x3] =	wrdreg s24  }
0xc5: {  	[dreg:$0x4] =	wrdreg $0xD  }
0xc6: {  	_ =	task.clear_ibuf [dreg:s22], $0x5FFFF;
	_ =	strace $0x90000049  }
0xc7: {  	s29 =	simm.s32 $0xD;
	_ =	strace $0x8000004B  }
0xc8: {  	_ =	swait.ge [sflag:s29], $0x1  }
0xc9: {  	[sflag:s29] =	ssyncadd.s32 $0xFFFFFFFF  }
0xca: {  	_ =	strace $0x9000004B  }
0xcb: {  	_ =	sfence  }
0xcc: {  	s30 =	sld [smem:$0x0];
	_ =	sdelay $0x2  }
0xcd: {  	s31 =	sshll.u32 s1, $0xD;
	s1 =	sshrl.u32 s1, $0x2  }
0xce: {  	s4 =	sand.u32 $0x4000, s31;
	s1 =	sadd.s32 s1, s30  }
0xcf: {  	s0 =	sor.u32 s4, s0;
	s1 =	sshll.u32 s1, $0x11  }
0xd0: {  	s0 =	sor.u32 s1, s0  }
0xd1: {  	s0 =	sadd.s32 $0x8F2B, s0  }
0xd2: {  	[sflag:s0] =	ssyncadd.remote.s32 $0x1  }
0xd3: {  	_ =	sfence.sel $0xFFFF  }
0xd4: {  	[dreg:$0x0] =	wrdreg $0xFFFFFFFF;
	(pc) =	sbr.abs _section_cstart, $3  }
0xd5: {  	[dreg:$0x1] =	wrdreg $0xFFFFFFFF  }
0xd6: {  	_ =	task.clear_ibuf [dreg:s22], $0x2FFFF;
	_ =	strace $0x9FFFFFFF  }
0xd7: {  	(tm) =	ssettm $0x7FFFFFFF  }
tec
execute0_lowered:
.L_overlay_start_1:
0x0: {  	(tag) =	ssettag $0x1  }
0x1: {  	s2 =	rddreg [dreg:$0x0]  }
0x2: {  	s4 =	rddreg [dreg:$0x1]  }
0x3: {  	s0 =	rddreg [dreg:$0x2];
	s5 =	srdreg.scid  }
0x4: {  	s1 =	stileid.u32;
	s3 =	simm.s32 $0x0;
	s10 =	simm.s32 $0x2380  }
0x5: {  	s11 =	simm.s32 $0x100;
	s12 =	simm.s32 $0x4380;
	s13 =	simm.s32 $0x180  }
0x6: {  	s14 =	simm.s32 $0x6380;
	s15 =	simm.s32 $0x200;
	s16 =	simm.s32 $0x8380  }
0x7: {  	s17 =	simm.s32 $0x280;
	s18 =	simm.s32 $0xA380;
	s19 =	simm.s32 $0x300  }
0x8: {  	s20 =	simm.s32 $0xC380;
	s21 =	simm.s32 $0x1;
	s6 =	smul.u32 $0xC400, s1  }
0x9: {  	s22 =	simm.s32 $0x0;
	s5 =	sand.u32 $0x1, s5;
	s8 =	smul.u32 $0x62000, s1  }
0xa: {  	[smem:$0x7FF] =	sst s3;
	s7 =	smul.u32 $0x6200, s5;
	s9 =	ssub.s32 $0x2, s5  }
0xb: {  	_ =	strace $0x8000004A;
	s5 =	smul.u32 $0x31000, s5;
	s31 =	sshrl.u32 s9, $0x1  }
0xc: {  	s8 =	sadd.s32 s8, s4;
	s6 =	sadd.s32 s7, s6;
	s7 =	ssub.s32 s9, s31  }
0xd: {  	s5 =	sadd.s32 s5, s8;
	s8 =	simm.s32 $0x80;
	s6 =	sshrl.u32 s6, $0x3  }
0xe: {  	s9 =	simm.s32 $0x380;
	s5 =	sadd.s32 $0x730C00, s5;
	s6 =	sadd.s32 s6, s4  }
0xf: {  	s4 =	smax.u32 s7, $0x1;
	s7 =	simm.s32 $0x2;
	s6 =	sadd.s32 $0x718400, s6  }
.LBB2_1:
0x10: {  	s23 =	sadd.s32 $0x0, s6  }
0x11: {  	[tilespmem:s3], [sflag:$0x2] =	stream.linear.gather [hbm4b:s23+s3], $0x380, $0x38;
	[tilespmem:$0xE380] =	vst v63  }
0x12: {  	_ =	swait.ge [sflag:s7], $0x380  }
0x13: {  	[sflag:s7] =	ssyncset.done $0x0  }
0x14: {  	[sflag:s7] =	ssyncadd.s32 $0xFFFFFC80  }
0x15: {  	[tilespmem:s9], [sflag:$0x1] =	stream.indirect.gather [hbm4b:s2+s8], $0x40, s3, s8, $0xb8;
	[tilespmem:$0xE380] =	vst v63  }
0x16: {  	_ = 	snop  }
0x17: {  	[tilespmem:s10], [sflag:$0x1] =	stream.indirect.gather [hbm4b:s2+s8], $0x40, s8, s8, $0xb8;
	[tilespmem:$0xE380] =	vst v63  }
0x18: {  	_ = 	snop  }
0x19: {  	[tilespmem:s12], [sflag:$0x1] =	stream.indirect.gather [hbm4b:s2+s8], $0x40, s11, s8, $0xb8;
	[tilespmem:$0xE380] =	vst v63  }
0x1a: {  	_ = 	snop  }
0x1b: {  	[tilespmem:s14], [sflag:$0x1] =	stream.indirect.gather [hbm4b:s2+s8], $0x40, s13, s8, $0xb8;
	[tilespmem:$0xE380] =	vst v63  }
0x1c: {  	_ = 	snop  }
0x1d: {  	[tilespmem:s16], [sflag:$0x1] =	stream.indirect.gather [hbm4b:s2+s8], $0x40, s15, s8, $0xb8;
	[tilespmem:$0xE380] =	vst v63  }
0x1e: {  	_ = 	snop  }
0x1f: {  	[tilespmem:s18], [sflag:$0x1] =	stream.indirect.gather [hbm4b:s2+s8], $0x40, s17, s8, $0xb8;
	[tilespmem:$0xE380] =	vst v63  }
0x20: {  	_ = 	snop  }
0x21: {  	[tilespmem:s20], [sflag:$0x1] =	stream.indirect.gather [hbm4b:s2+s8], $0x40, s19, s8, $0xb8;
	[tilespmem:$0xE380] =	vst v63  }
0x22: {  	_ =	swait.ge [sflag:s21], $0x2000  }
0x23: {  	[sflag:s21] =	ssyncset.done $0x0  }
0x24: {  	[sflag:s21] =	ssyncadd.s32 $0xFFFFE000  }
0x25: {  	_ =	swait.ge [sflag:s21], $0x2000  }
0x26: {  	[sflag:s21] =	ssyncset.done $0x0  }
0x27: {  	[sflag:s21] =	ssyncadd.s32 $0xFFFFE000  }
0x28: {  	_ =	swait.ge [sflag:s21], $0x2000  }
0x29: {  	[sflag:s21] =	ssyncset.done $0x0  }
0x2a: {  	[sflag:s21] =	ssyncadd.s32 $0xFFFFE000  }
0x2b: {  	_ =	swait.ge [sflag:s21], $0x2000  }
0x2c: {  	[sflag:s21] =	ssyncset.done $0x0  }
0x2d: {  	[sflag:s21] =	ssyncadd.s32 $0xFFFFE000  }
0x2e: {  	_ =	swait.ge [sflag:s21], $0x2000  }
0x2f: {  	[sflag:s21] =	ssyncset.done $0x0  }
0x30: {  	[sflag:s21] =	ssyncadd.s32 $0xFFFFE000  }
0x31: {  	_ =	swait.ge [sflag:s21], $0x2000  }
0x32: {  	[sflag:s21] =	ssyncset.done $0x0  }
0x33: {  	[sflag:s21] =	ssyncadd.s32 $0xFFFFE000  }
0x34: {  	_ =	swait.ge [sflag:s21], $0x2000  }
0x35: {  	[sflag:s21] =	ssyncset.done $0x0  }
0x36: {  	[sflag:s21] =	ssyncadd.s32 $0xFFFFE000  }
0x37: {  	[hbm4b:s5+s3] =	stream.linear.scatter [tilespmem:s9], [sflag:$0x2], $0xE000, $0x38;
	[tilespmem:$0xE380] =	vst v63  }
0x38: {  	s24 =	simm.s32 $0x70;
	_ =	swait.ge [sflag:s7], $0xE000  }
0x39: {  	s26 =	simm.s32 $0xE0;
	s23 =	sadd.s32 $0x1C00, s5;
	[sflag:s7] =	ssyncset.done $0x0  }
.LBB2_2:
0x3a: {  	s28 =	sadd.s32 s24, s6  }
0x3b: {  	[sflag:s7] =	ssyncadd.s32 $0xFFFF2000;
	s24 =	smov.u32 s26;
	s25 =	sadd.s32 $0x70, s26  }
0x3c: {  	[tilespmem:s3], [sflag:$0x2] =	stream.linear.gather [hbm4b:s28+s3], $0x380, $0x38;
	[tilespmem:$0xE380] =	vst v63  }
0x3d: {  	p0 =	sne.s32 s26, $0xBD0;
	_ =	swait.ge [sflag:s7], $0x380  }
0x3e: {  	[sflag:s7] =	ssyncset.done $0x0  }
0x3f: {  	[sflag:s7] =	ssyncadd.s32 $0xFFFFFC80  }
0x40: {  	[tilespmem:s9], [sflag:$0x1] =	stream.indirect.gather [hbm4b:s2+s8], $0x40, s3, s8, $0xb8;
	[tilespmem:$0xE380] =	vst v63  }
0x41: {  	_ = 	snop  }
0x42: {  	[tilespmem:s10], [sflag:$0x1] =	stream.indirect.gather [hbm4b:s2+s8], $0x40, s8, s8, $0xb8;
	[tilespmem:$0xE380] =	vst v63  }
0x43: {  	_ = 	snop  }
0x44: {  	[tilespmem:s12], [sflag:$0x1] =	stream.indirect.gather [hbm4b:s2+s8], $0x40, s11, s8, $0xb8;
	[tilespmem:$0xE380] =	vst v63  }
0x45: {  	_ = 	snop  }
0x46: {  	[tilespmem:s14], [sflag:$0x1] =	stream.indirect.gather [hbm4b:s2+s8], $0x40, s13, s8, $0xb8;
	[tilespmem:$0xE380] =	vst v63  }
0x47: {  	_ = 	snop  }
0x48: {  	[tilespmem:s16], [sflag:$0x1] =	stream.indirect.gather [hbm4b:s2+s8], $0x40, s15, s8, $0xb8;
	[tilespmem:$0xE380] =	vst v63  }
0x49: {  	_ = 	snop  }
0x4a: {  	[tilespmem:s18], [sflag:$0x1] =	stream.indirect.gather [hbm4b:s2+s8], $0x40, s17, s8, $0xb8;
	[tilespmem:$0xE380] =	vst v63  }
0x4b: {  	_ = 	snop  }
0x4c: {  	[tilespmem:s20], [sflag:$0x1] =	stream.indirect.gather [hbm4b:s2+s8], $0x40, s19, s8, $0xb8;
	[tilespmem:$0xE380] =	vst v63  }
0x4d: {  	_ =	swait.ge [sflag:s21], $0x2000  }
0x4e: {  	[sflag:s21] =	ssyncset.done $0x0  }
0x4f: {  	[sflag:s21] =	ssyncadd.s32 $0xFFFFE000  }
0x50: {  	_ =	swait.ge [sflag:s21], $0x2000  }
0x51: {  	[sflag:s21] =	ssyncset.done $0x0  }
0x52: {  	[sflag:s21] =	ssyncadd.s32 $0xFFFFE000  }
0x53: {  	_ =	swait.ge [sflag:s21], $0x2000  }
0x54: {  	[sflag:s21] =	ssyncset.done $0x0  }
0x55: {  	[sflag:s21] =	ssyncadd.s32 $0xFFFFE000  }
0x56: {  	_ =	swait.ge [sflag:s21], $0x2000  }
0x57: {  	[sflag:s21] =	ssyncset.done $0x0  }
0x58: {  	[sflag:s21] =	ssyncadd.s32 $0xFFFFE000  }
0x59: {  	_ =	swait.ge [sflag:s21], $0x2000  }
0x5a: {  	[sflag:s21] =	ssyncset.done $0x0  }
0x5b: {  	[sflag:s21] =	ssyncadd.s32 $0xFFFFE000  }
0x5c: {  	_ =	swait.ge [sflag:s21], $0x2000  }
0x5d: {  	[sflag:s21] =	ssyncset.done $0x0  }
0x5e: {  	[sflag:s21] =	ssyncadd.s32 $0xFFFFE000  }
0x5f: {  	_ =	swait.ge [sflag:s21], $0x2000  }
.Ltmp0:
0x60: {  	[sflag:s21] =	ssyncset.done $0x0;
	(pc) =	sbr.rel @p0 .LBB2_2-.Ltmp0, $4  }
0x61: {  	[sflag:s21] =	ssyncadd.s32 $0xFFFFE000  }
0x62: {  	[hbm4b:s23+s3] =	stream.linear.scatter [tilespmem:s9], [sflag:$0x2], $0xE000, $0x38;
	[tilespmem:$0xE380] =	vst v63  }
0x63: {  	_ =	swait.ge [sflag:s7], $0xE000  }
0x64: {  	s26 =	smov.u32 s25;
	s23 =	sadd.s32 $0x1C00, s23;
	[sflag:s7] =	ssyncset.done $0x0  }
0x65: {  	s24 =	sadd.s32 s24, s6;
	[sflag:s7] =	ssyncadd.s32 $0xFFFF2000  }
0x66: {  	[tilespmem:s3], [sflag:$0x2] =	stream.linear.gather [hbm4b:s24+s3], $0x380, $0x38;
	[tilespmem:$0xE380] =	vst v63  }
0x67: {  	_ =	swait.ge [sflag:s7], $0x380  }
0x68: {  	[sflag:s7] =	ssyncset.done $0x0  }
0x69: {  	[sflag:s7] =	ssyncadd.s32 $0xFFFFFC80  }
0x6a: {  	[tilespmem:s9], [sflag:$0x1] =	stream.indirect.gather [hbm4b:s2+s8], $0x40, s3, s8, $0xb8;
	[tilespmem:$0xE380] =	vst v63  }
0x6b: {  	_ = 	snop  }
0x6c: {  	[tilespmem:s10], [sflag:$0x1] =	stream.indirect.gather [hbm4b:s2+s8], $0x40, s8, s8, $0xb8;
	[tilespmem:$0xE380] =	vst v63  }
0x6d: {  	_ = 	snop  }
0x6e: {  	[tilespmem:s12], [sflag:$0x1] =	stream.indirect.gather [hbm4b:s2+s8], $0x40, s11, s8, $0xb8;
	[tilespmem:$0xE380] =	vst v63  }
0x6f: {  	_ = 	snop  }
0x70: {  	[tilespmem:s14], [sflag:$0x1] =	stream.indirect.gather [hbm4b:s2+s8], $0x40, s13, s8, $0xb8;
	[tilespmem:$0xE380] =	vst v63  }
0x71: {  	_ = 	snop  }
0x72: {  	[tilespmem:s16], [sflag:$0x1] =	stream.indirect.gather [hbm4b:s2+s8], $0x40, s15, s8, $0xb8;
	[tilespmem:$0xE380] =	vst v63  }
0x73: {  	_ = 	snop  }
0x74: {  	[tilespmem:s18], [sflag:$0x1] =	stream.indirect.gather [hbm4b:s2+s8], $0x40, s17, s8, $0xb8;
	[tilespmem:$0xE380] =	vst v63  }
0x75: {  	_ = 	snop  }
0x76: {  	[tilespmem:s20], [sflag:$0x1] =	stream.indirect.gather [hbm4b:s2+s8], $0x40, s19, s8, $0xb8;
	[tilespmem:$0xE380] =	vst v63  }
0x77: {  	_ =	swait.ge [sflag:s21], $0x2000  }
0x78: {  	[sflag:s21] =	ssyncset.done $0x0  }
0x79: {  	[sflag:s21] =	ssyncadd.s32 $0xFFFFE000  }
0x7a: {  	_ =	swait.ge [sflag:s21], $0x2000  }
0x7b: {  	[sflag:s21] =	ssyncset.done $0x0  }
0x7c: {  	[sflag:s21] =	ssyncadd.s32 $0xFFFFE000  }
0x7d: {  	_ =	swait.ge [sflag:s21], $0x2000  }
0x7e: {  	[sflag:s21] =	ssyncset.done $0x0  }
0x7f: {  	[sflag:s21] =	ssyncadd.s32 $0xFFFFE000  }
0x80: {  	_ =	swait.ge [sflag:s21], $0x2000  }
0x81: {  	[sflag:s21] =	ssyncset.done $0x0  }
0x82: {  	[sflag:s21] =	ssyncadd.s32 $0xFFFFE000  }
0x83: {  	_ =	swait.ge [sflag:s21], $0x2000  }
0x84: {  	[sflag:s21] =	ssyncset.done $0x0  }
0x85: {  	[sflag:s21] =	ssyncadd.s32 $0xFFFFE000  }
0x86: {  	_ =	swait.ge [sflag:s21], $0x2000  }
0x87: {  	[sflag:s21] =	ssyncset.done $0x0  }
0x88: {  	[sflag:s21] =	ssyncadd.s32 $0xFFFFE000  }
0x89: {  	s22 =	sadd.s32 $0x1, s22;
	_ =	swait.ge [sflag:s21], $0x2000  }
0x8a: {  	p0 =	sne.s32 s22, s4;
	[sflag:s21] =	ssyncset.done $0x0  }
.Ltmp1:
0x8b: {  	[sflag:s21] =	ssyncadd.s32 $0xFFFFE000;
	(pc) =	sbr.rel @p0 .LBB2_1-.Ltmp1, $4  }
0x8c: {  	[hbm4b:s23+s3] =	stream.linear.scatter [tilespmem:s9], [sflag:$0x2], $0xE000, $0x38;
	[tilespmem:$0xE380] =	vst v63  }
0x8d: {  	_ =	swait.ge [sflag:s7], $0xE000  }
0x8e: {  	[sflag:s7] =	ssyncset.done $0x0  }
0x8f: {  	[sflag:s7] =	ssyncadd.s32 $0xFFFF2000  }
0x90: {  	_ =	sfence.sel $0x180000  }
0x91: {  	[bflag:$0x0] =	sbarrier.arrive $0xFFFF  }
0x92: {  	p0 =	sne.s32 s1, $0x0;
	_ =	strace $0x9000004A  }
0x93: {  	s0 =	sadd.s32 @!p0 $0x100000, s0;
	[bflag:$0x2] =	sbarrier.arrive $0xFFFF  }
0x94: {  	[sflag:s0] =	ssyncadd.tile.s32 @!p0 $0x1;
	_ =	shalt  }
.Lfunc_end2:
_tile_overlayer_lowered:
.L_overlay_start_2:
0x95: {  	(tag) =	ssettag $0x2  }
0x96: {  	s0 =	rddreg [dreg:$0x0];
	s2 =	stileid.u32  }
0x97: {  	s1 =	rddreg [dreg:$0x1];
	p0 =	sne.s32 s2, $0x0  }
0x98: {  	s3 =	rddreg [dreg:$0x2];
	[bflag:$0x3] =	sbarrier.arrive $0xFFFF;
	s2 =	simm.s32 @!p0 $0x1C02  }
0x99: {  	[timem:s3], [sflag:s2] =	dma.local @!p0 [hbm:s0], s1  }
0x9a: {  	s0 =	simm.s32 @!p0 $0x2  }
0x9b: {  	_ =	swait.ge @!p0 [sflag:s0], s1  }
0x9c: {  	s1 =	ssub.s32 @!p0 $0x0, s1;
	[sflag:s0] =	ssyncset.done @!p0 $0x0  }
0x9d: {  	[sflag:s0] =	ssyncadd.s32 @!p0 s1  }
0x9e: {  	[bflag:$0x3] =	sbarrier.arrive $0xFFFF  }
0x9f: {  	_ =	shalt  }

// kernel: kernel.23.cloned.1.call-start
scs
__scs_entry_jumppad:
0x0: {  	(pc) =	sbr.rel $0x88, $3  }
0x1: {  	(tag) =	ssettag $0x0;
	lr =	simm.s32 $0x1  }
0x2: {  	[smem:$0x3F96] =	sst lr;
	_ =	strace $0xD0000000  }
0x3: {  	_ = 	snop  }
0x4: {  	_ = 	snop  }
0x5: {  	_ = 	snop  }
0x6: {  	_ = 	snop  }
0x7: {  	_ = 	snop  }
__scs_overlays_trampoline_lowered:
0x8: {  	[smem:$0x3FA5] =	sst s0  }
0x9: {  	[smem:$0x3FA6] =	sst s1  }
0xa: {  	[smem:$0x3FA7] =	sst s2  }
0xb: {  	[smem:$0x3FA8] =	sst s3  }
0xc: {  	[smem:$0x3FA9] =	sst s4  }
0xd: {  	[smem:$0x3FAA] =	sst s5  }
0xe: {  	[smem:$0x3FAB] =	sst s6  }
0xf: {  	[smem:$0x3FAC] =	sst s7  }
0x10: {  	[smem:$0x3FAD] =	sst s8  }
0x11: {  	[smem:$0x3FAE] =	sst s9;
	s0 =	simm.s32 @!p0 $0x0  }
0x12: {  	s1 =	sld [smem:$0x3F94];
	s0 =	simm.s32 @p0 $0x1  }
0x13: {  	[smem:$0x3FAF] =	sst s0;
	s0 =	simm.s32 @!p1 $0x0  }
0x14: {  	s2 =	sld [smem:$0x3F93];
	s0 =	simm.s32 @p1 $0x1  }
0x15: {  	[smem:$0x3FB0] =	sst s0;
	s0 =	simm.s32 @!p2 $0x0  }
0x16: {  	s3 =	sld [smem:$0x3FDB];
	s0 =	simm.s32 @p2 $0x1  }
0x17: {  	s4 =	simm.s32 $0x1BF5;
	[smem:$0x3FB2] =	sst s0  }
0x18: {  	s0 =	sld [smem:$0x3F95];
	_ =	swait.ge [sflag:s4], $0x0  }
0x19: {  	s7 =	sld [smem:$0x3F96]  }
0x1a: {  	s8 =	sadd.s32 $0xFFFFE003, lr  }
0x1b: {  	s9 =	sadd.s32 $0xFFFFFEF7, lr;
	s5 =	simm.s32 $0xFFFFFFFF;
	p2 =	slt.u32 s8, $0xFFFFF086  }
0x1c: {  	p1 =	slt.u32 s9, $0xF7A;
	s5 =	simm.s32 @!p2 $0x0  }
0x1d: {  	s5 =	simm.s32 @p1 $0x1;
	p0 =	seq.s32 s7, s2  }
0x1e: {  	s7 =	smul.u32 @!p0 $0xF7A, s2;
	p2 =	seq.s32 @!p0 s5, $0x0  }
0x1f: {  	s9 =	smul.u32 $0xF7A, s1;
	s8 =	simm.s32 @!p0 $0x1BF5;
	p2 =	por !p2, p0  }
0x20: {  	[sflag:s8] =	ssyncset.s32 @!p0 $0xFFFFF086;
	s6 =	sadd.s32 @!p0 s3, s7;
	s7 =	simm.s32 @!p0 $0x108  }
0x21: {  	s3 =	sadd.s32 s3, s9;
	s6 =	sadd.s32 @!p0 $0x88, s6;
	s7 =	simm.s32 @p2 $0x1082  }
0x22: {  	[simem:s7], [sflag:s8] =	dma.local @!p0 [hbm:s6], $0xF7A  }
0x23: {  	s9 =	sor.u32 $0xD0000000, s2;
	s6 =	simm.s32 $0x108;
	_ =	swait.ge @!p0 [sflag:s8], $0x0  }
0x24: {  	s3 =	sadd.s32 $0x88, s3;
	s6 =	simm.s32 @!p1 $0x1082;
	[sflag:s4] =	ssyncset.s32 $0xFFFFF086  }
0x25: {  	[simem:s6], [sflag:s4] =	dma.local [hbm:s3], $0xF7A  }
0x26: {  	[smem:$0x3F96] =	sst s1;
	(tag) =	ssettag s2;
	_ =	strace s9  }
0x27: {  	s1 =	sld [smem:$0x3FA6]  }
0x28: {  	s2 =	sld [smem:$0x3FA7]  }
0x29: {  	s4 =	sld [smem:$0x3FA9]  }
0x2a: {  	p0 =	seq.s32 s5, $0x0;
	s5 =	sld [smem:$0x3FAA]  }
0x2b: {  	s6 =	sld [smem:$0x3FAB]  }
0x2c: {  	s7 =	sld [smem:$0x3FAC]  }
0x2d: {  	s3 =	simm.s32 $0x108;
	s8 =	sld [smem:$0x3FAD]  }
0x2e: {  	s3 =	simm.s32 @!p0 $0x1082;
	s9 =	sld [smem:$0x3FAE]  }
0x2f: {  	lr =	sadd.s32 s0, s3;
	s0 =	sld [smem:$0x3FA5]  }
0x30: {  	s3 =	sld [smem:$0x3FA8]  }
0x31: {  	[smem:$0x3FB1] =	sst s10  }
0x32: {  	s10 =	sld [smem:$0x3FAF];
	_ =	sdelay $0x3  }
0x33: {  	p0 =	seq.s32 s10, $0x1;
	s10 =	sld [smem:$0x3FB1];
	_ =	sdelay $0x3  }
0x34: {  	[smem:$0x3FB1] =	sst s10  }
0x35: {  	s10 =	sld [smem:$0x3FB0];
	_ =	sdelay $0x3  }
0x36: {  	p1 =	seq.s32 s10, $0x1;
	s10 =	sld [smem:$0x3FB1];
	_ =	sdelay $0x3  }
0x37: {  	[smem:$0x3FB1] =	sst s10  }
0x38: {  	s10 =	sld [smem:$0x3FB2]  }
0x39: {  	_ = 	snop;
	(pc) =	sbr.ind lr, $3  }
0x3a: {  	_ = 	snop  }
0x3b: {  	_ = 	snop  }
0x3c: {  	p2 =	seq.s32 s10, $0x1;
	s10 =	sld [smem:$0x3FB1]  }
0x3d: {  	_ =	shalt  }
0x3e: {  	_ =	shalt  }
0x3f: {  	_ =	shalt  }
0x40: {  	_ =	shalt  }
0x41: {  	_ =	shalt  }
0x42: {  	_ =	shalt  }
0x43: {  	_ =	shalt  }
0x44: {  	_ =	shalt  }
0x45: {  	_ =	shalt  }
0x46: {  	_ =	shalt  }
0x47: {  	_ =	shalt  }
0x48: {  	_ =	shalt  }
0x49: {  	_ =	shalt  }
0x4a: {  	_ =	shalt  }
0x4b: {  	_ =	shalt  }
0x4c: {  	_ =	shalt  }
0x4d: {  	_ =	shalt  }
0x4e: {  	_ =	shalt  }
0x4f: {  	_ =	shalt  }
0x50: {  	_ =	shalt  }
0x51: {  	_ =	shalt  }
0x52: {  	_ =	shalt  }
0x53: {  	_ =	shalt  }
0x54: {  	_ =	shalt  }
0x55: {  	_ =	shalt  }
0x56: {  	_ =	shalt  }
0x57: {  	_ =	shalt  }
0x58: {  	_ =	shalt  }
0x59: {  	_ =	shalt  }
0x5a: {  	_ =	shalt  }
0x5b: {  	_ =	shalt  }
0x5c: {  	_ =	shalt  }
0x5d: {  	_ =	shalt  }
0x5e: {  	_ =	shalt  }
0x5f: {  	_ =	shalt  }
0x60: {  	_ =	shalt  }
0x61: {  	_ =	shalt  }
0x62: {  	_ =	shalt  }
0x63: {  	_ =	shalt  }
0x64: {  	_ =	shalt  }
0x65: {  	_ =	shalt  }
0x66: {  	_ =	shalt  }
0x67: {  	_ =	shalt  }
0x68: {  	_ =	shalt  }
0x69: {  	_ =	shalt  }
0x6a: {  	_ =	shalt  }
0x6b: {  	_ =	shalt  }
0x6c: {  	_ =	shalt  }
0x6d: {  	_ =	shalt  }
0x6e: {  	_ =	shalt  }
0x6f: {  	_ =	shalt  }
0x70: {  	_ =	shalt  }
0x71: {  	_ =	shalt  }
0x72: {  	_ =	shalt  }
0x73: {  	_ =	shalt  }
0x74: {  	_ =	shalt  }
0x75: {  	_ =	shalt  }
0x76: {  	_ =	shalt  }
0x77: {  	_ =	shalt  }
0x78: {  	_ =	shalt  }
0x79: {  	_ =	shalt  }
0x7a: {  	_ =	shalt  }
0x7b: {  	_ =	shalt  }
0x7c: {  	_ =	shalt  }
0x7d: {  	_ =	shalt  }
0x7e: {  	_ =	shalt  }
0x7f: {  	_ =	shalt  }
0x80: {  	_ =	shalt  }
0x81: {  	_ =	shalt  }
0x82: {  	_ =	shalt  }
0x83: {  	_ =	shalt  }
0x84: {  	_ =	shalt  }
0x85: {  	_ =	shalt  }
0x86: {  	_ =	shalt  }
0x87: {  	_ =	shalt  }
.Lfunc_end0:
.L_simem_size_0:
called_computation.2_lowered:
.L_overlay_start_0:
0x88: {  	s2 =	sld [smem:$0x3FD9]  }
0x89: {  	s3 =	sld [smem:$0x3FFE];
	_ =	sdelay $0x1  }
0x8a: {  	s1 =	srdreg.scid  }
0x8b: {  	s0 =	sand.u32 $0x1, s1  }
0x8c: {  	s17 =	sshll.u32 s0, $0xA;
	s2 =	sadd.s32 s3, s2  }
0x8d: {  	s2 =	sadd.s32 s2, s17  }
0x8e: {  	[smem:$0x3FBD] =	sst s2  }
0x8f: {  	_ = 	snop  }
0x90: {  	(tm) =	ssettm $0x1  }
0x91: {  	s18 =	sld [smem:$0x3FFB];
	_ =	sdelay $0x3  }
0x92: {  	_ =	strace s18  }
0x93: {  	s2 =	sld [smem:$0x3FFC];
	_ =	sdelay $0x3  }
0x94: {  	_ =	strace s2  }
0x95: {  	s2 =	sld [smem:$0x3FFD];
	_ =	sdelay $0x3  }
0x96: {  	_ =	strace s2  }
0x97: {  	_ =	strace $0x8FFFFFFF  }
0x98: {  	s19 =	sld [smem:$0x3FDB];
	_ =	sdelay $0x1  }
0x99: {  	s20 =	simm.s32 $_scs_section_size  }
0x9a: {  	s4 =	simm.s32 $_size__tile_overlayer_lowered;
	s5 =	simm.s32 $_tile_overlayer_lowered  }
0x9b: {  	s6 =	simm.s32 $0x1BFF;
	s21 =	sshll.u32 s5, $0x1;
	s3 =	sadd.s32 s20, s19  }
0x9c: {  	s22 =	simm.s32 $0x0;
	s4 =	sshll.u32 s4, $0x1;
	s5 =	sadd.s32 s21, s3  }
0x9d: {  	[timem:s22], [sflag:s6] =	dma.local [hbm:s5], s4  }
0x9e: {  	_ =	swait.ge [sflag:s6], s4  }
0x9f: {  	s4 =	ssub.s32 $0x0, s4;
	[sflag:s6] =	ssyncset.done $0x0  }
0xa0: {  	[sflag:s6] =	ssyncadd.s32 s4;
	_ =	sdelay $0x1  }
0xa1: {  	s23 =	simm.s32 $0x1B8B  }
0xa2: {  	_ =	swait.ge [sflag:s23], $0x1  }
0xa3: {  	[sflag:s23] =	ssyncset.done $0x0  }
0xa4: {  	[sflag:s23] =	ssyncadd.s32 $0xFFFFFFFF  }
0xa5: {  	s4 =	sld [smem:$0x0]  }
0xa6: {  	s5 =	sand.u32 $0xFFFFFFFE, s1  }
0xa7: {  	p0 =	sne.s32 s1, s5  }
0xa8: {  	s5 =	sshll.u32 @p0 s5, $0xE  }
0xa9: {  	s5 =	sadd.s32 @p0 $0x11B8D, s5;
	s6 =	sshll.u32 @p0 s4, $0x11  }
0xaa: {  	s5 =	sor.u32 @p0 s6, s5  }
0xab: {  	[sflag:s5] =	ssyncadd.remote.s32 @p0 $0x1;
	_ =	sdelay $0x1  }
0xac: {  	s5 =	simm.s32 @p0 $0x1B8D  }
0xad: {  	_ =	swait.eq @p0 [sflag:s5], $0x1  }
0xae: {  	[sflag:s5] =	ssyncadd.s32 @p0 $0xFFFFFFFF  }
0xaf: {  	s6 =	sshll.u32 @!p0 s1, $0xE  }
0xb0: {  	s6 =	sor.u32 @!p0 $0x4000, s6;
	s5 =	simm.s32 @!p0 $0x1B8D  }
0xb1: {  	s4 =	sshll.u32 @!p0 s4, $0x11;
	s6 =	sadd.s32 @!p0 $0x11B8D, s6;
	_ =	swait.eq @!p0 [sflag:s5], $0x1  }
0xb2: {  	s4 =	sor.u32 @!p0 s4, s6;
	[sflag:s5] =	ssyncadd.s32 @!p0 $0xFFFFFFFF  }
0xb3: {  	s25 =	simm.s32 $0x1B8E;
	s24 =	sld [smem:$0x3FFE];
	[sflag:s4] =	ssyncadd.remote.s32 @!p0 $0x1  }
0xb4: {  	s26 =	simm.s32 $execute0_lowered;
	[smem:$0x3FD2] =	sst s25  }
0xb5: {  	s5 =	sshll.u32 s26, $0x1;
	_ =	strace $0x8000004C;
	[dreg:$0x1] =	wrdreg $0xFFFFFFFF  }
0xb6: {  	s28 =	simm.s32 $_size_execute0_lowered;
	s3 =	sadd.s32 s3, s5;
	[dreg:$0x0] =	wrdreg $0x0  }
0xb7: {  	s5 =	sshll.u32 s28, $0x1;
	[dreg:$0x2] =	wrdreg s3  }
0xb8: {  	[dreg:$0x3] =	wrdreg s5  }
0xb9: {  	[dreg:$0x4] =	wrdreg $0xC0  }
0xba: {  	_ =	task [dreg:s22], $0x5FFFF  }
0xbb: {  	[dreg:$0x1] =	wrdreg $0xFFFFFFFF  }
0xbc: {  	[dreg:$0x0] =	wrdreg $0x60  }
0xbd: {  	[dreg:$0x2] =	wrdreg s24  }
0xbe: {  	[dreg:$0x3] =	wrdreg $0xE  }
0xbf: {  	_ =	task.clear_ibuf [dreg:s22], $0x4FFFF;
	_ =	strace $0x9000004C  }
0xc0: {  	s29 =	simm.s32 $0xE;
	_ =	strace $0x8000004E  }
0xc1: {  	_ =	swait.ge [sflag:s29], $0x1  }
0xc2: {  	[sflag:s29] =	ssyncadd.s32 $0xFFFFFFFF  }
0xc3: {  	_ =	strace $0x9000004E  }
0xc4: {  	_ =	sfence  }
0xc5: {  	s30 =	sld [smem:$0x0];
	_ =	sdelay $0x2  }
0xc6: {  	s31 =	sshll.u32 s1, $0xD;
	s1 =	sshrl.u32 s1, $0x2  }
0xc7: {  	s4 =	sand.u32 $0x4000, s31;
	s1 =	sadd.s32 s1, s30  }
0xc8: {  	s0 =	sor.u32 s4, s0;
	s1 =	sshll.u32 s1, $0x11  }
0xc9: {  	s0 =	sor.u32 s1, s0  }
0xca: {  	s0 =	sadd.s32 $0x8F2B, s0  }
0xcb: {  	[sflag:s0] =	ssyncadd.remote.s32 $0x1  }
0xcc: {  	_ =	sfence.sel $0xFFFF  }
0xcd: {  	[dreg:$0x0] =	wrdreg $0xFFFFFFFF;
	(pc) =	sbr.abs _section_cstart, $3  }
0xce: {  	[dreg:$0x1] =	wrdreg $0xFFFFFFFF  }
0xcf: {  	_ =	task.clear_ibuf [dreg:s22], $0x2FFFF;
	_ =	strace $0x9FFFFFFF  }
0xd0: {  	(tm) =	ssettm $0x7FFFFFFF  }
0xd1: {  	_ =	shalt  }
tec
execute0_lowered:
.L_overlay_start_1:
0x0: {  	(tag) =	ssettag $0x1  }
0x1: {  	s4 =	rddreg [dreg:$0x0]  }
0x2: {  	s0 =	rddreg [dreg:$0x1];
	s2 =	simm.s32 $0x0;
	s3 =	srdreg.scid  }
0x3: {  	s1 =	stileid.u32;
	s10 =	simm.s32 $0x2380;
	s11 =	simm.s32 $0x100  }
0x4: {  	s12 =	simm.s32 $0x4380;
	s13 =	simm.s32 $0x180;
	s14 =	simm.s32 $0x6380  }
0x5: {  	s15 =	simm.s32 $0x200;
	s16 =	simm.s32 $0x8380;
	s17 =	simm.s32 $0x280  }
0x6: {  	s18 =	simm.s32 $0xA380;
	s19 =	simm.s32 $0x300;
	s20 =	simm.s32 $0xC380  }
0x7: {  	s21 =	simm.s32 $0x1;
	s22 =	simm.s32 $0x0;
	s6 =	smul.u32 $0xC400, s1  }
0x8: {  	[smem:$0x7FF] =	sst s2;
	s5 =	sand.u32 $0x1, s3;
	s8 =	smul.u32 $0x62000, s1  }
0x9: {  	s3 =	sadd.s32 $0xD69400, s4;
	s7 =	smul.u32 $0x6200, s5;
	s9 =	ssub.s32 $0x2, s5  }
0xa: {  	_ =	strace $0x8000004D;
	s5 =	smul.u32 $0x31000, s5;
	s31 =	sshrl.u32 s9, $0x1  }
0xb: {  	s8 =	sadd.s32 s8, s4;
	s6 =	sadd.s32 s7, s6;
	s7 =	ssub.s32 s9, s31  }
0xc: {  	s5 =	sadd.s32 s5, s8;
	s8 =	simm.s32 $0x80;
	s6 =	sshrl.u32 s6, $0x3  }
0xd: {  	s9 =	simm.s32 $0x380;
	s5 =	sadd.s32 $0xD69600, s5;
	s6 =	sadd.s32 s6, s4  }
0xe: {  	s4 =	smax.u32 s7, $0x1;
	s7 =	simm.s32 $0x2;
	s6 =	sadd.s32 $0xD50C00, s6  }
.LBB2_1:
0xf: {  	s23 =	sadd.s32 $0x0, s6  }
0x10: {  	[tilespmem:s2], [sflag:$0x2] =	stream.linear.gather [hbm4b:s23+s2], $0x380, $0x38;
	[tilespmem:$0xE380] =	vst v63  }
0x11: {  	_ =	swait.ge [sflag:s7], $0x380  }
0x12: {  	[sflag:s7] =	ssyncset.done $0x0  }
0x13: {  	[sflag:s7] =	ssyncadd.s32 $0xFFFFFC80  }
0x14: {  	[tilespmem:s9], [sflag:$0x1] =	stream.indirect.gather [hbm4b:s3+s8], $0x40, s2, s8, $0xb8;
	[tilespmem:$0xE380] =	vst v63  }
0x15: {  	_ = 	snop  }
0x16: {  	[tilespmem:s10], [sflag:$0x1] =	stream.indirect.gather [hbm4b:s3+s8], $0x40, s8, s8, $0xb8;
	[tilespmem:$0xE380] =	vst v63  }
0x17: {  	_ = 	snop  }
0x18: {  	[tilespmem:s12], [sflag:$0x1] =	stream.indirect.gather [hbm4b:s3+s8], $0x40, s11, s8, $0xb8;
	[tilespmem:$0xE380] =	vst v63  }
0x19: {  	_ = 	snop  }
0x1a: {  	[tilespmem:s14], [sflag:$0x1] =	stream.indirect.gather [hbm4b:s3+s8], $0x40, s13, s8, $0xb8;
	[tilespmem:$0xE380] =	vst v63  }
0x1b: {  	_ = 	snop  }
0x1c: {  	[tilespmem:s16], [sflag:$0x1] =	stream.indirect.gather [hbm4b:s3+s8], $0x40, s15, s8, $0xb8;
	[tilespmem:$0xE380] =	vst v63  }
0x1d: {  	_ = 	snop  }
0x1e: {  	[tilespmem:s18], [sflag:$0x1] =	stream.indirect.gather [hbm4b:s3+s8], $0x40, s17, s8, $0xb8;
	[tilespmem:$0xE380] =	vst v63  }
0x1f: {  	_ = 	snop  }
0x20: {  	[tilespmem:s20], [sflag:$0x1] =	stream.indirect.gather [hbm4b:s3+s8], $0x40, s19, s8, $0xb8;
	[tilespmem:$0xE380] =	vst v63  }
0x21: {  	_ =	swait.ge [sflag:s21], $0x2000  }
0x22: {  	[sflag:s21] =	ssyncset.done $0x0  }
0x23: {  	[sflag:s21] =	ssyncadd.s32 $0xFFFFE000  }
0x24: {  	_ =	swait.ge [sflag:s21], $0x2000  }
0x25: {  	[sflag:s21] =	ssyncset.done $0x0  }
0x26: {  	[sflag:s21] =	ssyncadd.s32 $0xFFFFE000  }
0x27: {  	_ =	swait.ge [sflag:s21], $0x2000  }
0x28: {  	[sflag:s21] =	ssyncset.done $0x0  }
0x29: {  	[sflag:s21] =	ssyncadd.s32 $0xFFFFE000  }
0x2a: {  	_ =	swait.ge [sflag:s21], $0x2000  }
0x2b: {  	[sflag:s21] =	ssyncset.done $0x0  }
0x2c: {  	[sflag:s21] =	ssyncadd.s32 $0xFFFFE000  }
0x2d: {  	_ =	swait.ge [sflag:s21], $0x2000  }
0x2e: {  	[sflag:s21] =	ssyncset.done $0x0  }
0x2f: {  	[sflag:s21] =	ssyncadd.s32 $0xFFFFE000  }
0x30: {  	_ =	swait.ge [sflag:s21], $0x2000  }
0x31: {  	[sflag:s21] =	ssyncset.done $0x0  }
0x32: {  	[sflag:s21] =	ssyncadd.s32 $0xFFFFE000  }
0x33: {  	_ =	swait.ge [sflag:s21], $0x2000  }
0x34: {  	[sflag:s21] =	ssyncset.done $0x0  }
0x35: {  	[sflag:s21] =	ssyncadd.s32 $0xFFFFE000  }
0x36: {  	[hbm4b:s5+s2] =	stream.linear.scatter [tilespmem:s9], [sflag:$0x2], $0xE000, $0x38;
	[tilespmem:$0xE380] =	vst v63  }
0x37: {  	s24 =	simm.s32 $0x70;
	_ =	swait.ge [sflag:s7], $0xE000  }
0x38: {  	s26 =	simm.s32 $0xE0;
	s23 =	sadd.s32 $0x1C00, s5;
	[sflag:s7] =	ssyncset.done $0x0  }
.LBB2_2:
0x39: {  	s28 =	sadd.s32 s24, s6  }
0x3a: {  	[sflag:s7] =	ssyncadd.s32 $0xFFFF2000;
	s24 =	smov.u32 s26;
	s25 =	sadd.s32 $0x70, s26  }
0x3b: {  	[tilespmem:s2], [sflag:$0x2] =	stream.linear.gather [hbm4b:s28+s2], $0x380, $0x38;
	[tilespmem:$0xE380] =	vst v63  }
0x3c: {  	p0 =	sne.s32 s26, $0xBD0;
	_ =	swait.ge [sflag:s7], $0x380  }
0x3d: {  	[sflag:s7] =	ssyncset.done $0x0  }
0x3e: {  	[sflag:s7] =	ssyncadd.s32 $0xFFFFFC80  }
0x3f: {  	[tilespmem:s9], [sflag:$0x1] =	stream.indirect.gather [hbm4b:s3+s8], $0x40, s2, s8, $0xb8;
	[tilespmem:$0xE380] =	vst v63  }
0x40: {  	_ = 	snop  }
0x41: {  	[tilespmem:s10], [sflag:$0x1] =	stream.indirect.gather [hbm4b:s3+s8], $0x40, s8, s8, $0xb8;
	[tilespmem:$0xE380] =	vst v63  }
0x42: {  	_ = 	snop  }
0x43: {  	[tilespmem:s12], [sflag:$0x1] =	stream.indirect.gather [hbm4b:s3+s8], $0x40, s11, s8, $0xb8;
	[tilespmem:$0xE380] =	vst v63  }
0x44: {  	_ = 	snop  }
0x45: {  	[tilespmem:s14], [sflag:$0x1] =	stream.indirect.gather [hbm4b:s3+s8], $0x40, s13, s8, $0xb8;
	[tilespmem:$0xE380] =	vst v63  }
0x46: {  	_ = 	snop  }
0x47: {  	[tilespmem:s16], [sflag:$0x1] =	stream.indirect.gather [hbm4b:s3+s8], $0x40, s15, s8, $0xb8;
	[tilespmem:$0xE380] =	vst v63  }
0x48: {  	_ = 	snop  }
0x49: {  	[tilespmem:s18], [sflag:$0x1] =	stream.indirect.gather [hbm4b:s3+s8], $0x40, s17, s8, $0xb8;
	[tilespmem:$0xE380] =	vst v63  }
0x4a: {  	_ = 	snop  }
0x4b: {  	[tilespmem:s20], [sflag:$0x1] =	stream.indirect.gather [hbm4b:s3+s8], $0x40, s19, s8, $0xb8;
	[tilespmem:$0xE380] =	vst v63  }
0x4c: {  	_ =	swait.ge [sflag:s21], $0x2000  }
0x4d: {  	[sflag:s21] =	ssyncset.done $0x0  }
0x4e: {  	[sflag:s21] =	ssyncadd.s32 $0xFFFFE000  }
0x4f: {  	_ =	swait.ge [sflag:s21], $0x2000  }
0x50: {  	[sflag:s21] =	ssyncset.done $0x0  }
0x51: {  	[sflag:s21] =	ssyncadd.s32 $0xFFFFE000  }
0x52: {  	_ =	swait.ge [sflag:s21], $0x2000  }
0x53: {  	[sflag:s21] =	ssyncset.done $0x0  }
0x54: {  	[sflag:s21] =	ssyncadd.s32 $0xFFFFE000  }
0x55: {  	_ =	swait.ge [sflag:s21], $0x2000  }
0x56: {  	[sflag:s21] =	ssyncset.done $0x0  }
0x57: {  	[sflag:s21] =	ssyncadd.s32 $0xFFFFE000  }
0x58: {  	_ =	swait.ge [sflag:s21], $0x2000  }
0x59: {  	[sflag:s21] =	ssyncset.done $0x0  }
0x5a: {  	[sflag:s21] =	ssyncadd.s32 $0xFFFFE000  }
0x5b: {  	_ =	swait.ge [sflag:s21], $0x2000  }
0x5c: {  	[sflag:s21] =	ssyncset.done $0x0  }
0x5d: {  	[sflag:s21] =	ssyncadd.s32 $0xFFFFE000  }
0x5e: {  	_ =	swait.ge [sflag:s21], $0x2000  }
.Ltmp0:
0x5f: {  	[sflag:s21] =	ssyncset.done $0x0;
	(pc) =	sbr.rel @p0 .LBB2_2-.Ltmp0, $4  }
0x60: {  	[sflag:s21] =	ssyncadd.s32 $0xFFFFE000  }
0x61: {  	[hbm4b:s23+s2] =	stream.linear.scatter [tilespmem:s9], [sflag:$0x2], $0xE000, $0x38;
	[tilespmem:$0xE380] =	vst v63  }
0x62: {  	_ =	swait.ge [sflag:s7], $0xE000  }
0x63: {  	s26 =	smov.u32 s25;
	s23 =	sadd.s32 $0x1C00, s23;
	[sflag:s7] =	ssyncset.done $0x0  }
0x64: {  	s24 =	sadd.s32 s24, s6;
	[sflag:s7] =	ssyncadd.s32 $0xFFFF2000  }
0x65: {  	[tilespmem:s2], [sflag:$0x2] =	stream.linear.gather [hbm4b:s24+s2], $0x380, $0x38;
	[tilespmem:$0xE380] =	vst v63  }
0x66: {  	_ =	swait.ge [sflag:s7], $0x380  }
0x67: {  	[sflag:s7] =	ssyncset.done $0x0  }
0x68: {  	[sflag:s7] =	ssyncadd.s32 $0xFFFFFC80  }
0x69: {  	[tilespmem:s9], [sflag:$0x1] =	stream.indirect.gather [hbm4b:s3+s8], $0x40, s2, s8, $0xb8;
	[tilespmem:$0xE380] =	vst v63  }
0x6a: {  	_ = 	snop  }
0x6b: {  	[tilespmem:s10], [sflag:$0x1] =	stream.indirect.gather [hbm4b:s3+s8], $0x40, s8, s8, $0xb8;
	[tilespmem:$0xE380] =	vst v63  }
0x6c: {  	_ = 	snop  }
0x6d: {  	[tilespmem:s12], [sflag:$0x1] =	stream.indirect.gather [hbm4b:s3+s8], $0x40, s11, s8, $0xb8;
	[tilespmem:$0xE380] =	vst v63  }
0x6e: {  	_ = 	snop  }
0x6f: {  	[tilespmem:s14], [sflag:$0x1] =	stream.indirect.gather [hbm4b:s3+s8], $0x40, s13, s8, $0xb8;
	[tilespmem:$0xE380] =	vst v63  }
0x70: {  	_ = 	snop  }
0x71: {  	[tilespmem:s16], [sflag:$0x1] =	stream.indirect.gather [hbm4b:s3+s8], $0x40, s15, s8, $0xb8;
	[tilespmem:$0xE380] =	vst v63  }
0x72: {  	_ = 	snop  }
0x73: {  	[tilespmem:s18], [sflag:$0x1] =	stream.indirect.gather [hbm4b:s3+s8], $0x40, s17, s8, $0xb8;
	[tilespmem:$0xE380] =	vst v63  }
0x74: {  	_ = 	snop  }
0x75: {  	[tilespmem:s20], [sflag:$0x1] =	stream.indirect.gather [hbm4b:s3+s8], $0x40, s19, s8, $0xb8;
	[tilespmem:$0xE380] =	vst v63  }
0x76: {  	_ =	swait.ge [sflag:s21], $0x2000  }
0x77: {  	[sflag:s21] =	ssyncset.done $0x0  }
0x78: {  	[sflag:s21] =	ssyncadd.s32 $0xFFFFE000  }
0x79: {  	_ =	swait.ge [sflag:s21], $0x2000  }
0x7a: {  	[sflag:s21] =	ssyncset.done $0x0  }
0x7b: {  	[sflag:s21] =	ssyncadd.s32 $0xFFFFE000  }
0x7c: {  	_ =	swait.ge [sflag:s21], $0x2000  }
0x7d: {  	[sflag:s21] =	ssyncset.done $0x0  }
0x7e: {  	[sflag:s21] =	ssyncadd.s32 $0xFFFFE000  }
0x7f: {  	_ =	swait.ge [sflag:s21], $0x2000  }
0x80: {  	[sflag:s21] =	ssyncset.done $0x0  }
0x81: {  	[sflag:s21] =	ssyncadd.s32 $0xFFFFE000  }
0x82: {  	_ =	swait.ge [sflag:s21], $0x2000  }
0x83: {  	[sflag:s21] =	ssyncset.done $0x0  }
0x84: {  	[sflag:s21] =	ssyncadd.s32 $0xFFFFE000  }
0x85: {  	_ =	swait.ge [sflag:s21], $0x2000  }
0x86: {  	[sflag:s21] =	ssyncset.done $0x0  }
0x87: {  	[sflag:s21] =	ssyncadd.s32 $0xFFFFE000  }
0x88: {  	s22 =	sadd.s32 $0x1, s22;
	_ =	swait.ge [sflag:s21], $0x2000  }
0x89: {  	p0 =	sne.s32 s22, s4;
	[sflag:s21] =	ssyncset.done $0x0  }
.Ltmp1:
0x8a: {  	[sflag:s21] =	ssyncadd.s32 $0xFFFFE000;
	(pc) =	sbr.rel @p0 .LBB2_1-.Ltmp1, $4  }
0x8b: {  	[hbm4b:s23+s2] =	stream.linear.scatter [tilespmem:s9], [sflag:$0x2], $0xE000, $0x38;
	[tilespmem:$0xE380] =	vst v63  }
0x8c: {  	_ =	swait.ge [sflag:s7], $0xE000  }
0x8d: {  	[sflag:s7] =	ssyncset.done $0x0  }
0x8e: {  	[sflag:s7] =	ssyncadd.s32 $0xFFFF2000  }
0x8f: {  	_ =	sfence.sel $0x180000  }
0x90: {  	[bflag:$0x0] =	sbarrier.arrive $0xFFFF  }
0x91: {  	p0 =	sne.s32 s1, $0x0;
	_ =	strace $0x9000004D  }
0x92: {  	s0 =	sadd.s32 @!p0 $0x100000, s0;
	[bflag:$0x2] =	sbarrier.arrive $0xFFFF  }
0x93: {  	[sflag:s0] =	ssyncadd.tile.s32 @!p0 $0x1;
	_ =	shalt  }
.Lfunc_end2:
_tile_overlayer_lowered:
.L_overlay_start_2:
0x94: {  	(tag) =	ssettag $0x2  }
0x95: {  	s0 =	rddreg [dreg:$0x0];
	s2 =	stileid.u32  }
0x96: {  	s1 =	rddreg [dreg:$0x1];
	p0 =	sne.s32 s2, $0x0  }
0x97: {  	s3 =	rddreg [dreg:$0x2];
	[bflag:$0x3] =	sbarrier.arrive $0xFFFF;
	s2 =	simm.s32 @!p0 $0x1C02  }
0x98: {  	[timem:s3], [sflag:s2] =	dma.local @!p0 [hbm:s0], s1  }
0x99: {  	s0 =	simm.s32 @!p0 $0x2  }
0x9a: {  	_ =	swait.ge @!p0 [sflag:s0], s1  }
0x9b: {  	s1 =	ssub.s32 @!p0 $0x0, s1;
	[sflag:s0] =	ssyncset.done @!p0 $0x0  }
0x9c: {  	[sflag:s0] =	ssyncadd.s32 @!p0 s1  }
0x9d: {  	[bflag:$0x3] =	sbarrier.arrive $0xFFFF  }
0x9e: {  	_ =	shalt  }

// kernel: kernel.26.cloned.1.call-start
scs
__scs_entry_jumppad:
0x0: {  	(pc) =	sbr.rel $0x88, $3  }
0x1: {  	(tag) =	ssettag $0x0;
	lr =	simm.s32 $0x1  }
0x2: {  	[smem:$0x3F96] =	sst lr;
	_ =	strace $0xD0000000  }
0x3: {  	_ = 	snop  }
0x4: {  	_ = 	snop  }
0x5: {  	_ = 	snop  }
0x6: {  	_ = 	snop  }
0x7: {  	_ = 	snop  }
__scs_overlays_trampoline_lowered:
0x8: {  	[smem:$0x3FA5] =	sst s0  }
0x9: {  	[smem:$0x3FA6] =	sst s1  }
0xa: {  	[smem:$0x3FA7] =	sst s2  }
0xb: {  	[smem:$0x3FA8] =	sst s3  }
0xc: {  	[smem:$0x3FA9] =	sst s4  }
0xd: {  	[smem:$0x3FAA] =	sst s5  }
0xe: {  	[smem:$0x3FAB] =	sst s6  }
0xf: {  	[smem:$0x3FAC] =	sst s7  }
0x10: {  	[smem:$0x3FAD] =	sst s8  }
0x11: {  	[smem:$0x3FAE] =	sst s9;
	s0 =	simm.s32 @!p0 $0x0  }
0x12: {  	s1 =	sld [smem:$0x3F94];
	s0 =	simm.s32 @p0 $0x1  }
0x13: {  	[smem:$0x3FAF] =	sst s0;
	s0 =	simm.s32 @!p1 $0x0  }
0x14: {  	s2 =	sld [smem:$0x3F93];
	s0 =	simm.s32 @p1 $0x1  }
0x15: {  	[smem:$0x3FB0] =	sst s0;
	s0 =	simm.s32 @!p2 $0x0  }
0x16: {  	s3 =	sld [smem:$0x3FDB];
	s0 =	simm.s32 @p2 $0x1  }
0x17: {  	s4 =	simm.s32 $0x1BF5;
	[smem:$0x3FB2] =	sst s0  }
0x18: {  	s0 =	sld [smem:$0x3F95];
	_ =	swait.ge [sflag:s4], $0x0  }
0x19: {  	s7 =	sld [smem:$0x3F96]  }
0x1a: {  	s8 =	sadd.s32 $0xFFFFE003, lr  }
0x1b: {  	s9 =	sadd.s32 $0xFFFFFEF7, lr;
	s5 =	simm.s32 $0xFFFFFFFF;
	p2 =	slt.u32 s8, $0xFFFFF086  }
0x1c: {  	p1 =	slt.u32 s9, $0xF7A;
	s5 =	simm.s32 @!p2 $0x0  }
0x1d: {  	s5 =	simm.s32 @p1 $0x1;
	p0 =	seq.s32 s7, s2  }
0x1e: {  	s7 =	smul.u32 @!p0 $0xF7A, s2;
	p2 =	seq.s32 @!p0 s5, $0x0  }
0x1f: {  	s9 =	smul.u32 $0xF7A, s1;
	s8 =	simm.s32 @!p0 $0x1BF5;
	p2 =	por !p2, p0  }
0x20: {  	[sflag:s8] =	ssyncset.s32 @!p0 $0xFFFFF086;
	s6 =	sadd.s32 @!p0 s3, s7;
	s7 =	simm.s32 @!p0 $0x108  }
0x21: {  	s3 =	sadd.s32 s3, s9;
	s6 =	sadd.s32 @!p0 $0x88, s6;
	s7 =	simm.s32 @p2 $0x1082  }
0x22: {  	[simem:s7], [sflag:s8] =	dma.local @!p0 [hbm:s6], $0xF7A  }
0x23: {  	s9 =	sor.u32 $0xD0000000, s2;
	s6 =	simm.s32 $0x108;
	_ =	swait.ge @!p0 [sflag:s8], $0x0  }
0x24: {  	s3 =	sadd.s32 $0x88, s3;
	s6 =	simm.s32 @!p1 $0x1082;
	[sflag:s4] =	ssyncset.s32 $0xFFFFF086  }
0x25: {  	[simem:s6], [sflag:s4] =	dma.local [hbm:s3], $0xF7A  }
0x26: {  	[smem:$0x3F96] =	sst s1;
	(tag) =	ssettag s2;
	_ =	strace s9  }
0x27: {  	s1 =	sld [smem:$0x3FA6]  }
0x28: {  	s2 =	sld [smem:$0x3FA7]  }
0x29: {  	s4 =	sld [smem:$0x3FA9]  }
0x2a: {  	p0 =	seq.s32 s5, $0x0;
	s5 =	sld [smem:$0x3FAA]  }
0x2b: {  	s6 =	sld [smem:$0x3FAB]  }
0x2c: {  	s7 =	sld [smem:$0x3FAC]  }
0x2d: {  	s3 =	simm.s32 $0x108;
	s8 =	sld [smem:$0x3FAD]  }
0x2e: {  	s3 =	simm.s32 @!p0 $0x1082;
	s9 =	sld [smem:$0x3FAE]  }
0x2f: {  	lr =	sadd.s32 s0, s3;
	s0 =	sld [smem:$0x3FA5]  }
0x30: {  	s3 =	sld [smem:$0x3FA8]  }
0x31: {  	[smem:$0x3FB1] =	sst s10  }
0x32: {  	s10 =	sld [smem:$0x3FAF];
	_ =	sdelay $0x3  }
0x33: {  	p0 =	seq.s32 s10, $0x1;
	s10 =	sld [smem:$0x3FB1];
	_ =	sdelay $0x3  }
0x34: {  	[smem:$0x3FB1] =	sst s10  }
0x35: {  	s10 =	sld [smem:$0x3FB0];
	_ =	sdelay $0x3  }
0x36: {  	p1 =	seq.s32 s10, $0x1;
	s10 =	sld [smem:$0x3FB1];
	_ =	sdelay $0x3  }
0x37: {  	[smem:$0x3FB1] =	sst s10  }
0x38: {  	s10 =	sld [smem:$0x3FB2]  }
0x39: {  	_ = 	snop;
	(pc) =	sbr.ind lr, $3  }
0x3a: {  	_ = 	snop  }
0x3b: {  	_ = 	snop  }
0x3c: {  	p2 =	seq.s32 s10, $0x1;
	s10 =	sld [smem:$0x3FB1]  }
0x3d: {  	_ =	shalt  }
0x3e: {  	_ =	shalt  }
0x3f: {  	_ =	shalt  }
0x40: {  	_ =	shalt  }
0x41: {  	_ =	shalt  }
0x42: {  	_ =	shalt  }
0x43: {  	_ =	shalt  }
0x44: {  	_ =	shalt  }
0x45: {  	_ =	shalt  }
0x46: {  	_ =	shalt  }
0x47: {  	_ =	shalt  }
0x48: {  	_ =	shalt  }
0x49: {  	_ =	shalt  }
0x4a: {  	_ =	shalt  }
0x4b: {  	_ =	shalt  }
0x4c: {  	_ =	shalt  }
0x4d: {  	_ =	shalt  }
0x4e: {  	_ =	shalt  }
0x4f: {  	_ =	shalt  }
0x50: {  	_ =	shalt  }
0x51: {  	_ =	shalt  }
0x52: {  	_ =	shalt  }
0x53: {  	_ =	shalt  }
0x54: {  	_ =	shalt  }
0x55: {  	_ =	shalt  }
0x56: {  	_ =	shalt  }
0x57: {  	_ =	shalt  }
0x58: {  	_ =	shalt  }
0x59: {  	_ =	shalt  }
0x5a: {  	_ =	shalt  }
0x5b: {  	_ =	shalt  }
0x5c: {  	_ =	shalt  }
0x5d: {  	_ =	shalt  }
0x5e: {  	_ =	shalt  }
0x5f: {  	_ =	shalt  }
0x60: {  	_ =	shalt  }
0x61: {  	_ =	shalt  }
0x62: {  	_ =	shalt  }
0x63: {  	_ =	shalt  }
0x64: {  	_ =	shalt  }
0x65: {  	_ =	shalt  }
0x66: {  	_ =	shalt  }
0x67: {  	_ =	shalt  }
0x68: {  	_ =	shalt  }
0x69: {  	_ =	shalt  }
0x6a: {  	_ =	shalt  }
0x6b: {  	_ =	shalt  }
0x6c: {  	_ =	shalt  }
0x6d: {  	_ =	shalt  }
0x6e: {  	_ =	shalt  }
0x6f: {  	_ =	shalt  }
0x70: {  	_ =	shalt  }
0x71: {  	_ =	shalt  }
0x72: {  	_ =	shalt  }
0x73: {  	_ =	shalt  }
0x74: {  	_ =	shalt  }
0x75: {  	_ =	shalt  }
0x76: {  	_ =	shalt  }
0x77: {  	_ =	shalt  }
0x78: {  	_ =	shalt  }
0x79: {  	_ =	shalt  }
0x7a: {  	_ =	shalt  }
0x7b: {  	_ =	shalt  }
0x7c: {  	_ =	shalt  }
0x7d: {  	_ =	shalt  }
0x7e: {  	_ =	shalt  }
0x7f: {  	_ =	shalt  }
0x80: {  	_ =	shalt  }
0x81: {  	_ =	shalt  }
0x82: {  	_ =	shalt  }
0x83: {  	_ =	shalt  }
0x84: {  	_ =	shalt  }
0x85: {  	_ =	shalt  }
0x86: {  	_ =	shalt  }
0x87: {  	_ =	shalt  }
.Lfunc_end0:
.L_simem_size_0:
called_computation.3_lowered:
.L_overlay_start_0:
0x88: {  	s2 =	sld [smem:$0x3FD9]  }
0x89: {  	s3 =	sld [smem:$0x3FFE];
	_ =	sdelay $0x1  }
0x8a: {  	s1 =	srdreg.scid  }
0x8b: {  	s0 =	sand.u32 $0x1, s1  }
0x8c: {  	s15 =	sshll.u32 s0, $0xA;
	s2 =	sadd.s32 s3, s2  }
0x8d: {  	s2 =	sadd.s32 s2, s15  }
0x8e: {  	[smem:$0x3FBD] =	sst s2  }
0x8f: {  	_ = 	snop  }
0x90: {  	s2 =	sld [smem:$0x3FD0];
	_ =	sdelay $0x2  }
0x91: {  	s16 =	simm.s32 $0xF;
	s4 =	simm.s32 $0x10  }
0x92: {  	[smem:s4], [sflag:s16] =	dma.local [hbm:s2], $0x1  }
0x93: {  	_ =	swait.eq [sflag:s16], $0x1  }
0x94: {  	[sflag:s16] =	ssyncset.done $0x0  }
0x95: {  	[sflag:s16] =	ssyncadd.s32 $0xFFFFFFFF  }
0x96: {  	s17 =	sld [smem:$0x10];
	(tm) =	ssettm $0x1  }
0x97: {  	s18 =	sld [smem:$0x3FFB];
	_ =	sdelay $0x3  }
0x98: {  	_ =	strace s18  }
0x99: {  	s2 =	sld [smem:$0x3FFC];
	_ =	sdelay $0x3  }
0x9a: {  	_ =	strace s2  }
0x9b: {  	s2 =	sld [smem:$0x3FFD];
	_ =	sdelay $0x3  }
0x9c: {  	_ =	strace s2  }
0x9d: {  	_ =	strace $0x8FFFFFFF  }
0x9e: {  	s19 =	sld [smem:$0x3FDB];
	_ =	sdelay $0x1  }
0x9f: {  	s20 =	simm.s32 $_scs_section_size  }
0xa0: {  	s5 =	simm.s32 $_size__tile_overlayer_lowered;
	s6 =	simm.s32 $_tile_overlayer_lowered  }
0xa1: {  	s7 =	simm.s32 $0x1BFF;
	s21 =	sshll.u32 s6, $0x1;
	s4 =	sadd.s32 s20, s19  }
0xa2: {  	s22 =	simm.s32 $0x0;
	s5 =	sshll.u32 s5, $0x1;
	s6 =	sadd.s32 s21, s4  }
0xa3: {  	[timem:s22], [sflag:s7] =	dma.local [hbm:s6], s5  }
0xa4: {  	_ =	swait.ge [sflag:s7], s5  }
0xa5: {  	s5 =	ssub.s32 $0x0, s5;
	[sflag:s7] =	ssyncset.done $0x0  }
0xa6: {  	[sflag:s7] =	ssyncadd.s32 s5;
	_ =	sdelay $0x1  }
0xa7: {  	s23 =	simm.s32 $0x1B8B  }
0xa8: {  	_ =	swait.ge [sflag:s23], $0x1  }
0xa9: {  	[sflag:s23] =	ssyncset.done $0x0  }
0xaa: {  	[sflag:s23] =	ssyncadd.s32 $0xFFFFFFFF  }
0xab: {  	s5 =	sld [smem:$0x0]  }
0xac: {  	s6 =	sand.u32 $0xFFFFFFFE, s1  }
0xad: {  	p0 =	sne.s32 s1, s6  }
0xae: {  	s6 =	sshll.u32 @p0 s6, $0xE  }
0xaf: {  	s6 =	sadd.s32 @p0 $0x11B8D, s6;
	s7 =	sshll.u32 @p0 s5, $0x11  }
0xb0: {  	s6 =	sor.u32 @p0 s7, s6  }
0xb1: {  	[sflag:s6] =	ssyncadd.remote.s32 @p0 $0x1;
	_ =	sdelay $0x1  }
0xb2: {  	s6 =	simm.s32 @p0 $0x1B8D  }
0xb3: {  	_ =	swait.eq @p0 [sflag:s6], $0x1  }
0xb4: {  	[sflag:s6] =	ssyncadd.s32 @p0 $0xFFFFFFFF  }
0xb5: {  	s7 =	sshll.u32 @!p0 s1, $0xE  }
0xb6: {  	s7 =	sor.u32 @!p0 $0x4000, s7;
	s6 =	simm.s32 @!p0 $0x1B8D  }
0xb7: {  	s5 =	sshll.u32 @!p0 s5, $0x11;
	s7 =	sadd.s32 @!p0 $0x11B8D, s7;
	_ =	swait.eq @!p0 [sflag:s6], $0x1  }
0xb8: {  	s5 =	sor.u32 @!p0 s5, s7;
	[sflag:s6] =	ssyncadd.s32 @!p0 $0xFFFFFFFF  }
0xb9: {  	s25 =	simm.s32 $0x1B8E;
	s24 =	sld [smem:$0x3FFE];
	[sflag:s5] =	ssyncadd.remote.s32 @!p0 $0x1  }
0xba: {  	s26 =	simm.s32 $execute0_lowered;
	[smem:$0x3FD2] =	sst s25  }
0xbb: {  	s6 =	sshll.u32 s26, $0x1;
	_ =	strace $0x8000005B;
	[dreg:$0x1] =	wrdreg $0xFFFFFFFF  }
0xbc: {  	s28 =	simm.s32 $_size_execute0_lowered;
	s4 =	sadd.s32 s4, s6;
	[dreg:$0x0] =	wrdreg $0x0  }
0xbd: {  	s6 =	sshll.u32 s28, $0x1;
	[dreg:$0x2] =	wrdreg s4  }
0xbe: {  	[dreg:$0x3] =	wrdreg s6  }
0xbf: {  	[dreg:$0x4] =	wrdreg $0xC0  }
0xc0: {  	_ =	task [dreg:s22], $0x5FFFF  }
0xc1: {  	[dreg:$0x1] =	wrdreg $0xFFFFFFFF  }
0xc2: {  	[dreg:$0x0] =	wrdreg $0x60  }
0xc3: {  	[dreg:$0x2] =	wrdreg s24  }
0xc4: {  	[dreg:$0x3] =	wrdreg s17  }
0xc5: {  	[dreg:$0x4] =	wrdreg $0x73800  }
0xc6: {  	[dreg:$0x5] =	wrdreg $0xC  }
0xc7: {  	_ =	task.clear_ibuf [dreg:s22], $0x6FFFF;
	_ =	strace $0x9000005B  }
0xc8: {  	s29 =	simm.s32 $0xC;
	_ =	strace $0x8000005D  }
0xc9: {  	_ =	swait.ge [sflag:s29], $0x1  }
0xca: {  	[sflag:s29] =	ssyncadd.s32 $0xFFFFFFFF  }
0xcb: {  	_ =	strace $0x9000005D  }
0xcc: {  	_ =	sfence  }
0xcd: {  	s30 =	sld [smem:$0x0];
	_ =	sdelay $0x2  }
0xce: {  	s31 =	sshll.u32 s1, $0xD;
	s1 =	sshrl.u32 s1, $0x2  }
0xcf: {  	s4 =	sand.u32 $0x4000, s31;
	s1 =	sadd.s32 s1, s30  }
0xd0: {  	s0 =	sor.u32 s4, s0;
	s1 =	sshll.u32 s1, $0x11  }
0xd1: {  	s0 =	sor.u32 s1, s0  }
0xd2: {  	s0 =	sadd.s32 $0x8F2B, s0  }
0xd3: {  	[sflag:s0] =	ssyncadd.remote.s32 $0x1  }
0xd4: {  	_ =	sfence.sel $0xFFFF  }
0xd5: {  	[dreg:$0x0] =	wrdreg $0xFFFFFFFF;
	(pc) =	sbr.abs _section_cstart, $3  }
0xd6: {  	[dreg:$0x1] =	wrdreg $0xFFFFFFFF  }
0xd7: {  	_ =	task.clear_ibuf [dreg:s22], $0x2FFFF;
	_ =	strace $0x9FFFFFFF  }
0xd8: {  	(tm) =	ssettm $0x7FFFFFFF  }
0xd9: {  	_ =	shalt  }
tec
execute0_lowered:
.L_overlay_start_1:
0x0: {  	(tag) =	ssettag $0x1  }
0x1: {  	s4 =	rddreg [dreg:$0x0];
	s0 =	stileid.u32  }
0x2: {  	s1 =	srdreg.scid;
	s6 =	rddreg [dreg:$0x1]  }
0x3: {  	s2 =	rddreg [dreg:$0x2];
	s3 =	simm.s32 $0x0;
	s14 =	simm.s32 $0x1380  }
0x4: {  	s15 =	simm.s32 $0x100;
	s16 =	simm.s32 $0x2380;
	s17 =	simm.s32 $0x180  }
0x5: {  	s18 =	simm.s32 $0x3380;
	s19 =	simm.s32 $0x200;
	s20 =	simm.s32 $0x4380  }
0x6: {  	s21 =	simm.s32 $0x280;
	s22 =	simm.s32 $0x5380;
	s7 =	smul.u32 $0xC400, s0  }
0x7: {  	s23 =	simm.s32 $0x300;
	s24 =	simm.s32 $0x6380;
	s9 =	smul.u32 $0x31000, s0  }
0x8: {  	s25 =	simm.s32 $0x1;
	s5 =	sand.u32 $0x1, s1;
	s26 =	smul.u32 $0x186C0, s0  }
0x9: {  	[smem:$0x7FF] =	sst s3;
	s31 =	sshll.u32 s0, $0x6;
	s8 =	smul.u32 $0x6200, s5  }
0xa: {  	_ =	strace $0x8000005C;
	s11 =	ssub.s32 $0x2, s5;
	s12 =	smul.u32 $0x186C00, s5  }
0xb: {  	s13 =	smul.u32 $0x18800, s5;
	s5 =	sor.u32 $0x1C02, s31;
	s9 =	sadd.s32 s9, s4  }
0xc: {  	s28 =	sshrl.u32 s26, $0x3;
	s29 =	sshrl.u32 s11, $0x1;
	s30 =	sadd.s32 s26, s2  }
0xd: {  	s7 =	sadd.s32 s8, s7;
	s8 =	sadd.s32 s26, s12;
	s9 =	sadd.s32 s13, s9  }
0xe: {  	s12 =	simm.s32 $0x380;
	s13 =	simm.s32 $0x80;
	s7 =	sshrl.u32 s7, $0x3  }
0xf: {  	s26 =	simm.s32 $0x0;
	s8 =	sshrl.u32 s8, $0x3;
	s10 =	sadd.s32 s7, s4  }
0x10: {  	s4 =	sadd.s32 s28, s4;
	s7 =	ssub.s32 s11, s29;
	s6 =	sadd.s32 s6, s8  }
0x11: {  	s8 =	sadd.s32 $0x46A000, s9;
	s11 =	simm.s32 $0x2;
	s4 =	sadd.s32 $0x96E00, s4  }
0x12: {  	s7 =	smax.u32 s7, $0x1;
	s9 =	sadd.s32 $0xDFC00, s10;
	s10 =	sshrl.u32 s30, $0x3  }
.LBB2_1:
0x13: {  	[spmem:s10], [sflag:s5] =	dma.local [hbm:s4], $0x30D8  }
0x14: {  	_ =	swait.ge [sflag:s11], $0x30D8  }
0x15: {  	[sflag:s11] =	ssyncset.done $0x0  }
0x16: {  	[sflag:s11] =	ssyncadd.s32 $0xFFFFCF28  }
0x17: {  	s28 =	sadd.s32 $0x0, s9;
	[bflag:$0x0] =	sbarrier.arrive $0xFFFF  }
0x18: {  	[tilespmem:s3], [sflag:$0x2] =	stream.linear.gather [hbm4b:s28+s3], $0x380, $0x38;
	[tilespmem:$0x1FA40] =	vst v63  }
0x19: {  	_ =	swait.ge [sflag:s11], $0x380  }
0x1a: {  	[sflag:s11] =	ssyncset.done $0x0  }
0x1b: {  	[sflag:s11] =	ssyncadd.s32 $0xFFFFFC80  }
0x1c: {  	[tilespmem:s12], [sflag:$0x2] =	stream.linear.gather [hbm4b:s8+s3], $0x7000, $0x38;
	[tilespmem:$0x1FA40] =	vst v63  }
0x1d: {  	_ =	swait.ge [sflag:s11], $0x7000  }
0x1e: {  	[sflag:s11] =	ssyncset.done $0x0  }
0x1f: {  	[sflag:s11] =	ssyncadd.s32 $0xFFFF9000  }
0x20: {  	[spmem:s2] =	stream.indirect.scatter.add.f32 [tilespmem:s12], [sflag:$0x1], $0x20, s3, s13, $0xb8;
	[tilespmem:$0x1FA40] =	vst v63  }
0x21: {  	_ = 	snop  }
0x22: {  	[spmem:s2] =	stream.indirect.scatter.add.f32 [tilespmem:s14], [sflag:$0x1], $0x20, s13, s13, $0xb8;
	[tilespmem:$0x1FA40] =	vst v63  }
0x23: {  	_ = 	snop  }
0x24: {  	[spmem:s2] =	stream.indirect.scatter.add.f32 [tilespmem:s16], [sflag:$0x1], $0x20, s15, s13, $0xb8;
	[tilespmem:$0x1FA40] =	vst v63  }
0x25: {  	_ = 	snop  }
0x26: {  	[spmem:s2] =	stream.indirect.scatter.add.f32 [tilespmem:s18], [sflag:$0x1], $0x20, s17, s13, $0xb8;
	[tilespmem:$0x1FA40] =	vst v63  }
0x27: {  	_ = 	snop  }
0x28: {  	[spmem:s2] =	stream.indirect.scatter.add.f32 [tilespmem:s20], [sflag:$0x1], $0x20, s19, s13, $0xb8;
	[tilespmem:$0x1FA40] =	vst v63  }
0x29: {  	_ = 	snop  }
0x2a: {  	[spmem:s2] =	stream.indirect.scatter.add.f32 [tilespmem:s22], [sflag:$0x1], $0x20, s21, s13, $0xb8;
	[tilespmem:$0x1FA40] =	vst v63  }
0x2b: {  	_ = 	snop  }
0x2c: {  	[spmem:s2] =	stream.indirect.scatter.add.f32 [tilespmem:s24], [sflag:$0x1], $0x20, s23, s13, $0xb8;
	[tilespmem:$0x1FA40] =	vst v63  }
0x2d: {  	_ =	swait.ge [sflag:s25], $0x1000  }
0x2e: {  	[sflag:s25] =	ssyncset.done $0x0  }
0x2f: {  	[sflag:s25] =	ssyncadd.s32 $0xFFFFF000  }
0x30: {  	_ =	swait.ge [sflag:s25], $0x1000  }
0x31: {  	[sflag:s25] =	ssyncset.done $0x0  }
0x32: {  	[sflag:s25] =	ssyncadd.s32 $0xFFFFF000  }
0x33: {  	_ =	swait.ge [sflag:s25], $0x1000  }
0x34: {  	[sflag:s25] =	ssyncset.done $0x0  }
0x35: {  	[sflag:s25] =	ssyncadd.s32 $0xFFFFF000  }
0x36: {  	_ =	swait.ge [sflag:s25], $0x1000  }
0x37: {  	[sflag:s25] =	ssyncset.done $0x0  }
0x38: {  	[sflag:s25] =	ssyncadd.s32 $0xFFFFF000  }
0x39: {  	_ =	swait.ge [sflag:s25], $0x1000  }
0x3a: {  	[sflag:s25] =	ssyncset.done $0x0  }
0x3b: {  	[sflag:s25] =	ssyncadd.s32 $0xFFFFF000  }
0x3c: {  	_ =	swait.ge [sflag:s25], $0x1000  }
0x3d: {  	[sflag:s25] =	ssyncset.done $0x0  }
0x3e: {  	[sflag:s25] =	ssyncadd.s32 $0xFFFFF000  }
0x3f: {  	s29 =	simm.s32 $0x70;
	_ =	swait.ge [sflag:s25], $0x1000  }
0x40: {  	s31 =	simm.s32 $0xE0;
	s28 =	sadd.s32 $0xE00, s8;
	[sflag:s25] =	ssyncset.done $0x0  }
.LBB2_2:
0x41: {  	s1 =	sadd.s32 s29, s9  }
0x42: {  	[sflag:s25] =	ssyncadd.s32 $0xFFFFF000;
	s29 =	smov.u32 s31;
	s30 =	sadd.s32 $0x70, s31  }
0x43: {  	[tilespmem:s3], [sflag:$0x2] =	stream.linear.gather [hbm4b:s1+s3], $0x380, $0x38;
	[tilespmem:$0x1FA40] =	vst v63  }
0x44: {  	p0 =	sne.s32 s31, $0xBD0;
	_ =	swait.ge [sflag:s11], $0x380  }
0x45: {  	[sflag:s11] =	ssyncset.done $0x0  }
0x46: {  	[sflag:s11] =	ssyncadd.s32 $0xFFFFFC80  }
0x47: {  	[tilespmem:s12], [sflag:$0x2] =	stream.linear.gather [hbm4b:s28+s3], $0x7000, $0x38;
	[tilespmem:$0x1FA40] =	vst v63  }
0x48: {  	_ =	swait.ge [sflag:s11], $0x7000  }
0x49: {  	[sflag:s11] =	ssyncset.done $0x0  }
0x4a: {  	[sflag:s11] =	ssyncadd.s32 $0xFFFF9000  }
0x4b: {  	[spmem:s2] =	stream.indirect.scatter.add.f32 [tilespmem:s12], [sflag:$0x1], $0x20, s3, s13, $0xb8;
	[tilespmem:$0x1FA40] =	vst v63  }
0x4c: {  	_ = 	snop  }
0x4d: {  	[spmem:s2] =	stream.indirect.scatter.add.f32 [tilespmem:s14], [sflag:$0x1], $0x20, s13, s13, $0xb8;
	[tilespmem:$0x1FA40] =	vst v63  }
0x4e: {  	_ = 	snop  }
0x4f: {  	[spmem:s2] =	stream.indirect.scatter.add.f32 [tilespmem:s16], [sflag:$0x1], $0x20, s15, s13, $0xb8;
	[tilespmem:$0x1FA40] =	vst v63  }
0x50: {  	_ = 	snop  }
0x51: {  	[spmem:s2] =	stream.indirect.scatter.add.f32 [tilespmem:s18], [sflag:$0x1], $0x20, s17, s13, $0xb8;
	[tilespmem:$0x1FA40] =	vst v63  }
0x52: {  	_ = 	snop  }
0x53: {  	[spmem:s2] =	stream.indirect.scatter.add.f32 [tilespmem:s20], [sflag:$0x1], $0x20, s19, s13, $0xb8;
	[tilespmem:$0x1FA40] =	vst v63  }
0x54: {  	_ = 	snop  }
0x55: {  	[spmem:s2] =	stream.indirect.scatter.add.f32 [tilespmem:s22], [sflag:$0x1], $0x20, s21, s13, $0xb8;
	[tilespmem:$0x1FA40] =	vst v63  }
0x56: {  	_ = 	snop  }
0x57: {  	[spmem:s2] =	stream.indirect.scatter.add.f32 [tilespmem:s24], [sflag:$0x1], $0x20, s23, s13, $0xb8;
	[tilespmem:$0x1FA40] =	vst v63  }
0x58: {  	_ =	swait.ge [sflag:s25], $0x1000  }
0x59: {  	[sflag:s25] =	ssyncset.done $0x0  }
0x5a: {  	[sflag:s25] =	ssyncadd.s32 $0xFFFFF000  }
0x5b: {  	_ =	swait.ge [sflag:s25], $0x1000  }
0x5c: {  	[sflag:s25] =	ssyncset.done $0x0  }
0x5d: {  	[sflag:s25] =	ssyncadd.s32 $0xFFFFF000  }
0x5e: {  	_ =	swait.ge [sflag:s25], $0x1000  }
0x5f: {  	[sflag:s25] =	ssyncset.done $0x0  }
0x60: {  	[sflag:s25] =	ssyncadd.s32 $0xFFFFF000  }
0x61: {  	_ =	swait.ge [sflag:s25], $0x1000  }
0x62: {  	[sflag:s25] =	ssyncset.done $0x0  }
0x63: {  	[sflag:s25] =	ssyncadd.s32 $0xFFFFF000  }
0x64: {  	_ =	swait.ge [sflag:s25], $0x1000  }
0x65: {  	[sflag:s25] =	ssyncset.done $0x0  }
0x66: {  	[sflag:s25] =	ssyncadd.s32 $0xFFFFF000  }
.Ltmp0:
0x67: {  	_ =	swait.ge [sflag:s25], $0x1000;
	(pc) =	sbr.rel @p0 .LBB2_2-.Ltmp0, $4  }
0x68: {  	[sflag:s25] =	ssyncset.done $0x0  }
0x69: {  	[sflag:s25] =	ssyncadd.s32 $0xFFFFF000  }
0x6a: {  	_ =	swait.ge [sflag:s25], $0x1000  }
0x6b: {  	s31 =	smov.u32 s30;
	s28 =	sadd.s32 $0xE00, s28;
	[sflag:s25] =	ssyncset.done $0x0  }
0x6c: {  	s1 =	sadd.s32 s29, s9;
	[sflag:s25] =	ssyncadd.s32 $0xFFFFF000  }
0x6d: {  	[tilespmem:s3], [sflag:$0x2] =	stream.linear.gather [hbm4b:s1+s3], $0x380, $0x38;
	[tilespmem:$0x1FA40] =	vst v63  }
0x6e: {  	_ =	swait.ge [sflag:s11], $0x380  }
0x6f: {  	[sflag:s11] =	ssyncset.done $0x0  }
0x70: {  	[sflag:s11] =	ssyncadd.s32 $0xFFFFFC80  }
0x71: {  	[tilespmem:s12], [sflag:$0x2] =	stream.linear.gather [hbm4b:s28+s3], $0x7000, $0x38;
	[tilespmem:$0x1FA40] =	vst v63  }
0x72: {  	_ =	swait.ge [sflag:s11], $0x7000  }
0x73: {  	[sflag:s11] =	ssyncset.done $0x0  }
0x74: {  	[sflag:s11] =	ssyncadd.s32 $0xFFFF9000  }
0x75: {  	[spmem:s2] =	stream.indirect.scatter.add.f32 [tilespmem:s12], [sflag:$0x1], $0x20, s3, s13, $0xb8;
	[tilespmem:$0x1FA40] =	vst v63  }
0x76: {  	_ = 	snop  }
0x77: {  	[spmem:s2] =	stream.indirect.scatter.add.f32 [tilespmem:s14], [sflag:$0x1], $0x20, s13, s13, $0xb8;
	[tilespmem:$0x1FA40] =	vst v63  }
0x78: {  	_ = 	snop  }
0x79: {  	[spmem:s2] =	stream.indirect.scatter.add.f32 [tilespmem:s16], [sflag:$0x1], $0x20, s15, s13, $0xb8;
	[tilespmem:$0x1FA40] =	vst v63  }
0x7a: {  	_ = 	snop  }
0x7b: {  	[spmem:s2] =	stream.indirect.scatter.add.f32 [tilespmem:s18], [sflag:$0x1], $0x20, s17, s13, $0xb8;
	[tilespmem:$0x1FA40] =	vst v63  }
0x7c: {  	_ = 	snop  }
0x7d: {  	[spmem:s2] =	stream.indirect.scatter.add.f32 [tilespmem:s20], [sflag:$0x1], $0x20, s19, s13, $0xb8;
	[tilespmem:$0x1FA40] =	vst v63  }
0x7e: {  	_ = 	snop  }
0x7f: {  	[spmem:s2] =	stream.indirect.scatter.add.f32 [tilespmem:s22], [sflag:$0x1], $0x20, s21, s13, $0xb8;
	[tilespmem:$0x1FA40] =	vst v63  }
0x80: {  	_ = 	snop  }
0x81: {  	[spmem:s2] =	stream.indirect.scatter.add.f32 [tilespmem:s24], [sflag:$0x1], $0x20, s23, s13, $0xb8;
	[tilespmem:$0x1FA40] =	vst v63  }
0x82: {  	_ =	swait.ge [sflag:s25], $0x1000  }
0x83: {  	[sflag:s25] =	ssyncset.done $0x0  }
0x84: {  	[sflag:s25] =	ssyncadd.s32 $0xFFFFF000  }
0x85: {  	_ =	swait.ge [sflag:s25], $0x1000  }
0x86: {  	[sflag:s25] =	ssyncset.done $0x0  }
0x87: {  	[sflag:s25] =	ssyncadd.s32 $0xFFFFF000  }
0x88: {  	_ =	swait.ge [sflag:s25], $0x1000  }
0x89: {  	[sflag:s25] =	ssyncset.done $0x0  }
0x8a: {  	[sflag:s25] =	ssyncadd.s32 $0xFFFFF000  }
0x8b: {  	_ =	swait.ge [sflag:s25], $0x1000  }
0x8c: {  	[sflag:s25] =	ssyncset.done $0x0  }
0x8d: {  	[sflag:s25] =	ssyncadd.s32 $0xFFFFF000  }
0x8e: {  	_ =	swait.ge [sflag:s25], $0x1000  }
0x8f: {  	[sflag:s25] =	ssyncset.done $0x0  }
0x90: {  	[sflag:s25] =	ssyncadd.s32 $0xFFFFF000  }
0x91: {  	_ =	swait.ge [sflag:s25], $0x1000  }
0x92: {  	[sflag:s25] =	ssyncset.done $0x0  }
0x93: {  	[sflag:s25] =	ssyncadd.s32 $0xFFFFF000  }
0x94: {  	_ =	swait.ge [sflag:s25], $0x1000  }
0x95: {  	s26 =	sadd.s32 $0x1, s26;
	[sflag:s25] =	ssyncset.done $0x0  }
0x96: {  	p0 =	sne.s32 s26, s7;
	[sflag:s25] =	ssyncadd.s32 $0xFFFFF000  }
.Ltmp1:
0x97: {  	[bflag:$0x0] =	sbarrier.arrive $0xFFFF;
	(pc) =	sbr.rel @p0 .LBB2_1-.Ltmp1, $4  }
0x98: {  	[hbm:s6], [sflag:s5] =	dma.local [spmem:s10], $0x30D8  }
0x99: {  	_ =	swait.ge [sflag:s11], $0x30D8  }
0x9a: {  	[sflag:s11] =	ssyncset.done $0x0  }
0x9b: {  	[sflag:s11] =	ssyncadd.s32 $0xFFFFCF28  }
0x9c: {  	_ =	sfence.sel $0x180000  }
0x9d: {  	[bflag:$0x0] =	sbarrier.arrive $0xFFFF  }
0x9e: {  	_ =	strace $0x9000005C  }
0x9f: {  	[bflag:$0x2] =	sbarrier.arrive $0xFFFF  }
0xa0: {  	p0 =	sne.s32 s0, $0x0;
	s0 =	rddreg [dreg:$0x3]  }
0xa1: {  	s0 =	sadd.s32 @!p0 $0x100000, s0  }
0xa2: {  	[sflag:s0] =	ssyncadd.tile.s32 @!p0 $0x1;
	_ =	shalt  }
.Lfunc_end2:
_tile_overlayer_lowered:
.L_overlay_start_2:
0xa3: {  	(tag) =	ssettag $0x2  }
0xa4: {  	s0 =	rddreg [dreg:$0x0];
	s2 =	stileid.u32  }
0xa5: {  	s1 =	rddreg [dreg:$0x1];
	p0 =	sne.s32 s2, $0x0  }
0xa6: {  	s3 =	rddreg [dreg:$0x2];
	[bflag:$0x3] =	sbarrier.arrive $0xFFFF;
	s2 =	simm.s32 @!p0 $0x1C02  }
0xa7: {  	[timem:s3], [sflag:s2] =	dma.local @!p0 [hbm:s0], s1  }
0xa8: {  	s0 =	simm.s32 @!p0 $0x2  }
0xa9: {  	_ =	swait.ge @!p0 [sflag:s0], s1  }
0xaa: {  	s1 =	ssub.s32 @!p0 $0x0, s1;
	[sflag:s0] =	ssyncset.done @!p0 $0x0  }
0xab: {  	[sflag:s0] =	ssyncadd.s32 @!p0 s1  }
0xac: {  	[bflag:$0x3] =	sbarrier.arrive $0xFFFF  }
0xad: {  	_ =	shalt  }

// kernel: kernel.29.cloned.1.call-start
scs
__scs_entry_jumppad:
0x0: {  	(pc) =	sbr.rel $0x88, $3  }
0x1: {  	(tag) =	ssettag $0x0;
	lr =	simm.s32 $0x1  }
0x2: {  	[smem:$0x3F96] =	sst lr;
	_ =	strace $0xD0000000  }
0x3: {  	_ = 	snop  }
0x4: {  	_ = 	snop  }
0x5: {  	_ = 	snop  }
0x6: {  	_ = 	snop  }
0x7: {  	_ = 	snop  }
__scs_overlays_trampoline_lowered:
0x8: {  	[smem:$0x3FA5] =	sst s0  }
0x9: {  	[smem:$0x3FA6] =	sst s1  }
0xa: {  	[smem:$0x3FA7] =	sst s2  }
0xb: {  	[smem:$0x3FA8] =	sst s3  }
0xc: {  	[smem:$0x3FA9] =	sst s4  }
0xd: {  	[smem:$0x3FAA] =	sst s5  }
0xe: {  	[smem:$0x3FAB] =	sst s6  }
0xf: {  	[smem:$0x3FAC] =	sst s7  }
0x10: {  	[smem:$0x3FAD] =	sst s8  }
0x11: {  	[smem:$0x3FAE] =	sst s9;
	s0 =	simm.s32 @!p0 $0x0  }
0x12: {  	s1 =	sld [smem:$0x3F94];
	s0 =	simm.s32 @p0 $0x1  }
0x13: {  	[smem:$0x3FAF] =	sst s0;
	s0 =	simm.s32 @!p1 $0x0  }
0x14: {  	s2 =	sld [smem:$0x3F93];
	s0 =	simm.s32 @p1 $0x1  }
0x15: {  	[smem:$0x3FB0] =	sst s0;
	s0 =	simm.s32 @!p2 $0x0  }
0x16: {  	s3 =	sld [smem:$0x3FDB];
	s0 =	simm.s32 @p2 $0x1  }
0x17: {  	s4 =	simm.s32 $0x1BF5;
	[smem:$0x3FB2] =	sst s0  }
0x18: {  	s0 =	sld [smem:$0x3F95];
	_ =	swait.ge [sflag:s4], $0x0  }
0x19: {  	s7 =	sld [smem:$0x3F96]  }
0x1a: {  	s8 =	sadd.s32 $0xFFFFE003, lr  }
0x1b: {  	s9 =	sadd.s32 $0xFFFFFEF7, lr;
	s5 =	simm.s32 $0xFFFFFFFF;
	p2 =	slt.u32 s8, $0xFFFFF086  }
0x1c: {  	p1 =	slt.u32 s9, $0xF7A;
	s5 =	simm.s32 @!p2 $0x0  }
0x1d: {  	s5 =	simm.s32 @p1 $0x1;
	p0 =	seq.s32 s7, s2  }
0x1e: {  	s7 =	smul.u32 @!p0 $0xF7A, s2;
	p2 =	seq.s32 @!p0 s5, $0x0  }
0x1f: {  	s9 =	smul.u32 $0xF7A, s1;
	s8 =	simm.s32 @!p0 $0x1BF5;
	p2 =	por !p2, p0  }
0x20: {  	[sflag:s8] =	ssyncset.s32 @!p0 $0xFFFFF086;
	s6 =	sadd.s32 @!p0 s3, s7;
	s7 =	simm.s32 @!p0 $0x108  }
0x21: {  	s3 =	sadd.s32 s3, s9;
	s6 =	sadd.s32 @!p0 $0x88, s6;
	s7 =	simm.s32 @p2 $0x1082  }
0x22: {  	[simem:s7], [sflag:s8] =	dma.local @!p0 [hbm:s6], $0xF7A  }
0x23: {  	s9 =	sor.u32 $0xD0000000, s2;
	s6 =	simm.s32 $0x108;
	_ =	swait.ge @!p0 [sflag:s8], $0x0  }
0x24: {  	s3 =	sadd.s32 $0x88, s3;
	s6 =	simm.s32 @!p1 $0x1082;
	[sflag:s4] =	ssyncset.s32 $0xFFFFF086  }
0x25: {  	[simem:s6], [sflag:s4] =	dma.local [hbm:s3], $0xF7A  }
0x26: {  	[smem:$0x3F96] =	sst s1;
	(tag) =	ssettag s2;
	_ =	strace s9  }
0x27: {  	s1 =	sld [smem:$0x3FA6]  }
0x28: {  	s2 =	sld [smem:$0x3FA7]  }
0x29: {  	s4 =	sld [smem:$0x3FA9]  }
0x2a: {  	p0 =	seq.s32 s5, $0x0;
	s5 =	sld [smem:$0x3FAA]  }
0x2b: {  	s6 =	sld [smem:$0x3FAB]  }
0x2c: {  	s7 =	sld [smem:$0x3FAC]  }
0x2d: {  	s3 =	simm.s32 $0x108;
	s8 =	sld [smem:$0x3FAD]  }
0x2e: {  	s3 =	simm.s32 @!p0 $0x1082;
	s9 =	sld [smem:$0x3FAE]  }
0x2f: {  	lr =	sadd.s32 s0, s3;
	s0 =	sld [smem:$0x3FA5]  }
0x30: {  	s3 =	sld [smem:$0x3FA8]  }
0x31: {  	[smem:$0x3FB1] =	sst s10  }
0x32: {  	s10 =	sld [smem:$0x3FAF];
	_ =	sdelay $0x3  }
0x33: {  	p0 =	seq.s32 s10, $0x1;
	s10 =	sld [smem:$0x3FB1];
	_ =	sdelay $0x3  }
0x34: {  	[smem:$0x3FB1] =	sst s10  }
0x35: {  	s10 =	sld [smem:$0x3FB0];
	_ =	sdelay $0x3  }
0x36: {  	p1 =	seq.s32 s10, $0x1;
	s10 =	sld [smem:$0x3FB1];
	_ =	sdelay $0x3  }
0x37: {  	[smem:$0x3FB1] =	sst s10  }
0x38: {  	s10 =	sld [smem:$0x3FB2]  }
0x39: {  	_ = 	snop;
	(pc) =	sbr.ind lr, $3  }
0x3a: {  	_ = 	snop  }
0x3b: {  	_ = 	snop  }
0x3c: {  	p2 =	seq.s32 s10, $0x1;
	s10 =	sld [smem:$0x3FB1]  }
0x3d: {  	_ =	shalt  }
0x3e: {  	_ =	shalt  }
0x3f: {  	_ =	shalt  }
0x40: {  	_ =	shalt  }
0x41: {  	_ =	shalt  }
0x42: {  	_ =	shalt  }
0x43: {  	_ =	shalt  }
0x44: {  	_ =	shalt  }
0x45: {  	_ =	shalt  }
0x46: {  	_ =	shalt  }
0x47: {  	_ =	shalt  }
0x48: {  	_ =	shalt  }
0x49: {  	_ =	shalt  }
0x4a: {  	_ =	shalt  }
0x4b: {  	_ =	shalt  }
0x4c: {  	_ =	shalt  }
0x4d: {  	_ =	shalt  }
0x4e: {  	_ =	shalt  }
0x4f: {  	_ =	shalt  }
0x50: {  	_ =	shalt  }
0x51: {  	_ =	shalt  }
0x52: {  	_ =	shalt  }
0x53: {  	_ =	shalt  }
0x54: {  	_ =	shalt  }
0x55: {  	_ =	shalt  }
0x56: {  	_ =	shalt  }
0x57: {  	_ =	shalt  }
0x58: {  	_ =	shalt  }
0x59: {  	_ =	shalt  }
0x5a: {  	_ =	shalt  }
0x5b: {  	_ =	shalt  }
0x5c: {  	_ =	shalt  }
0x5d: {  	_ =	shalt  }
0x5e: {  	_ =	shalt  }
0x5f: {  	_ =	shalt  }
0x60: {  	_ =	shalt  }
0x61: {  	_ =	shalt  }
0x62: {  	_ =	shalt  }
0x63: {  	_ =	shalt  }
0x64: {  	_ =	shalt  }
0x65: {  	_ =	shalt  }
0x66: {  	_ =	shalt  }
0x67: {  	_ =	shalt  }
0x68: {  	_ =	shalt  }
0x69: {  	_ =	shalt  }
0x6a: {  	_ =	shalt  }
0x6b: {  	_ =	shalt  }
0x6c: {  	_ =	shalt  }
0x6d: {  	_ =	shalt  }
0x6e: {  	_ =	shalt  }
0x6f: {  	_ =	shalt  }
0x70: {  	_ =	shalt  }
0x71: {  	_ =	shalt  }
0x72: {  	_ =	shalt  }
0x73: {  	_ =	shalt  }
0x74: {  	_ =	shalt  }
0x75: {  	_ =	shalt  }
0x76: {  	_ =	shalt  }
0x77: {  	_ =	shalt  }
0x78: {  	_ =	shalt  }
0x79: {  	_ =	shalt  }
0x7a: {  	_ =	shalt  }
0x7b: {  	_ =	shalt  }
0x7c: {  	_ =	shalt  }
0x7d: {  	_ =	shalt  }
0x7e: {  	_ =	shalt  }
0x7f: {  	_ =	shalt  }
0x80: {  	_ =	shalt  }
0x81: {  	_ =	shalt  }
0x82: {  	_ =	shalt  }
0x83: {  	_ =	shalt  }
0x84: {  	_ =	shalt  }
0x85: {  	_ =	shalt  }
0x86: {  	_ =	shalt  }
0x87: {  	_ =	shalt  }
.Lfunc_end0:
.L_simem_size_0:
called_computation.4_lowered:
.L_overlay_start_0:
0x88: {  	s2 =	sld [smem:$0x3FD9]  }
0x89: {  	s3 =	sld [smem:$0x3FFE];
	_ =	sdelay $0x1  }
0x8a: {  	s1 =	srdreg.scid  }
0x8b: {  	s0 =	sand.u32 $0x1, s1  }
0x8c: {  	s17 =	sshll.u32 s0, $0xA;
	s2 =	sadd.s32 s3, s2  }
0x8d: {  	s2 =	sadd.s32 s2, s17  }
0x8e: {  	[smem:$0x3FBD] =	sst s2  }
0x8f: {  	_ = 	snop  }
0x90: {  	(tm) =	ssettm $0x1  }
0x91: {  	s18 =	sld [smem:$0x3FFB];
	_ =	sdelay $0x3  }
0x92: {  	_ =	strace s18  }
0x93: {  	s2 =	sld [smem:$0x3FFC];
	_ =	sdelay $0x3  }
0x94: {  	_ =	strace s2  }
0x95: {  	s2 =	sld [smem:$0x3FFD];
	_ =	sdelay $0x3  }
0x96: {  	_ =	strace s2  }
0x97: {  	_ =	strace $0x8FFFFFFF  }
0x98: {  	s19 =	sld [smem:$0x3FDB];
	_ =	sdelay $0x1  }
0x99: {  	s20 =	simm.s32 $_scs_section_size  }
0x9a: {  	s4 =	simm.s32 $_size__tile_overlayer_lowered;
	s5 =	simm.s32 $_tile_overlayer_lowered  }
0x9b: {  	s6 =	simm.s32 $0x1BFF;
	s21 =	sshll.u32 s5, $0x1;
	s3 =	sadd.s32 s20, s19  }
0x9c: {  	s22 =	simm.s32 $0x0;
	s4 =	sshll.u32 s4, $0x1;
	s5 =	sadd.s32 s21, s3  }
0x9d: {  	[timem:s22], [sflag:s6] =	dma.local [hbm:s5], s4  }
0x9e: {  	_ =	swait.ge [sflag:s6], s4  }
0x9f: {  	s4 =	ssub.s32 $0x0, s4;
	[sflag:s6] =	ssyncset.done $0x0  }
0xa0: {  	[sflag:s6] =	ssyncadd.s32 s4;
	_ =	sdelay $0x1  }
0xa1: {  	s23 =	simm.s32 $0x1B8B  }
0xa2: {  	_ =	swait.ge [sflag:s23], $0x1  }
0xa3: {  	[sflag:s23] =	ssyncset.done $0x0  }
0xa4: {  	[sflag:s23] =	ssyncadd.s32 $0xFFFFFFFF  }
0xa5: {  	s4 =	sld [smem:$0x0]  }
0xa6: {  	s5 =	sand.u32 $0xFFFFFFFE, s1  }
0xa7: {  	p0 =	sne.s32 s1, s5  }
0xa8: {  	s5 =	sshll.u32 @p0 s5, $0xE  }
0xa9: {  	s5 =	sadd.s32 @p0 $0x11B8D, s5;
	s6 =	sshll.u32 @p0 s4, $0x11  }
0xaa: {  	s5 =	sor.u32 @p0 s6, s5  }
0xab: {  	[sflag:s5] =	ssyncadd.remote.s32 @p0 $0x1;
	_ =	sdelay $0x1  }
0xac: {  	s5 =	simm.s32 @p0 $0x1B8D  }
0xad: {  	_ =	swait.eq @p0 [sflag:s5], $0x1  }
0xae: {  	[sflag:s5] =	ssyncadd.s32 @p0 $0xFFFFFFFF  }
0xaf: {  	s6 =	sshll.u32 @!p0 s1, $0xE  }
0xb0: {  	s6 =	sor.u32 @!p0 $0x4000, s6;
	s5 =	simm.s32 @!p0 $0x1B8D  }
0xb1: {  	s4 =	sshll.u32 @!p0 s4, $0x11;
	s6 =	sadd.s32 @!p0 $0x11B8D, s6;
	_ =	swait.eq @!p0 [sflag:s5], $0x1  }
0xb2: {  	s4 =	sor.u32 @!p0 s4, s6;
	[sflag:s5] =	ssyncadd.s32 @!p0 $0xFFFFFFFF  }
0xb3: {  	s25 =	simm.s32 $0x1B8E;
	s24 =	sld [smem:$0x3FFE];
	[sflag:s4] =	ssyncadd.remote.s32 @!p0 $0x1  }
0xb4: {  	s26 =	simm.s32 $execute0_lowered;
	[smem:$0x3FD2] =	sst s25  }
0xb5: {  	s5 =	sshll.u32 s26, $0x1;
	_ =	strace $0x80000058;
	[dreg:$0x1] =	wrdreg $0xFFFFFFFF  }
0xb6: {  	s28 =	simm.s32 $_size_execute0_lowered;
	s3 =	sadd.s32 s3, s5;
	[dreg:$0x0] =	wrdreg $0x0  }
0xb7: {  	s5 =	sshll.u32 s28, $0x1;
	[dreg:$0x2] =	wrdreg s3  }
0xb8: {  	[dreg:$0x3] =	wrdreg s5  }
0xb9: {  	[dreg:$0x4] =	wrdreg $0xC0  }
0xba: {  	_ =	task [dreg:s22], $0x5FFFF  }
0xbb: {  	[dreg:$0x1] =	wrdreg $0xFFFFFFFF  }
0xbc: {  	[dreg:$0x0] =	wrdreg $0x60  }
0xbd: {  	[dreg:$0x2] =	wrdreg s24  }
0xbe: {  	[dreg:$0x3] =	wrdreg $0x73800  }
0xbf: {  	[dreg:$0x4] =	wrdreg $0xD  }
0xc0: {  	_ =	task.clear_ibuf [dreg:s22], $0x5FFFF;
	_ =	strace $0x90000058  }
0xc1: {  	s29 =	simm.s32 $0xD;
	_ =	strace $0x8000005A  }
0xc2: {  	_ =	swait.ge [sflag:s29], $0x1  }
0xc3: {  	[sflag:s29] =	ssyncadd.s32 $0xFFFFFFFF  }
0xc4: {  	_ =	strace $0x9000005A  }
0xc5: {  	_ =	sfence  }
0xc6: {  	s30 =	sld [smem:$0x0];
	_ =	sdelay $0x2  }
0xc7: {  	s31 =	sshll.u32 s1, $0xD;
	s1 =	sshrl.u32 s1, $0x2  }
0xc8: {  	s4 =	sand.u32 $0x4000, s31;
	s1 =	sadd.s32 s1, s30  }
0xc9: {  	s0 =	sor.u32 s4, s0;
	s1 =	sshll.u32 s1, $0x11  }
0xca: {  	s0 =	sor.u32 s1, s0  }
0xcb: {  	s0 =	sadd.s32 $0x8F2B, s0  }
0xcc: {  	[sflag:s0] =	ssyncadd.remote.s32 $0x1  }
0xcd: {  	_ =	sfence.sel $0xFFFF  }
0xce: {  	[dreg:$0x0] =	wrdreg $0xFFFFFFFF;
	(pc) =	sbr.abs _section_cstart, $3  }
0xcf: {  	[dreg:$0x1] =	wrdreg $0xFFFFFFFF  }
0xd0: {  	_ =	task.clear_ibuf [dreg:s22], $0x2FFFF;
	_ =	strace $0x9FFFFFFF  }
0xd1: {  	(tm) =	ssettm $0x7FFFFFFF  }
tec
execute0_lowered:
.L_overlay_start_1:
0x0: {  	(tag) =	ssettag $0x1  }
0x1: {  	s0 =	stileid.u32;
	s5 =	rddreg [dreg:$0x0]  }
0x2: {  	s1 =	srdreg.scid;
	s2 =	rddreg [dreg:$0x1]  }
0x3: {  	s3 =	simm.s32 $0x0;
	s13 =	simm.s32 $0x80;
	s14 =	simm.s32 $0x1380  }
0x4: {  	s15 =	simm.s32 $0x100;
	s16 =	simm.s32 $0x2380;
	s17 =	simm.s32 $0x180  }
0x5: {  	s18 =	simm.s32 $0x3380;
	s19 =	simm.s32 $0x200;
	s4 =	smul.u32 $0x31000, s0  }
0x6: {  	s20 =	simm.s32 $0x4380;
	s21 =	simm.s32 $0x280;
	s7 =	smul.u32 $0xC400, s0  }
0x7: {  	s22 =	simm.s32 $0x5380;
	s6 =	sand.u32 $0x1, s1;
	s9 =	smul.u32 $0x186C0, s0  }
0x8: {  	[smem:$0x7FF] =	sst s3;
	s30 =	sshll.u32 s0, $0x6;
	s8 =	smul.u32 $0x6200, s6  }
0x9: {  	s23 =	smul.u32 $0x186C00, s6;
	_ =	strace $0x80000059;
	s28 =	ssub.s32 $0x2, s6  }
0xa: {  	s6 =	smul.u32 $0x18800, s6;
	s10 =	sadd.s32 s4, s5;
	s25 =	sshrl.u32 s9, $0x3  }
0xb: {  	s29 =	sshrl.u32 s28, $0x1;
	s12 =	sadd.s32 s9, s2;
	s7 =	sadd.s32 s8, s7  }
0xc: {  	s26 =	sadd.s32 s9, s23;
	s4 =	sadd.s32 s25, s5;
	s8 =	ssub.s32 s28, s29  }
0xd: {  	s31 =	sadd.s32 s6, s10;
	s10 =	sshrl.u32 s12, $0x3;
	s12 =	simm.s32 $0x380  }
0xe: {  	s23 =	simm.s32 $0x300;
	s25 =	simm.s32 $0x1;
	s24 =	sshrl.u32 s7, $0x3  }
0xf: {  	s7 =	sshrl.u32 s26, $0x3;
	s4 =	sadd.s32 $0x96E00, s4;
	s26 =	simm.s32 $0x0  }
0x10: {  	s11 =	sadd.s32 s24, s5;
	s7 =	sadd.s32 s7, s5;
	s5 =	sor.u32 $0x1C02, s30  }
0x11: {  	s24 =	simm.s32 $0x6380;
	s6 =	sadd.s32 $0x408400, s7;
	s7 =	smax.u32 s8, $0x1  }
0x12: {  	s8 =	sadd.s32 $0xF8400, s31;
	s9 =	sadd.s32 $0xDFC00, s11;
	s11 =	simm.s32 $0x2  }
.LBB2_1:
0x13: {  	[spmem:s10], [sflag:s5] =	dma.local [hbm:s4], $0x30D8  }
0x14: {  	_ =	swait.ge [sflag:s11], $0x30D8  }
0x15: {  	[sflag:s11] =	ssyncset.done $0x0  }
0x16: {  	[sflag:s11] =	ssyncadd.s32 $0xFFFFCF28  }
0x17: {  	s28 =	sadd.s32 $0x0, s9;
	[bflag:$0x0] =	sbarrier.arrive $0xFFFF  }
0x18: {  	[tilespmem:s3], [sflag:$0x2] =	stream.linear.gather [hbm4b:s28+s3], $0x380, $0x38;
	[tilespmem:$0x1FA40] =	vst v63  }
0x19: {  	_ =	swait.ge [sflag:s11], $0x380  }
0x1a: {  	[sflag:s11] =	ssyncset.done $0x0  }
0x1b: {  	[sflag:s11] =	ssyncadd.s32 $0xFFFFFC80  }
0x1c: {  	[tilespmem:s12], [sflag:$0x2] =	stream.linear.gather [hbm4b:s8+s3], $0x7000, $0x38;
	[tilespmem:$0x1FA40] =	vst v63  }
0x1d: {  	_ =	swait.ge [sflag:s11], $0x7000  }
0x1e: {  	[sflag:s11] =	ssyncset.done $0x0  }
0x1f: {  	[sflag:s11] =	ssyncadd.s32 $0xFFFF9000  }
0x20: {  	[spmem:s2] =	stream.indirect.scatter.add.f32 [tilespmem:s12], [sflag:$0x1], $0x20, s3, s13, $0xb8;
	[tilespmem:$0x1FA40] =	vst v63  }
0x21: {  	_ = 	snop  }
0x22: {  	[spmem:s2] =	stream.indirect.scatter.add.f32 [tilespmem:s14], [sflag:$0x1], $0x20, s13, s13, $0xb8;
	[tilespmem:$0x1FA40] =	vst v63  }
0x23: {  	_ = 	snop  }
0x24: {  	[spmem:s2] =	stream.indirect.scatter.add.f32 [tilespmem:s16], [sflag:$0x1], $0x20, s15, s13, $0xb8;
	[tilespmem:$0x1FA40] =	vst v63  }
0x25: {  	_ = 	snop  }
0x26: {  	[spmem:s2] =	stream.indirect.scatter.add.f32 [tilespmem:s18], [sflag:$0x1], $0x20, s17, s13, $0xb8;
	[tilespmem:$0x1FA40] =	vst v63  }
0x27: {  	_ = 	snop  }
0x28: {  	[spmem:s2] =	stream.indirect.scatter.add.f32 [tilespmem:s20], [sflag:$0x1], $0x20, s19, s13, $0xb8;
	[tilespmem:$0x1FA40] =	vst v63  }
0x29: {  	_ = 	snop  }
0x2a: {  	[spmem:s2] =	stream.indirect.scatter.add.f32 [tilespmem:s22], [sflag:$0x1], $0x20, s21, s13, $0xb8;
	[tilespmem:$0x1FA40] =	vst v63  }
0x2b: {  	_ = 	snop  }
0x2c: {  	[spmem:s2] =	stream.indirect.scatter.add.f32 [tilespmem:s24], [sflag:$0x1], $0x20, s23, s13, $0xb8;
	[tilespmem:$0x1FA40] =	vst v63  }
0x2d: {  	_ =	swait.ge [sflag:s25], $0x1000  }
0x2e: {  	[sflag:s25] =	ssyncset.done $0x0  }
0x2f: {  	[sflag:s25] =	ssyncadd.s32 $0xFFFFF000  }
0x30: {  	_ =	swait.ge [sflag:s25], $0x1000  }
0x31: {  	[sflag:s25] =	ssyncset.done $0x0  }
0x32: {  	[sflag:s25] =	ssyncadd.s32 $0xFFFFF000  }
0x33: {  	_ =	swait.ge [sflag:s25], $0x1000  }
0x34: {  	[sflag:s25] =	ssyncset.done $0x0  }
0x35: {  	[sflag:s25] =	ssyncadd.s32 $0xFFFFF000  }
0x36: {  	_ =	swait.ge [sflag:s25], $0x1000  }
0x37: {  	[sflag:s25] =	ssyncset.done $0x0  }
0x38: {  	[sflag:s25] =	ssyncadd.s32 $0xFFFFF000  }
0x39: {  	_ =	swait.ge [sflag:s25], $0x1000  }
0x3a: {  	[sflag:s25] =	ssyncset.done $0x0  }
0x3b: {  	[sflag:s25] =	ssyncadd.s32 $0xFFFFF000  }
0x3c: {  	_ =	swait.ge [sflag:s25], $0x1000  }
0x3d: {  	[sflag:s25] =	ssyncset.done $0x0  }
0x3e: {  	[sflag:s25] =	ssyncadd.s32 $0xFFFFF000  }
0x3f: {  	s29 =	simm.s32 $0x70;
	_ =	swait.ge [sflag:s25], $0x1000  }
0x40: {  	s31 =	simm.s32 $0xE0;
	s28 =	sadd.s32 $0xE00, s8;
	[sflag:s25] =	ssyncset.done $0x0  }
.LBB2_2:
0x41: {  	s1 =	sadd.s32 s29, s9  }
0x42: {  	[sflag:s25] =	ssyncadd.s32 $0xFFFFF000;
	s29 =	smov.u32 s31;
	s30 =	sadd.s32 $0x70, s31  }
0x43: {  	[tilespmem:s3], [sflag:$0x2] =	stream.linear.gather [hbm4b:s1+s3], $0x380, $0x38;
	[tilespmem:$0x1FA40] =	vst v63  }
0x44: {  	p0 =	sne.s32 s31, $0xBD0;
	_ =	swait.ge [sflag:s11], $0x380  }
0x45: {  	[sflag:s11] =	ssyncset.done $0x0  }
0x46: {  	[sflag:s11] =	ssyncadd.s32 $0xFFFFFC80  }
0x47: {  	[tilespmem:s12], [sflag:$0x2] =	stream.linear.gather [hbm4b:s28+s3], $0x7000, $0x38;
	[tilespmem:$0x1FA40] =	vst v63  }
0x48: {  	_ =	swait.ge [sflag:s11], $0x7000  }
0x49: {  	[sflag:s11] =	ssyncset.done $0x0  }
0x4a: {  	[sflag:s11] =	ssyncadd.s32 $0xFFFF9000  }
0x4b: {  	[spmem:s2] =	stream.indirect.scatter.add.f32 [tilespmem:s12], [sflag:$0x1], $0x20, s3, s13, $0xb8;
	[tilespmem:$0x1FA40] =	vst v63  }
0x4c: {  	_ = 	snop  }
0x4d: {  	[spmem:s2] =	stream.indirect.scatter.add.f32 [tilespmem:s14], [sflag:$0x1], $0x20, s13, s13, $0xb8;
	[tilespmem:$0x1FA40] =	vst v63  }
0x4e: {  	_ = 	snop  }
0x4f: {  	[spmem:s2] =	stream.indirect.scatter.add.f32 [tilespmem:s16], [sflag:$0x1], $0x20, s15, s13, $0xb8;
	[tilespmem:$0x1FA40] =	vst v63  }
0x50: {  	_ = 	snop  }
0x51: {  	[spmem:s2] =	stream.indirect.scatter.add.f32 [tilespmem:s18], [sflag:$0x1], $0x20, s17, s13, $0xb8;
	[tilespmem:$0x1FA40] =	vst v63  }
0x52: {  	_ = 	snop  }
0x53: {  	[spmem:s2] =	stream.indirect.scatter.add.f32 [tilespmem:s20], [sflag:$0x1], $0x20, s19, s13, $0xb8;
	[tilespmem:$0x1FA40] =	vst v63  }
0x54: {  	_ = 	snop  }
0x55: {  	[spmem:s2] =	stream.indirect.scatter.add.f32 [tilespmem:s22], [sflag:$0x1], $0x20, s21, s13, $0xb8;
	[tilespmem:$0x1FA40] =	vst v63  }
0x56: {  	_ = 	snop  }
0x57: {  	[spmem:s2] =	stream.indirect.scatter.add.f32 [tilespmem:s24], [sflag:$0x1], $0x20, s23, s13, $0xb8;
	[tilespmem:$0x1FA40] =	vst v63  }
0x58: {  	_ =	swait.ge [sflag:s25], $0x1000  }
0x59: {  	[sflag:s25] =	ssyncset.done $0x0  }
0x5a: {  	[sflag:s25] =	ssyncadd.s32 $0xFFFFF000  }
0x5b: {  	_ =	swait.ge [sflag:s25], $0x1000  }
0x5c: {  	[sflag:s25] =	ssyncset.done $0x0  }
0x5d: {  	[sflag:s25] =	ssyncadd.s32 $0xFFFFF000  }
0x5e: {  	_ =	swait.ge [sflag:s25], $0x1000  }
0x5f: {  	[sflag:s25] =	ssyncset.done $0x0  }
0x60: {  	[sflag:s25] =	ssyncadd.s32 $0xFFFFF000  }
0x61: {  	_ =	swait.ge [sflag:s25], $0x1000  }
0x62: {  	[sflag:s25] =	ssyncset.done $0x0  }
0x63: {  	[sflag:s25] =	ssyncadd.s32 $0xFFFFF000  }
0x64: {  	_ =	swait.ge [sflag:s25], $0x1000  }
0x65: {  	[sflag:s25] =	ssyncset.done $0x0  }
0x66: {  	[sflag:s25] =	ssyncadd.s32 $0xFFFFF000  }
.Ltmp0:
0x67: {  	_ =	swait.ge [sflag:s25], $0x1000;
	(pc) =	sbr.rel @p0 .LBB2_2-.Ltmp0, $4  }
0x68: {  	[sflag:s25] =	ssyncset.done $0x0  }
0x69: {  	[sflag:s25] =	ssyncadd.s32 $0xFFFFF000  }
0x6a: {  	_ =	swait.ge [sflag:s25], $0x1000  }
0x6b: {  	s31 =	smov.u32 s30;
	s28 =	sadd.s32 $0xE00, s28;
	[sflag:s25] =	ssyncset.done $0x0  }
0x6c: {  	s1 =	sadd.s32 s29, s9;
	[sflag:s25] =	ssyncadd.s32 $0xFFFFF000  }
0x6d: {  	[tilespmem:s3], [sflag:$0x2] =	stream.linear.gather [hbm4b:s1+s3], $0x380, $0x38;
	[tilespmem:$0x1FA40] =	vst v63  }
0x6e: {  	_ =	swait.ge [sflag:s11], $0x380  }
0x6f: {  	[sflag:s11] =	ssyncset.done $0x0  }
0x70: {  	[sflag:s11] =	ssyncadd.s32 $0xFFFFFC80  }
0x71: {  	[tilespmem:s12], [sflag:$0x2] =	stream.linear.gather [hbm4b:s28+s3], $0x7000, $0x38;
	[tilespmem:$0x1FA40] =	vst v63  }
0x72: {  	_ =	swait.ge [sflag:s11], $0x7000  }
0x73: {  	[sflag:s11] =	ssyncset.done $0x0  }
0x74: {  	[sflag:s11] =	ssyncadd.s32 $0xFFFF9000  }
0x75: {  	[spmem:s2] =	stream.indirect.scatter.add.f32 [tilespmem:s12], [sflag:$0x1], $0x20, s3, s13, $0xb8;
	[tilespmem:$0x1FA40] =	vst v63  }
0x76: {  	_ = 	snop  }
0x77: {  	[spmem:s2] =	stream.indirect.scatter.add.f32 [tilespmem:s14], [sflag:$0x1], $0x20, s13, s13, $0xb8;
	[tilespmem:$0x1FA40] =	vst v63  }
0x78: {  	_ = 	snop  }
0x79: {  	[spmem:s2] =	stream.indirect.scatter.add.f32 [tilespmem:s16], [sflag:$0x1], $0x20, s15, s13, $0xb8;
	[tilespmem:$0x1FA40] =	vst v63  }
0x7a: {  	_ = 	snop  }
0x7b: {  	[spmem:s2] =	stream.indirect.scatter.add.f32 [tilespmem:s18], [sflag:$0x1], $0x20, s17, s13, $0xb8;
	[tilespmem:$0x1FA40] =	vst v63  }
0x7c: {  	_ = 	snop  }
0x7d: {  	[spmem:s2] =	stream.indirect.scatter.add.f32 [tilespmem:s20], [sflag:$0x1], $0x20, s19, s13, $0xb8;
	[tilespmem:$0x1FA40] =	vst v63  }
0x7e: {  	_ = 	snop  }
0x7f: {  	[spmem:s2] =	stream.indirect.scatter.add.f32 [tilespmem:s22], [sflag:$0x1], $0x20, s21, s13, $0xb8;
	[tilespmem:$0x1FA40] =	vst v63  }
0x80: {  	_ = 	snop  }
0x81: {  	[spmem:s2] =	stream.indirect.scatter.add.f32 [tilespmem:s24], [sflag:$0x1], $0x20, s23, s13, $0xb8;
	[tilespmem:$0x1FA40] =	vst v63  }
0x82: {  	_ =	swait.ge [sflag:s25], $0x1000  }
0x83: {  	[sflag:s25] =	ssyncset.done $0x0  }
0x84: {  	[sflag:s25] =	ssyncadd.s32 $0xFFFFF000  }
0x85: {  	_ =	swait.ge [sflag:s25], $0x1000  }
0x86: {  	[sflag:s25] =	ssyncset.done $0x0  }
0x87: {  	[sflag:s25] =	ssyncadd.s32 $0xFFFFF000  }
0x88: {  	_ =	swait.ge [sflag:s25], $0x1000  }
0x89: {  	[sflag:s25] =	ssyncset.done $0x0  }
0x8a: {  	[sflag:s25] =	ssyncadd.s32 $0xFFFFF000  }
0x8b: {  	_ =	swait.ge [sflag:s25], $0x1000  }
0x8c: {  	[sflag:s25] =	ssyncset.done $0x0  }
0x8d: {  	[sflag:s25] =	ssyncadd.s32 $0xFFFFF000  }
0x8e: {  	_ =	swait.ge [sflag:s25], $0x1000  }
0x8f: {  	[sflag:s25] =	ssyncset.done $0x0  }
0x90: {  	[sflag:s25] =	ssyncadd.s32 $0xFFFFF000  }
0x91: {  	_ =	swait.ge [sflag:s25], $0x1000  }
0x92: {  	[sflag:s25] =	ssyncset.done $0x0  }
0x93: {  	[sflag:s25] =	ssyncadd.s32 $0xFFFFF000  }
0x94: {  	_ =	swait.ge [sflag:s25], $0x1000  }
0x95: {  	s26 =	sadd.s32 $0x1, s26;
	[sflag:s25] =	ssyncset.done $0x0  }
0x96: {  	p0 =	sne.s32 s26, s7;
	[sflag:s25] =	ssyncadd.s32 $0xFFFFF000  }
.Ltmp1:
0x97: {  	[bflag:$0x0] =	sbarrier.arrive $0xFFFF;
	(pc) =	sbr.rel @p0 .LBB2_1-.Ltmp1, $4  }
0x98: {  	[hbm:s6], [sflag:s5] =	dma.local [spmem:s10], $0x30D8  }
0x99: {  	_ =	swait.ge [sflag:s11], $0x30D8  }
0x9a: {  	[sflag:s11] =	ssyncset.done $0x0  }
0x9b: {  	[sflag:s11] =	ssyncadd.s32 $0xFFFFCF28  }
0x9c: {  	_ =	sfence.sel $0x180000  }
0x9d: {  	[bflag:$0x0] =	sbarrier.arrive $0xFFFF  }
0x9e: {  	_ =	strace $0x90000059  }
0x9f: {  	[bflag:$0x2] =	sbarrier.arrive $0xFFFF  }
0xa0: {  	p0 =	sne.s32 s0, $0x0;
	s0 =	rddreg [dreg:$0x2]  }
0xa1: {  	s0 =	sadd.s32 @!p0 $0x100000, s0  }
0xa2: {  	[sflag:s0] =	ssyncadd.tile.s32 @!p0 $0x1;
	_ =	shalt  }
.Lfunc_end2:
_tile_overlayer_lowered:
.L_overlay_start_2:
0xa3: {  	(tag) =	ssettag $0x2  }
0xa4: {  	s0 =	rddreg [dreg:$0x0];
	s2 =	stileid.u32  }
0xa5: {  	s1 =	rddreg [dreg:$0x1];
	p0 =	sne.s32 s2, $0x0  }
0xa6: {  	s3 =	rddreg [dreg:$0x2];
	[bflag:$0x3] =	sbarrier.arrive $0xFFFF;
	s2 =	simm.s32 @!p0 $0x1C02  }
0xa7: {  	[timem:s3], [sflag:s2] =	dma.local @!p0 [hbm:s0], s1  }
0xa8: {  	s0 =	simm.s32 @!p0 $0x2  }
0xa9: {  	_ =	swait.ge @!p0 [sflag:s0], s1  }
0xaa: {  	s1 =	ssub.s32 @!p0 $0x0, s1;
	[sflag:s0] =	ssyncset.done @!p0 $0x0  }
0xab: {  	[sflag:s0] =	ssyncadd.s32 @!p0 s1  }
0xac: {  	[bflag:$0x3] =	sbarrier.arrive $0xFFFF  }
0xad: {  	_ =	shalt  }

// kernel: kernel.32.cloned.1.call-start
scs
__scs_entry_jumppad:
0x0: {  	(pc) =	sbr.rel $0x88, $3  }
0x1: {  	(tag) =	ssettag $0x0;
	lr =	simm.s32 $0x1  }
0x2: {  	[smem:$0x3F96] =	sst lr;
	_ =	strace $0xD0000000  }
0x3: {  	_ = 	snop  }
0x4: {  	_ = 	snop  }
0x5: {  	_ = 	snop  }
0x6: {  	_ = 	snop  }
0x7: {  	_ = 	snop  }
__scs_overlays_trampoline_lowered:
0x8: {  	[smem:$0x3FA5] =	sst s0  }
0x9: {  	[smem:$0x3FA6] =	sst s1  }
0xa: {  	[smem:$0x3FA7] =	sst s2  }
0xb: {  	[smem:$0x3FA8] =	sst s3  }
0xc: {  	[smem:$0x3FA9] =	sst s4  }
0xd: {  	[smem:$0x3FAA] =	sst s5  }
0xe: {  	[smem:$0x3FAB] =	sst s6  }
0xf: {  	[smem:$0x3FAC] =	sst s7  }
0x10: {  	[smem:$0x3FAD] =	sst s8  }
0x11: {  	[smem:$0x3FAE] =	sst s9;
	s0 =	simm.s32 @!p0 $0x0  }
0x12: {  	s1 =	sld [smem:$0x3F94];
	s0 =	simm.s32 @p0 $0x1  }
0x13: {  	[smem:$0x3FAF] =	sst s0;
	s0 =	simm.s32 @!p1 $0x0  }
0x14: {  	s2 =	sld [smem:$0x3F93];
	s0 =	simm.s32 @p1 $0x1  }
0x15: {  	[smem:$0x3FB0] =	sst s0;
	s0 =	simm.s32 @!p2 $0x0  }
0x16: {  	s3 =	sld [smem:$0x3FDB];
	s0 =	simm.s32 @p2 $0x1  }
0x17: {  	s4 =	simm.s32 $0x1BF5;
	[smem:$0x3FB2] =	sst s0  }
0x18: {  	s0 =	sld [smem:$0x3F95];
	_ =	swait.ge [sflag:s4], $0x0  }
0x19: {  	s7 =	sld [smem:$0x3F96]  }
0x1a: {  	s8 =	sadd.s32 $0xFFFFE003, lr  }
0x1b: {  	s9 =	sadd.s32 $0xFFFFFEF7, lr;
	s5 =	simm.s32 $0xFFFFFFFF;
	p2 =	slt.u32 s8, $0xFFFFF086  }
0x1c: {  	p1 =	slt.u32 s9, $0xF7A;
	s5 =	simm.s32 @!p2 $0x0  }
0x1d: {  	s5 =	simm.s32 @p1 $0x1;
	p0 =	seq.s32 s7, s2  }
0x1e: {  	s7 =	smul.u32 @!p0 $0xF7A, s2;
	p2 =	seq.s32 @!p0 s5, $0x0  }
0x1f: {  	s9 =	smul.u32 $0xF7A, s1;
	s8 =	simm.s32 @!p0 $0x1BF5;
	p2 =	por !p2, p0  }
0x20: {  	[sflag:s8] =	ssyncset.s32 @!p0 $0xFFFFF086;
	s6 =	sadd.s32 @!p0 s3, s7;
	s7 =	simm.s32 @!p0 $0x108  }
0x21: {  	s3 =	sadd.s32 s3, s9;
	s6 =	sadd.s32 @!p0 $0x88, s6;
	s7 =	simm.s32 @p2 $0x1082  }
0x22: {  	[simem:s7], [sflag:s8] =	dma.local @!p0 [hbm:s6], $0xF7A  }
0x23: {  	s9 =	sor.u32 $0xD0000000, s2;
	s6 =	simm.s32 $0x108;
	_ =	swait.ge @!p0 [sflag:s8], $0x0  }
0x24: {  	s3 =	sadd.s32 $0x88, s3;
	s6 =	simm.s32 @!p1 $0x1082;
	[sflag:s4] =	ssyncset.s32 $0xFFFFF086  }
0x25: {  	[simem:s6], [sflag:s4] =	dma.local [hbm:s3], $0xF7A  }
0x26: {  	[smem:$0x3F96] =	sst s1;
	(tag) =	ssettag s2;
	_ =	strace s9  }
0x27: {  	s1 =	sld [smem:$0x3FA6]  }
0x28: {  	s2 =	sld [smem:$0x3FA7]  }
0x29: {  	s4 =	sld [smem:$0x3FA9]  }
0x2a: {  	p0 =	seq.s32 s5, $0x0;
	s5 =	sld [smem:$0x3FAA]  }
0x2b: {  	s6 =	sld [smem:$0x3FAB]  }
0x2c: {  	s7 =	sld [smem:$0x3FAC]  }
0x2d: {  	s3 =	simm.s32 $0x108;
	s8 =	sld [smem:$0x3FAD]  }
0x2e: {  	s3 =	simm.s32 @!p0 $0x1082;
	s9 =	sld [smem:$0x3FAE]  }
0x2f: {  	lr =	sadd.s32 s0, s3;
	s0 =	sld [smem:$0x3FA5]  }
0x30: {  	s3 =	sld [smem:$0x3FA8]  }
0x31: {  	[smem:$0x3FB1] =	sst s10  }
0x32: {  	s10 =	sld [smem:$0x3FAF];
	_ =	sdelay $0x3  }
0x33: {  	p0 =	seq.s32 s10, $0x1;
	s10 =	sld [smem:$0x3FB1];
	_ =	sdelay $0x3  }
0x34: {  	[smem:$0x3FB1] =	sst s10  }
0x35: {  	s10 =	sld [smem:$0x3FB0];
	_ =	sdelay $0x3  }
0x36: {  	p1 =	seq.s32 s10, $0x1;
	s10 =	sld [smem:$0x3FB1];
	_ =	sdelay $0x3  }
0x37: {  	[smem:$0x3FB1] =	sst s10  }
0x38: {  	s10 =	sld [smem:$0x3FB2]  }
0x39: {  	_ = 	snop;
	(pc) =	sbr.ind lr, $3  }
0x3a: {  	_ = 	snop  }
0x3b: {  	_ = 	snop  }
0x3c: {  	p2 =	seq.s32 s10, $0x1;
	s10 =	sld [smem:$0x3FB1]  }
0x3d: {  	_ =	shalt  }
0x3e: {  	_ =	shalt  }
0x3f: {  	_ =	shalt  }
0x40: {  	_ =	shalt  }
0x41: {  	_ =	shalt  }
0x42: {  	_ =	shalt  }
0x43: {  	_ =	shalt  }
0x44: {  	_ =	shalt  }
0x45: {  	_ =	shalt  }
0x46: {  	_ =	shalt  }
0x47: {  	_ =	shalt  }
0x48: {  	_ =	shalt  }
0x49: {  	_ =	shalt  }
0x4a: {  	_ =	shalt  }
0x4b: {  	_ =	shalt  }
0x4c: {  	_ =	shalt  }
0x4d: {  	_ =	shalt  }
0x4e: {  	_ =	shalt  }
0x4f: {  	_ =	shalt  }
0x50: {  	_ =	shalt  }
0x51: {  	_ =	shalt  }
0x52: {  	_ =	shalt  }
0x53: {  	_ =	shalt  }
0x54: {  	_ =	shalt  }
0x55: {  	_ =	shalt  }
0x56: {  	_ =	shalt  }
0x57: {  	_ =	shalt  }
0x58: {  	_ =	shalt  }
0x59: {  	_ =	shalt  }
0x5a: {  	_ =	shalt  }
0x5b: {  	_ =	shalt  }
0x5c: {  	_ =	shalt  }
0x5d: {  	_ =	shalt  }
0x5e: {  	_ =	shalt  }
0x5f: {  	_ =	shalt  }
0x60: {  	_ =	shalt  }
0x61: {  	_ =	shalt  }
0x62: {  	_ =	shalt  }
0x63: {  	_ =	shalt  }
0x64: {  	_ =	shalt  }
0x65: {  	_ =	shalt  }
0x66: {  	_ =	shalt  }
0x67: {  	_ =	shalt  }
0x68: {  	_ =	shalt  }
0x69: {  	_ =	shalt  }
0x6a: {  	_ =	shalt  }
0x6b: {  	_ =	shalt  }
0x6c: {  	_ =	shalt  }
0x6d: {  	_ =	shalt  }
0x6e: {  	_ =	shalt  }
0x6f: {  	_ =	shalt  }
0x70: {  	_ =	shalt  }
0x71: {  	_ =	shalt  }
0x72: {  	_ =	shalt  }
0x73: {  	_ =	shalt  }
0x74: {  	_ =	shalt  }
0x75: {  	_ =	shalt  }
0x76: {  	_ =	shalt  }
0x77: {  	_ =	shalt  }
0x78: {  	_ =	shalt  }
0x79: {  	_ =	shalt  }
0x7a: {  	_ =	shalt  }
0x7b: {  	_ =	shalt  }
0x7c: {  	_ =	shalt  }
0x7d: {  	_ =	shalt  }
0x7e: {  	_ =	shalt  }
0x7f: {  	_ =	shalt  }
0x80: {  	_ =	shalt  }
0x81: {  	_ =	shalt  }
0x82: {  	_ =	shalt  }
0x83: {  	_ =	shalt  }
0x84: {  	_ =	shalt  }
0x85: {  	_ =	shalt  }
0x86: {  	_ =	shalt  }
0x87: {  	_ =	shalt  }
.Lfunc_end0:
.L_simem_size_0:
called_computation.5_lowered:
.L_overlay_start_0:
0x88: {  	s2 =	sld [smem:$0x3FD9]  }
0x89: {  	s3 =	sld [smem:$0x3FFE];
	_ =	sdelay $0x1  }
0x8a: {  	s1 =	srdreg.scid  }
0x8b: {  	s0 =	sand.u32 $0x1, s1  }
0x8c: {  	s17 =	sshll.u32 s0, $0xA;
	s2 =	sadd.s32 s3, s2  }
0x8d: {  	s2 =	sadd.s32 s2, s17  }
0x8e: {  	[smem:$0x3FBD] =	sst s2  }
0x8f: {  	_ = 	snop  }
0x90: {  	(tm) =	ssettm $0x1  }
0x91: {  	s18 =	sld [smem:$0x3FFB];
	_ =	sdelay $0x3  }
0x92: {  	_ =	strace s18  }
0x93: {  	s2 =	sld [smem:$0x3FFC];
	_ =	sdelay $0x3  }
0x94: {  	_ =	strace s2  }
0x95: {  	s2 =	sld [smem:$0x3FFD];
	_ =	sdelay $0x3  }
0x96: {  	_ =	strace s2  }
0x97: {  	_ =	strace $0x8FFFFFFF  }
0x98: {  	s19 =	sld [smem:$0x3FDB];
	_ =	sdelay $0x1  }
0x99: {  	s20 =	simm.s32 $_scs_section_size  }
0x9a: {  	s4 =	simm.s32 $_size__tile_overlayer_lowered;
	s5 =	simm.s32 $_tile_overlayer_lowered  }
0x9b: {  	s6 =	simm.s32 $0x1BFF;
	s21 =	sshll.u32 s5, $0x1;
	s3 =	sadd.s32 s20, s19  }
0x9c: {  	s22 =	simm.s32 $0x0;
	s4 =	sshll.u32 s4, $0x1;
	s5 =	sadd.s32 s21, s3  }
0x9d: {  	[timem:s22], [sflag:s6] =	dma.local [hbm:s5], s4  }
0x9e: {  	_ =	swait.ge [sflag:s6], s4  }
0x9f: {  	s4 =	ssub.s32 $0x0, s4;
	[sflag:s6] =	ssyncset.done $0x0  }
0xa0: {  	[sflag:s6] =	ssyncadd.s32 s4;
	_ =	sdelay $0x1  }
0xa1: {  	s23 =	simm.s32 $0x1B8B  }
0xa2: {  	_ =	swait.ge [sflag:s23], $0x1  }
0xa3: {  	[sflag:s23] =	ssyncset.done $0x0  }
0xa4: {  	[sflag:s23] =	ssyncadd.s32 $0xFFFFFFFF  }
0xa5: {  	s4 =	sld [smem:$0x0]  }
0xa6: {  	s5 =	sand.u32 $0xFFFFFFFE, s1  }
0xa7: {  	p0 =	sne.s32 s1, s5  }
0xa8: {  	s5 =	sshll.u32 @p0 s5, $0xE  }
0xa9: {  	s5 =	sadd.s32 @p0 $0x11B8D, s5;
	s6 =	sshll.u32 @p0 s4, $0x11  }
0xaa: {  	s5 =	sor.u32 @p0 s6, s5  }
0xab: {  	[sflag:s5] =	ssyncadd.remote.s32 @p0 $0x1;
	_ =	sdelay $0x1  }
0xac: {  	s5 =	simm.s32 @p0 $0x1B8D  }
0xad: {  	_ =	swait.eq @p0 [sflag:s5], $0x1  }
0xae: {  	[sflag:s5] =	ssyncadd.s32 @p0 $0xFFFFFFFF  }
0xaf: {  	s6 =	sshll.u32 @!p0 s1, $0xE  }
0xb0: {  	s6 =	sor.u32 @!p0 $0x4000, s6;
	s5 =	simm.s32 @!p0 $0x1B8D  }
0xb1: {  	s4 =	sshll.u32 @!p0 s4, $0x11;
	s6 =	sadd.s32 @!p0 $0x11B8D, s6;
	_ =	swait.eq @!p0 [sflag:s5], $0x1  }
0xb2: {  	s4 =	sor.u32 @!p0 s4, s6;
	[sflag:s5] =	ssyncadd.s32 @!p0 $0xFFFFFFFF  }
0xb3: {  	s25 =	simm.s32 $0x1B8E;
	s24 =	sld [smem:$0x3FFE];
	[sflag:s4] =	ssyncadd.remote.s32 @!p0 $0x1  }
0xb4: {  	s26 =	simm.s32 $execute0_lowered;
	[smem:$0x3FD2] =	sst s25  }
0xb5: {  	s5 =	sshll.u32 s26, $0x1;
	_ =	strace $0x80000052;
	[dreg:$0x1] =	wrdreg $0xFFFFFFFF  }
0xb6: {  	s28 =	simm.s32 $_size_execute0_lowered;
	s3 =	sadd.s32 s3, s5;
	[dreg:$0x0] =	wrdreg $0x0  }
0xb7: {  	s5 =	sshll.u32 s28, $0x1;
	[dreg:$0x2] =	wrdreg s3  }
0xb8: {  	[dreg:$0x3] =	wrdreg s5  }
0xb9: {  	[dreg:$0x4] =	wrdreg $0xC0  }
0xba: {  	_ =	task [dreg:s22], $0x5FFFF  }
0xbb: {  	[dreg:$0x1] =	wrdreg $0xFFFFFFFF  }
0xbc: {  	[dreg:$0x0] =	wrdreg $0x60  }
0xbd: {  	[dreg:$0x2] =	wrdreg s24  }
0xbe: {  	[dreg:$0x3] =	wrdreg $0xB800  }
0xbf: {  	[dreg:$0x4] =	wrdreg $0x9  }
0xc0: {  	_ =	task.clear_ibuf [dreg:s22], $0x5FFFF;
	_ =	strace $0x90000052  }
0xc1: {  	s29 =	simm.s32 $0x9;
	_ =	strace $0x80000054  }
0xc2: {  	_ =	swait.ge [sflag:s29], $0x1  }
0xc3: {  	[sflag:s29] =	ssyncadd.s32 $0xFFFFFFFF  }
0xc4: {  	_ =	strace $0x90000054  }
0xc5: {  	_ =	sfence  }
0xc6: {  	s30 =	sld [smem:$0x0];
	_ =	sdelay $0x2  }
0xc7: {  	s31 =	sshll.u32 s1, $0xD;
	s1 =	sshrl.u32 s1, $0x2  }
0xc8: {  	s4 =	sand.u32 $0x4000, s31;
	s1 =	sadd.s32 s1, s30  }
0xc9: {  	s0 =	sor.u32 s4, s0;
	s1 =	sshll.u32 s1, $0x11  }
0xca: {  	s0 =	sor.u32 s1, s0  }
0xcb: {  	s0 =	sadd.s32 $0x8F2B, s0  }
0xcc: {  	[sflag:s0] =	ssyncadd.remote.s32 $0x1  }
0xcd: {  	_ =	sfence.sel $0xFFFF  }
0xce: {  	[dreg:$0x0] =	wrdreg $0xFFFFFFFF;
	(pc) =	sbr.abs _section_cstart, $3  }
0xcf: {  	[dreg:$0x1] =	wrdreg $0xFFFFFFFF  }
0xd0: {  	_ =	task.clear_ibuf [dreg:s22], $0x2FFFF;
	_ =	strace $0x9FFFFFFF  }
0xd1: {  	(tm) =	ssettm $0x7FFFFFFF  }
tec
execute0_lowered:
.L_overlay_start_1:
0x0: {  	(tag) =	ssettag $0x1  }
0x1: {  	s1 =	srdreg.scid  }
0x2: {  	s0 =	stileid.u32;
	s5 =	rddreg [dreg:$0x0]  }
0x3: {  	s2 =	rddreg [dreg:$0x1];
	s3 =	simm.s32 $0x0;
	s13 =	simm.s32 $0x80  }
0x4: {  	s14 =	simm.s32 $0x100;
	s15 =	simm.s32 $0x180;
	s16 =	simm.s32 $0x200  }
0x5: {  	s17 =	simm.s32 $0x280;
	s18 =	simm.s32 $0x300;
	s6 =	smul.u32 $0xC400, s0  }
0x6: {  	s4 =	sand.u32 $0x1, s1;
	s1 =	rddreg [dreg:$0x2];
	s8 =	smul.u32 $0xC360, s0  }
0x7: {  	s19 =	simm.s32 $0x0;
	[smem:$0x7FF] =	sst s3;
	s7 =	smul.u32 $0x6200, s4  }
0x8: {  	s11 =	sshll.u32 s0, $0x6;
	s29 =	smul.u32 $0xC3600, s4;
	_ =	strace $0x80000053  }
0x9: {  	s10 =	ssub.s32 $0x2, s4;
	s4 =	sadd.s32 $0x65E00, s5;
	s11 =	sor.u32 $0x1C01, s11  }
0xa: {  	s30 =	sshrl.u32 s8, $0x3;
	s31 =	sshrl.u32 s10, $0x1;
	s12 =	sadd.s32 s8, s2  }
0xb: {  	s6 =	sadd.s32 s7, s6;
	s7 =	sadd.s32 s8, s29;
	s10 =	ssub.s32 s10, s31  }
0xc: {  	s12 =	sshrl.u32 s12, $0x3;
	s6 =	sshrl.u32 s6, $0x3;
	s7 =	sshrl.u32 s7, $0x3  }
0xd: {  	s9 =	sadd.s32 s6, s5;
	s6 =	sadd.s32 s30, s5;
	s7 =	sadd.s32 s7, s5  }
0xe: {  	s5 =	sadd.s32 $0x4D600, s6;
	s6 =	sadd.s32 $0x66000, s7;
	s7 =	smax.u32 s10, $0x1  }
0xf: {  	s8 =	sadd.s32 $0xDFC00, s9;
	s9 =	simm.s32 $0x380;
	s10 =	simm.s32 $0x1  }
.LBB2_1:
0x10: {  	[tilespmem:s9], [sflag:$0x1] =	stream.linear.gather [hbm4b:s4+s3], $0x800, $0x38;
	[tilespmem:$0xCEE0] =	vst v63  }
0x11: {  	_ =	swait.ge [sflag:s10], $0x800  }
0x12: {  	[sflag:s10] =	ssyncset.done $0x0  }
0x13: {  	[sflag:s10] =	ssyncadd.s32 $0xFFFFF800  }
0x14: {  	[spmem:s12], [sflag:s11] =	dma.local [hbm:s5], $0x186C  }
0x15: {  	_ =	swait.ge [sflag:s10], $0x186C  }
0x16: {  	[sflag:s10] =	ssyncset.done $0x0  }
0x17: {  	[sflag:s10] =	ssyncadd.s32 $0xFFFFE794  }
0x18: {  	s20 =	sadd.s32 $0x0, s8;
	[bflag:$0x0] =	sbarrier.arrive $0xFFFF  }
0x19: {  	[tilespmem:s3], [sflag:$0x1] =	stream.linear.gather [hbm4b:s20+s3], $0x380, $0x38;
	[tilespmem:$0xCEE0] =	vst v63  }
0x1a: {  	_ =	swait.ge [sflag:s10], $0x380  }
0x1b: {  	[sflag:s10] =	ssyncset.done $0x0  }
0x1c: {  	[sflag:s10] =	ssyncadd.s32 $0xFFFFFC80  }
0x1d: {  	[spmem:s2] =	stream.indirect.scatter.add.f32 [tilespmem:s9], [sflag:$0x1], $0x10, s3, s13, $0xb8;
	[tilespmem:$0xCEE0] =	vst v63  }
0x1e: {  	_ =	swait.ge [sflag:s10], $0x800  }
0x1f: {  	[sflag:s10] =	ssyncset.done $0x0  }
0x20: {  	[sflag:s10] =	ssyncadd.s32 $0xFFFFF800  }
0x21: {  	[spmem:s2] =	stream.indirect.scatter.add.f32 [tilespmem:s9], [sflag:$0x1], $0x10, s13, s13, $0xb8;
	[tilespmem:$0xCEE0] =	vst v63  }
0x22: {  	_ =	swait.ge [sflag:s10], $0x800  }
0x23: {  	[sflag:s10] =	ssyncset.done $0x0  }
0x24: {  	[sflag:s10] =	ssyncadd.s32 $0xFFFFF800  }
0x25: {  	[spmem:s2] =	stream.indirect.scatter.add.f32 [tilespmem:s9], [sflag:$0x1], $0x10, s14, s13, $0xb8;
	[tilespmem:$0xCEE0] =	vst v63  }
0x26: {  	_ =	swait.ge [sflag:s10], $0x800  }
0x27: {  	[sflag:s10] =	ssyncset.done $0x0  }
0x28: {  	[sflag:s10] =	ssyncadd.s32 $0xFFFFF800  }
0x29: {  	[spmem:s2] =	stream.indirect.scatter.add.f32 [tilespmem:s9], [sflag:$0x1], $0x10, s15, s13, $0xb8;
	[tilespmem:$0xCEE0] =	vst v63  }
0x2a: {  	_ =	swait.ge [sflag:s10], $0x800  }
0x2b: {  	[sflag:s10] =	ssyncset.done $0x0  }
0x2c: {  	[sflag:s10] =	ssyncadd.s32 $0xFFFFF800  }
0x2d: {  	[spmem:s2] =	stream.indirect.scatter.add.f32 [tilespmem:s9], [sflag:$0x1], $0x10, s16, s13, $0xb8;
	[tilespmem:$0xCEE0] =	vst v63  }
0x2e: {  	_ =	swait.ge [sflag:s10], $0x800  }
0x2f: {  	[sflag:s10] =	ssyncset.done $0x0  }
0x30: {  	[sflag:s10] =	ssyncadd.s32 $0xFFFFF800  }
0x31: {  	[spmem:s2] =	stream.indirect.scatter.add.f32 [tilespmem:s9], [sflag:$0x1], $0x10, s17, s13, $0xb8;
	[tilespmem:$0xCEE0] =	vst v63  }
0x32: {  	_ =	swait.ge [sflag:s10], $0x800  }
0x33: {  	[sflag:s10] =	ssyncset.done $0x0  }
0x34: {  	[sflag:s10] =	ssyncadd.s32 $0xFFFFF800  }
0x35: {  	[spmem:s2] =	stream.indirect.scatter.add.f32 [tilespmem:s9], [sflag:$0x1], $0x10, s18, s13, $0xb8;
	[tilespmem:$0xCEE0] =	vst v63  }
0x36: {  	_ =	swait.ge [sflag:s10], $0x800  }
0x37: {  	s22 =	simm.s32 $0xE0;
	s20 =	simm.s32 $0x70;
	[sflag:s10] =	ssyncset.done $0x0  }
.LBB2_2:
0x38: {  	s23 =	sadd.s32 s20, s8  }
0x39: {  	[sflag:s10] =	ssyncadd.s32 $0xFFFFF800;
	s20 =	smov.u32 s22;
	s21 =	sadd.s32 $0x70, s22  }
0x3a: {  	[tilespmem:s3], [sflag:$0x1] =	stream.linear.gather [hbm4b:s23+s3], $0x380, $0x38;
	[tilespmem:$0xCEE0] =	vst v63  }
0x3b: {  	p0 =	sne.s32 s22, $0xBD0;
	_ =	swait.ge [sflag:s10], $0x380  }
0x3c: {  	[sflag:s10] =	ssyncset.done $0x0  }
0x3d: {  	[sflag:s10] =	ssyncadd.s32 $0xFFFFFC80  }
0x3e: {  	[spmem:s2] =	stream.indirect.scatter.add.f32 [tilespmem:s9], [sflag:$0x1], $0x10, s3, s13, $0xb8;
	[tilespmem:$0xCEE0] =	vst v63  }
0x3f: {  	_ =	swait.ge [sflag:s10], $0x800  }
0x40: {  	[sflag:s10] =	ssyncset.done $0x0  }
0x41: {  	[sflag:s10] =	ssyncadd.s32 $0xFFFFF800  }
0x42: {  	[spmem:s2] =	stream.indirect.scatter.add.f32 [tilespmem:s9], [sflag:$0x1], $0x10, s13, s13, $0xb8;
	[tilespmem:$0xCEE0] =	vst v63  }
0x43: {  	_ =	swait.ge [sflag:s10], $0x800  }
0x44: {  	[sflag:s10] =	ssyncset.done $0x0  }
0x45: {  	[sflag:s10] =	ssyncadd.s32 $0xFFFFF800  }
0x46: {  	[spmem:s2] =	stream.indirect.scatter.add.f32 [tilespmem:s9], [sflag:$0x1], $0x10, s14, s13, $0xb8;
	[tilespmem:$0xCEE0] =	vst v63  }
0x47: {  	_ =	swait.ge [sflag:s10], $0x800  }
0x48: {  	[sflag:s10] =	ssyncset.done $0x0  }
0x49: {  	[sflag:s10] =	ssyncadd.s32 $0xFFFFF800  }
0x4a: {  	[spmem:s2] =	stream.indirect.scatter.add.f32 [tilespmem:s9], [sflag:$0x1], $0x10, s15, s13, $0xb8;
	[tilespmem:$0xCEE0] =	vst v63  }
0x4b: {  	_ =	swait.ge [sflag:s10], $0x800  }
0x4c: {  	[sflag:s10] =	ssyncset.done $0x0  }
0x4d: {  	[sflag:s10] =	ssyncadd.s32 $0xFFFFF800  }
0x4e: {  	[spmem:s2] =	stream.indirect.scatter.add.f32 [tilespmem:s9], [sflag:$0x1], $0x10, s16, s13, $0xb8;
	[tilespmem:$0xCEE0] =	vst v63  }
0x4f: {  	_ =	swait.ge [sflag:s10], $0x800  }
0x50: {  	[sflag:s10] =	ssyncset.done $0x0  }
0x51: {  	[sflag:s10] =	ssyncadd.s32 $0xFFFFF800  }
0x52: {  	[spmem:s2] =	stream.indirect.scatter.add.f32 [tilespmem:s9], [sflag:$0x1], $0x10, s17, s13, $0xb8;
	[tilespmem:$0xCEE0] =	vst v63  }
0x53: {  	_ =	swait.ge [sflag:s10], $0x800  }
.Ltmp0:
0x54: {  	[sflag:s10] =	ssyncset.done $0x0;
	(pc) =	sbr.rel @p0 .LBB2_2-.Ltmp0, $4  }
0x55: {  	[sflag:s10] =	ssyncadd.s32 $0xFFFFF800  }
0x56: {  	[spmem:s2] =	stream.indirect.scatter.add.f32 [tilespmem:s9], [sflag:$0x1], $0x10, s18, s13, $0xb8;
	[tilespmem:$0xCEE0] =	vst v63  }
0x57: {  	_ =	swait.ge [sflag:s10], $0x800  }
0x58: {  	s22 =	smov.u32 s21;
	[sflag:s10] =	ssyncset.done $0x0  }
0x59: {  	s20 =	sadd.s32 s20, s8;
	[sflag:s10] =	ssyncadd.s32 $0xFFFFF800  }
0x5a: {  	[tilespmem:s3], [sflag:$0x1] =	stream.linear.gather [hbm4b:s20+s3], $0x380, $0x38;
	[tilespmem:$0xCEE0] =	vst v63  }
0x5b: {  	_ =	swait.ge [sflag:s10], $0x380  }
0x5c: {  	[sflag:s10] =	ssyncset.done $0x0  }
0x5d: {  	[sflag:s10] =	ssyncadd.s32 $0xFFFFFC80  }
0x5e: {  	[spmem:s2] =	stream.indirect.scatter.add.f32 [tilespmem:s9], [sflag:$0x1], $0x10, s3, s13, $0xb8;
	[tilespmem:$0xCEE0] =	vst v63  }
0x5f: {  	_ =	swait.ge [sflag:s10], $0x800  }
0x60: {  	[sflag:s10] =	ssyncset.done $0x0  }
0x61: {  	[sflag:s10] =	ssyncadd.s32 $0xFFFFF800  }
0x62: {  	[spmem:s2] =	stream.indirect.scatter.add.f32 [tilespmem:s9], [sflag:$0x1], $0x10, s13, s13, $0xb8;
	[tilespmem:$0xCEE0] =	vst v63  }
0x63: {  	_ =	swait.ge [sflag:s10], $0x800  }
0x64: {  	[sflag:s10] =	ssyncset.done $0x0  }
0x65: {  	[sflag:s10] =	ssyncadd.s32 $0xFFFFF800  }
0x66: {  	[spmem:s2] =	stream.indirect.scatter.add.f32 [tilespmem:s9], [sflag:$0x1], $0x10, s14, s13, $0xb8;
	[tilespmem:$0xCEE0] =	vst v63  }
0x67: {  	_ =	swait.ge [sflag:s10], $0x800  }
0x68: {  	[sflag:s10] =	ssyncset.done $0x0  }
0x69: {  	[sflag:s10] =	ssyncadd.s32 $0xFFFFF800  }
0x6a: {  	[spmem:s2] =	stream.indirect.scatter.add.f32 [tilespmem:s9], [sflag:$0x1], $0x10, s15, s13, $0xb8;
	[tilespmem:$0xCEE0] =	vst v63  }
0x6b: {  	_ =	swait.ge [sflag:s10], $0x800  }
0x6c: {  	[sflag:s10] =	ssyncset.done $0x0  }
0x6d: {  	[sflag:s10] =	ssyncadd.s32 $0xFFFFF800  }
0x6e: {  	[spmem:s2] =	stream.indirect.scatter.add.f32 [tilespmem:s9], [sflag:$0x1], $0x10, s16, s13, $0xb8;
	[tilespmem:$0xCEE0] =	vst v63  }
0x6f: {  	_ =	swait.ge [sflag:s10], $0x800  }
0x70: {  	[sflag:s10] =	ssyncset.done $0x0  }
0x71: {  	[sflag:s10] =	ssyncadd.s32 $0xFFFFF800  }
0x72: {  	[spmem:s2] =	stream.indirect.scatter.add.f32 [tilespmem:s9], [sflag:$0x1], $0x10, s17, s13, $0xb8;
	[tilespmem:$0xCEE0] =	vst v63  }
0x73: {  	_ =	swait.ge [sflag:s10], $0x800  }
0x74: {  	[sflag:s10] =	ssyncset.done $0x0  }
0x75: {  	[sflag:s10] =	ssyncadd.s32 $0xFFFFF800  }
0x76: {  	[spmem:s2] =	stream.indirect.scatter.add.f32 [tilespmem:s9], [sflag:$0x1], $0x10, s18, s13, $0xb8;
	[tilespmem:$0xCEE0] =	vst v63  }
0x77: {  	_ =	swait.ge [sflag:s10], $0x800  }
0x78: {  	s19 =	sadd.s32 $0x1, s19;
	[sflag:s10] =	ssyncset.done $0x0  }
0x79: {  	p0 =	sne.s32 s19, s7;
	[sflag:s10] =	ssyncadd.s32 $0xFFFFF800  }
.Ltmp1:
0x7a: {  	[bflag:$0x0] =	sbarrier.arrive $0xFFFF;
	(pc) =	sbr.rel @p0 .LBB2_1-.Ltmp1, $4  }
0x7b: {  	[hbm:s6], [sflag:s11] =	dma.local [spmem:s12], $0x186C  }
0x7c: {  	_ =	swait.ge [sflag:s10], $0x186C  }
0x7d: {  	[sflag:s10] =	ssyncset.done $0x0  }
0x7e: {  	[sflag:s10] =	ssyncadd.s32 $0xFFFFE794  }
0x7f: {  	_ =	sfence.sel $0x180000  }
0x80: {  	[bflag:$0x0] =	sbarrier.arrive $0xFFFF  }
0x81: {  	p0 =	sne.s32 s0, $0x0;
	_ =	strace $0x90000053  }
0x82: {  	s0 =	sadd.s32 @!p0 $0x100000, s1;
	[bflag:$0x2] =	sbarrier.arrive $0xFFFF  }
0x83: {  	[sflag:s0] =	ssyncadd.tile.s32 @!p0 $0x1;
	_ =	shalt  }
.Lfunc_end2:
_tile_overlayer_lowered:
.L_overlay_start_2:
0x84: {  	(tag) =	ssettag $0x2  }
0x85: {  	s0 =	rddreg [dreg:$0x0];
	s2 =	stileid.u32  }
0x86: {  	s1 =	rddreg [dreg:$0x1];
	p0 =	sne.s32 s2, $0x0  }
0x87: {  	s3 =	rddreg [dreg:$0x2];
	[bflag:$0x3] =	sbarrier.arrive $0xFFFF;
	s2 =	simm.s32 @!p0 $0x1C01  }
0x88: {  	[timem:s3], [sflag:s2] =	dma.local @!p0 [hbm:s0], s1  }
0x89: {  	s0 =	simm.s32 @!p0 $0x1  }
0x8a: {  	_ =	swait.ge @!p0 [sflag:s0], s1  }
0x8b: {  	s1 =	ssub.s32 @!p0 $0x0, s1;
	[sflag:s0] =	ssyncset.done @!p0 $0x0  }
0x8c: {  	[sflag:s0] =	ssyncadd.s32 @!p0 s1  }
0x8d: {  	[bflag:$0x3] =	sbarrier.arrive $0xFFFF  }
0x8e: {  	_ =	shalt  }

// kernel: kernel.35.cloned.1.call-start
scs
__scs_entry_jumppad:
0x0: {  	(pc) =	sbr.rel $0x88, $3  }
0x1: {  	(tag) =	ssettag $0x0;
	lr =	simm.s32 $0x1  }
0x2: {  	[smem:$0x3F96] =	sst lr;
	_ =	strace $0xD0000000  }
0x3: {  	_ = 	snop  }
0x4: {  	_ = 	snop  }
0x5: {  	_ = 	snop  }
0x6: {  	_ = 	snop  }
0x7: {  	_ = 	snop  }
__scs_overlays_trampoline_lowered:
0x8: {  	[smem:$0x3FA5] =	sst s0  }
0x9: {  	[smem:$0x3FA6] =	sst s1  }
0xa: {  	[smem:$0x3FA7] =	sst s2  }
0xb: {  	[smem:$0x3FA8] =	sst s3  }
0xc: {  	[smem:$0x3FA9] =	sst s4  }
0xd: {  	[smem:$0x3FAA] =	sst s5  }
0xe: {  	[smem:$0x3FAB] =	sst s6  }
0xf: {  	[smem:$0x3FAC] =	sst s7  }
0x10: {  	[smem:$0x3FAD] =	sst s8  }
0x11: {  	[smem:$0x3FAE] =	sst s9;
	s0 =	simm.s32 @!p0 $0x0  }
0x12: {  	s1 =	sld [smem:$0x3F94];
	s0 =	simm.s32 @p0 $0x1  }
0x13: {  	[smem:$0x3FAF] =	sst s0;
	s0 =	simm.s32 @!p1 $0x0  }
0x14: {  	s2 =	sld [smem:$0x3F93];
	s0 =	simm.s32 @p1 $0x1  }
0x15: {  	[smem:$0x3FB0] =	sst s0;
	s0 =	simm.s32 @!p2 $0x0  }
0x16: {  	s3 =	sld [smem:$0x3FDB];
	s0 =	simm.s32 @p2 $0x1  }
0x17: {  	s4 =	simm.s32 $0x1BF5;
	[smem:$0x3FB2] =	sst s0  }
0x18: {  	s0 =	sld [smem:$0x3F95];
	_ =	swait.ge [sflag:s4], $0x0  }
0x19: {  	s7 =	sld [smem:$0x3F96]  }
0x1a: {  	s8 =	sadd.s32 $0xFFFFE003, lr  }
0x1b: {  	s9 =	sadd.s32 $0xFFFFFEF7, lr;
	s5 =	simm.s32 $0xFFFFFFFF;
	p2 =	slt.u32 s8, $0xFFFFF086  }
0x1c: {  	p1 =	slt.u32 s9, $0xF7A;
	s5 =	simm.s32 @!p2 $0x0  }
0x1d: {  	s5 =	simm.s32 @p1 $0x1;
	p0 =	seq.s32 s7, s2  }
0x1e: {  	s7 =	smul.u32 @!p0 $0xF7A, s2;
	p2 =	seq.s32 @!p0 s5, $0x0  }
0x1f: {  	s9 =	smul.u32 $0xF7A, s1;
	s8 =	simm.s32 @!p0 $0x1BF5;
	p2 =	por !p2, p0  }
0x20: {  	[sflag:s8] =	ssyncset.s32 @!p0 $0xFFFFF086;
	s6 =	sadd.s32 @!p0 s3, s7;
	s7 =	simm.s32 @!p0 $0x108  }
0x21: {  	s3 =	sadd.s32 s3, s9;
	s6 =	sadd.s32 @!p0 $0x88, s6;
	s7 =	simm.s32 @p2 $0x1082  }
0x22: {  	[simem:s7], [sflag:s8] =	dma.local @!p0 [hbm:s6], $0xF7A  }
0x23: {  	s9 =	sor.u32 $0xD0000000, s2;
	s6 =	simm.s32 $0x108;
	_ =	swait.ge @!p0 [sflag:s8], $0x0  }
0x24: {  	s3 =	sadd.s32 $0x88, s3;
	s6 =	simm.s32 @!p1 $0x1082;
	[sflag:s4] =	ssyncset.s32 $0xFFFFF086  }
0x25: {  	[simem:s6], [sflag:s4] =	dma.local [hbm:s3], $0xF7A  }
0x26: {  	[smem:$0x3F96] =	sst s1;
	(tag) =	ssettag s2;
	_ =	strace s9  }
0x27: {  	s1 =	sld [smem:$0x3FA6]  }
0x28: {  	s2 =	sld [smem:$0x3FA7]  }
0x29: {  	s4 =	sld [smem:$0x3FA9]  }
0x2a: {  	p0 =	seq.s32 s5, $0x0;
	s5 =	sld [smem:$0x3FAA]  }
0x2b: {  	s6 =	sld [smem:$0x3FAB]  }
0x2c: {  	s7 =	sld [smem:$0x3FAC]  }
0x2d: {  	s3 =	simm.s32 $0x108;
	s8 =	sld [smem:$0x3FAD]  }
0x2e: {  	s3 =	simm.s32 @!p0 $0x1082;
	s9 =	sld [smem:$0x3FAE]  }
0x2f: {  	lr =	sadd.s32 s0, s3;
	s0 =	sld [smem:$0x3FA5]  }
0x30: {  	s3 =	sld [smem:$0x3FA8]  }
0x31: {  	[smem:$0x3FB1] =	sst s10  }
0x32: {  	s10 =	sld [smem:$0x3FAF];
	_ =	sdelay $0x3  }
0x33: {  	p0 =	seq.s32 s10, $0x1;
	s10 =	sld [smem:$0x3FB1];
	_ =	sdelay $0x3  }
0x34: {  	[smem:$0x3FB1] =	sst s10  }
0x35: {  	s10 =	sld [smem:$0x3FB0];
	_ =	sdelay $0x3  }
0x36: {  	p1 =	seq.s32 s10, $0x1;
	s10 =	sld [smem:$0x3FB1];
	_ =	sdelay $0x3  }
0x37: {  	[smem:$0x3FB1] =	sst s10  }
0x38: {  	s10 =	sld [smem:$0x3FB2]  }
0x39: {  	_ = 	snop;
	(pc) =	sbr.ind lr, $3  }
0x3a: {  	_ = 	snop  }
0x3b: {  	_ = 	snop  }
0x3c: {  	p2 =	seq.s32 s10, $0x1;
	s10 =	sld [smem:$0x3FB1]  }
0x3d: {  	_ =	shalt  }
0x3e: {  	_ =	shalt  }
0x3f: {  	_ =	shalt  }
0x40: {  	_ =	shalt  }
0x41: {  	_ =	shalt  }
0x42: {  	_ =	shalt  }
0x43: {  	_ =	shalt  }
0x44: {  	_ =	shalt  }
0x45: {  	_ =	shalt  }
0x46: {  	_ =	shalt  }
0x47: {  	_ =	shalt  }
0x48: {  	_ =	shalt  }
0x49: {  	_ =	shalt  }
0x4a: {  	_ =	shalt  }
0x4b: {  	_ =	shalt  }
0x4c: {  	_ =	shalt  }
0x4d: {  	_ =	shalt  }
0x4e: {  	_ =	shalt  }
0x4f: {  	_ =	shalt  }
0x50: {  	_ =	shalt  }
0x51: {  	_ =	shalt  }
0x52: {  	_ =	shalt  }
0x53: {  	_ =	shalt  }
0x54: {  	_ =	shalt  }
0x55: {  	_ =	shalt  }
0x56: {  	_ =	shalt  }
0x57: {  	_ =	shalt  }
0x58: {  	_ =	shalt  }
0x59: {  	_ =	shalt  }
0x5a: {  	_ =	shalt  }
0x5b: {  	_ =	shalt  }
0x5c: {  	_ =	shalt  }
0x5d: {  	_ =	shalt  }
0x5e: {  	_ =	shalt  }
0x5f: {  	_ =	shalt  }
0x60: {  	_ =	shalt  }
0x61: {  	_ =	shalt  }
0x62: {  	_ =	shalt  }
0x63: {  	_ =	shalt  }
0x64: {  	_ =	shalt  }
0x65: {  	_ =	shalt  }
0x66: {  	_ =	shalt  }
0x67: {  	_ =	shalt  }
0x68: {  	_ =	shalt  }
0x69: {  	_ =	shalt  }
0x6a: {  	_ =	shalt  }
0x6b: {  	_ =	shalt  }
0x6c: {  	_ =	shalt  }
0x6d: {  	_ =	shalt  }
0x6e: {  	_ =	shalt  }
0x6f: {  	_ =	shalt  }
0x70: {  	_ =	shalt  }
0x71: {  	_ =	shalt  }
0x72: {  	_ =	shalt  }
0x73: {  	_ =	shalt  }
0x74: {  	_ =	shalt  }
0x75: {  	_ =	shalt  }
0x76: {  	_ =	shalt  }
0x77: {  	_ =	shalt  }
0x78: {  	_ =	shalt  }
0x79: {  	_ =	shalt  }
0x7a: {  	_ =	shalt  }
0x7b: {  	_ =	shalt  }
0x7c: {  	_ =	shalt  }
0x7d: {  	_ =	shalt  }
0x7e: {  	_ =	shalt  }
0x7f: {  	_ =	shalt  }
0x80: {  	_ =	shalt  }
0x81: {  	_ =	shalt  }
0x82: {  	_ =	shalt  }
0x83: {  	_ =	shalt  }
0x84: {  	_ =	shalt  }
0x85: {  	_ =	shalt  }
0x86: {  	_ =	shalt  }
0x87: {  	_ =	shalt  }
.Lfunc_end0:
.L_simem_size_0:
called_computation.6_lowered:
.L_overlay_start_0:
0x88: {  	s2 =	sld [smem:$0x3FD9]  }
0x89: {  	s3 =	sld [smem:$0x3FFE];
	_ =	sdelay $0x1  }
0x8a: {  	s1 =	srdreg.scid  }
0x8b: {  	s0 =	sand.u32 $0x1, s1  }
0x8c: {  	s15 =	sshll.u32 s0, $0xA;
	s2 =	sadd.s32 s3, s2  }
0x8d: {  	s2 =	sadd.s32 s2, s15  }
0x8e: {  	[smem:$0x3FBD] =	sst s2  }
0x8f: {  	_ = 	snop  }
0x90: {  	s2 =	sld [smem:$0x3FD0];
	_ =	sdelay $0x2  }
0x91: {  	s16 =	simm.s32 $0xF;
	s4 =	simm.s32 $0x10  }
0x92: {  	[smem:s4], [sflag:s16] =	dma.local [hbm:s2], $0x1  }
0x93: {  	_ =	swait.eq [sflag:s16], $0x1  }
0x94: {  	[sflag:s16] =	ssyncset.done $0x0  }
0x95: {  	[sflag:s16] =	ssyncadd.s32 $0xFFFFFFFF  }
0x96: {  	s17 =	sld [smem:$0x12];
	(tm) =	ssettm $0x1  }
0x97: {  	s18 =	sld [smem:$0x3FFB];
	_ =	sdelay $0x3  }
0x98: {  	_ =	strace s18  }
0x99: {  	s2 =	sld [smem:$0x3FFC];
	_ =	sdelay $0x3  }
0x9a: {  	_ =	strace s2  }
0x9b: {  	s2 =	sld [smem:$0x3FFD];
	_ =	sdelay $0x3  }
0x9c: {  	_ =	strace s2  }
0x9d: {  	_ =	strace $0x8FFFFFFF  }
0x9e: {  	s19 =	sld [smem:$0x3FDB];
	_ =	sdelay $0x1  }
0x9f: {  	s20 =	simm.s32 $_scs_section_size  }
0xa0: {  	s5 =	simm.s32 $_size__tile_overlayer_lowered;
	s6 =	simm.s32 $_tile_overlayer_lowered  }
0xa1: {  	s7 =	simm.s32 $0x1BFF;
	s21 =	sshll.u32 s6, $0x1;
	s4 =	sadd.s32 s20, s19  }
0xa2: {  	s22 =	simm.s32 $0x0;
	s5 =	sshll.u32 s5, $0x1;
	s6 =	sadd.s32 s21, s4  }
0xa3: {  	[timem:s22], [sflag:s7] =	dma.local [hbm:s6], s5  }
0xa4: {  	_ =	swait.ge [sflag:s7], s5  }
0xa5: {  	s5 =	ssub.s32 $0x0, s5;
	[sflag:s7] =	ssyncset.done $0x0  }
0xa6: {  	[sflag:s7] =	ssyncadd.s32 s5;
	_ =	sdelay $0x1  }
0xa7: {  	s23 =	simm.s32 $0x1B8B  }
0xa8: {  	_ =	swait.ge [sflag:s23], $0x1  }
0xa9: {  	[sflag:s23] =	ssyncset.done $0x0  }
0xaa: {  	[sflag:s23] =	ssyncadd.s32 $0xFFFFFFFF  }
0xab: {  	s5 =	sld [smem:$0x0]  }
0xac: {  	s6 =	sand.u32 $0xFFFFFFFE, s1  }
0xad: {  	p0 =	sne.s32 s1, s6  }
0xae: {  	s6 =	sshll.u32 @p0 s6, $0xE  }
0xaf: {  	s6 =	sadd.s32 @p0 $0x11B8D, s6;
	s7 =	sshll.u32 @p0 s5, $0x11  }
0xb0: {  	s6 =	sor.u32 @p0 s7, s6  }
0xb1: {  	[sflag:s6] =	ssyncadd.remote.s32 @p0 $0x1;
	_ =	sdelay $0x1  }
0xb2: {  	s6 =	simm.s32 @p0 $0x1B8D  }
0xb3: {  	_ =	swait.eq @p0 [sflag:s6], $0x1  }
0xb4: {  	[sflag:s6] =	ssyncadd.s32 @p0 $0xFFFFFFFF  }
0xb5: {  	s7 =	sshll.u32 @!p0 s1, $0xE  }
0xb6: {  	s7 =	sor.u32 @!p0 $0x4000, s7;
	s6 =	simm.s32 @!p0 $0x1B8D  }
0xb7: {  	s5 =	sshll.u32 @!p0 s5, $0x11;
	s7 =	sadd.s32 @!p0 $0x11B8D, s7;
	_ =	swait.eq @!p0 [sflag:s6], $0x1  }
0xb8: {  	s5 =	sor.u32 @!p0 s5, s7;
	[sflag:s6] =	ssyncadd.s32 @!p0 $0xFFFFFFFF  }
0xb9: {  	s25 =	simm.s32 $0x1B8E;
	s24 =	sld [smem:$0x3FFE];
	[sflag:s5] =	ssyncadd.remote.s32 @!p0 $0x1  }
0xba: {  	s26 =	simm.s32 $execute0_lowered;
	[smem:$0x3FD2] =	sst s25  }
0xbb: {  	s6 =	sshll.u32 s26, $0x1;
	_ =	strace $0x80000055;
	[dreg:$0x1] =	wrdreg $0xFFFFFFFF  }
0xbc: {  	s28 =	simm.s32 $_size_execute0_lowered;
	s4 =	sadd.s32 s4, s6;
	[dreg:$0x0] =	wrdreg $0x0  }
0xbd: {  	s6 =	sshll.u32 s28, $0x1;
	[dreg:$0x2] =	wrdreg s4  }
0xbe: {  	[dreg:$0x3] =	wrdreg s6  }
0xbf: {  	[dreg:$0x4] =	wrdreg $0xC0  }
0xc0: {  	_ =	task [dreg:s22], $0x5FFFF  }
0xc1: {  	[dreg:$0x1] =	wrdreg $0xFFFFFFFF  }
0xc2: {  	[dreg:$0x0] =	wrdreg $0x60  }
0xc3: {  	[dreg:$0x2] =	wrdreg s24  }
0xc4: {  	[dreg:$0x3] =	wrdreg s17  }
0xc5: {  	[dreg:$0x4] =	wrdreg $0x63000  }
0xc6: {  	[dreg:$0x5] =	wrdreg $0xA  }
0xc7: {  	_ =	task.clear_ibuf [dreg:s22], $0x6FFFF;
	_ =	strace $0x90000055  }
0xc8: {  	s29 =	simm.s32 $0xA;
	_ =	strace $0x80000057  }
0xc9: {  	_ =	swait.ge [sflag:s29], $0x1  }
0xca: {  	[sflag:s29] =	ssyncadd.s32 $0xFFFFFFFF  }
0xcb: {  	_ =	strace $0x90000057  }
0xcc: {  	_ =	sfence  }
0xcd: {  	s30 =	sld [smem:$0x0];
	_ =	sdelay $0x2  }
0xce: {  	s31 =	sshll.u32 s1, $0xD;
	s1 =	sshrl.u32 s1, $0x2  }
0xcf: {  	s4 =	sand.u32 $0x4000, s31;
	s1 =	sadd.s32 s1, s30  }
0xd0: {  	s0 =	sor.u32 s4, s0;
	s1 =	sshll.u32 s1, $0x11  }
0xd1: {  	s0 =	sor.u32 s1, s0  }
0xd2: {  	s0 =	sadd.s32 $0x8F2B, s0  }
0xd3: {  	[sflag:s0] =	ssyncadd.remote.s32 $0x1  }
0xd4: {  	_ =	sfence.sel $0xFFFF  }
0xd5: {  	[dreg:$0x0] =	wrdreg $0xFFFFFFFF;
	(pc) =	sbr.abs _section_cstart, $3  }
0xd6: {  	[dreg:$0x1] =	wrdreg $0xFFFFFFFF  }
0xd7: {  	_ =	task.clear_ibuf [dreg:s22], $0x2FFFF;
	_ =	strace $0x9FFFFFFF  }
0xd8: {  	(tm) =	ssettm $0x7FFFFFFF  }
0xd9: {  	_ =	shalt  }
tec
execute0_lowered:
.L_overlay_start_1:
0x0: {  	(tag) =	ssettag $0x1  }
0x1: {  	s5 =	rddreg [dreg:$0x0]  }
0x2: {  	s1 =	srdreg.scid;
	s6 =	rddreg [dreg:$0x1]  }
0x3: {  	s0 =	stileid.u32;
	s2 =	rddreg [dreg:$0x2];
	s3 =	simm.s32 $0x0  }
0x4: {  	s13 =	simm.s32 $0x180;
	s14 =	simm.s32 $0x80;
	s15 =	simm.s32 $0x300  }
0x5: {  	s16 =	simm.s32 $0x2300;
	s17 =	simm.s32 $0x100;
	s18 =	simm.s32 $0x4300  }
0x6: {  	s19 =	simm.s32 $0x1;
	s20 =	simm.s32 $0x200;
	s21 =	simm.s32 $0x280  }
0x7: {  	s7 =	sand.u32 $0x1, s1;
	s8 =	smul.u32 $0x9300, s0;
	s1 =	rddreg [dreg:$0x3]  }
0x8: {  	s22 =	simm.s32 $0x0;
	s10 =	smul.u32 $0x138C0, s0;
	[smem:$0x7FF] =	sst s3  }
0x9: {  	s4 =	sadd.s32 $0x1821600, s5;
	s31 =	sshll.u32 s0, $0x6;
	s9 =	smul.u32 $0x4980, s7  }
0xa: {  	s11 =	smul.u32 $0x138C00, s7;
	_ =	strace $0x80000056;
	s7 =	ssub.s32 $0x2, s7  }
0xb: {  	s25 =	sshrl.u32 s7, $0x1;
	s29 =	sadd.s32 s10, s2;
	s30 =	sshrl.u32 s10, $0x3  }
0xc: {  	s8 =	sadd.s32 s9, s8;
	s24 =	sadd.s32 s10, s11;
	s28 =	ssub.s32 s7, s25  }
0xd: {  	s11 =	sshrl.u32 s29, $0x3;
	s8 =	sshrl.u32 s8, $0x3;
	s9 =	sshrl.u32 s24, $0x3  }
0xe: {  	s12 =	sadd.s32 s8, s5;
	s26 =	sadd.s32 s9, s5;
	s5 =	sadd.s32 s6, s30  }
0xf: {  	s6 =	sor.u32 $0x1C02, s31;
	s8 =	smax.u32 s28, $0x1;
	s7 =	sadd.s32 $0x185C000, s26  }
0x10: {  	s9 =	sadd.s32 $0x16400, s12;
	s10 =	sadd.s32 $0x28A00, s12;
	s12 =	simm.s32 $0x2  }
.LBB2_1:
0x11: {  	[spmem:s11], [sflag:s6] =	dma.local [hbm:s5], $0x2718  }
0x12: {  	_ =	swait.ge [sflag:s12], $0x2718  }
0x13: {  	[sflag:s12] =	ssyncset.done $0x0  }
0x14: {  	[sflag:s12] =	ssyncadd.s32 $0xFFFFD8E8  }
0x15: {  	s23 =	sadd.s32 $0x0, s10;
	[bflag:$0x0] =	sbarrier.arrive $0xFFFF  }
0x16: {  	[tilespmem:s3], [sflag:$0x2] =	stream.linear.gather [hbm4b:s23+s3], $0x180, $0x38;
	[tilespmem:$0x19BC0] =	vst v63  }
0x17: {  	_ =	swait.ge [sflag:s12], $0x180  }
0x18: {  	[sflag:s12] =	ssyncset.done $0x0  }
0x19: {  	s31 =	sadd.s32 $0x0, s9;
	[sflag:s12] =	ssyncadd.s32 $0xFFFFFE80  }
0x1a: {  	[tilespmem:s13], [sflag:$0x2] =	stream.linear.gather [hbm4b:s31+s3], $0x180, $0x38;
	[tilespmem:$0x19BC0] =	vst v63  }
0x1b: {  	_ =	swait.ge [sflag:s12], $0x180  }
0x1c: {  	[sflag:s12] =	ssyncset.done $0x0  }
0x1d: {  	[sflag:s12] =	ssyncadd.s32 $0xFFFFFE80  }
0x1e: {  	[tilespmem:s15], [sflag:$0x1] =	stream.indirect.gather [hbm4b:s4+s14], $0x40, s3, s14, $0xb8;
	[tilespmem:$0x19BC0] =	vst v63  }
0x1f: {  	_ = 	snop  }
0x20: {  	[tilespmem:s16], [sflag:$0x1] =	stream.indirect.gather [hbm4b:s4+s14], $0x40, s14, s14, $0xb8;
	[tilespmem:$0x19BC0] =	vst v63  }
0x21: {  	_ = 	snop  }
0x22: {  	[tilespmem:s18], [sflag:$0x1] =	stream.indirect.gather [hbm4b:s4+s14], $0x40, s17, s14, $0xb8;
	[tilespmem:$0x19BC0] =	vst v63  }
0x23: {  	_ =	swait.ge [sflag:s19], $0x2000  }
0x24: {  	[sflag:s19] =	ssyncset.done $0x0  }
0x25: {  	[sflag:s19] =	ssyncadd.s32 $0xFFFFE000  }
0x26: {  	_ =	swait.ge [sflag:s19], $0x2000  }
0x27: {  	[sflag:s19] =	ssyncset.done $0x0  }
0x28: {  	[sflag:s19] =	ssyncadd.s32 $0xFFFFE000  }
0x29: {  	_ =	swait.ge [sflag:s19], $0x2000  }
0x2a: {  	[sflag:s19] =	ssyncset.done $0x0  }
0x2b: {  	[sflag:s19] =	ssyncadd.s32 $0xFFFFE000  }
0x2c: {  	[spmem:s2] =	stream.indirect.scatter.add.f32 [tilespmem:s15], [sflag:$0x1], $0x40, s13, s14, $0xb8;
	[tilespmem:$0x19BC0] =	vst v63  }
0x2d: {  	_ = 	snop  }
0x2e: {  	[spmem:s2] =	stream.indirect.scatter.add.f32 [tilespmem:s16], [sflag:$0x1], $0x40, s20, s14, $0xb8;
	[tilespmem:$0x19BC0] =	vst v63  }
0x2f: {  	_ = 	snop  }
0x30: {  	[spmem:s2] =	stream.indirect.scatter.add.f32 [tilespmem:s18], [sflag:$0x1], $0x40, s21, s14, $0xb8;
	[tilespmem:$0x19BC0] =	vst v63  }
0x31: {  	_ =	swait.ge [sflag:s19], $0x2000  }
0x32: {  	[sflag:s19] =	ssyncset.done $0x0  }
0x33: {  	[sflag:s19] =	ssyncadd.s32 $0xFFFFE000  }
0x34: {  	_ =	swait.ge [sflag:s19], $0x2000  }
0x35: {  	[sflag:s19] =	ssyncset.done $0x0  }
0x36: {  	[sflag:s19] =	ssyncadd.s32 $0xFFFFE000  }
0x37: {  	_ =	swait.ge [sflag:s19], $0x2000  }
0x38: {  	s25 =	simm.s32 $0x60;
	s23 =	simm.s32 $0x30;
	[sflag:s19] =	ssyncset.done $0x0  }
.LBB2_2:
0x39: {  	s26 =	sadd.s32 s23, s10  }
0x3a: {  	[sflag:s19] =	ssyncadd.s32 $0xFFFFE000;
	s28 =	smov.u32 s25;
	s24 =	sadd.s32 $0x30, s25  }
0x3b: {  	[tilespmem:s3], [sflag:$0x2] =	stream.linear.gather [hbm4b:s26+s3], $0x180, $0x38;
	[tilespmem:$0x19BC0] =	vst v63  }
0x3c: {  	p0 =	sne.s32 s25, $0x900;
	_ =	swait.ge [sflag:s12], $0x180  }
0x3d: {  	[sflag:s12] =	ssyncset.done $0x0  }
0x3e: {  	s25 =	sadd.s32 s23, s9;
	s23 =	smov.u32 s28;
	[sflag:s12] =	ssyncadd.s32 $0xFFFFFE80  }
0x3f: {  	[tilespmem:s13], [sflag:$0x2] =	stream.linear.gather [hbm4b:s25+s3], $0x180, $0x38;
	[tilespmem:$0x19BC0] =	vst v63  }
0x40: {  	_ =	swait.ge [sflag:s12], $0x180  }
0x41: {  	[sflag:s12] =	ssyncset.done $0x0  }
0x42: {  	[sflag:s12] =	ssyncadd.s32 $0xFFFFFE80  }
0x43: {  	[tilespmem:s15], [sflag:$0x1] =	stream.indirect.gather [hbm4b:s4+s14], $0x40, s3, s14, $0xb8;
	[tilespmem:$0x19BC0] =	vst v63  }
0x44: {  	_ = 	snop  }
0x45: {  	[tilespmem:s16], [sflag:$0x1] =	stream.indirect.gather [hbm4b:s4+s14], $0x40, s14, s14, $0xb8;
	[tilespmem:$0x19BC0] =	vst v63  }
0x46: {  	_ = 	snop  }
0x47: {  	[tilespmem:s18], [sflag:$0x1] =	stream.indirect.gather [hbm4b:s4+s14], $0x40, s17, s14, $0xb8;
	[tilespmem:$0x19BC0] =	vst v63  }
0x48: {  	_ =	swait.ge [sflag:s19], $0x2000  }
0x49: {  	[sflag:s19] =	ssyncset.done $0x0  }
0x4a: {  	[sflag:s19] =	ssyncadd.s32 $0xFFFFE000  }
0x4b: {  	_ =	swait.ge [sflag:s19], $0x2000  }
0x4c: {  	[sflag:s19] =	ssyncset.done $0x0  }
0x4d: {  	[sflag:s19] =	ssyncadd.s32 $0xFFFFE000  }
0x4e: {  	_ =	swait.ge [sflag:s19], $0x2000  }
0x4f: {  	[sflag:s19] =	ssyncset.done $0x0  }
0x50: {  	[sflag:s19] =	ssyncadd.s32 $0xFFFFE000  }
0x51: {  	[spmem:s2] =	stream.indirect.scatter.add.f32 [tilespmem:s15], [sflag:$0x1], $0x40, s13, s14, $0xb8;
	[tilespmem:$0x19BC0] =	vst v63  }
0x52: {  	_ = 	snop  }
0x53: {  	[spmem:s2] =	stream.indirect.scatter.add.f32 [tilespmem:s16], [sflag:$0x1], $0x40, s20, s14, $0xb8;
	[tilespmem:$0x19BC0] =	vst v63  }
0x54: {  	_ = 	snop  }
0x55: {  	[spmem:s2] =	stream.indirect.scatter.add.f32 [tilespmem:s18], [sflag:$0x1], $0x40, s21, s14, $0xb8;
	[tilespmem:$0x19BC0] =	vst v63  }
0x56: {  	_ =	swait.ge [sflag:s19], $0x2000  }
0x57: {  	[sflag:s19] =	ssyncset.done $0x0  }
0x58: {  	[sflag:s19] =	ssyncadd.s32 $0xFFFFE000  }
.Ltmp0:
0x59: {  	_ =	swait.ge [sflag:s19], $0x2000;
	(pc) =	sbr.rel @p0 .LBB2_2-.Ltmp0, $4  }
0x5a: {  	[sflag:s19] =	ssyncset.done $0x0  }
0x5b: {  	[sflag:s19] =	ssyncadd.s32 $0xFFFFE000  }
0x5c: {  	_ =	swait.ge [sflag:s19], $0x2000  }
0x5d: {  	s25 =	smov.u32 s24;
	[sflag:s19] =	ssyncset.done $0x0  }
0x5e: {  	s24 =	sadd.s32 s23, s10;
	[sflag:s19] =	ssyncadd.s32 $0xFFFFE000  }
0x5f: {  	[tilespmem:s3], [sflag:$0x2] =	stream.linear.gather [hbm4b:s24+s3], $0x180, $0x38;
	[tilespmem:$0x19BC0] =	vst v63  }
0x60: {  	_ =	swait.ge [sflag:s12], $0x180  }
0x61: {  	[sflag:s12] =	ssyncset.done $0x0  }
0x62: {  	s31 =	sadd.s32 s23, s9;
	[sflag:s12] =	ssyncadd.s32 $0xFFFFFE80  }
0x63: {  	[tilespmem:s13], [sflag:$0x2] =	stream.linear.gather [hbm4b:s31+s3], $0x180, $0x38;
	[tilespmem:$0x19BC0] =	vst v63  }
0x64: {  	_ =	swait.ge [sflag:s12], $0x180  }
0x65: {  	[sflag:s12] =	ssyncset.done $0x0  }
0x66: {  	[sflag:s12] =	ssyncadd.s32 $0xFFFFFE80  }
0x67: {  	[tilespmem:s15], [sflag:$0x1] =	stream.indirect.gather [hbm4b:s4+s14], $0x40, s3, s14, $0xb8;
	[tilespmem:$0x19BC0] =	vst v63  }
0x68: {  	_ = 	snop  }
0x69: {  	[tilespmem:s16], [sflag:$0x1] =	stream.indirect.gather [hbm4b:s4+s14], $0x40, s14, s14, $0xb8;
	[tilespmem:$0x19BC0] =	vst v63  }
0x6a: {  	_ = 	snop  }
0x6b: {  	[tilespmem:s18], [sflag:$0x1] =	stream.indirect.gather [hbm4b:s4+s14], $0x40, s17, s14, $0xb8;
	[tilespmem:$0x19BC0] =	vst v63  }
0x6c: {  	_ =	swait.ge [sflag:s19], $0x2000  }
0x6d: {  	[sflag:s19] =	ssyncset.done $0x0  }
0x6e: {  	[sflag:s19] =	ssyncadd.s32 $0xFFFFE000  }
0x6f: {  	_ =	swait.ge [sflag:s19], $0x2000  }
0x70: {  	[sflag:s19] =	ssyncset.done $0x0  }
0x71: {  	[sflag:s19] =	ssyncadd.s32 $0xFFFFE000  }
0x72: {  	_ =	swait.ge [sflag:s19], $0x2000  }
0x73: {  	[sflag:s19] =	ssyncset.done $0x0  }
0x74: {  	[sflag:s19] =	ssyncadd.s32 $0xFFFFE000  }
0x75: {  	[spmem:s2] =	stream.indirect.scatter.add.f32 [tilespmem:s15], [sflag:$0x1], $0x40, s13, s14, $0xb8;
	[tilespmem:$0x19BC0] =	vst v63  }
0x76: {  	_ = 	snop  }
0x77: {  	[spmem:s2] =	stream.indirect.scatter.add.f32 [tilespmem:s16], [sflag:$0x1], $0x40, s20, s14, $0xb8;
	[tilespmem:$0x19BC0] =	vst v63  }
0x78: {  	_ = 	snop  }
0x79: {  	[spmem:s2] =	stream.indirect.scatter.add.f32 [tilespmem:s18], [sflag:$0x1], $0x40, s21, s14, $0xb8;
	[tilespmem:$0x19BC0] =	vst v63  }
0x7a: {  	_ =	swait.ge [sflag:s19], $0x2000  }
0x7b: {  	[sflag:s19] =	ssyncset.done $0x0  }
0x7c: {  	[sflag:s19] =	ssyncadd.s32 $0xFFFFE000  }
0x7d: {  	_ =	swait.ge [sflag:s19], $0x2000  }
0x7e: {  	[sflag:s19] =	ssyncset.done $0x0  }
0x7f: {  	[sflag:s19] =	ssyncadd.s32 $0xFFFFE000  }
0x80: {  	_ =	swait.ge [sflag:s19], $0x2000  }
0x81: {  	s22 =	sadd.s32 $0x1, s22;
	[sflag:s19] =	ssyncset.done $0x0  }
0x82: {  	p0 =	sne.s32 s22, s8;
	[sflag:s19] =	ssyncadd.s32 $0xFFFFE000  }
.Ltmp1:
0x83: {  	[bflag:$0x0] =	sbarrier.arrive $0xFFFF;
	(pc) =	sbr.rel @p0 .LBB2_1-.Ltmp1, $4  }
0x84: {  	[hbm:s7], [sflag:s6] =	dma.local [spmem:s11], $0x2718  }
0x85: {  	_ =	swait.ge [sflag:s12], $0x2718  }
0x86: {  	[sflag:s12] =	ssyncset.done $0x0  }
0x87: {  	[sflag:s12] =	ssyncadd.s32 $0xFFFFD8E8  }
0x88: {  	_ =	sfence.sel $0x180000  }
0x89: {  	[bflag:$0x0] =	sbarrier.arrive $0xFFFF  }
0x8a: {  	p0 =	sne.s32 s0, $0x0;
	_ =	strace $0x90000056  }
0x8b: {  	s0 =	sadd.s32 @!p0 $0x100000, s1;
	[bflag:$0x2] =	sbarrier.arrive $0xFFFF  }
0x8c: {  	[sflag:s0] =	ssyncadd.tile.s32 @!p0 $0x1;
	_ =	shalt  }
.Lfunc_end2:
_tile_overlayer_lowered:
.L_overlay_start_2:
0x8d: {  	(tag) =	ssettag $0x2  }
0x8e: {  	s0 =	rddreg [dreg:$0x0];
	s2 =	stileid.u32  }
0x8f: {  	s1 =	rddreg [dreg:$0x1];
	p0 =	sne.s32 s2, $0x0  }
0x90: {  	s3 =	rddreg [dreg:$0x2];
	[bflag:$0x3] =	sbarrier.arrive $0xFFFF;
	s2 =	simm.s32 @!p0 $0x1C02  }
0x91: {  	[timem:s3], [sflag:s2] =	dma.local @!p0 [hbm:s0], s1  }
0x92: {  	s0 =	simm.s32 @!p0 $0x2  }
0x93: {  	_ =	swait.ge @!p0 [sflag:s0], s1  }
0x94: {  	s1 =	ssub.s32 @!p0 $0x0, s1;
	[sflag:s0] =	ssyncset.done @!p0 $0x0  }
0x95: {  	[sflag:s0] =	ssyncadd.s32 @!p0 s1  }
0x96: {  	[bflag:$0x3] =	sbarrier.arrive $0xFFFF  }
0x97: {  	_ =	shalt  }

// kernel: kernel.38.cloned.1.call-start
scs
__scs_entry_jumppad:
0x0: {  	(pc) =	sbr.rel $0x88, $3  }
0x1: {  	(tag) =	ssettag $0x0;
	lr =	simm.s32 $0x1  }
0x2: {  	[smem:$0x3F96] =	sst lr;
	_ =	strace $0xD0000000  }
0x3: {  	_ = 	snop  }
0x4: {  	_ = 	snop  }
0x5: {  	_ = 	snop  }
0x6: {  	_ = 	snop  }
0x7: {  	_ = 	snop  }
__scs_overlays_trampoline_lowered:
0x8: {  	[smem:$0x3FA5] =	sst s0  }
0x9: {  	[smem:$0x3FA6] =	sst s1  }
0xa: {  	[smem:$0x3FA7] =	sst s2  }
0xb: {  	[smem:$0x3FA8] =	sst s3  }
0xc: {  	[smem:$0x3FA9] =	sst s4  }
0xd: {  	[smem:$0x3FAA] =	sst s5  }
0xe: {  	[smem:$0x3FAB] =	sst s6  }
0xf: {  	[smem:$0x3FAC] =	sst s7  }
0x10: {  	[smem:$0x3FAD] =	sst s8  }
0x11: {  	[smem:$0x3FAE] =	sst s9;
	s0 =	simm.s32 @!p0 $0x0  }
0x12: {  	s1 =	sld [smem:$0x3F94];
	s0 =	simm.s32 @p0 $0x1  }
0x13: {  	[smem:$0x3FAF] =	sst s0;
	s0 =	simm.s32 @!p1 $0x0  }
0x14: {  	s2 =	sld [smem:$0x3F93];
	s0 =	simm.s32 @p1 $0x1  }
0x15: {  	[smem:$0x3FB0] =	sst s0;
	s0 =	simm.s32 @!p2 $0x0  }
0x16: {  	s3 =	sld [smem:$0x3FDB];
	s0 =	simm.s32 @p2 $0x1  }
0x17: {  	s4 =	simm.s32 $0x1BF5;
	[smem:$0x3FB2] =	sst s0  }
0x18: {  	s0 =	sld [smem:$0x3F95];
	_ =	swait.ge [sflag:s4], $0x0  }
0x19: {  	s7 =	sld [smem:$0x3F96]  }
0x1a: {  	s8 =	sadd.s32 $0xFFFFE003, lr  }
0x1b: {  	s9 =	sadd.s32 $0xFFFFFEF7, lr;
	s5 =	simm.s32 $0xFFFFFFFF;
	p2 =	slt.u32 s8, $0xFFFFF086  }
0x1c: {  	p1 =	slt.u32 s9, $0xF7A;
	s5 =	simm.s32 @!p2 $0x0  }
0x1d: {  	s5 =	simm.s32 @p1 $0x1;
	p0 =	seq.s32 s7, s2  }
0x1e: {  	s7 =	smul.u32 @!p0 $0xF7A, s2;
	p2 =	seq.s32 @!p0 s5, $0x0  }
0x1f: {  	s9 =	smul.u32 $0xF7A, s1;
	s8 =	simm.s32 @!p0 $0x1BF5;
	p2 =	por !p2, p0  }
0x20: {  	[sflag:s8] =	ssyncset.s32 @!p0 $0xFFFFF086;
	s6 =	sadd.s32 @!p0 s3, s7;
	s7 =	simm.s32 @!p0 $0x108  }
0x21: {  	s3 =	sadd.s32 s3, s9;
	s6 =	sadd.s32 @!p0 $0x88, s6;
	s7 =	simm.s32 @p2 $0x1082  }
0x22: {  	[simem:s7], [sflag:s8] =	dma.local @!p0 [hbm:s6], $0xF7A  }
0x23: {  	s9 =	sor.u32 $0xD0000000, s2;
	s6 =	simm.s32 $0x108;
	_ =	swait.ge @!p0 [sflag:s8], $0x0  }
0x24: {  	s3 =	sadd.s32 $0x88, s3;
	s6 =	simm.s32 @!p1 $0x1082;
	[sflag:s4] =	ssyncset.s32 $0xFFFFF086  }
0x25: {  	[simem:s6], [sflag:s4] =	dma.local [hbm:s3], $0xF7A  }
0x26: {  	[smem:$0x3F96] =	sst s1;
	(tag) =	ssettag s2;
	_ =	strace s9  }
0x27: {  	s1 =	sld [smem:$0x3FA6]  }
0x28: {  	s2 =	sld [smem:$0x3FA7]  }
0x29: {  	s4 =	sld [smem:$0x3FA9]  }
0x2a: {  	p0 =	seq.s32 s5, $0x0;
	s5 =	sld [smem:$0x3FAA]  }
0x2b: {  	s6 =	sld [smem:$0x3FAB]  }
0x2c: {  	s7 =	sld [smem:$0x3FAC]  }
0x2d: {  	s3 =	simm.s32 $0x108;
	s8 =	sld [smem:$0x3FAD]  }
0x2e: {  	s3 =	simm.s32 @!p0 $0x1082;
	s9 =	sld [smem:$0x3FAE]  }
0x2f: {  	lr =	sadd.s32 s0, s3;
	s0 =	sld [smem:$0x3FA5]  }
0x30: {  	s3 =	sld [smem:$0x3FA8]  }
0x31: {  	[smem:$0x3FB1] =	sst s10  }
0x32: {  	s10 =	sld [smem:$0x3FAF];
	_ =	sdelay $0x3  }
0x33: {  	p0 =	seq.s32 s10, $0x1;
	s10 =	sld [smem:$0x3FB1];
	_ =	sdelay $0x3  }
0x34: {  	[smem:$0x3FB1] =	sst s10  }
0x35: {  	s10 =	sld [smem:$0x3FB0];
	_ =	sdelay $0x3  }
0x36: {  	p1 =	seq.s32 s10, $0x1;
	s10 =	sld [smem:$0x3FB1];
	_ =	sdelay $0x3  }
0x37: {  	[smem:$0x3FB1] =	sst s10  }
0x38: {  	s10 =	sld [smem:$0x3FB2]  }
0x39: {  	_ = 	snop;
	(pc) =	sbr.ind lr, $3  }
0x3a: {  	_ = 	snop  }
0x3b: {  	_ = 	snop  }
0x3c: {  	p2 =	seq.s32 s10, $0x1;
	s10 =	sld [smem:$0x3FB1]  }
0x3d: {  	_ =	shalt  }
0x3e: {  	_ =	shalt  }
0x3f: {  	_ =	shalt  }
0x40: {  	_ =	shalt  }
0x41: {  	_ =	shalt  }
0x42: {  	_ =	shalt  }
0x43: {  	_ =	shalt  }
0x44: {  	_ =	shalt  }
0x45: {  	_ =	shalt  }
0x46: {  	_ =	shalt  }
0x47: {  	_ =	shalt  }
0x48: {  	_ =	shalt  }
0x49: {  	_ =	shalt  }
0x4a: {  	_ =	shalt  }
0x4b: {  	_ =	shalt  }
0x4c: {  	_ =	shalt  }
0x4d: {  	_ =	shalt  }
0x4e: {  	_ =	shalt  }
0x4f: {  	_ =	shalt  }
0x50: {  	_ =	shalt  }
0x51: {  	_ =	shalt  }
0x52: {  	_ =	shalt  }
0x53: {  	_ =	shalt  }
0x54: {  	_ =	shalt  }
0x55: {  	_ =	shalt  }
0x56: {  	_ =	shalt  }
0x57: {  	_ =	shalt  }
0x58: {  	_ =	shalt  }
0x59: {  	_ =	shalt  }
0x5a: {  	_ =	shalt  }
0x5b: {  	_ =	shalt  }
0x5c: {  	_ =	shalt  }
0x5d: {  	_ =	shalt  }
0x5e: {  	_ =	shalt  }
0x5f: {  	_ =	shalt  }
0x60: {  	_ =	shalt  }
0x61: {  	_ =	shalt  }
0x62: {  	_ =	shalt  }
0x63: {  	_ =	shalt  }
0x64: {  	_ =	shalt  }
0x65: {  	_ =	shalt  }
0x66: {  	_ =	shalt  }
0x67: {  	_ =	shalt  }
0x68: {  	_ =	shalt  }
0x69: {  	_ =	shalt  }
0x6a: {  	_ =	shalt  }
0x6b: {  	_ =	shalt  }
0x6c: {  	_ =	shalt  }
0x6d: {  	_ =	shalt  }
0x6e: {  	_ =	shalt  }
0x6f: {  	_ =	shalt  }
0x70: {  	_ =	shalt  }
0x71: {  	_ =	shalt  }
0x72: {  	_ =	shalt  }
0x73: {  	_ =	shalt  }
0x74: {  	_ =	shalt  }
0x75: {  	_ =	shalt  }
0x76: {  	_ =	shalt  }
0x77: {  	_ =	shalt  }
0x78: {  	_ =	shalt  }
0x79: {  	_ =	shalt  }
0x7a: {  	_ =	shalt  }
0x7b: {  	_ =	shalt  }
0x7c: {  	_ =	shalt  }
0x7d: {  	_ =	shalt  }
0x7e: {  	_ =	shalt  }
0x7f: {  	_ =	shalt  }
0x80: {  	_ =	shalt  }
0x81: {  	_ =	shalt  }
0x82: {  	_ =	shalt  }
0x83: {  	_ =	shalt  }
0x84: {  	_ =	shalt  }
0x85: {  	_ =	shalt  }
0x86: {  	_ =	shalt  }
0x87: {  	_ =	shalt  }
.Lfunc_end0:
.L_simem_size_0:
called_computation.7_lowered:
.L_overlay_start_0:
0x88: {  	s2 =	sld [smem:$0x3FD9]  }
0x89: {  	s3 =	sld [smem:$0x3FFE];
	_ =	sdelay $0x1  }
0x8a: {  	s1 =	srdreg.scid  }
0x8b: {  	s0 =	sand.u32 $0x1, s1  }
0x8c: {  	s15 =	sshll.u32 s0, $0xA;
	s2 =	sadd.s32 s3, s2  }
0x8d: {  	s2 =	sadd.s32 s2, s15  }
0x8e: {  	[smem:$0x3FBD] =	sst s2  }
0x8f: {  	_ = 	snop  }
0x90: {  	s2 =	sld [smem:$0x3FD0];
	_ =	sdelay $0x2  }
0x91: {  	s16 =	simm.s32 $0xF;
	s4 =	simm.s32 $0x10  }
0x92: {  	[smem:s4], [sflag:s16] =	dma.local [hbm:s2], $0x1  }
0x93: {  	_ =	swait.eq [sflag:s16], $0x1  }
0x94: {  	[sflag:s16] =	ssyncset.done $0x0  }
0x95: {  	[sflag:s16] =	ssyncadd.s32 $0xFFFFFFFF  }
0x96: {  	s17 =	sld [smem:$0x11];
	(tm) =	ssettm $0x1  }
0x97: {  	s18 =	sld [smem:$0x3FFB];
	_ =	sdelay $0x3  }
0x98: {  	_ =	strace s18  }
0x99: {  	s2 =	sld [smem:$0x3FFC];
	_ =	sdelay $0x3  }
0x9a: {  	_ =	strace s2  }
0x9b: {  	s2 =	sld [smem:$0x3FFD];
	_ =	sdelay $0x3  }
0x9c: {  	_ =	strace s2  }
0x9d: {  	_ =	strace $0x8FFFFFFF  }
0x9e: {  	s19 =	sld [smem:$0x3FDB];
	_ =	sdelay $0x1  }
0x9f: {  	s20 =	simm.s32 $_scs_section_size  }
0xa0: {  	s5 =	simm.s32 $_size__tile_overlayer_lowered;
	s6 =	simm.s32 $_tile_overlayer_lowered  }
0xa1: {  	s7 =	simm.s32 $0x1BFF;
	s21 =	sshll.u32 s6, $0x1;
	s4 =	sadd.s32 s20, s19  }
0xa2: {  	s22 =	simm.s32 $0x0;
	s5 =	sshll.u32 s5, $0x1;
	s6 =	sadd.s32 s21, s4  }
0xa3: {  	[timem:s22], [sflag:s7] =	dma.local [hbm:s6], s5  }
0xa4: {  	_ =	swait.ge [sflag:s7], s5  }
0xa5: {  	s5 =	ssub.s32 $0x0, s5;
	[sflag:s7] =	ssyncset.done $0x0  }
0xa6: {  	[sflag:s7] =	ssyncadd.s32 s5;
	_ =	sdelay $0x1  }
0xa7: {  	s23 =	simm.s32 $0x1B8B  }
0xa8: {  	_ =	swait.ge [sflag:s23], $0x1  }
0xa9: {  	[sflag:s23] =	ssyncset.done $0x0  }
0xaa: {  	[sflag:s23] =	ssyncadd.s32 $0xFFFFFFFF  }
0xab: {  	s5 =	sld [smem:$0x0]  }
0xac: {  	s6 =	sand.u32 $0xFFFFFFFE, s1  }
0xad: {  	p0 =	sne.s32 s1, s6  }
0xae: {  	s6 =	sshll.u32 @p0 s6, $0xE  }
0xaf: {  	s6 =	sadd.s32 @p0 $0x11B8D, s6;
	s7 =	sshll.u32 @p0 s5, $0x11  }
0xb0: {  	s6 =	sor.u32 @p0 s7, s6  }
0xb1: {  	[sflag:s6] =	ssyncadd.remote.s32 @p0 $0x1;
	_ =	sdelay $0x1  }
0xb2: {  	s6 =	simm.s32 @p0 $0x1B8D  }
0xb3: {  	_ =	swait.eq @p0 [sflag:s6], $0x1  }
0xb4: {  	[sflag:s6] =	ssyncadd.s32 @p0 $0xFFFFFFFF  }
0xb5: {  	s7 =	sshll.u32 @!p0 s1, $0xE  }
0xb6: {  	s7 =	sor.u32 @!p0 $0x4000, s7;
	s6 =	simm.s32 @!p0 $0x1B8D  }
0xb7: {  	s5 =	sshll.u32 @!p0 s5, $0x11;
	s7 =	sadd.s32 @!p0 $0x11B8D, s7;
	_ =	swait.eq @!p0 [sflag:s6], $0x1  }
0xb8: {  	s5 =	sor.u32 @!p0 s5, s7;
	[sflag:s6] =	ssyncadd.s32 @!p0 $0xFFFFFFFF  }
0xb9: {  	s25 =	simm.s32 $0x1B8E;
	s24 =	sld [smem:$0x3FFE];
	[sflag:s5] =	ssyncadd.remote.s32 @!p0 $0x1  }
0xba: {  	s26 =	simm.s32 $execute0_lowered;
	[smem:$0x3FD2] =	sst s25  }
0xbb: {  	s6 =	sshll.u32 s26, $0x1;
	_ =	strace $0x8000004F;
	[dreg:$0x1] =	wrdreg $0xFFFFFFFF  }
0xbc: {  	s28 =	simm.s32 $_size_execute0_lowered;
	s4 =	sadd.s32 s4, s6;
	[dreg:$0x0] =	wrdreg $0x0  }
0xbd: {  	s6 =	sshll.u32 s28, $0x1;
	[dreg:$0x2] =	wrdreg s4  }
0xbe: {  	[dreg:$0x3] =	wrdreg s6  }
0xbf: {  	[dreg:$0x4] =	wrdreg $0xC0  }
0xc0: {  	_ =	task [dreg:s22], $0x5FFFF  }
0xc1: {  	[dreg:$0x1] =	wrdreg $0xFFFFFFFF  }
0xc2: {  	[dreg:$0x0] =	wrdreg $0x60  }
0xc3: {  	[dreg:$0x2] =	wrdreg s17  }
0xc4: {  	[dreg:$0x3] =	wrdreg s24  }
0xc5: {  	[dreg:$0x4] =	wrdreg $0xB  }
0xc6: {  	_ =	task.clear_ibuf [dreg:s22], $0x5FFFF;
	_ =	strace $0x9000004F  }
0xc7: {  	s29 =	simm.s32 $0xB;
	_ =	strace $0x80000051  }
0xc8: {  	_ =	swait.ge [sflag:s29], $0x1  }
0xc9: {  	[sflag:s29] =	ssyncadd.s32 $0xFFFFFFFF  }
0xca: {  	_ =	strace $0x90000051  }
0xcb: {  	_ =	sfence  }
0xcc: {  	s30 =	sld [smem:$0x0];
	_ =	sdelay $0x2  }
0xcd: {  	s31 =	sshll.u32 s1, $0xD;
	s1 =	sshrl.u32 s1, $0x2  }
0xce: {  	s4 =	sand.u32 $0x4000, s31;
	s1 =	sadd.s32 s1, s30  }
0xcf: {  	s0 =	sor.u32 s4, s0;
	s1 =	sshll.u32 s1, $0x11  }
0xd0: {  	s0 =	sor.u32 s1, s0  }
0xd1: {  	s0 =	sadd.s32 $0x8F2B, s0  }
0xd2: {  	[sflag:s0] =	ssyncadd.remote.s32 $0x1  }
0xd3: {  	_ =	sfence.sel $0xFFFF  }
0xd4: {  	[dreg:$0x0] =	wrdreg $0xFFFFFFFF;
	(pc) =	sbr.abs _section_cstart, $3  }
0xd5: {  	[dreg:$0x1] =	wrdreg $0xFFFFFFFF  }
0xd6: {  	_ =	task.clear_ibuf [dreg:s22], $0x2FFFF;
	_ =	strace $0x9FFFFFFF  }
0xd7: {  	(tm) =	ssettm $0x7FFFFFFF  }
tec
execute0_lowered:
.L_overlay_start_1:
0x0: {  	(tag) =	ssettag $0x1  }
0x1: {  	s2 =	rddreg [dreg:$0x0]  }
0x2: {  	s4 =	rddreg [dreg:$0x1]  }
0x3: {  	s0 =	rddreg [dreg:$0x2];
	s5 =	srdreg.scid  }
0x4: {  	s1 =	stileid.u32;
	s3 =	simm.s32 $0x0;
	s10 =	simm.s32 $0x2380  }
0x5: {  	s11 =	simm.s32 $0x100;
	s12 =	simm.s32 $0x4380;
	s13 =	simm.s32 $0x180  }
0x6: {  	s14 =	simm.s32 $0x6380;
	s15 =	simm.s32 $0x200;
	s16 =	simm.s32 $0x8380  }
0x7: {  	s17 =	simm.s32 $0x280;
	s18 =	simm.s32 $0xA380;
	s19 =	simm.s32 $0x300  }
0x8: {  	s20 =	simm.s32 $0xC380;
	s21 =	simm.s32 $0x1;
	s6 =	smul.u32 $0x9300, s1  }
0x9: {  	s22 =	simm.s32 $0x0;
	s5 =	sand.u32 $0x1, s5;
	s8 =	smul.u32 $0x49800, s1  }
0xa: {  	[smem:$0x7FF] =	sst s3;
	s7 =	smul.u32 $0x4980, s5;
	s9 =	ssub.s32 $0x2, s5  }
0xb: {  	_ =	strace $0x80000050;
	s5 =	smul.u32 $0x24C00, s5;
	s31 =	sshrl.u32 s9, $0x1  }
0xc: {  	s8 =	sadd.s32 s8, s4;
	s6 =	sadd.s32 s7, s6;
	s7 =	ssub.s32 s9, s31  }
0xd: {  	s5 =	sadd.s32 s5, s8;
	s8 =	simm.s32 $0x80;
	s6 =	sshrl.u32 s6, $0x3  }
0xe: {  	s9 =	simm.s32 $0x380;
	s5 =	sadd.s32 $0x1389600, s5;
	s6 =	sadd.s32 s6, s4  }
0xf: {  	s4 =	smax.u32 s7, $0x1;
	s7 =	simm.s32 $0x2;
	s6 =	sadd.s32 $0x3E00, s6  }
.LBB2_1:
0x10: {  	s23 =	sadd.s32 $0x0, s6  }
0x11: {  	[tilespmem:s3], [sflag:$0x2] =	stream.linear.gather [hbm4b:s23+s3], $0x380, $0x38;
	[tilespmem:$0xE380] =	vst v63  }
0x12: {  	_ =	swait.ge [sflag:s7], $0x380  }
0x13: {  	[sflag:s7] =	ssyncset.done $0x0  }
0x14: {  	[sflag:s7] =	ssyncadd.s32 $0xFFFFFC80  }
0x15: {  	[tilespmem:s9], [sflag:$0x1] =	stream.indirect.gather [hbm4b:s2+s8], $0x40, s3, s8, $0xb8;
	[tilespmem:$0xE380] =	vst v63  }
0x16: {  	_ = 	snop  }
0x17: {  	[tilespmem:s10], [sflag:$0x1] =	stream.indirect.gather [hbm4b:s2+s8], $0x40, s8, s8, $0xb8;
	[tilespmem:$0xE380] =	vst v63  }
0x18: {  	_ = 	snop  }
0x19: {  	[tilespmem:s12], [sflag:$0x1] =	stream.indirect.gather [hbm4b:s2+s8], $0x40, s11, s8, $0xb8;
	[tilespmem:$0xE380] =	vst v63  }
0x1a: {  	_ = 	snop  }
0x1b: {  	[tilespmem:s14], [sflag:$0x1] =	stream.indirect.gather [hbm4b:s2+s8], $0x40, s13, s8, $0xb8;
	[tilespmem:$0xE380] =	vst v63  }
0x1c: {  	_ = 	snop  }
0x1d: {  	[tilespmem:s16], [sflag:$0x1] =	stream.indirect.gather [hbm4b:s2+s8], $0x40, s15, s8, $0xb8;
	[tilespmem:$0xE380] =	vst v63  }
0x1e: {  	_ = 	snop  }
0x1f: {  	[tilespmem:s18], [sflag:$0x1] =	stream.indirect.gather [hbm4b:s2+s8], $0x40, s17, s8, $0xb8;
	[tilespmem:$0xE380] =	vst v63  }
0x20: {  	_ = 	snop  }
0x21: {  	[tilespmem:s20], [sflag:$0x1] =	stream.indirect.gather [hbm4b:s2+s8], $0x40, s19, s8, $0xb8;
	[tilespmem:$0xE380] =	vst v63  }
0x22: {  	_ =	swait.ge [sflag:s21], $0x2000  }
0x23: {  	[sflag:s21] =	ssyncset.done $0x0  }
0x24: {  	[sflag:s21] =	ssyncadd.s32 $0xFFFFE000  }
0x25: {  	_ =	swait.ge [sflag:s21], $0x2000  }
0x26: {  	[sflag:s21] =	ssyncset.done $0x0  }
0x27: {  	[sflag:s21] =	ssyncadd.s32 $0xFFFFE000  }
0x28: {  	_ =	swait.ge [sflag:s21], $0x2000  }
0x29: {  	[sflag:s21] =	ssyncset.done $0x0  }
0x2a: {  	[sflag:s21] =	ssyncadd.s32 $0xFFFFE000  }
0x2b: {  	_ =	swait.ge [sflag:s21], $0x2000  }
0x2c: {  	[sflag:s21] =	ssyncset.done $0x0  }
0x2d: {  	[sflag:s21] =	ssyncadd.s32 $0xFFFFE000  }
0x2e: {  	_ =	swait.ge [sflag:s21], $0x2000  }
0x2f: {  	[sflag:s21] =	ssyncset.done $0x0  }
0x30: {  	[sflag:s21] =	ssyncadd.s32 $0xFFFFE000  }
0x31: {  	_ =	swait.ge [sflag:s21], $0x2000  }
0x32: {  	[sflag:s21] =	ssyncset.done $0x0  }
0x33: {  	[sflag:s21] =	ssyncadd.s32 $0xFFFFE000  }
0x34: {  	_ =	swait.ge [sflag:s21], $0x2000  }
0x35: {  	[sflag:s21] =	ssyncset.done $0x0  }
0x36: {  	[sflag:s21] =	ssyncadd.s32 $0xFFFFE000  }
0x37: {  	[hbm4b:s5+s3] =	stream.linear.scatter [tilespmem:s9], [sflag:$0x2], $0xE000, $0x38;
	[tilespmem:$0xE380] =	vst v63  }
0x38: {  	s24 =	simm.s32 $0x70;
	_ =	swait.ge [sflag:s7], $0xE000  }
0x39: {  	s26 =	simm.s32 $0xE0;
	s23 =	sadd.s32 $0x1C00, s5;
	[sflag:s7] =	ssyncset.done $0x0  }
.LBB2_2:
0x3a: {  	s28 =	sadd.s32 s24, s6  }
0x3b: {  	[sflag:s7] =	ssyncadd.s32 $0xFFFF2000;
	s24 =	smov.u32 s26;
	s25 =	sadd.s32 $0x70, s26  }
0x3c: {  	[tilespmem:s3], [sflag:$0x2] =	stream.linear.gather [hbm4b:s28+s3], $0x380, $0x38;
	[tilespmem:$0xE380] =	vst v63  }
0x3d: {  	p0 =	sne.s32 s26, $0x8C0;
	_ =	swait.ge [sflag:s7], $0x380  }
0x3e: {  	[sflag:s7] =	ssyncset.done $0x0  }
0x3f: {  	[sflag:s7] =	ssyncadd.s32 $0xFFFFFC80  }
0x40: {  	[tilespmem:s9], [sflag:$0x1] =	stream.indirect.gather [hbm4b:s2+s8], $0x40, s3, s8, $0xb8;
	[tilespmem:$0xE380] =	vst v63  }
0x41: {  	_ = 	snop  }
0x42: {  	[tilespmem:s10], [sflag:$0x1] =	stream.indirect.gather [hbm4b:s2+s8], $0x40, s8, s8, $0xb8;
	[tilespmem:$0xE380] =	vst v63  }
0x43: {  	_ = 	snop  }
0x44: {  	[tilespmem:s12], [sflag:$0x1] =	stream.indirect.gather [hbm4b:s2+s8], $0x40, s11, s8, $0xb8;
	[tilespmem:$0xE380] =	vst v63  }
0x45: {  	_ = 	snop  }
0x46: {  	[tilespmem:s14], [sflag:$0x1] =	stream.indirect.gather [hbm4b:s2+s8], $0x40, s13, s8, $0xb8;
	[tilespmem:$0xE380] =	vst v63  }
0x47: {  	_ = 	snop  }
0x48: {  	[tilespmem:s16], [sflag:$0x1] =	stream.indirect.gather [hbm4b:s2+s8], $0x40, s15, s8, $0xb8;
	[tilespmem:$0xE380] =	vst v63  }
0x49: {  	_ = 	snop  }
0x4a: {  	[tilespmem:s18], [sflag:$0x1] =	stream.indirect.gather [hbm4b:s2+s8], $0x40, s17, s8, $0xb8;
	[tilespmem:$0xE380] =	vst v63  }
0x4b: {  	_ = 	snop  }
0x4c: {  	[tilespmem:s20], [sflag:$0x1] =	stream.indirect.gather [hbm4b:s2+s8], $0x40, s19, s8, $0xb8;
	[tilespmem:$0xE380] =	vst v63  }
0x4d: {  	_ =	swait.ge [sflag:s21], $0x2000  }
0x4e: {  	[sflag:s21] =	ssyncset.done $0x0  }
0x4f: {  	[sflag:s21] =	ssyncadd.s32 $0xFFFFE000  }
0x50: {  	_ =	swait.ge [sflag:s21], $0x2000  }
0x51: {  	[sflag:s21] =	ssyncset.done $0x0  }
0x52: {  	[sflag:s21] =	ssyncadd.s32 $0xFFFFE000  }
0x53: {  	_ =	swait.ge [sflag:s21], $0x2000  }
0x54: {  	[sflag:s21] =	ssyncset.done $0x0  }
0x55: {  	[sflag:s21] =	ssyncadd.s32 $0xFFFFE000  }
0x56: {  	_ =	swait.ge [sflag:s21], $0x2000  }
0x57: {  	[sflag:s21] =	ssyncset.done $0x0  }
0x58: {  	[sflag:s21] =	ssyncadd.s32 $0xFFFFE000  }
0x59: {  	_ =	swait.ge [sflag:s21], $0x2000  }
0x5a: {  	[sflag:s21] =	ssyncset.done $0x0  }
0x5b: {  	[sflag:s21] =	ssyncadd.s32 $0xFFFFE000  }
0x5c: {  	_ =	swait.ge [sflag:s21], $0x2000  }
0x5d: {  	[sflag:s21] =	ssyncset.done $0x0  }
0x5e: {  	[sflag:s21] =	ssyncadd.s32 $0xFFFFE000  }
0x5f: {  	_ =	swait.ge [sflag:s21], $0x2000  }
.Ltmp0:
0x60: {  	[sflag:s21] =	ssyncset.done $0x0;
	(pc) =	sbr.rel @p0 .LBB2_2-.Ltmp0, $4  }
0x61: {  	[sflag:s21] =	ssyncadd.s32 $0xFFFFE000  }
0x62: {  	[hbm4b:s23+s3] =	stream.linear.scatter [tilespmem:s9], [sflag:$0x2], $0xE000, $0x38;
	[tilespmem:$0xE380] =	vst v63  }
0x63: {  	_ =	swait.ge [sflag:s7], $0xE000  }
0x64: {  	s26 =	smov.u32 s25;
	s23 =	sadd.s32 $0x1C00, s23;
	[sflag:s7] =	ssyncset.done $0x0  }
0x65: {  	s24 =	sadd.s32 s24, s6;
	[sflag:s7] =	ssyncadd.s32 $0xFFFF2000  }
0x66: {  	[tilespmem:s3], [sflag:$0x2] =	stream.linear.gather [hbm4b:s24+s3], $0x380, $0x38;
	[tilespmem:$0xE380] =	vst v63  }
0x67: {  	_ =	swait.ge [sflag:s7], $0x380  }
0x68: {  	[sflag:s7] =	ssyncset.done $0x0  }
0x69: {  	[sflag:s7] =	ssyncadd.s32 $0xFFFFFC80  }
0x6a: {  	[tilespmem:s9], [sflag:$0x1] =	stream.indirect.gather [hbm4b:s2+s8], $0x40, s3, s8, $0xb8;
	[tilespmem:$0xE380] =	vst v63  }
0x6b: {  	_ = 	snop  }
0x6c: {  	[tilespmem:s10], [sflag:$0x1] =	stream.indirect.gather [hbm4b:s2+s8], $0x40, s8, s8, $0xb8;
	[tilespmem:$0xE380] =	vst v63  }
0x6d: {  	_ = 	snop  }
0x6e: {  	[tilespmem:s12], [sflag:$0x1] =	stream.indirect.gather [hbm4b:s2+s8], $0x40, s11, s8, $0xb8;
	[tilespmem:$0xE380] =	vst v63  }
0x6f: {  	_ = 	snop  }
0x70: {  	[tilespmem:s14], [sflag:$0x1] =	stream.indirect.gather [hbm4b:s2+s8], $0x40, s13, s8, $0xb8;
	[tilespmem:$0xE380] =	vst v63  }
0x71: {  	_ = 	snop  }
0x72: {  	[tilespmem:s16], [sflag:$0x1] =	stream.indirect.gather [hbm4b:s2+s8], $0x40, s15, s8, $0xb8;
	[tilespmem:$0xE380] =	vst v63  }
0x73: {  	_ = 	snop  }
0x74: {  	[tilespmem:s18], [sflag:$0x1] =	stream.indirect.gather [hbm4b:s2+s8], $0x40, s17, s8, $0xb8;
	[tilespmem:$0xE380] =	vst v63  }
0x75: {  	_ = 	snop  }
0x76: {  	[tilespmem:s20], [sflag:$0x1] =	stream.indirect.gather [hbm4b:s2+s8], $0x40, s19, s8, $0xb8;
	[tilespmem:$0xE380] =	vst v63  }
0x77: {  	_ =	swait.ge [sflag:s21], $0x2000  }
0x78: {  	[sflag:s21] =	ssyncset.done $0x0  }
0x79: {  	[sflag:s21] =	ssyncadd.s32 $0xFFFFE000  }
0x7a: {  	_ =	swait.ge [sflag:s21], $0x2000  }
0x7b: {  	[sflag:s21] =	ssyncset.done $0x0  }
0x7c: {  	[sflag:s21] =	ssyncadd.s32 $0xFFFFE000  }
0x7d: {  	_ =	swait.ge [sflag:s21], $0x2000  }
0x7e: {  	[sflag:s21] =	ssyncset.done $0x0  }
0x7f: {  	[sflag:s21] =	ssyncadd.s32 $0xFFFFE000  }
0x80: {  	_ =	swait.ge [sflag:s21], $0x2000  }
0x81: {  	[sflag:s21] =	ssyncset.done $0x0  }
0x82: {  	[sflag:s21] =	ssyncadd.s32 $0xFFFFE000  }
0x83: {  	_ =	swait.ge [sflag:s21], $0x2000  }
0x84: {  	[sflag:s21] =	ssyncset.done $0x0  }
0x85: {  	[sflag:s21] =	ssyncadd.s32 $0xFFFFE000  }
0x86: {  	_ =	swait.ge [sflag:s21], $0x2000  }
0x87: {  	[sflag:s21] =	ssyncset.done $0x0  }
0x88: {  	[sflag:s21] =	ssyncadd.s32 $0xFFFFE000  }
0x89: {  	s22 =	sadd.s32 $0x1, s22;
	_ =	swait.ge [sflag:s21], $0x2000  }
0x8a: {  	p0 =	sne.s32 s22, s4;
	[sflag:s21] =	ssyncset.done $0x0  }
.Ltmp1:
0x8b: {  	[sflag:s21] =	ssyncadd.s32 $0xFFFFE000;
	(pc) =	sbr.rel @p0 .LBB2_1-.Ltmp1, $4  }
0x8c: {  	[hbm4b:s23+s3] =	stream.linear.scatter [tilespmem:s9], [sflag:$0x2], $0xE000, $0x38;
	[tilespmem:$0xE380] =	vst v63  }
0x8d: {  	_ =	swait.ge [sflag:s7], $0xE000  }
0x8e: {  	[sflag:s7] =	ssyncset.done $0x0  }
0x8f: {  	[sflag:s7] =	ssyncadd.s32 $0xFFFF2000  }
0x90: {  	_ =	sfence.sel $0x180000  }
0x91: {  	[bflag:$0x0] =	sbarrier.arrive $0xFFFF  }
0x92: {  	p0 =	sne.s32 s1, $0x0;
	_ =	strace $0x90000050  }
0x93: {  	s0 =	sadd.s32 @!p0 $0x100000, s0;
	[bflag:$0x2] =	sbarrier.arrive $0xFFFF  }
0x94: {  	[sflag:s0] =	ssyncadd.tile.s32 @!p0 $0x1;
	_ =	shalt  }
.Lfunc_end2:
_tile_overlayer_lowered:
.L_overlay_start_2:
0x95: {  	(tag) =	ssettag $0x2  }
0x96: {  	s0 =	rddreg [dreg:$0x0];
	s2 =	stileid.u32  }
0x97: {  	s1 =	rddreg [dreg:$0x1];
	p0 =	sne.s32 s2, $0x0  }
0x98: {  	s3 =	rddreg [dreg:$0x2];
	[bflag:$0x3] =	sbarrier.arrive $0xFFFF;
	s2 =	simm.s32 @!p0 $0x1C02  }
0x99: {  	[timem:s3], [sflag:s2] =	dma.local @!p0 [hbm:s0], s1  }
0x9a: {  	s0 =	simm.s32 @!p0 $0x2  }
0x9b: {  	_ =	swait.ge @!p0 [sflag:s0], s1  }
0x9c: {  	s1 =	ssub.s32 @!p0 $0x0, s1;
	[sflag:s0] =	ssyncset.done @!p0 $0x0  }
0x9d: {  	[sflag:s0] =	ssyncadd.s32 @!p0 s1  }
0x9e: {  	[bflag:$0x3] =	sbarrier.arrive $0xFFFF  }
0x9f: {  	_ =	shalt  }

// kernel: kernel.41.cloned.1.call-start
scs
__scs_entry_jumppad:
0x0: {  	(pc) =	sbr.rel $0x88, $3  }
0x1: {  	(tag) =	ssettag $0x0;
	lr =	simm.s32 $0x1  }
0x2: {  	[smem:$0x3F96] =	sst lr;
	_ =	strace $0xD0000000  }
0x3: {  	_ = 	snop  }
0x4: {  	_ = 	snop  }
0x5: {  	_ = 	snop  }
0x6: {  	_ = 	snop  }
0x7: {  	_ = 	snop  }
__scs_overlays_trampoline_lowered:
0x8: {  	[smem:$0x3FA5] =	sst s0  }
0x9: {  	[smem:$0x3FA6] =	sst s1  }
0xa: {  	[smem:$0x3FA7] =	sst s2  }
0xb: {  	[smem:$0x3FA8] =	sst s3  }
0xc: {  	[smem:$0x3FA9] =	sst s4  }
0xd: {  	[smem:$0x3FAA] =	sst s5  }
0xe: {  	[smem:$0x3FAB] =	sst s6  }
0xf: {  	[smem:$0x3FAC] =	sst s7  }
0x10: {  	[smem:$0x3FAD] =	sst s8  }
0x11: {  	[smem:$0x3FAE] =	sst s9;
	s0 =	simm.s32 @!p0 $0x0  }
0x12: {  	s1 =	sld [smem:$0x3F94];
	s0 =	simm.s32 @p0 $0x1  }
0x13: {  	[smem:$0x3FAF] =	sst s0;
	s0 =	simm.s32 @!p1 $0x0  }
0x14: {  	s2 =	sld [smem:$0x3F93];
	s0 =	simm.s32 @p1 $0x1  }
0x15: {  	[smem:$0x3FB0] =	sst s0;
	s0 =	simm.s32 @!p2 $0x0  }
0x16: {  	s3 =	sld [smem:$0x3FDB];
	s0 =	simm.s32 @p2 $0x1  }
0x17: {  	s4 =	simm.s32 $0x1BF5;
	[smem:$0x3FB2] =	sst s0  }
0x18: {  	s0 =	sld [smem:$0x3F95];
	_ =	swait.ge [sflag:s4], $0x0  }
0x19: {  	s7 =	sld [smem:$0x3F96]  }
0x1a: {  	s8 =	sadd.s32 $0xFFFFE003, lr  }
0x1b: {  	s9 =	sadd.s32 $0xFFFFFEF7, lr;
	s5 =	simm.s32 $0xFFFFFFFF;
	p2 =	slt.u32 s8, $0xFFFFF086  }
0x1c: {  	p1 =	slt.u32 s9, $0xF7A;
	s5 =	simm.s32 @!p2 $0x0  }
0x1d: {  	s5 =	simm.s32 @p1 $0x1;
	p0 =	seq.s32 s7, s2  }
0x1e: {  	s7 =	smul.u32 @!p0 $0xF7A, s2;
	p2 =	seq.s32 @!p0 s5, $0x0  }
0x1f: {  	s9 =	smul.u32 $0xF7A, s1;
	s8 =	simm.s32 @!p0 $0x1BF5;
	p2 =	por !p2, p0  }
0x20: {  	[sflag:s8] =	ssyncset.s32 @!p0 $0xFFFFF086;
	s6 =	sadd.s32 @!p0 s3, s7;
	s7 =	simm.s32 @!p0 $0x108  }
0x21: {  	s3 =	sadd.s32 s3, s9;
	s6 =	sadd.s32 @!p0 $0x88, s6;
	s7 =	simm.s32 @p2 $0x1082  }
0x22: {  	[simem:s7], [sflag:s8] =	dma.local @!p0 [hbm:s6], $0xF7A  }
0x23: {  	s9 =	sor.u32 $0xD0000000, s2;
	s6 =	simm.s32 $0x108;
	_ =	swait.ge @!p0 [sflag:s8], $0x0  }
0x24: {  	s3 =	sadd.s32 $0x88, s3;
	s6 =	simm.s32 @!p1 $0x1082;
	[sflag:s4] =	ssyncset.s32 $0xFFFFF086  }
0x25: {  	[simem:s6], [sflag:s4] =	dma.local [hbm:s3], $0xF7A  }
0x26: {  	[smem:$0x3F96] =	sst s1;
	(tag) =	ssettag s2;
	_ =	strace s9  }
0x27: {  	s1 =	sld [smem:$0x3FA6]  }
0x28: {  	s2 =	sld [smem:$0x3FA7]  }
0x29: {  	s4 =	sld [smem:$0x3FA9]  }
0x2a: {  	p0 =	seq.s32 s5, $0x0;
	s5 =	sld [smem:$0x3FAA]  }
0x2b: {  	s6 =	sld [smem:$0x3FAB]  }
0x2c: {  	s7 =	sld [smem:$0x3FAC]  }
0x2d: {  	s3 =	simm.s32 $0x108;
	s8 =	sld [smem:$0x3FAD]  }
0x2e: {  	s3 =	simm.s32 @!p0 $0x1082;
	s9 =	sld [smem:$0x3FAE]  }
0x2f: {  	lr =	sadd.s32 s0, s3;
	s0 =	sld [smem:$0x3FA5]  }
0x30: {  	s3 =	sld [smem:$0x3FA8]  }
0x31: {  	[smem:$0x3FB1] =	sst s10  }
0x32: {  	s10 =	sld [smem:$0x3FAF];
	_ =	sdelay $0x3  }
0x33: {  	p0 =	seq.s32 s10, $0x1;
	s10 =	sld [smem:$0x3FB1];
	_ =	sdelay $0x3  }
0x34: {  	[smem:$0x3FB1] =	sst s10  }
0x35: {  	s10 =	sld [smem:$0x3FB0];
	_ =	sdelay $0x3  }
0x36: {  	p1 =	seq.s32 s10, $0x1;
	s10 =	sld [smem:$0x3FB1];
	_ =	sdelay $0x3  }
0x37: {  	[smem:$0x3FB1] =	sst s10  }
0x38: {  	s10 =	sld [smem:$0x3FB2]  }
0x39: {  	_ = 	snop;
	(pc) =	sbr.ind lr, $3  }
0x3a: {  	_ = 	snop  }
0x3b: {  	_ = 	snop  }
0x3c: {  	p2 =	seq.s32 s10, $0x1;
	s10 =	sld [smem:$0x3FB1]  }
0x3d: {  	_ =	shalt  }
0x3e: {  	_ =	shalt  }
0x3f: {  	_ =	shalt  }
0x40: {  	_ =	shalt  }
0x41: {  	_ =	shalt  }
0x42: {  	_ =	shalt  }
0x43: {  	_ =	shalt  }
0x44: {  	_ =	shalt  }
0x45: {  	_ =	shalt  }
0x46: {  	_ =	shalt  }
0x47: {  	_ =	shalt  }
0x48: {  	_ =	shalt  }
0x49: {  	_ =	shalt  }
0x4a: {  	_ =	shalt  }
0x4b: {  	_ =	shalt  }
0x4c: {  	_ =	shalt  }
0x4d: {  	_ =	shalt  }
0x4e: {  	_ =	shalt  }
0x4f: {  	_ =	shalt  }
0x50: {  	_ =	shalt  }
0x51: {  	_ =	shalt  }
0x52: {  	_ =	shalt  }
0x53: {  	_ =	shalt  }
0x54: {  	_ =	shalt  }
0x55: {  	_ =	shalt  }
0x56: {  	_ =	shalt  }
0x57: {  	_ =	shalt  }
0x58: {  	_ =	shalt  }
0x59: {  	_ =	shalt  }
0x5a: {  	_ =	shalt  }
0x5b: {  	_ =	shalt  }
0x5c: {  	_ =	shalt  }
0x5d: {  	_ =	shalt  }
0x5e: {  	_ =	shalt  }
0x5f: {  	_ =	shalt  }
0x60: {  	_ =	shalt  }
0x61: {  	_ =	shalt  }
0x62: {  	_ =	shalt  }
0x63: {  	_ =	shalt  }
0x64: {  	_ =	shalt  }
0x65: {  	_ =	shalt  }
0x66: {  	_ =	shalt  }
0x67: {  	_ =	shalt  }
0x68: {  	_ =	shalt  }
0x69: {  	_ =	shalt  }
0x6a: {  	_ =	shalt  }
0x6b: {  	_ =	shalt  }
0x6c: {  	_ =	shalt  }
0x6d: {  	_ =	shalt  }
0x6e: {  	_ =	shalt  }
0x6f: {  	_ =	shalt  }
0x70: {  	_ =	shalt  }
0x71: {  	_ =	shalt  }
0x72: {  	_ =	shalt  }
0x73: {  	_ =	shalt  }
0x74: {  	_ =	shalt  }
0x75: {  	_ =	shalt  }
0x76: {  	_ =	shalt  }
0x77: {  	_ =	shalt  }
0x78: {  	_ =	shalt  }
0x79: {  	_ =	shalt  }
0x7a: {  	_ =	shalt  }
0x7b: {  	_ =	shalt  }
0x7c: {  	_ =	shalt  }
0x7d: {  	_ =	shalt  }
0x7e: {  	_ =	shalt  }
0x7f: {  	_ =	shalt  }
0x80: {  	_ =	shalt  }
0x81: {  	_ =	shalt  }
0x82: {  	_ =	shalt  }
0x83: {  	_ =	shalt  }
0x84: {  	_ =	shalt  }
0x85: {  	_ =	shalt  }
0x86: {  	_ =	shalt  }
0x87: {  	_ =	shalt  }
.Lfunc_end0:
.L_simem_size_0:
called_computation.8_lowered:
.L_overlay_start_0:
0x88: {  	s2 =	sld [smem:$0x3FD9]  }
0x89: {  	s3 =	sld [smem:$0x3FFE];
	_ =	sdelay $0x1  }
0x8a: {  	s1 =	srdreg.scid  }
0x8b: {  	s0 =	sand.u32 $0x1, s1  }
0x8c: {  	s15 =	sshll.u32 s0, $0xA;
	s2 =	sadd.s32 s3, s2  }
0x8d: {  	s2 =	sadd.s32 s2, s15  }
0x8e: {  	[smem:$0x3FBD] =	sst s2  }
0x8f: {  	_ = 	snop  }
0x90: {  	s2 =	sld [smem:$0x3FD0];
	_ =	sdelay $0x2  }
0x91: {  	s16 =	simm.s32 $0xF;
	s4 =	simm.s32 $0x10  }
0x92: {  	[smem:s4], [sflag:s16] =	dma.local [hbm:s2], $0x1  }
0x93: {  	_ =	swait.eq [sflag:s16], $0x1  }
0x94: {  	[sflag:s16] =	ssyncset.done $0x0  }
0x95: {  	[sflag:s16] =	ssyncadd.s32 $0xFFFFFFFF  }
0x96: {  	s17 =	sld [smem:$0x11];
	(tm) =	ssettm $0x1  }
0x97: {  	s18 =	sld [smem:$0x3FFB];
	_ =	sdelay $0x3  }
0x98: {  	_ =	strace s18  }
0x99: {  	s2 =	sld [smem:$0x3FFC];
	_ =	sdelay $0x3  }
0x9a: {  	_ =	strace s2  }
0x9b: {  	s2 =	sld [smem:$0x3FFD];
	_ =	sdelay $0x3  }
0x9c: {  	_ =	strace s2  }
0x9d: {  	_ =	strace $0x8FFFFFFF  }
0x9e: {  	s19 =	sld [smem:$0x3FDB];
	_ =	sdelay $0x1  }
0x9f: {  	s20 =	simm.s32 $_scs_section_size  }
0xa0: {  	s5 =	simm.s32 $_size__tile_overlayer_lowered;
	s6 =	simm.s32 $_tile_overlayer_lowered  }
0xa1: {  	s7 =	simm.s32 $0x1BFF;
	s21 =	sshll.u32 s6, $0x1;
	s4 =	sadd.s32 s20, s19  }
0xa2: {  	s22 =	simm.s32 $0x0;
	s5 =	sshll.u32 s5, $0x1;
	s6 =	sadd.s32 s21, s4  }
0xa3: {  	[timem:s22], [sflag:s7] =	dma.local [hbm:s6], s5  }
0xa4: {  	_ =	swait.ge [sflag:s7], s5  }
0xa5: {  	s5 =	ssub.s32 $0x0, s5;
	[sflag:s7] =	ssyncset.done $0x0  }
0xa6: {  	[sflag:s7] =	ssyncadd.s32 s5;
	_ =	sdelay $0x1  }
0xa7: {  	s23 =	simm.s32 $0x1B8B  }
0xa8: {  	_ =	swait.ge [sflag:s23], $0x1  }
0xa9: {  	[sflag:s23] =	ssyncset.done $0x0  }
0xaa: {  	[sflag:s23] =	ssyncadd.s32 $0xFFFFFFFF  }
0xab: {  	s5 =	sld [smem:$0x0]  }
0xac: {  	s6 =	sand.u32 $0xFFFFFFFE, s1  }
0xad: {  	p0 =	sne.s32 s1, s6  }
0xae: {  	s6 =	sshll.u32 @p0 s6, $0xE  }
0xaf: {  	s6 =	sadd.s32 @p0 $0x11B8D, s6;
	s7 =	sshll.u32 @p0 s5, $0x11  }
0xb0: {  	s6 =	sor.u32 @p0 s7, s6  }
0xb1: {  	[sflag:s6] =	ssyncadd.remote.s32 @p0 $0x1;
	_ =	sdelay $0x1  }
0xb2: {  	s6 =	simm.s32 @p0 $0x1B8D  }
0xb3: {  	_ =	swait.eq @p0 [sflag:s6], $0x1  }
0xb4: {  	[sflag:s6] =	ssyncadd.s32 @p0 $0xFFFFFFFF  }
0xb5: {  	s7 =	sshll.u32 @!p0 s1, $0xE  }
0xb6: {  	s7 =	sor.u32 @!p0 $0x4000, s7;
	s6 =	simm.s32 @!p0 $0x1B8D  }
0xb7: {  	s5 =	sshll.u32 @!p0 s5, $0x11;
	s7 =	sadd.s32 @!p0 $0x11B8D, s7;
	_ =	swait.eq @!p0 [sflag:s6], $0x1  }
0xb8: {  	s5 =	sor.u32 @!p0 s5, s7;
	[sflag:s6] =	ssyncadd.s32 @!p0 $0xFFFFFFFF  }
0xb9: {  	s25 =	simm.s32 $0x1B8E;
	s24 =	sld [smem:$0x3FFE];
	[sflag:s5] =	ssyncadd.remote.s32 @!p0 $0x1  }
0xba: {  	s26 =	simm.s32 $execute0_lowered;
	[smem:$0x3FD2] =	sst s25  }
0xbb: {  	s6 =	sshll.u32 s26, $0x1;
	_ =	strace $0x8000005E;
	[dreg:$0x1] =	wrdreg $0xFFFFFFFF  }
0xbc: {  	s28 =	simm.s32 $_size_execute0_lowered;
	s4 =	sadd.s32 s4, s6;
	[dreg:$0x0] =	wrdreg $0x0  }
0xbd: {  	s6 =	sshll.u32 s28, $0x1;
	[dreg:$0x2] =	wrdreg s4  }
0xbe: {  	[dreg:$0x3] =	wrdreg s6  }
0xbf: {  	[dreg:$0x4] =	wrdreg $0xC0  }
0xc0: {  	_ =	task [dreg:s22], $0x5FFFF  }
0xc1: {  	[dreg:$0x1] =	wrdreg $0xFFFFFFFF  }
0xc2: {  	[dreg:$0x0] =	wrdreg $0x60  }
0xc3: {  	[dreg:$0x2] =	wrdreg s24  }
0xc4: {  	[dreg:$0x3] =	wrdreg s17  }
0xc5: {  	[dreg:$0x4] =	wrdreg $0x20800  }
0xc6: {  	[dreg:$0x5] =	wrdreg $0xB  }
0xc7: {  	_ =	task.clear_ibuf [dreg:s22], $0x6FFFF;
	_ =	strace $0x9000005E  }
0xc8: {  	s29 =	simm.s32 $0xB;
	_ =	strace $0x80000060  }
0xc9: {  	_ =	swait.ge [sflag:s29], $0x1  }
0xca: {  	[sflag:s29] =	ssyncadd.s32 $0xFFFFFFFF  }
0xcb: {  	_ =	strace $0x90000060  }
0xcc: {  	_ =	sfence  }
0xcd: {  	s30 =	sld [smem:$0x0];
	_ =	sdelay $0x2  }
0xce: {  	s31 =	sshll.u32 s1, $0xD;
	s1 =	sshrl.u32 s1, $0x2  }
0xcf: {  	s4 =	sand.u32 $0x4000, s31;
	s1 =	sadd.s32 s1, s30  }
0xd0: {  	s0 =	sor.u32 s4, s0;
	s1 =	sshll.u32 s1, $0x11  }
0xd1: {  	s0 =	sor.u32 s1, s0  }
0xd2: {  	s0 =	sadd.s32 $0x8F2B, s0  }
0xd3: {  	[sflag:s0] =	ssyncadd.remote.s32 $0x1  }
0xd4: {  	_ =	sfence.sel $0xFFFF  }
0xd5: {  	[dreg:$0x0] =	wrdreg $0xFFFFFFFF;
	(pc) =	sbr.abs _section_cstart, $3  }
0xd6: {  	[dreg:$0x1] =	wrdreg $0xFFFFFFFF  }
0xd7: {  	_ =	task.clear_ibuf [dreg:s22], $0x2FFFF;
	_ =	strace $0x9FFFFFFF  }
0xd8: {  	(tm) =	ssettm $0x7FFFFFFF  }
0xd9: {  	_ =	shalt  }
tec
execute0_lowered:
.L_overlay_start_1:
0x0: {  	(tag) =	ssettag $0x1  }
0x1: {  	s4 =	rddreg [dreg:$0x0]  }
0x2: {  	s0 =	stileid.u32;
	s1 =	srdreg.scid  }
0x3: {  	s6 =	rddreg [dreg:$0x1];
	s5 =	smul.u32 $0x49800, s0  }
0x4: {  	s2 =	rddreg [dreg:$0x2];
	s3 =	simm.s32 $0x0;
	s8 =	smul.u32 $0x9300, s0  }
0x5: {  	s7 =	sand.u32 $0x1, s1;
	s1 =	rddreg [dreg:$0x3];
	s10 =	smul.u32 $0x1D500, s0  }
0x6: {  	[smem:$0x7FF] =	sst s3;
	s30 =	sshll.u32 s0, $0x6;
	s9 =	smul.u32 $0x4980, s7  }
0x7: {  	s11 =	smul.u32 $0x1D5000, s7;
	_ =	strace $0x8000005F;
	s24 =	ssub.s32 $0x2, s7  }
0x8: {  	s7 =	smul.u32 $0x24C00, s7;
	s12 =	sadd.s32 s5, s4;
	s28 =	sshrl.u32 s24, $0x1  }
0x9: {  	s14 =	sadd.s32 s10, s2;
	s29 =	sshrl.u32 s10, $0x3;
	s22 =	sadd.s32 s9, s8  }
0xa: {  	s23 =	sadd.s32 s10, s11;
	s8 =	ssub.s32 s24, s28;
	s31 =	sadd.s32 s7, s12  }
0xb: {  	s10 =	sshrl.u32 s14, $0x3;
	s11 =	simm.s32 $0x2;
	s12 =	simm.s32 $0x80  }
0xc: {  	s14 =	simm.s32 $0x0;
	s5 =	sshrl.u32 s22, $0x3;
	s26 =	sshrl.u32 s23, $0x3  }
0xd: {  	s7 =	smax.u32 s8, $0x1;
	s8 =	sadd.s32 $0x18AA400, s31;
	s25 =	sadd.s32 s5, s4  }
0xe: {  	s13 =	sadd.s32 s26, s4;
	s4 =	sadd.s32 s6, s29;
	s5 =	sor.u32 $0x1C02, s30  }
0xf: {  	s6 =	sadd.s32 $0x77A000, s13;
	s9 =	sadd.s32 $0x3B000, s25;
	s13 =	simm.s32 $0x1  }
.LBB2_1:
0x10: {  	[spmem:s10], [sflag:s5] =	dma.local [hbm:s4], $0x3AA0  }
0x11: {  	_ =	swait.ge [sflag:s11], $0x3AA0  }
0x12: {  	[sflag:s11] =	ssyncset.done $0x0  }
0x13: {  	[sflag:s11] =	ssyncadd.s32 $0xFFFFC560  }
0x14: {  	s15 =	sadd.s32 $0x0, s9;
	[bflag:$0x0] =	sbarrier.arrive $0xFFFF  }
0x15: {  	[tilespmem:s3], [sflag:$0x2] =	stream.linear.gather [hbm4b:s15+s3], $0x80, $0x38;
	[tilespmem:$0x1F580] =	vst v63  }
0x16: {  	_ =	swait.ge [sflag:s11], $0x80  }
0x17: {  	[sflag:s11] =	ssyncset.done $0x0  }
0x18: {  	[sflag:s11] =	ssyncadd.s32 $0xFFFFFF80  }
0x19: {  	[tilespmem:s12], [sflag:$0x2] =	stream.linear.gather [hbm4b:s8+s3], $0x2000, $0x38;
	[tilespmem:$0x1F580] =	vst v63  }
0x1a: {  	_ =	swait.ge [sflag:s11], $0x2000  }
0x1b: {  	[sflag:s11] =	ssyncset.done $0x0  }
0x1c: {  	[sflag:s11] =	ssyncadd.s32 $0xFFFFE000  }
0x1d: {  	[spmem:s2] =	stream.indirect.scatter.add.f32 [tilespmem:s12], [sflag:$0x1], $0x40, s3, s12, $0xb8;
	[tilespmem:$0x1F580] =	vst v63  }
0x1e: {  	s16 =	simm.s32 $0x10;
	_ =	swait.ge [sflag:s13], $0x2000  }
0x1f: {  	s17 =	simm.s32 $0x20;
	s15 =	sadd.s32 $0x400, s8;
	[sflag:s13] =	ssyncset.done $0x0  }
.LBB2_2:
0x20: {  	s18 =	sadd.s32 s16, s9  }
0x21: {  	[sflag:s13] =	ssyncadd.s32 $0xFFFFE000;
	s16 =	smov.u32 s17;
	s19 =	sadd.s32 $0x10, s17  }
0x22: {  	[tilespmem:s3], [sflag:$0x2] =	stream.linear.gather [hbm4b:s18+s3], $0x80, $0x38;
	[tilespmem:$0x1F580] =	vst v63  }
0x23: {  	p0 =	sne.s32 s17, $0x920;
	_ =	swait.ge [sflag:s11], $0x80  }
0x24: {  	[sflag:s11] =	ssyncset.done $0x0  }
0x25: {  	[sflag:s11] =	ssyncadd.s32 $0xFFFFFF80  }
0x26: {  	[tilespmem:s12], [sflag:$0x2] =	stream.linear.gather [hbm4b:s15+s3], $0x2000, $0x38;
	[tilespmem:$0x1F580] =	vst v63  }
0x27: {  	_ =	swait.ge [sflag:s11], $0x2000  }
.Ltmp0:
0x28: {  	[sflag:s11] =	ssyncset.done $0x0;
	(pc) =	sbr.rel @p0 .LBB2_2-.Ltmp0, $4  }
0x29: {  	[sflag:s11] =	ssyncadd.s32 $0xFFFFE000  }
0x2a: {  	[spmem:s2] =	stream.indirect.scatter.add.f32 [tilespmem:s12], [sflag:$0x1], $0x40, s3, s12, $0xb8;
	[tilespmem:$0x1F580] =	vst v63  }
0x2b: {  	_ =	swait.ge [sflag:s13], $0x2000  }
0x2c: {  	s17 =	smov.u32 s19;
	s15 =	sadd.s32 $0x400, s15;
	[sflag:s13] =	ssyncset.done $0x0  }
0x2d: {  	s16 =	sadd.s32 s16, s9;
	[sflag:s13] =	ssyncadd.s32 $0xFFFFE000  }
0x2e: {  	[tilespmem:s3], [sflag:$0x2] =	stream.linear.gather [hbm4b:s16+s3], $0x80, $0x38;
	[tilespmem:$0x1F580] =	vst v63  }
0x2f: {  	_ =	swait.ge [sflag:s11], $0x80  }
0x30: {  	[sflag:s11] =	ssyncset.done $0x0  }
0x31: {  	[sflag:s11] =	ssyncadd.s32 $0xFFFFFF80  }
0x32: {  	[tilespmem:s12], [sflag:$0x2] =	stream.linear.gather [hbm4b:s15+s3], $0x2000, $0x38;
	[tilespmem:$0x1F580] =	vst v63  }
0x33: {  	_ =	swait.ge [sflag:s11], $0x2000  }
0x34: {  	[sflag:s11] =	ssyncset.done $0x0  }
0x35: {  	[sflag:s11] =	ssyncadd.s32 $0xFFFFE000  }
0x36: {  	[spmem:s2] =	stream.indirect.scatter.add.f32 [tilespmem:s12], [sflag:$0x1], $0x40, s3, s12, $0xb8;
	[tilespmem:$0x1F580] =	vst v63  }
0x37: {  	_ =	swait.ge [sflag:s13], $0x2000  }
0x38: {  	s14 =	sadd.s32 $0x1, s14;
	[sflag:s13] =	ssyncset.done $0x0  }
0x39: {  	p0 =	sne.s32 s14, s7;
	[sflag:s13] =	ssyncadd.s32 $0xFFFFE000  }
.Ltmp1:
0x3a: {  	[bflag:$0x0] =	sbarrier.arrive $0xFFFF;
	(pc) =	sbr.rel @p0 .LBB2_1-.Ltmp1, $4  }
0x3b: {  	[hbm:s6], [sflag:s5] =	dma.local [spmem:s10], $0x3AA0  }
0x3c: {  	_ =	swait.ge [sflag:s11], $0x3AA0  }
0x3d: {  	[sflag:s11] =	ssyncset.done $0x0  }
0x3e: {  	[sflag:s11] =	ssyncadd.s32 $0xFFFFC560  }
0x3f: {  	_ =	sfence.sel $0x180000  }
0x40: {  	[bflag:$0x0] =	sbarrier.arrive $0xFFFF  }
0x41: {  	p0 =	sne.s32 s0, $0x0;
	_ =	strace $0x9000005F  }
0x42: {  	s0 =	sadd.s32 @!p0 $0x100000, s1;
	[bflag:$0x2] =	sbarrier.arrive $0xFFFF  }
0x43: {  	[sflag:s0] =	ssyncadd.tile.s32 @!p0 $0x1;
	_ =	shalt  }
.Lfunc_end2:
_tile_overlayer_lowered:
.L_overlay_start_2:
0x44: {  	(tag) =	ssettag $0x2  }
0x45: {  	s0 =	rddreg [dreg:$0x0];
	s2 =	stileid.u32  }
0x46: {  	s1 =	rddreg [dreg:$0x1];
	p0 =	sne.s32 s2, $0x0  }
0x47: {  	s3 =	rddreg [dreg:$0x2];
	[bflag:$0x3] =	sbarrier.arrive $0xFFFF;
	s2 =	simm.s32 @!p0 $0x1C02  }
0x48: {  	[timem:s3], [sflag:s2] =	dma.local @!p0 [hbm:s0], s1  }
0x49: {  	s0 =	simm.s32 @!p0 $0x2  }
0x4a: {  	_ =	swait.ge @!p0 [sflag:s0], s1  }
0x4b: {  	s1 =	ssub.s32 @!p0 $0x0, s1;
	[sflag:s0] =	ssyncset.done @!p0 $0x0  }
0x4c: {  	[sflag:s0] =	ssyncadd.s32 @!p0 s1  }
0x4d: {  	[bflag:$0x3] =	sbarrier.arrive $0xFFFF  }
0x4e: {  	_ =	shalt  }

</sc_bundles>
